<compile_context>
chip_gen: v7x
topology: tpu7x:2x2x1
jax: 0.10.2.dev20260603
libtpu: 0.0.44.dev20260713+nightly
codegen_flags: <defaults>
</compile_context>

<pallas_src>
import functools

import jax
import jax.numpy as jnp
from jax import lax
from jax.experimental import pallas as pl
from jax.experimental.pallas import tpu as pltpu
from jax.experimental.pallas import tpu_sc as plsc

N = 10000
E = 320000
D = 128
C = 40

NC = 2
NS = 16
NTILES = NC * NS
B = 128
NB = 80
EPAD = NTILES * NB * B
NSLOT = 8
AHEAD = 4
NPAD = 10240
RPS = NPAD // NS
PR = NPAD // 8
NVR = N // 8

def _wait_copy(src, dst, sem):
    pltpu.make_async_copy(src, dst, sem).wait()


def _deg_body(edges_hbm, ones_hbm, zeros_hbm, deg_out, dstv, onesv, acc):
    c = lax.axis_index("c")
    s = lax.axis_index("s")
    wid = c * NS + s
    pltpu.sync_copy(edges_hbm.at[1, wid], dstv)
    pltpu.sync_copy(ones_hbm, onesv)
    pltpu.sync_copy(zeros_hbm.at[pl.ds(s * RPS, RPS)], acc.at[pl.ds(s * RPS, RPS)])
    plsc.subcore_barrier()

    def step(j, carry):
        pltpu.sync_copy(onesv, acc.at[dstv.at[j]], add=True)
        return carry

    lax.fori_loop(0, NB, step, 0)
    plsc.subcore_barrier()
    pltpu.sync_copy(acc.at[pl.ds(s * RPS, RPS)],
                    deg_out.at[c, pl.ds(s * RPS, RPS)])


def _prop_body(g_hbm, edges_hbm, zeros_hbm, out_hbm,
               srcv, dstv, bufs, gspm, acc, *gsems):
    c = lax.axis_index("c")
    s = lax.axis_index("s")
    wid = c * NS + s
    pltpu.sync_copy(edges_hbm.at[0, wid], srcv)
    pltpu.sync_copy(edges_hbm.at[1, wid], dstv)
    pltpu.sync_copy(g_hbm.at[pl.ds(s * RPS, RPS)], gspm.at[pl.ds(s * RPS, RPS)])
    pltpu.sync_copy(zeros_hbm.at[pl.ds(s * RPS, RPS)], acc.at[pl.ds(s * RPS, RPS)])
    plsc.subcore_barrier()

    def fire_gather(j, slot):
        pltpu.async_copy(gspm.at[srcv.at[j]], bufs[slot], gsems[slot])

    def wait_gather(slot):
        _wait_copy(gspm.at[srcv.at[0]], bufs[slot], gsems[slot])

    for j in range(NSLOT):
        fire_gather(j, j)

    def group(g, carry):
        base = g * NSLOT
        for b in range(NSLOT):
            i = base + b
            wait_gather(b)
            pltpu.sync_copy(bufs[b], acc.at[dstv.at[i]], add=True)
            fire_gather(i + NSLOT, b)
        return carry

    lax.fori_loop(0, NB // NSLOT - 1, group, 0)

    for i in range(NB - NSLOT, NB):
        b = i % NSLOT
        wait_gather(b)
        pltpu.sync_copy(bufs[b], acc.at[dstv.at[i]], add=True)

    plsc.subcore_barrier()
    pltpu.sync_copy(acc.at[pl.ds(s * RPS, RPS)],
                    out_hbm.at[c, pl.ds(s * RPS, RPS)])


@functools.cache
def _sc_kernels():
    mesh = plsc.VectorSubcoreMesh(core_axis_name="c", subcore_axis_name="s",
                                  num_cores=NC, num_subcores=NS)
    params = pltpu.CompilerParams(use_tc_tiling_on_sc=False)
    deg = pl.kernel(
        _deg_body,
        out_type=jax.ShapeDtypeStruct((NC, NPAD, 16), jnp.float32),
        mesh=mesh,
        compiler_params=params,
        scratch_types=[
            pltpu.VMEM((NB, B), jnp.int32),
            pltpu.VMEM((B, 16), jnp.float32),
            pltpu.VMEM_SHARED((NPAD, 16), jnp.float32),
        ],
    )
    prop = pl.kernel(
        _prop_body,
        out_type=jax.ShapeDtypeStruct((NC, NPAD, 16), jnp.float32),
        mesh=mesh,
        compiler_params=params,
        scratch_types=[
            pltpu.VMEM((NB, B), jnp.int32),
            pltpu.VMEM((NB, B), jnp.int32),
            tuple(pltpu.VMEM((B, 16), jnp.float32) for _ in range(NSLOT)),
            pltpu.VMEM_SHARED((NPAD, 16), jnp.float32),
            pltpu.VMEM_SHARED((NPAD, 16), jnp.float32),
        ] + [pltpu.SemaphoreType.DMA for _ in range(NSLOT)],
    )
    return deg, prop


def _tc0_body(xp_ref, w_ref, u_ref):
    u_ref[...] = jnp.dot(xp_ref[...], w_ref[...],
                         preferred_element_type=jnp.float32)


_tc0 = pl.pallas_call(
    _tc0_body, out_shape=jax.ShapeDtypeStruct((PR, 128), jnp.float32))


def _tc1_body(u_ref, degp_ref, g_ref, dinv_ref):
    deg = degp_ref[0] + degp_ref[1] + 1.0
    dinv = lax.rsqrt(deg)
    dinv_ref[...] = dinv
    g_ref[...] = u_ref[...] * dinv


_tc1 = pl.pallas_call(
    _tc1_body,
    out_shape=(jax.ShapeDtypeStruct((PR, 128), jnp.float32),
               jax.ShapeDtypeStruct((PR, 128), jnp.float32)),
)


def _tc_mid_body(sp_ref, g_ref, dinv_ref, b_ref, w_ref, gout_ref):
    dinv = dinv_ref[...]
    h = dinv * (sp_ref[0] + sp_ref[1] + g_ref[...]) + b_ref[...]
    h = jnp.maximum(h, 0.0)
    gout_ref[...] = jnp.dot(h, w_ref[...], preferred_element_type=jnp.float32) * dinv


_tc_mid = pl.pallas_call(
    _tc_mid_body,
    out_shape=jax.ShapeDtypeStruct((PR, 128), jnp.float32),
)


def _tc_head_body(sp_ref, g_ref, dinv_ref, b3_ref, m1_ref, mb1_ref, g1_ref,
                  be1_ref, m2_ref, mb2_ref, g2_ref, be2_ref, m3_ref, mb3_ref,
                  p64_ref, p16_ref, sblk_ref, out_ref):
    h = dinv_ref[...] * (sp_ref[0] + sp_ref[1] + g_ref[...]) + b3_ref[...]
    mask = (lax.broadcasted_iota(jnp.int32, (PR, 1), 0) < NVR).astype(jnp.float32)

    def bn(t, gamma, beta, p_ref):
        def slotsum(v):
            return jnp.dot(v[None, :], p_ref[...],
                           preferred_element_type=jnp.float32)[0]

        mu = slotsum(jnp.sum(t * mask, axis=0)) * (1.0 / N)
        d = (t - mu) * mask
        var = slotsum(jnp.sum(d * d, axis=0)) * (1.0 / N)
        return (t - mu) * lax.rsqrt(var + 1e-5) * gamma + beta

    def leaky(t):
        return jnp.where(t > 0, t, 0.02 * t)

    t = jnp.dot(h, m1_ref[...], preferred_element_type=jnp.float32) + mb1_ref[...]
    t = leaky(bn(t, g1_ref[...], be1_ref[...], p64_ref))
    t = jnp.dot(t, m2_ref[...], preferred_element_type=jnp.float32) + mb2_ref[...]
    t = leaky(bn(t, g2_ref[...], be2_ref[...], p16_ref))
    t = jnp.dot(t, m3_ref[...], preferred_element_type=jnp.float32) + mb3_ref[...]
    m = jnp.max(t, axis=1, keepdims=True)
    e = jnp.exp(t - m)
    s = jnp.dot(e, sblk_ref[...], preferred_element_type=jnp.float32)
    out_ref[...] = (t - m) - jnp.log(s)


_tc_head = pl.pallas_call(
    _tc_head_body,
    out_shape=jax.ShapeDtypeStruct((PR, 8 * C), jnp.float32),
)


def _bd(w):
    return jnp.kron(jnp.eye(8, dtype=jnp.float32), w)


def kernel(x, edge_index, W1, b1, W2, b2, W3, b3,
           M1, mb1, g1, be1, M2, mb2, g2, be2, M3, mb3):
    x = jnp.squeeze(x)
    ep = jnp.pad(edge_index, ((0, 0), (0, EPAD - E)),
                 constant_values=N).reshape(2, NTILES, NB, B)

    ones_rows = jnp.ones((B, 16), jnp.float32)
    zeros_rows = jnp.zeros((NPAD, 16), jnp.float32)
    xp = jnp.pad(x, ((0, NPAD - N), (0, 0))).reshape(PR, 8 * D)

    deg_kernel, prop_kernel = _sc_kernels()
    uv = _tc0(xp, _bd(W1))
    degp = deg_kernel(ep, ones_rows, zeros_rows).reshape(NC, PR, 128)
    gv, dinv = _tc1(uv, degp)
    sp = prop_kernel(gv.reshape(NPAD, 16), ep, zeros_rows).reshape(NC, PR, 128)
    gv = _tc_mid(sp, gv, dinv, jnp.tile(b1, 8), _bd(W2))
    sp = prop_kernel(gv.reshape(NPAD, 16), ep, zeros_rows).reshape(NC, PR, 128)
    gv = _tc_mid(sp, gv, dinv, jnp.tile(b2, 8), _bd(W3))
    sp = prop_kernel(gv.reshape(NPAD, 16), ep, zeros_rows).reshape(NC, PR, 128)
    ones8 = jnp.ones((8, 8), jnp.float32)
    p64 = jnp.kron(ones8, jnp.eye(64, dtype=jnp.float32))
    p16 = jnp.kron(ones8, jnp.eye(16, dtype=jnp.float32))
    sblk = jnp.kron(jnp.eye(8, dtype=jnp.float32), jnp.ones((C, C), jnp.float32))
    out = _tc_head(sp, gv, dinv, jnp.tile(b3, 8), _bd(M1), jnp.tile(mb1, 8),
                   jnp.tile(g1, 8), jnp.tile(be1, 8), _bd(M2), jnp.tile(mb2, 8),
                   jnp.tile(g2, 8), jnp.tile(be2, 8), _bd(M3), jnp.tile(mb3, 8),
                   p64, p16, sblk)
    return out.reshape(NPAD, C)[:N]

# --- scband reference (transcript-rebuilt; emitter-appended) ---
"""Pipeline reference for scband-gnn-4234837753916 (READ-ONLY COPY).

The authoritative reference and input builder live on the scoring server;
editing this copy changes nothing except your own understanding.
"""

import jax, jax.numpy as jnp
import numpy as np

N = 10000
E = 320000
D = 128
C = 40


def setup_inputs(seed: int = 0) -> dict:
    key = jax.random.key(seed)
    ks = jax.random.split(key, 12)

    def glorot(k, shape):
        fan_in = shape[0]
        return jax.random.normal(k, shape, dtype=jnp.float32) * (1.0 / np.sqrt(fan_in))

    inp = {}
    inp['x'] = jax.random.normal(ks[0], (N, D), dtype=jnp.float32)
    inp['edge_index'] = jax.random.randint(ks[1], (2, E), 0, N, dtype=jnp.int32)
    # GCNConv layers
    inp['W1'] = glorot(ks[2], (D, 16)); inp['b1'] = jnp.zeros((16,), jnp.float32)
    inp['W2'] = glorot(ks[3], (16, 16)); inp['b2'] = jnp.zeros((16,), jnp.float32)
    inp['W3'] = glorot(ks[4], (16, 16)); inp['b3'] = jnp.zeros((16,), jnp.float32)
    # MLP [16, 64, 16, C] with batch norm on hidden layers (PyG MLP default)
    inp['M1'] = glorot(ks[5], (16, 64)); inp['mb1'] = jnp.zeros((64,), jnp.float32)
    inp['g1'] = jnp.ones((64,), jnp.float32); inp['be1'] = jnp.zeros((64,), jnp.float32)
    inp['M2'] = glorot(ks[6], (64, 16)); inp['mb2'] = jnp.zeros((16,), jnp.float32)
    inp['g2'] = jnp.ones((16,), jnp.float32); inp['be2'] = jnp.zeros((16,), jnp.float32)
    inp['M3'] = glorot(ks[7], (16, C)); inp['mb3'] = jnp.zeros((C,), jnp.float32)
    return inp


def _gcn_conv(h, src, dst, W, b):
    # x' = D^{-1/2} (A + I) D^{-1/2} X W + b  (PyG GCNConv, add_self_loops=True)
    h = h @ W
    loop = jnp.arange(N, dtype=src.dtype)
    s = jnp.concatenate([src, loop])
    d = jnp.concatenate([dst, loop])
    w = jnp.ones((s.shape[0],), dtype=h.dtype)
    deg = jax.ops.segment_sum(w, d, num_segments=N)
    dinv = jnp.where(deg > 0, jax.lax.rsqrt(jnp.maximum(deg, 1e-12)), 0.0)
    norm = dinv[s] * dinv[d]
    msgs = h[s] * norm[:, None]
    out = jax.ops.segment_sum(msgs, d, num_segments=N)
    return out + b


def _bn(h, gamma, beta):
    mu = jnp.mean(h, axis=0)
    var = jnp.var(h, axis=0)
    return (h - mu) * jax.lax.rsqrt(var + 1e-5) * gamma + beta


def _leaky(h):
    return jnp.where(h > 0, h, 0.02 * h)


def reference(x, edge_index, W1, b1, W2, b2, W3, b3, M1, mb1, g1, be1, M2, mb2, g2, be2, M3, mb3):
    x = jnp.squeeze(x)
    src, dst = edge_index[0], edge_index[1]
    h = _gcn_conv(x, src, dst, W1, b1)
    h = jax.nn.relu(h)
    h = _gcn_conv(h, src, dst, W2, b2)
    h = jax.nn.relu(h)
    h = _gcn_conv(h, src, dst, W3, b3)
    # MLP([16, 64, 16, C], act=leaky_relu(0.02), batch_norm, plain last layer)
    h = _leaky(_bn(h @ M1 + mb1, g1, be1))
    h = _leaky(_bn(h @ M2 + mb2, g2, be2))
    h = h @ M3 + mb3
    return jax.nn.log_softmax(h, axis=1)

if __name__ == "__main__":
    import jax
    _d = setup_inputs()
    print(jax.jit(kernel)(*tuple(_d.values())))

</pallas_src>

<mosaic_0001>
#map = affine_map<(d0, d1) -> (0, 0)>
#map1 = affine_map<(d0, d1) -> (0, 0, 0, 0)>
#map2 = affine_map<(d0, d1) -> (0, 0, 0)>
module attributes {stable_mosaic.version = 14 : i64} {
  func.func @_prop_body(%arg0: i32, %arg1: i32, %arg2: memref<10240x16xf32, #tpu.memory_space<hbm>>, %arg3: memref<2x32x80x128xi32, #tpu.memory_space<hbm>>, %arg4: memref<10240x16xf32, #tpu.memory_space<hbm>>, %arg5: memref<2x10240x16xf32, #tpu.memory_space<hbm>>, %arg6: memref<80x128xi32, #tpu.memory_space<vmem>>, %arg7: memref<80x128xi32, #tpu.memory_space<vmem>>, %arg8: memref<128x16xf32, #tpu.memory_space<vmem>>, %arg9: memref<128x16xf32, #tpu.memory_space<vmem>>, %arg10: memref<128x16xf32, #tpu.memory_space<vmem>>, %arg11: memref<128x16xf32, #tpu.memory_space<vmem>>, %arg12: memref<128x16xf32, #tpu.memory_space<vmem>>, %arg13: memref<128x16xf32, #tpu.memory_space<vmem>>, %arg14: memref<128x16xf32, #tpu.memory_space<vmem>>, %arg15: memref<128x16xf32, #tpu.memory_space<vmem>>, %arg16: memref<10240x16xf32, #tpu.memory_space<vmem_shared>>, %arg17: memref<10240x16xf32, #tpu.memory_space<vmem_shared>>, %arg18: memref<!tpu.dma_semaphore, #tpu.memory_space<semaphore_mem>>, %arg19: memref<!tpu.dma_semaphore, #tpu.memory_space<semaphore_mem>>, %arg20: memref<!tpu.dma_semaphore, #tpu.memory_space<semaphore_mem>>, %arg21: memref<!tpu.dma_semaphore, #tpu.memory_space<semaphore_mem>>, %arg22: memref<!tpu.dma_semaphore, #tpu.memory_space<semaphore_mem>>, %arg23: memref<!tpu.dma_semaphore, #tpu.memory_space<semaphore_mem>>, %arg24: memref<!tpu.dma_semaphore, #tpu.memory_space<semaphore_mem>>, %arg25: memref<!tpu.dma_semaphore, #tpu.memory_space<semaphore_mem>>) attributes {dimension_semantics = [#tpu.dimension_semantics<core_parallel>, #tpu.dimension_semantics<subcore_parallel>], iteration_bounds = array<i64: 2, 16>, scalar_prefetch = 0 : i64, scratch_operands = 20 : i64, tpu.core_type = #tpu.core_type<sc_vector_subcore>, window_params = [{transform_indices = #map}, {transform_indices = #map1}, {transform_indices = #map}, {transform_indices = #map2}]} {
    %mul3A = arith.constant 16 : i32
    %mul3A_0 = arith.muli %arg0, %mul3A : i32
    %add3A = arith.addi %mul3A_0, %arg1 : i32
    %run_scoped3A = arith.constant 0 : i32
    "tpu.region"() ({
      %run_scoped3A_138 = tpu.sem_alloc : memref<!tpu.dma_semaphore, #tpu.memory_space<semaphore_mem>>
      %dma_start3A_139 = arith.constant 0 : i32
      %dma_start3A_140 = arith.constant 0 : i32
      %dma_start3A_141 = tpu.memref_slice %arg3[%run_scoped3A, %add3A, %dma_start3A_139, %dma_start3A_140] : memref<2x32x80x128xi32, #tpu.memory_space<hbm>> -> memref<1x1x80x128xi32, #tpu.memory_space<hbm>>
      %dma_start3A_142 = tpu.memref_squeeze %dma_start3A_141 : memref<1x1x80x128xi32, #tpu.memory_space<hbm>> -> memref<80x128xi32, #tpu.memory_space<hbm>>
      %dma_start3A_143 = arith.constant 0 : i32
      %dma_start3A_144 = arith.constant 0 : i32
      %dma_start3A_145 = tpu.memref_slice %arg3[%run_scoped3A, %add3A, %dma_start3A_143, %dma_start3A_144] : memref<2x32x80x128xi32, #tpu.memory_space<hbm>> -> memref<1x1x80x128xi32, #tpu.memory_space<hbm>>
      %dma_start3A_146 = tpu.memref_squeeze %dma_start3A_145 : memref<1x1x80x128xi32, #tpu.memory_space<hbm>> -> memref<80x128xi32, #tpu.memory_space<hbm>>
      tpu.enqueue_dma source(%dma_start3A_146 : memref<80x128xi32, #tpu.memory_space<hbm>>) target(%arg6 : memref<80x128xi32, #tpu.memory_space<vmem>>) target_semaphore(%run_scoped3A_138 : memref<!tpu.dma_semaphore, #tpu.memory_space<semaphore_mem>>)
      %dma_wait3A_147 = arith.constant 0 : i32
      %dma_wait3A_148 = arith.constant 0 : i32
      %dma_wait3A_149 = tpu.memref_slice %arg3[%run_scoped3A, %add3A, %dma_wait3A_147, %dma_wait3A_148] : memref<2x32x80x128xi32, #tpu.memory_space<hbm>> -> memref<1x1x80x128xi32, #tpu.memory_space<hbm>>
      %dma_wait3A_150 = tpu.memref_squeeze %dma_wait3A_149 : memref<1x1x80x128xi32, #tpu.memory_space<hbm>> -> memref<80x128xi32, #tpu.memory_space<hbm>>
      %dma_wait3A_151 = arith.constant 0 : i32
      %dma_wait3A_152 = arith.constant 0 : i32
      %dma_wait3A_153 = tpu.memref_slice %arg3[%run_scoped3A, %add3A, %dma_wait3A_151, %dma_wait3A_152] : memref<2x32x80x128xi32, #tpu.memory_space<hbm>> -> memref<1x1x80x128xi32, #tpu.memory_space<hbm>>
      %dma_wait3A_154 = tpu.memref_squeeze %dma_wait3A_153 : memref<1x1x80x128xi32, #tpu.memory_space<hbm>> -> memref<80x128xi32, #tpu.memory_space<hbm>>
      tpu.wait_dma2 semaphore(%run_scoped3A_138 : memref<!tpu.dma_semaphore, #tpu.memory_space<semaphore_mem>>) src(%dma_wait3A_154 : memref<80x128xi32, #tpu.memory_space<hbm>>) dst(%arg6 : memref<80x128xi32, #tpu.memory_space<vmem>>)
      tpu.yield
    }) : () -> ()
    %run_scoped3A_1 = arith.constant 1 : i32
    "tpu.region"() ({
      %run_scoped3A_138 = tpu.sem_alloc : memref<!tpu.dma_semaphore, #tpu.memory_space<semaphore_mem>>
      %dma_start3A_139 = arith.constant 0 : i32
      %dma_start3A_140 = arith.constant 0 : i32
      %dma_start3A_141 = tpu.memref_slice %arg3[%run_scoped3A_1, %add3A, %dma_start3A_139, %dma_start3A_140] : memref<2x32x80x128xi32, #tpu.memory_space<hbm>> -> memref<1x1x80x128xi32, #tpu.memory_space<hbm>>
      %dma_start3A_142 = tpu.memref_squeeze %dma_start3A_141 : memref<1x1x80x128xi32, #tpu.memory_space<hbm>> -> memref<80x128xi32, #tpu.memory_space<hbm>>
      %dma_start3A_143 = arith.constant 0 : i32
      %dma_start3A_144 = arith.constant 0 : i32
      %dma_start3A_145 = tpu.memref_slice %arg3[%run_scoped3A_1, %add3A, %dma_start3A_143, %dma_start3A_144] : memref<2x32x80x128xi32, #tpu.memory_space<hbm>> -> memref<1x1x80x128xi32, #tpu.memory_space<hbm>>
      %dma_start3A_146 = tpu.memref_squeeze %dma_start3A_145 : memref<1x1x80x128xi32, #tpu.memory_space<hbm>> -> memref<80x128xi32, #tpu.memory_space<hbm>>
      tpu.enqueue_dma source(%dma_start3A_146 : memref<80x128xi32, #tpu.memory_space<hbm>>) target(%arg7 : memref<80x128xi32, #tpu.memory_space<vmem>>) target_semaphore(%run_scoped3A_138 : memref<!tpu.dma_semaphore, #tpu.memory_space<semaphore_mem>>)
      %dma_wait3A_147 = arith.constant 0 : i32
      %dma_wait3A_148 = arith.constant 0 : i32
      %dma_wait3A_149 = tpu.memref_slice %arg3[%run_scoped3A_1, %add3A, %dma_wait3A_147, %dma_wait3A_148] : memref<2x32x80x128xi32, #tpu.memory_space<hbm>> -> memref<1x1x80x128xi32, #tpu.memory_space<hbm>>
      %dma_wait3A_150 = tpu.memref_squeeze %dma_wait3A_149 : memref<1x1x80x128xi32, #tpu.memory_space<hbm>> -> memref<80x128xi32, #tpu.memory_space<hbm>>
      %dma_wait3A_151 = arith.constant 0 : i32
      %dma_wait3A_152 = arith.constant 0 : i32
      %dma_wait3A_153 = tpu.memref_slice %arg3[%run_scoped3A_1, %add3A, %dma_wait3A_151, %dma_wait3A_152] : memref<2x32x80x128xi32, #tpu.memory_space<hbm>> -> memref<1x1x80x128xi32, #tpu.memory_space<hbm>>
      %dma_wait3A_154 = tpu.memref_squeeze %dma_wait3A_153 : memref<1x1x80x128xi32, #tpu.memory_space<hbm>> -> memref<80x128xi32, #tpu.memory_space<hbm>>
      tpu.wait_dma2 semaphore(%run_scoped3A_138 : memref<!tpu.dma_semaphore, #tpu.memory_space<semaphore_mem>>) src(%dma_wait3A_154 : memref<80x128xi32, #tpu.memory_space<hbm>>) dst(%arg7 : memref<80x128xi32, #tpu.memory_space<vmem>>)
      tpu.yield
    }) : () -> ()
    %mul3A_2 = arith.constant 640 : i32
    %mul3A_3 = arith.muli %arg1, %mul3A_2 : i32
    %mul3A_4 = arith.constant 640 : i32
    %mul3A_5 = arith.muli %arg1, %mul3A_4 : i32
    "tpu.region"() ({
      %run_scoped3A_138 = tpu.sem_alloc : memref<!tpu.dma_semaphore, #tpu.memory_space<semaphore_mem>>
      %dma_start3A_139 = arith.constant 0 : i32
      %dma_start3A_140 = tpu.memref_slice %arg16[%mul3A_5, %dma_start3A_139] : memref<10240x16xf32, #tpu.memory_space<vmem_shared>> -> memref<640x16xf32, #tpu.memory_space<vmem_shared>>
      %dma_start3A_141 = arith.constant 0 : i32
      %dma_start3A_142 = tpu.memref_slice %arg2[%mul3A_3, %dma_start3A_141] : memref<10240x16xf32, #tpu.memory_space<hbm>> -> memref<640x16xf32, #tpu.memory_space<hbm>>
      tpu.enqueue_dma source(%dma_start3A_142 : memref<640x16xf32, #tpu.memory_space<hbm>>) target(%dma_start3A_140 : memref<640x16xf32, #tpu.memory_space<vmem_shared>>) target_semaphore(%run_scoped3A_138 : memref<!tpu.dma_semaphore, #tpu.memory_space<semaphore_mem>>)
      %dma_wait3A_143 = arith.constant 0 : i32
      %dma_wait3A_144 = tpu.memref_slice %arg16[%mul3A_5, %dma_wait3A_143] : memref<10240x16xf32, #tpu.memory_space<vmem_shared>> -> memref<640x16xf32, #tpu.memory_space<vmem_shared>>
      %dma_wait3A_145 = arith.constant 0 : i32
      %dma_wait3A_146 = tpu.memref_slice %arg2[%mul3A_3, %dma_wait3A_145] : memref<10240x16xf32, #tpu.memory_space<hbm>> -> memref<640x16xf32, #tpu.memory_space<hbm>>
      tpu.wait_dma2 semaphore(%run_scoped3A_138 : memref<!tpu.dma_semaphore, #tpu.memory_space<semaphore_mem>>) src(%dma_wait3A_146 : memref<640x16xf32, #tpu.memory_space<hbm>>) dst(%dma_wait3A_144 : memref<640x16xf32, #tpu.memory_space<vmem_shared>>)
      tpu.yield
    }) : () -> ()
    %mul3A_6 = arith.constant 640 : i32
    %mul3A_7 = arith.muli %arg1, %mul3A_6 : i32
    %mul3A_8 = arith.constant 640 : i32
    %mul3A_9 = arith.muli %arg1, %mul3A_8 : i32
    "tpu.region"() ({
      %run_scoped3A_138 = tpu.sem_alloc : memref<!tpu.dma_semaphore, #tpu.memory_space<semaphore_mem>>
      %dma_start3A_139 = arith.constant 0 : i32
      %dma_start3A_140 = tpu.memref_slice %arg17[%mul3A_9, %dma_start3A_139] : memref<10240x16xf32, #tpu.memory_space<vmem_shared>> -> memref<640x16xf32, #tpu.memory_space<vmem_shared>>
      %dma_start3A_141 = arith.constant 0 : i32
      %dma_start3A_142 = tpu.memref_slice %arg4[%mul3A_7, %dma_start3A_141] : memref<10240x16xf32, #tpu.memory_space<hbm>> -> memref<640x16xf32, #tpu.memory_space<hbm>>
      tpu.enqueue_dma source(%dma_start3A_142 : memref<640x16xf32, #tpu.memory_space<hbm>>) target(%dma_start3A_140 : memref<640x16xf32, #tpu.memory_space<vmem_shared>>) target_semaphore(%run_scoped3A_138 : memref<!tpu.dma_semaphore, #tpu.memory_space<semaphore_mem>>)
      %dma_wait3A_143 = arith.constant 0 : i32
      %dma_wait3A_144 = tpu.memref_slice %arg17[%mul3A_9, %dma_wait3A_143] : memref<10240x16xf32, #tpu.memory_space<vmem_shared>> -> memref<640x16xf32, #tpu.memory_space<vmem_shared>>
      %dma_wait3A_145 = arith.constant 0 : i32
      %dma_wait3A_146 = tpu.memref_slice %arg4[%mul3A_7, %dma_wait3A_145] : memref<10240x16xf32, #tpu.memory_space<hbm>> -> memref<640x16xf32, #tpu.memory_space<hbm>>
      tpu.wait_dma2 semaphore(%run_scoped3A_138 : memref<!tpu.dma_semaphore, #tpu.memory_space<semaphore_mem>>) src(%dma_wait3A_146 : memref<640x16xf32, #tpu.memory_space<hbm>>) dst(%dma_wait3A_144 : memref<640x16xf32, #tpu.memory_space<vmem_shared>>)
      tpu.yield
    }) : () -> ()
    %barrier3A = arith.constant 0 : index
    tpu.barrier barrier_id(%barrier3A)
    %dma_start3A = arith.constant 0 : i32
    %dma_start3A_10 = arith.constant 0 : i32
    %dma_start3A_11 = tpu.memref_slice %arg6[%dma_start3A, %dma_start3A_10] : memref<80x128xi32, #tpu.memory_space<vmem>> -> memref<1x128xi32, #tpu.memory_space<vmem>>
    %dma_start3A_12 = tpu.memref_squeeze %dma_start3A_11 : memref<1x128xi32, #tpu.memory_space<vmem>> -> memref<128xi32, #tpu.memory_space<vmem>>
    %dma_start3A_13 = arith.constant 0 : i32
    %dma_start3A_14 = arith.constant 0 : i32
    %dma_start3A_15 = tpu.memref_slice %arg16[%dma_start3A_13, %dma_start3A_14] : memref<10240x16xf32, #tpu.memory_space<vmem_shared>> -> memref<10240x16xf32, #tpu.memory_space<vmem_shared>>
    tpu.enqueue_indirect_dma source(%dma_start3A_15 : memref<10240x16xf32, #tpu.memory_space<vmem_shared>>) target(%arg8 : memref<128x16xf32, #tpu.memory_space<vmem>>) offsets(%dma_start3A_12 : memref<128xi32, #tpu.memory_space<vmem>>) semaphore(%arg18 : memref<!tpu.dma_semaphore, #tpu.memory_space<semaphore_mem>>)
    %dma_start3A_16 = arith.constant 1 : i32
    %dma_start3A_17 = arith.constant 0 : i32
    %dma_start3A_18 = tpu.memref_slice %arg6[%dma_start3A_16, %dma_start3A_17] : memref<80x128xi32, #tpu.memory_space<vmem>> -> memref<1x128xi32, #tpu.memory_space<vmem>>
    %dma_start3A_19 = tpu.memref_squeeze %dma_start3A_18 : memref<1x128xi32, #tpu.memory_space<vmem>> -> memref<128xi32, #tpu.memory_space<vmem>>
    %dma_start3A_20 = arith.constant 0 : i32
    %dma_start3A_21 = arith.constant 0 : i32
    %dma_start3A_22 = tpu.memref_slice %arg16[%dma_start3A_20, %dma_start3A_21] : memref<10240x16xf32, #tpu.memory_space<vmem_shared>> -> memref<10240x16xf32, #tpu.memory_space<vmem_shared>>
    tpu.enqueue_indirect_dma source(%dma_start3A_22 : memref<10240x16xf32, #tpu.memory_space<vmem_shared>>) target(%arg9 : memref<128x16xf32, #tpu.memory_space<vmem>>) offsets(%dma_start3A_19 : memref<128xi32, #tpu.memory_space<vmem>>) semaphore(%arg19 : memref<!tpu.dma_semaphore, #tpu.memory_space<semaphore_mem>>)
    %dma_start3A_23 = arith.constant 2 : i32
    %dma_start3A_24 = arith.constant 0 : i32
    %dma_start3A_25 = tpu.memref_slice %arg6[%dma_start3A_23, %dma_start3A_24] : memref<80x128xi32, #tpu.memory_space<vmem>> -> memref<1x128xi32, #tpu.memory_space<vmem>>
    %dma_start3A_26 = tpu.memref_squeeze %dma_start3A_25 : memref<1x128xi32, #tpu.memory_space<vmem>> -> memref<128xi32, #tpu.memory_space<vmem>>
    %dma_start3A_27 = arith.constant 0 : i32
    %dma_start3A_28 = arith.constant 0 : i32
    %dma_start3A_29 = tpu.memref_slice %arg16[%dma_start3A_27, %dma_start3A_28] : memref<10240x16xf32, #tpu.memory_space<vmem_shared>> -> memref<10240x16xf32, #tpu.memory_space<vmem_shared>>
    tpu.enqueue_indirect_dma source(%dma_start3A_29 : memref<10240x16xf32, #tpu.memory_space<vmem_shared>>) target(%arg10 : memref<128x16xf32, #tpu.memory_space<vmem>>) offsets(%dma_start3A_26 : memref<128xi32, #tpu.memory_space<vmem>>) semaphore(%arg20 : memref<!tpu.dma_semaphore, #tpu.memory_space<semaphore_mem>>)
    %dma_start3A_30 = arith.constant 3 : i32
    %dma_start3A_31 = arith.constant 0 : i32
    %dma_start3A_32 = tpu.memref_slice %arg6[%dma_start3A_30, %dma_start3A_31] : memref<80x128xi32, #tpu.memory_space<vmem>> -> memref<1x128xi32, #tpu.memory_space<vmem>>
    %dma_start3A_33 = tpu.memref_squeeze %dma_start3A_32 : memref<1x128xi32, #tpu.memory_space<vmem>> -> memref<128xi32, #tpu.memory_space<vmem>>
    %dma_start3A_34 = arith.constant 0 : i32
    %dma_start3A_35 = arith.constant 0 : i32
    %dma_start3A_36 = tpu.memref_slice %arg16[%dma_start3A_34, %dma_start3A_35] : memref<10240x16xf32, #tpu.memory_space<vmem_shared>> -> memref<10240x16xf32, #tpu.memory_space<vmem_shared>>
    tpu.enqueue_indirect_dma source(%dma_start3A_36 : memref<10240x16xf32, #tpu.memory_space<vmem_shared>>) target(%arg11 : memref<128x16xf32, #tpu.memory_space<vmem>>) offsets(%dma_start3A_33 : memref<128xi32, #tpu.memory_space<vmem>>) semaphore(%arg21 : memref<!tpu.dma_semaphore, #tpu.memory_space<semaphore_mem>>)
    %dma_start3A_37 = arith.constant 4 : i32
    %dma_start3A_38 = arith.constant 0 : i32
    %dma_start3A_39 = tpu.memref_slice %arg6[%dma_start3A_37, %dma_start3A_38] : memref<80x128xi32, #tpu.memory_space<vmem>> -> memref<1x128xi32, #tpu.memory_space<vmem>>
    %dma_start3A_40 = tpu.memref_squeeze %dma_start3A_39 : memref<1x128xi32, #tpu.memory_space<vmem>> -> memref<128xi32, #tpu.memory_space<vmem>>
    %dma_start3A_41 = arith.constant 0 : i32
    %dma_start3A_42 = arith.constant 0 : i32
    %dma_start3A_43 = tpu.memref_slice %arg16[%dma_start3A_41, %dma_start3A_42] : memref<10240x16xf32, #tpu.memory_space<vmem_shared>> -> memref<10240x16xf32, #tpu.memory_space<vmem_shared>>
    tpu.enqueue_indirect_dma source(%dma_start3A_43 : memref<10240x16xf32, #tpu.memory_space<vmem_shared>>) target(%arg12 : memref<128x16xf32, #tpu.memory_space<vmem>>) offsets(%dma_start3A_40 : memref<128xi32, #tpu.memory_space<vmem>>) semaphore(%arg22 : memref<!tpu.dma_semaphore, #tpu.memory_space<semaphore_mem>>)
    %dma_start3A_44 = arith.constant 5 : i32
    %dma_start3A_45 = arith.constant 0 : i32
    %dma_start3A_46 = tpu.memref_slice %arg6[%dma_start3A_44, %dma_start3A_45] : memref<80x128xi32, #tpu.memory_space<vmem>> -> memref<1x128xi32, #tpu.memory_space<vmem>>
    %dma_start3A_47 = tpu.memref_squeeze %dma_start3A_46 : memref<1x128xi32, #tpu.memory_space<vmem>> -> memref<128xi32, #tpu.memory_space<vmem>>
    %dma_start3A_48 = arith.constant 0 : i32
    %dma_start3A_49 = arith.constant 0 : i32
    %dma_start3A_50 = tpu.memref_slice %arg16[%dma_start3A_48, %dma_start3A_49] : memref<10240x16xf32, #tpu.memory_space<vmem_shared>> -> memref<10240x16xf32, #tpu.memory_space<vmem_shared>>
    tpu.enqueue_indirect_dma source(%dma_start3A_50 : memref<10240x16xf32, #tpu.memory_space<vmem_shared>>) target(%arg13 : memref<128x16xf32, #tpu.memory_space<vmem>>) offsets(%dma_start3A_47 : memref<128xi32, #tpu.memory_space<vmem>>) semaphore(%arg23 : memref<!tpu.dma_semaphore, #tpu.memory_space<semaphore_mem>>)
    %dma_start3A_51 = arith.constant 6 : i32
    %dma_start3A_52 = arith.constant 0 : i32
    %dma_start3A_53 = tpu.memref_slice %arg6[%dma_start3A_51, %dma_start3A_52] : memref<80x128xi32, #tpu.memory_space<vmem>> -> memref<1x128xi32, #tpu.memory_space<vmem>>
    %dma_start3A_54 = tpu.memref_squeeze %dma_start3A_53 : memref<1x128xi32, #tpu.memory_space<vmem>> -> memref<128xi32, #tpu.memory_space<vmem>>
    %dma_start3A_55 = arith.constant 0 : i32
    %dma_start3A_56 = arith.constant 0 : i32
    %dma_start3A_57 = tpu.memref_slice %arg16[%dma_start3A_55, %dma_start3A_56] : memref<10240x16xf32, #tpu.memory_space<vmem_shared>> -> memref<10240x16xf32, #tpu.memory_space<vmem_shared>>
    tpu.enqueue_indirect_dma source(%dma_start3A_57 : memref<10240x16xf32, #tpu.memory_space<vmem_shared>>) target(%arg14 : memref<128x16xf32, #tpu.memory_space<vmem>>) offsets(%dma_start3A_54 : memref<128xi32, #tpu.memory_space<vmem>>) semaphore(%arg24 : memref<!tpu.dma_semaphore, #tpu.memory_space<semaphore_mem>>)
    %dma_start3A_58 = arith.constant 7 : i32
    %dma_start3A_59 = arith.constant 0 : i32
    %dma_start3A_60 = tpu.memref_slice %arg6[%dma_start3A_58, %dma_start3A_59] : memref<80x128xi32, #tpu.memory_space<vmem>> -> memref<1x128xi32, #tpu.memory_space<vmem>>
    %dma_start3A_61 = tpu.memref_squeeze %dma_start3A_60 : memref<1x128xi32, #tpu.memory_space<vmem>> -> memref<128xi32, #tpu.memory_space<vmem>>
    %dma_start3A_62 = arith.constant 0 : i32
    %dma_start3A_63 = arith.constant 0 : i32
    %dma_start3A_64 = tpu.memref_slice %arg16[%dma_start3A_62, %dma_start3A_63] : memref<10240x16xf32, #tpu.memory_space<vmem_shared>> -> memref<10240x16xf32, #tpu.memory_space<vmem_shared>>
    tpu.enqueue_indirect_dma source(%dma_start3A_64 : memref<10240x16xf32, #tpu.memory_space<vmem_shared>>) target(%arg15 : memref<128x16xf32, #tpu.memory_space<vmem>>) offsets(%dma_start3A_61 : memref<128xi32, #tpu.memory_space<vmem>>) semaphore(%arg25 : memref<!tpu.dma_semaphore, #tpu.memory_space<semaphore_mem>>)
    %scan3A = arith.constant 0 : i32
    %scan3A_65 = arith.constant 0 : i32
    %scan3A_66 = arith.constant 9 : i32
    %scan3A_67 = arith.addi %scan3A_65, %scan3A_66 : i32
    %scan3A_68 = arith.constant 1 : i32
    scf.for %scan3A_138 = %scan3A_65 to %scan3A_67 step %scan3A_68  : i32 {
      %mul3A_139 = arith.constant 8 : i32
      %mul3A_140 = arith.muli %scan3A_138, %mul3A_139 : i32
      %add3A_141 = arith.constant 0 : i32
      %add3A_142 = arith.addi %mul3A_140, %add3A_141 : i32
      %dma_wait3A_143 = arith.constant 0 : i32
      %dma_wait3A_144 = arith.constant 0 : i32
      %dma_wait3A_145 = tpu.memref_slice %arg6[%dma_wait3A_143, %dma_wait3A_144] : memref<80x128xi32, #tpu.memory_space<vmem>> -> memref<1x128xi32, #tpu.memory_space<vmem>>
      %dma_wait3A_146 = tpu.memref_squeeze %dma_wait3A_145 : memref<1x128xi32, #tpu.memory_space<vmem>> -> memref<128xi32, #tpu.memory_space<vmem>>
      %dma_wait3A_147 = arith.constant 0 : i32
      %dma_wait3A_148 = arith.constant 0 : i32
      %dma_wait3A_149 = tpu.memref_slice %arg16[%dma_wait3A_147, %dma_wait3A_148] : memref<10240x16xf32, #tpu.memory_space<vmem_shared>> -> memref<10240x16xf32, #tpu.memory_space<vmem_shared>>
      tpu.wait_indirect_dma semaphore(%arg18 : memref<!tpu.dma_semaphore, #tpu.memory_space<semaphore_mem>>) src(%dma_wait3A_149 : memref<10240x16xf32, #tpu.memory_space<vmem_shared>>) dst(%arg8 : memref<128x16xf32, #tpu.memory_space<vmem>>)
      "tpu.region"() ({
        %run_scoped3A_277 = tpu.sem_alloc : memref<!tpu.dma_semaphore, #tpu.memory_space<semaphore_mem>>
        %dma_start3A_278 = arith.constant 0 : i32
        %dma_start3A_279 = tpu.memref_slice %arg7[%add3A_142, %dma_start3A_278] : memref<80x128xi32, #tpu.memory_space<vmem>> -> memref<1x128xi32, #tpu.memory_space<vmem>>
        %dma_start3A_280 = tpu.memref_squeeze %dma_start3A_279 : memref<1x128xi32, #tpu.memory_space<vmem>> -> memref<128xi32, #tpu.memory_space<vmem>>
        %dma_start3A_281 = arith.constant 0 : i32
        %dma_start3A_282 = arith.constant 0 : i32
        %dma_start3A_283 = tpu.memref_slice %arg17[%dma_start3A_281, %dma_start3A_282] : memref<10240x16xf32, #tpu.memory_space<vmem_shared>> -> memref<10240x16xf32, #tpu.memory_space<vmem_shared>>
        tpu.enqueue_indirect_dma source(%arg8 : memref<128x16xf32, #tpu.memory_space<vmem>>) target(%dma_start3A_283 : memref<10240x16xf32, #tpu.memory_space<vmem_shared>>) offsets(%dma_start3A_280 : memref<128xi32, #tpu.memory_space<vmem>>) semaphore(%run_scoped3A_277 : memref<!tpu.dma_semaphore, #tpu.memory_space<semaphore_mem>>) {add = true}
        %dma_wait3A_284 = arith.constant 0 : i32
        %dma_wait3A_285 = tpu.memref_slice %arg7[%add3A_142, %dma_wait3A_284] : memref<80x128xi32, #tpu.memory_space<vmem>> -> memref<1x128xi32, #tpu.memory_space<vmem>>
        %dma_wait3A_286 = tpu.memref_squeeze %dma_wait3A_285 : memref<1x128xi32, #tpu.memory_space<vmem>> -> memref<128xi32, #tpu.memory_space<vmem>>
        %dma_wait3A_287 = arith.constant 0 : i32
        %dma_wait3A_288 = arith.constant 0 : i32
        %dma_wait3A_289 = tpu.memref_slice %arg17[%dma_wait3A_287, %dma_wait3A_288] : memref<10240x16xf32, #tpu.memory_space<vmem_shared>> -> memref<10240x16xf32, #tpu.memory_space<vmem_shared>>
        tpu.wait_indirect_dma semaphore(%run_scoped3A_277 : memref<!tpu.dma_semaphore, #tpu.memory_space<semaphore_mem>>) src(%arg8 : memref<128x16xf32, #tpu.memory_space<vmem>>) dst(%dma_wait3A_289 : memref<10240x16xf32, #tpu.memory_space<vmem_shared>>)
        tpu.yield
      }) : () -> ()
      %add3A_150 = arith.constant 8 : i32
      %add3A_151 = arith.addi %add3A_142, %add3A_150 : i32
      %dma_start3A_152 = arith.constant 0 : i32
      %dma_start3A_153 = tpu.memref_slice %arg6[%add3A_151, %dma_start3A_152] : memref<80x128xi32, #tpu.memory_space<vmem>> -> memref<1x128xi32, #tpu.memory_space<vmem>>
      %dma_start3A_154 = tpu.memref_squeeze %dma_start3A_153 : memref<1x128xi32, #tpu.memory_space<vmem>> -> memref<128xi32, #tpu.memory_space<vmem>>
      %dma_start3A_155 = arith.constant 0 : i32
      %dma_start3A_156 = arith.constant 0 : i32
      %dma_start3A_157 = tpu.memref_slice %arg16[%dma_start3A_155, %dma_start3A_156] : memref<10240x16xf32, #tpu.memory_space<vmem_shared>> -> memref<10240x16xf32, #tpu.memory_space<vmem_shared>>
      tpu.enqueue_indirect_dma source(%dma_start3A_157 : memref<10240x16xf32, #tpu.memory_space<vmem_shared>>) target(%arg8 : memref<128x16xf32, #tpu.memory_space<vmem>>) offsets(%dma_start3A_154 : memref<128xi32, #tpu.memory_space<vmem>>) semaphore(%arg18 : memref<!tpu.dma_semaphore, #tpu.memory_space<semaphore_mem>>)
      %add3A_158 = arith.constant 1 : i32
      %add3A_159 = arith.addi %mul3A_140, %add3A_158 : i32
      %dma_wait3A_160 = arith.constant 0 : i32
      %dma_wait3A_161 = arith.constant 0 : i32
      %dma_wait3A_162 = tpu.memref_slice %arg6[%dma_wait3A_160, %dma_wait3A_161] : memref<80x128xi32, #tpu.memory_space<vmem>> -> memref<1x128xi32, #tpu.memory_space<vmem>>
      %dma_wait3A_163 = tpu.memref_squeeze %dma_wait3A_162 : memref<1x128xi32, #tpu.memory_space<vmem>> -> memref<128xi32, #tpu.memory_space<vmem>>
      %dma_wait3A_164 = arith.constant 0 : i32
      %dma_wait3A_165 = arith.constant 0 : i32
      %dma_wait3A_166 = tpu.memref_slice %arg16[%dma_wait3A_164, %dma_wait3A_165] : memref<10240x16xf32, #tpu.memory_space<vmem_shared>> -> memref<10240x16xf32, #tpu.memory_space<vmem_shared>>
      tpu.wait_indirect_dma semaphore(%arg19 : memref<!tpu.dma_semaphore, #tpu.memory_space<semaphore_mem>>) src(%dma_wait3A_166 : memref<10240x16xf32, #tpu.memory_space<vmem_shared>>) dst(%arg9 : memref<128x16xf32, #tpu.memory_space<vmem>>)
      "tpu.region"() ({
        %run_scoped3A_277 = tpu.sem_alloc : memref<!tpu.dma_semaphore, #tpu.memory_space<semaphore_mem>>
        %dma_start3A_278 = arith.constant 0 : i32
        %dma_start3A_279 = tpu.memref_slice %arg7[%add3A_159, %dma_start3A_278] : memref<80x128xi32, #tpu.memory_space<vmem>> -> memref<1x128xi32, #tpu.memory_space<vmem>>
        %dma_start3A_280 = tpu.memref_squeeze %dma_start3A_279 : memref<1x128xi32, #tpu.memory_space<vmem>> -> memref<128xi32, #tpu.memory_space<vmem>>
        %dma_start3A_281 = arith.constant 0 : i32
        %dma_start3A_282 = arith.constant 0 : i32
        %dma_start3A_283 = tpu.memref_slice %arg17[%dma_start3A_281, %dma_start3A_282] : memref<10240x16xf32, #tpu.memory_space<vmem_shared>> -> memref<10240x16xf32, #tpu.memory_space<vmem_shared>>
        tpu.enqueue_indirect_dma source(%arg9 : memref<128x16xf32, #tpu.memory_space<vmem>>) target(%dma_start3A_283 : memref<10240x16xf32, #tpu.memory_space<vmem_shared>>) offsets(%dma_start3A_280 : memref<128xi32, #tpu.memory_space<vmem>>) semaphore(%run_scoped3A_277 : memref<!tpu.dma_semaphore, #tpu.memory_space<semaphore_mem>>) {add = true}
        %dma_wait3A_284 = arith.constant 0 : i32
        %dma_wait3A_285 = tpu.memref_slice %arg7[%add3A_159, %dma_wait3A_284] : memref<80x128xi32, #tpu.memory_space<vmem>> -> memref<1x128xi32, #tpu.memory_space<vmem>>
        %dma_wait3A_286 = tpu.memref_squeeze %dma_wait3A_285 : memref<1x128xi32, #tpu.memory_space<vmem>> -> memref<128xi32, #tpu.memory_space<vmem>>
        %dma_wait3A_287 = arith.constant 0 : i32
        %dma_wait3A_288 = arith.constant 0 : i32
        %dma_wait3A_289 = tpu.memref_slice %arg17[%dma_wait3A_287, %dma_wait3A_288] : memref<10240x16xf32, #tpu.memory_space<vmem_shared>> -> memref<10240x16xf32, #tpu.memory_space<vmem_shared>>
        tpu.wait_indirect_dma semaphore(%run_scoped3A_277 : memref<!tpu.dma_semaphore, #tpu.memory_space<semaphore_mem>>) src(%arg9 : memref<128x16xf32, #tpu.memory_space<vmem>>) dst(%dma_wait3A_289 : memref<10240x16xf32, #tpu.memory_space<vmem_shared>>)
        tpu.yield
      }) : () -> ()
      %add3A_167 = arith.constant 8 : i32
      %add3A_168 = arith.addi %add3A_159, %add3A_167 : i32
      %dma_start3A_169 = arith.constant 0 : i32
      %dma_start3A_170 = tpu.memref_slice %arg6[%add3A_168, %dma_start3A_169] : memref<80x128xi32, #tpu.memory_space<vmem>> -> memref<1x128xi32, #tpu.memory_space<vmem>>
      %dma_start3A_171 = tpu.memref_squeeze %dma_start3A_170 : memref<1x128xi32, #tpu.memory_space<vmem>> -> memref<128xi32, #tpu.memory_space<vmem>>
      %dma_start3A_172 = arith.constant 0 : i32
      %dma_start3A_173 = arith.constant 0 : i32
      %dma_start3A_174 = tpu.memref_slice %arg16[%dma_start3A_172, %dma_start3A_173] : memref<10240x16xf32, #tpu.memory_space<vmem_shared>> -> memref<10240x16xf32, #tpu.memory_space<vmem_shared>>
      tpu.enqueue_indirect_dma source(%dma_start3A_174 : memref<10240x16xf32, #tpu.memory_space<vmem_shared>>) target(%arg9 : memref<128x16xf32, #tpu.memory_space<vmem>>) offsets(%dma_start3A_171 : memref<128xi32, #tpu.memory_space<vmem>>) semaphore(%arg19 : memref<!tpu.dma_semaphore, #tpu.memory_space<semaphore_mem>>)
      %add3A_175 = arith.constant 2 : i32
      %add3A_176 = arith.addi %mul3A_140, %add3A_175 : i32
      %dma_wait3A_177 = arith.constant 0 : i32
      %dma_wait3A_178 = arith.constant 0 : i32
      %dma_wait3A_179 = tpu.memref_slice %arg6[%dma_wait3A_177, %dma_wait3A_178] : memref<80x128xi32, #tpu.memory_space<vmem>> -> memref<1x128xi32, #tpu.memory_space<vmem>>
      %dma_wait3A_180 = tpu.memref_squeeze %dma_wait3A_179 : memref<1x128xi32, #tpu.memory_space<vmem>> -> memref<128xi32, #tpu.memory_space<vmem>>
      %dma_wait3A_181 = arith.constant 0 : i32
      %dma_wait3A_182 = arith.constant 0 : i32
      %dma_wait3A_183 = tpu.memref_slice %arg16[%dma_wait3A_181, %dma_wait3A_182] : memref<10240x16xf32, #tpu.memory_space<vmem_shared>> -> memref<10240x16xf32, #tpu.memory_space<vmem_shared>>
      tpu.wait_indirect_dma semaphore(%arg20 : memref<!tpu.dma_semaphore, #tpu.memory_space<semaphore_mem>>) src(%dma_wait3A_183 : memref<10240x16xf32, #tpu.memory_space<vmem_shared>>) dst(%arg10 : memref<128x16xf32, #tpu.memory_space<vmem>>)
      "tpu.region"() ({
        %run_scoped3A_277 = tpu.sem_alloc : memref<!tpu.dma_semaphore, #tpu.memory_space<semaphore_mem>>
        %dma_start3A_278 = arith.constant 0 : i32
        %dma_start3A_279 = tpu.memref_slice %arg7[%add3A_176, %dma_start3A_278] : memref<80x128xi32, #tpu.memory_space<vmem>> -> memref<1x128xi32, #tpu.memory_space<vmem>>
        %dma_start3A_280 = tpu.memref_squeeze %dma_start3A_279 : memref<1x128xi32, #tpu.memory_space<vmem>> -> memref<128xi32, #tpu.memory_space<vmem>>
        %dma_start3A_281 = arith.constant 0 : i32
        %dma_start3A_282 = arith.constant 0 : i32
        %dma_start3A_283 = tpu.memref_slice %arg17[%dma_start3A_281, %dma_start3A_282] : memref<10240x16xf32, #tpu.memory_space<vmem_shared>> -> memref<10240x16xf32, #tpu.memory_space<vmem_shared>>
        tpu.enqueue_indirect_dma source(%arg10 : memref<128x16xf32, #tpu.memory_space<vmem>>) target(%dma_start3A_283 : memref<10240x16xf32, #tpu.memory_space<vmem_shared>>) offsets(%dma_start3A_280 : memref<128xi32, #tpu.memory_space<vmem>>) semaphore(%run_scoped3A_277 : memref<!tpu.dma_semaphore, #tpu.memory_space<semaphore_mem>>) {add = true}
        %dma_wait3A_284 = arith.constant 0 : i32
        %dma_wait3A_285 = tpu.memref_slice %arg7[%add3A_176, %dma_wait3A_284] : memref<80x128xi32, #tpu.memory_space<vmem>> -> memref<1x128xi32, #tpu.memory_space<vmem>>
        %dma_wait3A_286 = tpu.memref_squeeze %dma_wait3A_285 : memref<1x128xi32, #tpu.memory_space<vmem>> -> memref<128xi32, #tpu.memory_space<vmem>>
        %dma_wait3A_287 = arith.constant 0 : i32
        %dma_wait3A_288 = arith.constant 0 : i32
        %dma_wait3A_289 = tpu.memref_slice %arg17[%dma_wait3A_287, %dma_wait3A_288] : memref<10240x16xf32, #tpu.memory_space<vmem_shared>> -> memref<10240x16xf32, #tpu.memory_space<vmem_shared>>
        tpu.wait_indirect_dma semaphore(%run_scoped3A_277 : memref<!tpu.dma_semaphore, #tpu.memory_space<semaphore_mem>>) src(%arg10 : memref<128x16xf32, #tpu.memory_space<vmem>>) dst(%dma_wait3A_289 : memref<10240x16xf32, #tpu.memory_space<vmem_shared>>)
        tpu.yield
      }) : () -> ()
      %add3A_184 = arith.constant 8 : i32
      %add3A_185 = arith.addi %add3A_176, %add3A_184 : i32
      %dma_start3A_186 = arith.constant 0 : i32
      %dma_start3A_187 = tpu.memref_slice %arg6[%add3A_185, %dma_start3A_186] : memref<80x128xi32, #tpu.memory_space<vmem>> -> memref<1x128xi32, #tpu.memory_space<vmem>>
      %dma_start3A_188 = tpu.memref_squeeze %dma_start3A_187 : memref<1x128xi32, #tpu.memory_space<vmem>> -> memref<128xi32, #tpu.memory_space<vmem>>
      %dma_start3A_189 = arith.constant 0 : i32
      %dma_start3A_190 = arith.constant 0 : i32
      %dma_start3A_191 = tpu.memref_slice %arg16[%dma_start3A_189, %dma_start3A_190] : memref<10240x16xf32, #tpu.memory_space<vmem_shared>> -> memref<10240x16xf32, #tpu.memory_space<vmem_shared>>
      tpu.enqueue_indirect_dma source(%dma_start3A_191 : memref<10240x16xf32, #tpu.memory_space<vmem_shared>>) target(%arg10 : memref<128x16xf32, #tpu.memory_space<vmem>>) offsets(%dma_start3A_188 : memref<128xi32, #tpu.memory_space<vmem>>) semaphore(%arg20 : memref<!tpu.dma_semaphore, #tpu.memory_space<semaphore_mem>>)
      %add3A_192 = arith.constant 3 : i32
      %add3A_193 = arith.addi %mul3A_140, %add3A_192 : i32
      %dma_wait3A_194 = arith.constant 0 : i32
      %dma_wait3A_195 = arith.constant 0 : i32
      %dma_wait3A_196 = tpu.memref_slice %arg6[%dma_wait3A_194, %dma_wait3A_195] : memref<80x128xi32, #tpu.memory_space<vmem>> -> memref<1x128xi32, #tpu.memory_space<vmem>>
      %dma_wait3A_197 = tpu.memref_squeeze %dma_wait3A_196 : memref<1x128xi32, #tpu.memory_space<vmem>> -> memref<128xi32, #tpu.memory_space<vmem>>
      %dma_wait3A_198 = arith.constant 0 : i32
      %dma_wait3A_199 = arith.constant 0 : i32
      %dma_wait3A_200 = tpu.memref_slice %arg16[%dma_wait3A_198, %dma_wait3A_199] : memref<10240x16xf32, #tpu.memory_space<vmem_shared>> -> memref<10240x16xf32, #tpu.memory_space<vmem_shared>>
      tpu.wait_indirect_dma semaphore(%arg21 : memref<!tpu.dma_semaphore, #tpu.memory_space<semaphore_mem>>) src(%dma_wait3A_200 : memref<10240x16xf32, #tpu.memory_space<vmem_shared>>) dst(%arg11 : memref<128x16xf32, #tpu.memory_space<vmem>>)
      "tpu.region"() ({
        %run_scoped3A_277 = tpu.sem_alloc : memref<!tpu.dma_semaphore, #tpu.memory_space<semaphore_mem>>
        %dma_start3A_278 = arith.constant 0 : i32
        %dma_start3A_279 = tpu.memref_slice %arg7[%add3A_193, %dma_start3A_278] : memref<80x128xi32, #tpu.memory_space<vmem>> -> memref<1x128xi32, #tpu.memory_space<vmem>>
        %dma_start3A_280 = tpu.memref_squeeze %dma_start3A_279 : memref<1x128xi32, #tpu.memory_space<vmem>> -> memref<128xi32, #tpu.memory_space<vmem>>
        %dma_start3A_281 = arith.constant 0 : i32
        %dma_start3A_282 = arith.constant 0 : i32
        %dma_start3A_283 = tpu.memref_slice %arg17[%dma_start3A_281, %dma_start3A_282] : memref<10240x16xf32, #tpu.memory_space<vmem_shared>> -> memref<10240x16xf32, #tpu.memory_space<vmem_shared>>
        tpu.enqueue_indirect_dma source(%arg11 : memref<128x16xf32, #tpu.memory_space<vmem>>) target(%dma_start3A_283 : memref<10240x16xf32, #tpu.memory_space<vmem_shared>>) offsets(%dma_start3A_280 : memref<128xi32, #tpu.memory_space<vmem>>) semaphore(%run_scoped3A_277 : memref<!tpu.dma_semaphore, #tpu.memory_space<semaphore_mem>>) {add = true}
        %dma_wait3A_284 = arith.constant 0 : i32
        %dma_wait3A_285 = tpu.memref_slice %arg7[%add3A_193, %dma_wait3A_284] : memref<80x128xi32, #tpu.memory_space<vmem>> -> memref<1x128xi32, #tpu.memory_space<vmem>>
        %dma_wait3A_286 = tpu.memref_squeeze %dma_wait3A_285 : memref<1x128xi32, #tpu.memory_space<vmem>> -> memref<128xi32, #tpu.memory_space<vmem>>
        %dma_wait3A_287 = arith.constant 0 : i32
        %dma_wait3A_288 = arith.constant 0 : i32
        %dma_wait3A_289 = tpu.memref_slice %arg17[%dma_wait3A_287, %dma_wait3A_288] : memref<10240x16xf32, #tpu.memory_space<vmem_shared>> -> memref<10240x16xf32, #tpu.memory_space<vmem_shared>>
        tpu.wait_indirect_dma semaphore(%run_scoped3A_277 : memref<!tpu.dma_semaphore, #tpu.memory_space<semaphore_mem>>) src(%arg11 : memref<128x16xf32, #tpu.memory_space<vmem>>) dst(%dma_wait3A_289 : memref<10240x16xf32, #tpu.memory_space<vmem_shared>>)
        tpu.yield
      }) : () -> ()
      %add3A_201 = arith.constant 8 : i32
      %add3A_202 = arith.addi %add3A_193, %add3A_201 : i32
      %dma_start3A_203 = arith.constant 0 : i32
      %dma_start3A_204 = tpu.memref_slice %arg6[%add3A_202, %dma_start3A_203] : memref<80x128xi32, #tpu.memory_space<vmem>> -> memref<1x128xi32, #tpu.memory_space<vmem>>
      %dma_start3A_205 = tpu.memref_squeeze %dma_start3A_204 : memref<1x128xi32, #tpu.memory_space<vmem>> -> memref<128xi32, #tpu.memory_space<vmem>>
      %dma_start3A_206 = arith.constant 0 : i32
      %dma_start3A_207 = arith.constant 0 : i32
      %dma_start3A_208 = tpu.memref_slice %arg16[%dma_start3A_206, %dma_start3A_207] : memref<10240x16xf32, #tpu.memory_space<vmem_shared>> -> memref<10240x16xf32, #tpu.memory_space<vmem_shared>>
      tpu.enqueue_indirect_dma source(%dma_start3A_208 : memref<10240x16xf32, #tpu.memory_space<vmem_shared>>) target(%arg11 : memref<128x16xf32, #tpu.memory_space<vmem>>) offsets(%dma_start3A_205 : memref<128xi32, #tpu.memory_space<vmem>>) semaphore(%arg21 : memref<!tpu.dma_semaphore, #tpu.memory_space<semaphore_mem>>)
      %add3A_209 = arith.constant 4 : i32
      %add3A_210 = arith.addi %mul3A_140, %add3A_209 : i32
      %dma_wait3A_211 = arith.constant 0 : i32
      %dma_wait3A_212 = arith.constant 0 : i32
      %dma_wait3A_213 = tpu.memref_slice %arg6[%dma_wait3A_211, %dma_wait3A_212] : memref<80x128xi32, #tpu.memory_space<vmem>> -> memref<1x128xi32, #tpu.memory_space<vmem>>
      %dma_wait3A_214 = tpu.memref_squeeze %dma_wait3A_213 : memref<1x128xi32, #tpu.memory_space<vmem>> -> memref<128xi32, #tpu.memory_space<vmem>>
      %dma_wait3A_215 = arith.constant 0 : i32
      %dma_wait3A_216 = arith.constant 0 : i32
      %dma_wait3A_217 = tpu.memref_slice %arg16[%dma_wait3A_215, %dma_wait3A_216] : memref<10240x16xf32, #tpu.memory_space<vmem_shared>> -> memref<10240x16xf32, #tpu.memory_space<vmem_shared>>
      tpu.wait_indirect_dma semaphore(%arg22 : memref<!tpu.dma_semaphore, #tpu.memory_space<semaphore_mem>>) src(%dma_wait3A_217 : memref<10240x16xf32, #tpu.memory_space<vmem_shared>>) dst(%arg12 : memref<128x16xf32, #tpu.memory_space<vmem>>)
      "tpu.region"() ({
        %run_scoped3A_277 = tpu.sem_alloc : memref<!tpu.dma_semaphore, #tpu.memory_space<semaphore_mem>>
        %dma_start3A_278 = arith.constant 0 : i32
        %dma_start3A_279 = tpu.memref_slice %arg7[%add3A_210, %dma_start3A_278] : memref<80x128xi32, #tpu.memory_space<vmem>> -> memref<1x128xi32, #tpu.memory_space<vmem>>
        %dma_start3A_280 = tpu.memref_squeeze %dma_start3A_279 : memref<1x128xi32, #tpu.memory_space<vmem>> -> memref<128xi32, #tpu.memory_space<vmem>>
        %dma_start3A_281 = arith.constant 0 : i32
        %dma_start3A_282 = arith.constant 0 : i32
        %dma_start3A_283 = tpu.memref_slice %arg17[%dma_start3A_281, %dma_start3A_282] : memref<10240x16xf32, #tpu.memory_space<vmem_shared>> -> memref<10240x16xf32, #tpu.memory_space<vmem_shared>>
        tpu.enqueue_indirect_dma source(%arg12 : memref<128x16xf32, #tpu.memory_space<vmem>>) target(%dma_start3A_283 : memref<10240x16xf32, #tpu.memory_space<vmem_shared>>) offsets(%dma_start3A_280 : memref<128xi32, #tpu.memory_space<vmem>>) semaphore(%run_scoped3A_277 : memref<!tpu.dma_semaphore, #tpu.memory_space<semaphore_mem>>) {add = true}
        %dma_wait3A_284 = arith.constant 0 : i32
        %dma_wait3A_285 = tpu.memref_slice %arg7[%add3A_210, %dma_wait3A_284] : memref<80x128xi32, #tpu.memory_space<vmem>> -> memref<1x128xi32, #tpu.memory_space<vmem>>
        %dma_wait3A_286 = tpu.memref_squeeze %dma_wait3A_285 : memref<1x128xi32, #tpu.memory_space<vmem>> -> memref<128xi32, #tpu.memory_space<vmem>>
        %dma_wait3A_287 = arith.constant 0 : i32
        %dma_wait3A_288 = arith.constant 0 : i32
        %dma_wait3A_289 = tpu.memref_slice %arg17[%dma_wait3A_287, %dma_wait3A_288] : memref<10240x16xf32, #tpu.memory_space<vmem_shared>> -> memref<10240x16xf32, #tpu.memory_space<vmem_shared>>
        tpu.wait_indirect_dma semaphore(%run_scoped3A_277 : memref<!tpu.dma_semaphore, #tpu.memory_space<semaphore_mem>>) src(%arg12 : memref<128x16xf32, #tpu.memory_space<vmem>>) dst(%dma_wait3A_289 : memref<10240x16xf32, #tpu.memory_space<vmem_shared>>)
        tpu.yield
      }) : () -> ()
      %add3A_218 = arith.constant 8 : i32
      %add3A_219 = arith.addi %add3A_210, %add3A_218 : i32
      %dma_start3A_220 = arith.constant 0 : i32
      %dma_start3A_221 = tpu.memref_slice %arg6[%add3A_219, %dma_start3A_220] : memref<80x128xi32, #tpu.memory_space<vmem>> -> memref<1x128xi32, #tpu.memory_space<vmem>>
      %dma_start3A_222 = tpu.memref_squeeze %dma_start3A_221 : memref<1x128xi32, #tpu.memory_space<vmem>> -> memref<128xi32, #tpu.memory_space<vmem>>
      %dma_start3A_223 = arith.constant 0 : i32
      %dma_start3A_224 = arith.constant 0 : i32
      %dma_start3A_225 = tpu.memref_slice %arg16[%dma_start3A_223, %dma_start3A_224] : memref<10240x16xf32, #tpu.memory_space<vmem_shared>> -> memref<10240x16xf32, #tpu.memory_space<vmem_shared>>
      tpu.enqueue_indirect_dma source(%dma_start3A_225 : memref<10240x16xf32, #tpu.memory_space<vmem_shared>>) target(%arg12 : memref<128x16xf32, #tpu.memory_space<vmem>>) offsets(%dma_start3A_222 : memref<128xi32, #tpu.memory_space<vmem>>) semaphore(%arg22 : memref<!tpu.dma_semaphore, #tpu.memory_space<semaphore_mem>>)
      %add3A_226 = arith.constant 5 : i32
      %add3A_227 = arith.addi %mul3A_140, %add3A_226 : i32
      %dma_wait3A_228 = arith.constant 0 : i32
      %dma_wait3A_229 = arith.constant 0 : i32
      %dma_wait3A_230 = tpu.memref_slice %arg6[%dma_wait3A_228, %dma_wait3A_229] : memref<80x128xi32, #tpu.memory_space<vmem>> -> memref<1x128xi32, #tpu.memory_space<vmem>>
      %dma_wait3A_231 = tpu.memref_squeeze %dma_wait3A_230 : memref<1x128xi32, #tpu.memory_space<vmem>> -> memref<128xi32, #tpu.memory_space<vmem>>
      %dma_wait3A_232 = arith.constant 0 : i32
      %dma_wait3A_233 = arith.constant 0 : i32
      %dma_wait3A_234 = tpu.memref_slice %arg16[%dma_wait3A_232, %dma_wait3A_233] : memref<10240x16xf32, #tpu.memory_space<vmem_shared>> -> memref<10240x16xf32, #tpu.memory_space<vmem_shared>>
      tpu.wait_indirect_dma semaphore(%arg23 : memref<!tpu.dma_semaphore, #tpu.memory_space<semaphore_mem>>) src(%dma_wait3A_234 : memref<10240x16xf32, #tpu.memory_space<vmem_shared>>) dst(%arg13 : memref<128x16xf32, #tpu.memory_space<vmem>>)
      "tpu.region"() ({
        %run_scoped3A_277 = tpu.sem_alloc : memref<!tpu.dma_semaphore, #tpu.memory_space<semaphore_mem>>
        %dma_start3A_278 = arith.constant 0 : i32
        %dma_start3A_279 = tpu.memref_slice %arg7[%add3A_227, %dma_start3A_278] : memref<80x128xi32, #tpu.memory_space<vmem>> -> memref<1x128xi32, #tpu.memory_space<vmem>>
        %dma_start3A_280 = tpu.memref_squeeze %dma_start3A_279 : memref<1x128xi32, #tpu.memory_space<vmem>> -> memref<128xi32, #tpu.memory_space<vmem>>
        %dma_start3A_281 = arith.constant 0 : i32
        %dma_start3A_282 = arith.constant 0 : i32
        %dma_start3A_283 = tpu.memref_slice %arg17[%dma_start3A_281, %dma_start3A_282] : memref<10240x16xf32, #tpu.memory_space<vmem_shared>> -> memref<10240x16xf32, #tpu.memory_space<vmem_shared>>
        tpu.enqueue_indirect_dma source(%arg13 : memref<128x16xf32, #tpu.memory_space<vmem>>) target(%dma_start3A_283 : memref<10240x16xf32, #tpu.memory_space<vmem_shared>>) offsets(%dma_start3A_280 : memref<128xi32, #tpu.memory_space<vmem>>) semaphore(%run_scoped3A_277 : memref<!tpu.dma_semaphore, #tpu.memory_space<semaphore_mem>>) {add = true}
        %dma_wait3A_284 = arith.constant 0 : i32
        %dma_wait3A_285 = tpu.memref_slice %arg7[%add3A_227, %dma_wait3A_284] : memref<80x128xi32, #tpu.memory_space<vmem>> -> memref<1x128xi32, #tpu.memory_space<vmem>>
        %dma_wait3A_286 = tpu.memref_squeeze %dma_wait3A_285 : memref<1x128xi32, #tpu.memory_space<vmem>> -> memref<128xi32, #tpu.memory_space<vmem>>
        %dma_wait3A_287 = arith.constant 0 : i32
        %dma_wait3A_288 = arith.constant 0 : i32
        %dma_wait3A_289 = tpu.memref_slice %arg17[%dma_wait3A_287, %dma_wait3A_288] : memref<10240x16xf32, #tpu.memory_space<vmem_shared>> -> memref<10240x16xf32, #tpu.memory_space<vmem_shared>>
        tpu.wait_indirect_dma semaphore(%run_scoped3A_277 : memref<!tpu.dma_semaphore, #tpu.memory_space<semaphore_mem>>) src(%arg13 : memref<128x16xf32, #tpu.memory_space<vmem>>) dst(%dma_wait3A_289 : memref<10240x16xf32, #tpu.memory_space<vmem_shared>>)
        tpu.yield
      }) : () -> ()
      %add3A_235 = arith.constant 8 : i32
      %add3A_236 = arith.addi %add3A_227, %add3A_235 : i32
      %dma_start3A_237 = arith.constant 0 : i32
      %dma_start3A_238 = tpu.memref_slice %arg6[%add3A_236, %dma_start3A_237] : memref<80x128xi32, #tpu.memory_space<vmem>> -> memref<1x128xi32, #tpu.memory_space<vmem>>
      %dma_start3A_239 = tpu.memref_squeeze %dma_start3A_238 : memref<1x128xi32, #tpu.memory_space<vmem>> -> memref<128xi32, #tpu.memory_space<vmem>>
      %dma_start3A_240 = arith.constant 0 : i32
      %dma_start3A_241 = arith.constant 0 : i32
      %dma_start3A_242 = tpu.memref_slice %arg16[%dma_start3A_240, %dma_start3A_241] : memref<10240x16xf32, #tpu.memory_space<vmem_shared>> -> memref<10240x16xf32, #tpu.memory_space<vmem_shared>>
      tpu.enqueue_indirect_dma source(%dma_start3A_242 : memref<10240x16xf32, #tpu.memory_space<vmem_shared>>) target(%arg13 : memref<128x16xf32, #tpu.memory_space<vmem>>) offsets(%dma_start3A_239 : memref<128xi32, #tpu.memory_space<vmem>>) semaphore(%arg23 : memref<!tpu.dma_semaphore, #tpu.memory_space<semaphore_mem>>)
      %add3A_243 = arith.constant 6 : i32
      %add3A_244 = arith.addi %mul3A_140, %add3A_243 : i32
      %dma_wait3A_245 = arith.constant 0 : i32
      %dma_wait3A_246 = arith.constant 0 : i32
      %dma_wait3A_247 = tpu.memref_slice %arg6[%dma_wait3A_245, %dma_wait3A_246] : memref<80x128xi32, #tpu.memory_space<vmem>> -> memref<1x128xi32, #tpu.memory_space<vmem>>
      %dma_wait3A_248 = tpu.memref_squeeze %dma_wait3A_247 : memref<1x128xi32, #tpu.memory_space<vmem>> -> memref<128xi32, #tpu.memory_space<vmem>>
      %dma_wait3A_249 = arith.constant 0 : i32
      %dma_wait3A_250 = arith.constant 0 : i32
      %dma_wait3A_251 = tpu.memref_slice %arg16[%dma_wait3A_249, %dma_wait3A_250] : memref<10240x16xf32, #tpu.memory_space<vmem_shared>> -> memref<10240x16xf32, #tpu.memory_space<vmem_shared>>
      tpu.wait_indirect_dma semaphore(%arg24 : memref<!tpu.dma_semaphore, #tpu.memory_space<semaphore_mem>>) src(%dma_wait3A_251 : memref<10240x16xf32, #tpu.memory_space<vmem_shared>>) dst(%arg14 : memref<128x16xf32, #tpu.memory_space<vmem>>)
      "tpu.region"() ({
        %run_scoped3A_277 = tpu.sem_alloc : memref<!tpu.dma_semaphore, #tpu.memory_space<semaphore_mem>>
        %dma_start3A_278 = arith.constant 0 : i32
        %dma_start3A_279 = tpu.memref_slice %arg7[%add3A_244, %dma_start3A_278] : memref<80x128xi32, #tpu.memory_space<vmem>> -> memref<1x128xi32, #tpu.memory_space<vmem>>
        %dma_start3A_280 = tpu.memref_squeeze %dma_start3A_279 : memref<1x128xi32, #tpu.memory_space<vmem>> -> memref<128xi32, #tpu.memory_space<vmem>>
        %dma_start3A_281 = arith.constant 0 : i32
        %dma_start3A_282 = arith.constant 0 : i32
        %dma_start3A_283 = tpu.memref_slice %arg17[%dma_start3A_281, %dma_start3A_282] : memref<10240x16xf32, #tpu.memory_space<vmem_shared>> -> memref<10240x16xf32, #tpu.memory_space<vmem_shared>>
        tpu.enqueue_indirect_dma source(%arg14 : memref<128x16xf32, #tpu.memory_space<vmem>>) target(%dma_start3A_283 : memref<10240x16xf32, #tpu.memory_space<vmem_shared>>) offsets(%dma_start3A_280 : memref<128xi32, #tpu.memory_space<vmem>>) semaphore(%run_scoped3A_277 : memref<!tpu.dma_semaphore, #tpu.memory_space<semaphore_mem>>) {add = true}
        %dma_wait3A_284 = arith.constant 0 : i32
        %dma_wait3A_285 = tpu.memref_slice %arg7[%add3A_244, %dma_wait3A_284] : memref<80x128xi32, #tpu.memory_space<vmem>> -> memref<1x128xi32, #tpu.memory_space<vmem>>
        %dma_wait3A_286 = tpu.memref_squeeze %dma_wait3A_285 : memref<1x128xi32, #tpu.memory_space<vmem>> -> memref<128xi32, #tpu.memory_space<vmem>>
        %dma_wait3A_287 = arith.constant 0 : i32
        %dma_wait3A_288 = arith.constant 0 : i32
        %dma_wait3A_289 = tpu.memref_slice %arg17[%dma_wait3A_287, %dma_wait3A_288] : memref<10240x16xf32, #tpu.memory_space<vmem_shared>> -> memref<10240x16xf32, #tpu.memory_space<vmem_shared>>
        tpu.wait_indirect_dma semaphore(%run_scoped3A_277 : memref<!tpu.dma_semaphore, #tpu.memory_space<semaphore_mem>>) src(%arg14 : memref<128x16xf32, #tpu.memory_space<vmem>>) dst(%dma_wait3A_289 : memref<10240x16xf32, #tpu.memory_space<vmem_shared>>)
        tpu.yield
      }) : () -> ()
      %add3A_252 = arith.constant 8 : i32
      %add3A_253 = arith.addi %add3A_244, %add3A_252 : i32
      %dma_start3A_254 = arith.constant 0 : i32
      %dma_start3A_255 = tpu.memref_slice %arg6[%add3A_253, %dma_start3A_254] : memref<80x128xi32, #tpu.memory_space<vmem>> -> memref<1x128xi32, #tpu.memory_space<vmem>>
      %dma_start3A_256 = tpu.memref_squeeze %dma_start3A_255 : memref<1x128xi32, #tpu.memory_space<vmem>> -> memref<128xi32, #tpu.memory_space<vmem>>
      %dma_start3A_257 = arith.constant 0 : i32
      %dma_start3A_258 = arith.constant 0 : i32
      %dma_start3A_259 = tpu.memref_slice %arg16[%dma_start3A_257, %dma_start3A_258] : memref<10240x16xf32, #tpu.memory_space<vmem_shared>> -> memref<10240x16xf32, #tpu.memory_space<vmem_shared>>
      tpu.enqueue_indirect_dma source(%dma_start3A_259 : memref<10240x16xf32, #tpu.memory_space<vmem_shared>>) target(%arg14 : memref<128x16xf32, #tpu.memory_space<vmem>>) offsets(%dma_start3A_256 : memref<128xi32, #tpu.memory_space<vmem>>) semaphore(%arg24 : memref<!tpu.dma_semaphore, #tpu.memory_space<semaphore_mem>>)
      %add3A_260 = arith.constant 7 : i32
      %add3A_261 = arith.addi %mul3A_140, %add3A_260 : i32
      %dma_wait3A_262 = arith.constant 0 : i32
      %dma_wait3A_263 = arith.constant 0 : i32
      %dma_wait3A_264 = tpu.memref_slice %arg6[%dma_wait3A_262, %dma_wait3A_263] : memref<80x128xi32, #tpu.memory_space<vmem>> -> memref<1x128xi32, #tpu.memory_space<vmem>>
      %dma_wait3A_265 = tpu.memref_squeeze %dma_wait3A_264 : memref<1x128xi32, #tpu.memory_space<vmem>> -> memref<128xi32, #tpu.memory_space<vmem>>
      %dma_wait3A_266 = arith.constant 0 : i32
      %dma_wait3A_267 = arith.constant 0 : i32
      %dma_wait3A_268 = tpu.memref_slice %arg16[%dma_wait3A_266, %dma_wait3A_267] : memref<10240x16xf32, #tpu.memory_space<vmem_shared>> -> memref<10240x16xf32, #tpu.memory_space<vmem_shared>>
      tpu.wait_indirect_dma semaphore(%arg25 : memref<!tpu.dma_semaphore, #tpu.memory_space<semaphore_mem>>) src(%dma_wait3A_268 : memref<10240x16xf32, #tpu.memory_space<vmem_shared>>) dst(%arg15 : memref<128x16xf32, #tpu.memory_space<vmem>>)
      "tpu.region"() ({
        %run_scoped3A_277 = tpu.sem_alloc : memref<!tpu.dma_semaphore, #tpu.memory_space<semaphore_mem>>
        %dma_start3A_278 = arith.constant 0 : i32
        %dma_start3A_279 = tpu.memref_slice %arg7[%add3A_261, %dma_start3A_278] : memref<80x128xi32, #tpu.memory_space<vmem>> -> memref<1x128xi32, #tpu.memory_space<vmem>>
        %dma_start3A_280 = tpu.memref_squeeze %dma_start3A_279 : memref<1x128xi32, #tpu.memory_space<vmem>> -> memref<128xi32, #tpu.memory_space<vmem>>
        %dma_start3A_281 = arith.constant 0 : i32
        %dma_start3A_282 = arith.constant 0 : i32
        %dma_start3A_283 = tpu.memref_slice %arg17[%dma_start3A_281, %dma_start3A_282] : memref<10240x16xf32, #tpu.memory_space<vmem_shared>> -> memref<10240x16xf32, #tpu.memory_space<vmem_shared>>
        tpu.enqueue_indirect_dma source(%arg15 : memref<128x16xf32, #tpu.memory_space<vmem>>) target(%dma_start3A_283 : memref<10240x16xf32, #tpu.memory_space<vmem_shared>>) offsets(%dma_start3A_280 : memref<128xi32, #tpu.memory_space<vmem>>) semaphore(%run_scoped3A_277 : memref<!tpu.dma_semaphore, #tpu.memory_space<semaphore_mem>>) {add = true}
        %dma_wait3A_284 = arith.constant 0 : i32
        %dma_wait3A_285 = tpu.memref_slice %arg7[%add3A_261, %dma_wait3A_284] : memref<80x128xi32, #tpu.memory_space<vmem>> -> memref<1x128xi32, #tpu.memory_space<vmem>>
        %dma_wait3A_286 = tpu.memref_squeeze %dma_wait3A_285 : memref<1x128xi32, #tpu.memory_space<vmem>> -> memref<128xi32, #tpu.memory_space<vmem>>
        %dma_wait3A_287 = arith.constant 0 : i32
        %dma_wait3A_288 = arith.constant 0 : i32
        %dma_wait3A_289 = tpu.memref_slice %arg17[%dma_wait3A_287, %dma_wait3A_288] : memref<10240x16xf32, #tpu.memory_space<vmem_shared>> -> memref<10240x16xf32, #tpu.memory_space<vmem_shared>>
        tpu.wait_indirect_dma semaphore(%run_scoped3A_277 : memref<!tpu.dma_semaphore, #tpu.memory_space<semaphore_mem>>) src(%arg15 : memref<128x16xf32, #tpu.memory_space<vmem>>) dst(%dma_wait3A_289 : memref<10240x16xf32, #tpu.memory_space<vmem_shared>>)
        tpu.yield
      }) : () -> ()
      %add3A_269 = arith.constant 8 : i32
      %add3A_270 = arith.addi %add3A_261, %add3A_269 : i32
      %dma_start3A_271 = arith.constant 0 : i32
      %dma_start3A_272 = tpu.memref_slice %arg6[%add3A_270, %dma_start3A_271] : memref<80x128xi32, #tpu.memory_space<vmem>> -> memref<1x128xi32, #tpu.memory_space<vmem>>
      %dma_start3A_273 = tpu.memref_squeeze %dma_start3A_272 : memref<1x128xi32, #tpu.memory_space<vmem>> -> memref<128xi32, #tpu.memory_space<vmem>>
      %dma_start3A_274 = arith.constant 0 : i32
      %dma_start3A_275 = arith.constant 0 : i32
      %dma_start3A_276 = tpu.memref_slice %arg16[%dma_start3A_274, %dma_start3A_275] : memref<10240x16xf32, #tpu.memory_space<vmem_shared>> -> memref<10240x16xf32, #tpu.memory_space<vmem_shared>>
      tpu.enqueue_indirect_dma source(%dma_start3A_276 : memref<10240x16xf32, #tpu.memory_space<vmem_shared>>) target(%arg15 : memref<128x16xf32, #tpu.memory_space<vmem>>) offsets(%dma_start3A_273 : memref<128xi32, #tpu.memory_space<vmem>>) semaphore(%arg25 : memref<!tpu.dma_semaphore, #tpu.memory_space<semaphore_mem>>)
    }
    %scan3A_69 = arith.constant 9 : i32
    %dma_wait3A = arith.constant 0 : i32
    %dma_wait3A_70 = arith.constant 0 : i32
    %dma_wait3A_71 = tpu.memref_slice %arg6[%dma_wait3A, %dma_wait3A_70] : memref<80x128xi32, #tpu.memory_space<vmem>> -> memref<1x128xi32, #tpu.memory_space<vmem>>
    %dma_wait3A_72 = tpu.memref_squeeze %dma_wait3A_71 : memref<1x128xi32, #tpu.memory_space<vmem>> -> memref<128xi32, #tpu.memory_space<vmem>>
    %dma_wait3A_73 = arith.constant 0 : i32
    %dma_wait3A_74 = arith.constant 0 : i32
    %dma_wait3A_75 = tpu.memref_slice %arg16[%dma_wait3A_73, %dma_wait3A_74] : memref<10240x16xf32, #tpu.memory_space<vmem_shared>> -> memref<10240x16xf32, #tpu.memory_space<vmem_shared>>
    tpu.wait_indirect_dma semaphore(%arg18 : memref<!tpu.dma_semaphore, #tpu.memory_space<semaphore_mem>>) src(%dma_wait3A_75 : memref<10240x16xf32, #tpu.memory_space<vmem_shared>>) dst(%arg8 : memref<128x16xf32, #tpu.memory_space<vmem>>)
    %run_scoped3A_76 = arith.constant 72 : i32
    "tpu.region"() ({
      %run_scoped3A_138 = tpu.sem_alloc : memref<!tpu.dma_semaphore, #tpu.memory_space<semaphore_mem>>
      %dma_start3A_139 = arith.constant 0 : i32
      %dma_start3A_140 = tpu.memref_slice %arg7[%run_scoped3A_76, %dma_start3A_139] : memref<80x128xi32, #tpu.memory_space<vmem>> -> memref<1x128xi32, #tpu.memory_space<vmem>>
      %dma_start3A_141 = tpu.memref_squeeze %dma_start3A_140 : memref<1x128xi32, #tpu.memory_space<vmem>> -> memref<128xi32, #tpu.memory_space<vmem>>
      %dma_start3A_142 = arith.constant 0 : i32
      %dma_start3A_143 = arith.constant 0 : i32
      %dma_start3A_144 = tpu.memref_slice %arg17[%dma_start3A_142, %dma_start3A_143] : memref<10240x16xf32, #tpu.memory_space<vmem_shared>> -> memref<10240x16xf32, #tpu.memory_space<vmem_shared>>
      tpu.enqueue_indirect_dma source(%arg8 : memref<128x16xf32, #tpu.memory_space<vmem>>) target(%dma_start3A_144 : memref<10240x16xf32, #tpu.memory_space<vmem_shared>>) offsets(%dma_start3A_141 : memref<128xi32, #tpu.memory_space<vmem>>) semaphore(%run_scoped3A_138 : memref<!tpu.dma_semaphore, #tpu.memory_space<semaphore_mem>>) {add = true}
      %dma_wait3A_145 = arith.constant 0 : i32
      %dma_wait3A_146 = tpu.memref_slice %arg7[%run_scoped3A_76, %dma_wait3A_145] : memref<80x128xi32, #tpu.memory_space<vmem>> -> memref<1x128xi32, #tpu.memory_space<vmem>>
      %dma_wait3A_147 = tpu.memref_squeeze %dma_wait3A_146 : memref<1x128xi32, #tpu.memory_space<vmem>> -> memref<128xi32, #tpu.memory_space<vmem>>
      %dma_wait3A_148 = arith.constant 0 : i32
      %dma_wait3A_149 = arith.constant 0 : i32
      %dma_wait3A_150 = tpu.memref_slice %arg17[%dma_wait3A_148, %dma_wait3A_149] : memref<10240x16xf32, #tpu.memory_space<vmem_shared>> -> memref<10240x16xf32, #tpu.memory_space<vmem_shared>>
      tpu.wait_indirect_dma semaphore(%run_scoped3A_138 : memref<!tpu.dma_semaphore, #tpu.memory_space<semaphore_mem>>) src(%arg8 : memref<128x16xf32, #tpu.memory_space<vmem>>) dst(%dma_wait3A_150 : memref<10240x16xf32, #tpu.memory_space<vmem_shared>>)
      tpu.yield
    }) : () -> ()
    %dma_wait3A_77 = arith.constant 0 : i32
    %dma_wait3A_78 = arith.constant 0 : i32
    %dma_wait3A_79 = tpu.memref_slice %arg6[%dma_wait3A_77, %dma_wait3A_78] : memref<80x128xi32, #tpu.memory_space<vmem>> -> memref<1x128xi32, #tpu.memory_space<vmem>>
    %dma_wait3A_80 = tpu.memref_squeeze %dma_wait3A_79 : memref<1x128xi32, #tpu.memory_space<vmem>> -> memref<128xi32, #tpu.memory_space<vmem>>
    %dma_wait3A_81 = arith.constant 0 : i32
    %dma_wait3A_82 = arith.constant 0 : i32
    %dma_wait3A_83 = tpu.memref_slice %arg16[%dma_wait3A_81, %dma_wait3A_82] : memref<10240x16xf32, #tpu.memory_space<vmem_shared>> -> memref<10240x16xf32, #tpu.memory_space<vmem_shared>>
    tpu.wait_indirect_dma semaphore(%arg19 : memref<!tpu.dma_semaphore, #tpu.memory_space<semaphore_mem>>) src(%dma_wait3A_83 : memref<10240x16xf32, #tpu.memory_space<vmem_shared>>) dst(%arg9 : memref<128x16xf32, #tpu.memory_space<vmem>>)
    %run_scoped3A_84 = arith.constant 73 : i32
    "tpu.region"() ({
      %run_scoped3A_138 = tpu.sem_alloc : memref<!tpu.dma_semaphore, #tpu.memory_space<semaphore_mem>>
      %dma_start3A_139 = arith.constant 0 : i32
      %dma_start3A_140 = tpu.memref_slice %arg7[%run_scoped3A_84, %dma_start3A_139] : memref<80x128xi32, #tpu.memory_space<vmem>> -> memref<1x128xi32, #tpu.memory_space<vmem>>
      %dma_start3A_141 = tpu.memref_squeeze %dma_start3A_140 : memref<1x128xi32, #tpu.memory_space<vmem>> -> memref<128xi32, #tpu.memory_space<vmem>>
      %dma_start3A_142 = arith.constant 0 : i32
      %dma_start3A_143 = arith.constant 0 : i32
      %dma_start3A_144 = tpu.memref_slice %arg17[%dma_start3A_142, %dma_start3A_143] : memref<10240x16xf32, #tpu.memory_space<vmem_shared>> -> memref<10240x16xf32, #tpu.memory_space<vmem_shared>>
      tpu.enqueue_indirect_dma source(%arg9 : memref<128x16xf32, #tpu.memory_space<vmem>>) target(%dma_start3A_144 : memref<10240x16xf32, #tpu.memory_space<vmem_shared>>) offsets(%dma_start3A_141 : memref<128xi32, #tpu.memory_space<vmem>>) semaphore(%run_scoped3A_138 : memref<!tpu.dma_semaphore, #tpu.memory_space<semaphore_mem>>) {add = true}
      %dma_wait3A_145 = arith.constant 0 : i32
      %dma_wait3A_146 = tpu.memref_slice %arg7[%run_scoped3A_84, %dma_wait3A_145] : memref<80x128xi32, #tpu.memory_space<vmem>> -> memref<1x128xi32, #tpu.memory_space<vmem>>
      %dma_wait3A_147 = tpu.memref_squeeze %dma_wait3A_146 : memref<1x128xi32, #tpu.memory_space<vmem>> -> memref<128xi32, #tpu.memory_space<vmem>>
      %dma_wait3A_148 = arith.constant 0 : i32
      %dma_wait3A_149 = arith.constant 0 : i32
      %dma_wait3A_150 = tpu.memref_slice %arg17[%dma_wait3A_148, %dma_wait3A_149] : memref<10240x16xf32, #tpu.memory_space<vmem_shared>> -> memref<10240x16xf32, #tpu.memory_space<vmem_shared>>
      tpu.wait_indirect_dma semaphore(%run_scoped3A_138 : memref<!tpu.dma_semaphore, #tpu.memory_space<semaphore_mem>>) src(%arg9 : memref<128x16xf32, #tpu.memory_space<vmem>>) dst(%dma_wait3A_150 : memref<10240x16xf32, #tpu.memory_space<vmem_shared>>)
      tpu.yield
    }) : () -> ()
    %dma_wait3A_85 = arith.constant 0 : i32
    %dma_wait3A_86 = arith.constant 0 : i32
    %dma_wait3A_87 = tpu.memref_slice %arg6[%dma_wait3A_85, %dma_wait3A_86] : memref<80x128xi32, #tpu.memory_space<vmem>> -> memref<1x128xi32, #tpu.memory_space<vmem>>
    %dma_wait3A_88 = tpu.memref_squeeze %dma_wait3A_87 : memref<1x128xi32, #tpu.memory_space<vmem>> -> memref<128xi32, #tpu.memory_space<vmem>>
    %dma_wait3A_89 = arith.constant 0 : i32
    %dma_wait3A_90 = arith.constant 0 : i32
    %dma_wait3A_91 = tpu.memref_slice %arg16[%dma_wait3A_89, %dma_wait3A_90] : memref<10240x16xf32, #tpu.memory_space<vmem_shared>> -> memref<10240x16xf32, #tpu.memory_space<vmem_shared>>
    tpu.wait_indirect_dma semaphore(%arg20 : memref<!tpu.dma_semaphore, #tpu.memory_space<semaphore_mem>>) src(%dma_wait3A_91 : memref<10240x16xf32, #tpu.memory_space<vmem_shared>>) dst(%arg10 : memref<128x16xf32, #tpu.memory_space<vmem>>)
    %run_scoped3A_92 = arith.constant 74 : i32
    "tpu.region"() ({
      %run_scoped3A_138 = tpu.sem_alloc : memref<!tpu.dma_semaphore, #tpu.memory_space<semaphore_mem>>
      %dma_start3A_139 = arith.constant 0 : i32
      %dma_start3A_140 = tpu.memref_slice %arg7[%run_scoped3A_92, %dma_start3A_139] : memref<80x128xi32, #tpu.memory_space<vmem>> -> memref<1x128xi32, #tpu.memory_space<vmem>>
      %dma_start3A_141 = tpu.memref_squeeze %dma_start3A_140 : memref<1x128xi32, #tpu.memory_space<vmem>> -> memref<128xi32, #tpu.memory_space<vmem>>
      %dma_start3A_142 = arith.constant 0 : i32
      %dma_start3A_143 = arith.constant 0 : i32
      %dma_start3A_144 = tpu.memref_slice %arg17[%dma_start3A_142, %dma_start3A_143] : memref<10240x16xf32, #tpu.memory_space<vmem_shared>> -> memref<10240x16xf32, #tpu.memory_space<vmem_shared>>
      tpu.enqueue_indirect_dma source(%arg10 : memref<128x16xf32, #tpu.memory_space<vmem>>) target(%dma_start3A_144 : memref<10240x16xf32, #tpu.memory_space<vmem_shared>>) offsets(%dma_start3A_141 : memref<128xi32, #tpu.memory_space<vmem>>) semaphore(%run_scoped3A_138 : memref<!tpu.dma_semaphore, #tpu.memory_space<semaphore_mem>>) {add = true}
      %dma_wait3A_145 = arith.constant 0 : i32
      %dma_wait3A_146 = tpu.memref_slice %arg7[%run_scoped3A_92, %dma_wait3A_145] : memref<80x128xi32, #tpu.memory_space<vmem>> -> memref<1x128xi32, #tpu.memory_space<vmem>>
      %dma_wait3A_147 = tpu.memref_squeeze %dma_wait3A_146 : memref<1x128xi32, #tpu.memory_space<vmem>> -> memref<128xi32, #tpu.memory_space<vmem>>
      %dma_wait3A_148 = arith.constant 0 : i32
      %dma_wait3A_149 = arith.constant 0 : i32
      %dma_wait3A_150 = tpu.memref_slice %arg17[%dma_wait3A_148, %dma_wait3A_149] : memref<10240x16xf32, #tpu.memory_space<vmem_shared>> -> memref<10240x16xf32, #tpu.memory_space<vmem_shared>>
      tpu.wait_indirect_dma semaphore(%run_scoped3A_138 : memref<!tpu.dma_semaphore, #tpu.memory_space<semaphore_mem>>) src(%arg10 : memref<128x16xf32, #tpu.memory_space<vmem>>) dst(%dma_wait3A_150 : memref<10240x16xf32, #tpu.memory_space<vmem_shared>>)
      tpu.yield
    }) : () -> ()
    %dma_wait3A_93 = arith.constant 0 : i32
    %dma_wait3A_94 = arith.constant 0 : i32
    %dma_wait3A_95 = tpu.memref_slice %arg6[%dma_wait3A_93, %dma_wait3A_94] : memref<80x128xi32, #tpu.memory_space<vmem>> -> memref<1x128xi32, #tpu.memory_space<vmem>>
    %dma_wait3A_96 = tpu.memref_squeeze %dma_wait3A_95 : memref<1x128xi32, #tpu.memory_space<vmem>> -> memref<128xi32, #tpu.memory_space<vmem>>
    %dma_wait3A_97 = arith.constant 0 : i32
    %dma_wait3A_98 = arith.constant 0 : i32
    %dma_wait3A_99 = tpu.memref_slice %arg16[%dma_wait3A_97, %dma_wait3A_98] : memref<10240x16xf32, #tpu.memory_space<vmem_shared>> -> memref<10240x16xf32, #tpu.memory_space<vmem_shared>>
    tpu.wait_indirect_dma semaphore(%arg21 : memref<!tpu.dma_semaphore, #tpu.memory_space<semaphore_mem>>) src(%dma_wait3A_99 : memref<10240x16xf32, #tpu.memory_space<vmem_shared>>) dst(%arg11 : memref<128x16xf32, #tpu.memory_space<vmem>>)
    %run_scoped3A_100 = arith.constant 75 : i32
    "tpu.region"() ({
      %run_scoped3A_138 = tpu.sem_alloc : memref<!tpu.dma_semaphore, #tpu.memory_space<semaphore_mem>>
      %dma_start3A_139 = arith.constant 0 : i32
      %dma_start3A_140 = tpu.memref_slice %arg7[%run_scoped3A_100, %dma_start3A_139] : memref<80x128xi32, #tpu.memory_space<vmem>> -> memref<1x128xi32, #tpu.memory_space<vmem>>
      %dma_start3A_141 = tpu.memref_squeeze %dma_start3A_140 : memref<1x128xi32, #tpu.memory_space<vmem>> -> memref<128xi32, #tpu.memory_space<vmem>>
      %dma_start3A_142 = arith.constant 0 : i32
      %dma_start3A_143 = arith.constant 0 : i32
      %dma_start3A_144 = tpu.memref_slice %arg17[%dma_start3A_142, %dma_start3A_143] : memref<10240x16xf32, #tpu.memory_space<vmem_shared>> -> memref<10240x16xf32, #tpu.memory_space<vmem_shared>>
      tpu.enqueue_indirect_dma source(%arg11 : memref<128x16xf32, #tpu.memory_space<vmem>>) target(%dma_start3A_144 : memref<10240x16xf32, #tpu.memory_space<vmem_shared>>) offsets(%dma_start3A_141 : memref<128xi32, #tpu.memory_space<vmem>>) semaphore(%run_scoped3A_138 : memref<!tpu.dma_semaphore, #tpu.memory_space<semaphore_mem>>) {add = true}
      %dma_wait3A_145 = arith.constant 0 : i32
      %dma_wait3A_146 = tpu.memref_slice %arg7[%run_scoped3A_100, %dma_wait3A_145] : memref<80x128xi32, #tpu.memory_space<vmem>> -> memref<1x128xi32, #tpu.memory_space<vmem>>
      %dma_wait3A_147 = tpu.memref_squeeze %dma_wait3A_146 : memref<1x128xi32, #tpu.memory_space<vmem>> -> memref<128xi32, #tpu.memory_space<vmem>>
      %dma_wait3A_148 = arith.constant 0 : i32
      %dma_wait3A_149 = arith.constant 0 : i32
      %dma_wait3A_150 = tpu.memref_slice %arg17[%dma_wait3A_148, %dma_wait3A_149] : memref<10240x16xf32, #tpu.memory_space<vmem_shared>> -> memref<10240x16xf32, #tpu.memory_space<vmem_shared>>
      tpu.wait_indirect_dma semaphore(%run_scoped3A_138 : memref<!tpu.dma_semaphore, #tpu.memory_space<semaphore_mem>>) src(%arg11 : memref<128x16xf32, #tpu.memory_space<vmem>>) dst(%dma_wait3A_150 : memref<10240x16xf32, #tpu.memory_space<vmem_shared>>)
      tpu.yield
    }) : () -> ()
    %dma_wait3A_101 = arith.constant 0 : i32
    %dma_wait3A_102 = arith.constant 0 : i32
    %dma_wait3A_103 = tpu.memref_slice %arg6[%dma_wait3A_101, %dma_wait3A_102] : memref<80x128xi32, #tpu.memory_space<vmem>> -> memref<1x128xi32, #tpu.memory_space<vmem>>
    %dma_wait3A_104 = tpu.memref_squeeze %dma_wait3A_103 : memref<1x128xi32, #tpu.memory_space<vmem>> -> memref<128xi32, #tpu.memory_space<vmem>>
    %dma_wait3A_105 = arith.constant 0 : i32
    %dma_wait3A_106 = arith.constant 0 : i32
    %dma_wait3A_107 = tpu.memref_slice %arg16[%dma_wait3A_105, %dma_wait3A_106] : memref<10240x16xf32, #tpu.memory_space<vmem_shared>> -> memref<10240x16xf32, #tpu.memory_space<vmem_shared>>
    tpu.wait_indirect_dma semaphore(%arg22 : memref<!tpu.dma_semaphore, #tpu.memory_space<semaphore_mem>>) src(%dma_wait3A_107 : memref<10240x16xf32, #tpu.memory_space<vmem_shared>>) dst(%arg12 : memref<128x16xf32, #tpu.memory_space<vmem>>)
    %run_scoped3A_108 = arith.constant 76 : i32
    "tpu.region"() ({
      %run_scoped3A_138 = tpu.sem_alloc : memref<!tpu.dma_semaphore, #tpu.memory_space<semaphore_mem>>
      %dma_start3A_139 = arith.constant 0 : i32
      %dma_start3A_140 = tpu.memref_slice %arg7[%run_scoped3A_108, %dma_start3A_139] : memref<80x128xi32, #tpu.memory_space<vmem>> -> memref<1x128xi32, #tpu.memory_space<vmem>>
      %dma_start3A_141 = tpu.memref_squeeze %dma_start3A_140 : memref<1x128xi32, #tpu.memory_space<vmem>> -> memref<128xi32, #tpu.memory_space<vmem>>
      %dma_start3A_142 = arith.constant 0 : i32
      %dma_start3A_143 = arith.constant 0 : i32
      %dma_start3A_144 = tpu.memref_slice %arg17[%dma_start3A_142, %dma_start3A_143] : memref<10240x16xf32, #tpu.memory_space<vmem_shared>> -> memref<10240x16xf32, #tpu.memory_space<vmem_shared>>
      tpu.enqueue_indirect_dma source(%arg12 : memref<128x16xf32, #tpu.memory_space<vmem>>) target(%dma_start3A_144 : memref<10240x16xf32, #tpu.memory_space<vmem_shared>>) offsets(%dma_start3A_141 : memref<128xi32, #tpu.memory_space<vmem>>) semaphore(%run_scoped3A_138 : memref<!tpu.dma_semaphore, #tpu.memory_space<semaphore_mem>>) {add = true}
      %dma_wait3A_145 = arith.constant 0 : i32
      %dma_wait3A_146 = tpu.memref_slice %arg7[%run_scoped3A_108, %dma_wait3A_145] : memref<80x128xi32, #tpu.memory_space<vmem>> -> memref<1x128xi32, #tpu.memory_space<vmem>>
      %dma_wait3A_147 = tpu.memref_squeeze %dma_wait3A_146 : memref<1x128xi32, #tpu.memory_space<vmem>> -> memref<128xi32, #tpu.memory_space<vmem>>
      %dma_wait3A_148 = arith.constant 0 : i32
      %dma_wait3A_149 = arith.constant 0 : i32
      %dma_wait3A_150 = tpu.memref_slice %arg17[%dma_wait3A_148, %dma_wait3A_149] : memref<10240x16xf32, #tpu.memory_space<vmem_shared>> -> memref<10240x16xf32, #tpu.memory_space<vmem_shared>>
      tpu.wait_indirect_dma semaphore(%run_scoped3A_138 : memref<!tpu.dma_semaphore, #tpu.memory_space<semaphore_mem>>) src(%arg12 : memref<128x16xf32, #tpu.memory_space<vmem>>) dst(%dma_wait3A_150 : memref<10240x16xf32, #tpu.memory_space<vmem_shared>>)
      tpu.yield
    }) : () -> ()
    %dma_wait3A_109 = arith.constant 0 : i32
    %dma_wait3A_110 = arith.constant 0 : i32
    %dma_wait3A_111 = tpu.memref_slice %arg6[%dma_wait3A_109, %dma_wait3A_110] : memref<80x128xi32, #tpu.memory_space<vmem>> -> memref<1x128xi32, #tpu.memory_space<vmem>>
    %dma_wait3A_112 = tpu.memref_squeeze %dma_wait3A_111 : memref<1x128xi32, #tpu.memory_space<vmem>> -> memref<128xi32, #tpu.memory_space<vmem>>
    %dma_wait3A_113 = arith.constant 0 : i32
    %dma_wait3A_114 = arith.constant 0 : i32
    %dma_wait3A_115 = tpu.memref_slice %arg16[%dma_wait3A_113, %dma_wait3A_114] : memref<10240x16xf32, #tpu.memory_space<vmem_shared>> -> memref<10240x16xf32, #tpu.memory_space<vmem_shared>>
    tpu.wait_indirect_dma semaphore(%arg23 : memref<!tpu.dma_semaphore, #tpu.memory_space<semaphore_mem>>) src(%dma_wait3A_115 : memref<10240x16xf32, #tpu.memory_space<vmem_shared>>) dst(%arg13 : memref<128x16xf32, #tpu.memory_space<vmem>>)
    %run_scoped3A_116 = arith.constant 77 : i32
    "tpu.region"() ({
      %run_scoped3A_138 = tpu.sem_alloc : memref<!tpu.dma_semaphore, #tpu.memory_space<semaphore_mem>>
      %dma_start3A_139 = arith.constant 0 : i32
      %dma_start3A_140 = tpu.memref_slice %arg7[%run_scoped3A_116, %dma_start3A_139] : memref<80x128xi32, #tpu.memory_space<vmem>> -> memref<1x128xi32, #tpu.memory_space<vmem>>
      %dma_start3A_141 = tpu.memref_squeeze %dma_start3A_140 : memref<1x128xi32, #tpu.memory_space<vmem>> -> memref<128xi32, #tpu.memory_space<vmem>>
      %dma_start3A_142 = arith.constant 0 : i32
      %dma_start3A_143 = arith.constant 0 : i32
      %dma_start3A_144 = tpu.memref_slice %arg17[%dma_start3A_142, %dma_start3A_143] : memref<10240x16xf32, #tpu.memory_space<vmem_shared>> -> memref<10240x16xf32, #tpu.memory_space<vmem_shared>>
      tpu.enqueue_indirect_dma source(%arg13 : memref<128x16xf32, #tpu.memory_space<vmem>>) target(%dma_start3A_144 : memref<10240x16xf32, #tpu.memory_space<vmem_shared>>) offsets(%dma_start3A_141 : memref<128xi32, #tpu.memory_space<vmem>>) semaphore(%run_scoped3A_138 : memref<!tpu.dma_semaphore, #tpu.memory_space<semaphore_mem>>) {add = true}
      %dma_wait3A_145 = arith.constant 0 : i32
      %dma_wait3A_146 = tpu.memref_slice %arg7[%run_scoped3A_116, %dma_wait3A_145] : memref<80x128xi32, #tpu.memory_space<vmem>> -> memref<1x128xi32, #tpu.memory_space<vmem>>
      %dma_wait3A_147 = tpu.memref_squeeze %dma_wait3A_146 : memref<1x128xi32, #tpu.memory_space<vmem>> -> memref<128xi32, #tpu.memory_space<vmem>>
      %dma_wait3A_148 = arith.constant 0 : i32
      %dma_wait3A_149 = arith.constant 0 : i32
      %dma_wait3A_150 = tpu.memref_slice %arg17[%dma_wait3A_148, %dma_wait3A_149] : memref<10240x16xf32, #tpu.memory_space<vmem_shared>> -> memref<10240x16xf32, #tpu.memory_space<vmem_shared>>
      tpu.wait_indirect_dma semaphore(%run_scoped3A_138 : memref<!tpu.dma_semaphore, #tpu.memory_space<semaphore_mem>>) src(%arg13 : memref<128x16xf32, #tpu.memory_space<vmem>>) dst(%dma_wait3A_150 : memref<10240x16xf32, #tpu.memory_space<vmem_shared>>)
      tpu.yield
    }) : () -> ()
    %dma_wait3A_117 = arith.constant 0 : i32
    %dma_wait3A_118 = arith.constant 0 : i32
    %dma_wait3A_119 = tpu.memref_slice %arg6[%dma_wait3A_117, %dma_wait3A_118] : memref<80x128xi32, #tpu.memory_space<vmem>> -> memref<1x128xi32, #tpu.memory_space<vmem>>
    %dma_wait3A_120 = tpu.memref_squeeze %dma_wait3A_119 : memref<1x128xi32, #tpu.memory_space<vmem>> -> memref<128xi32, #tpu.memory_space<vmem>>
    %dma_wait3A_121 = arith.constant 0 : i32
    %dma_wait3A_122 = arith.constant 0 : i32
    %dma_wait3A_123 = tpu.memref_slice %arg16[%dma_wait3A_121, %dma_wait3A_122] : memref<10240x16xf32, #tpu.memory_space<vmem_shared>> -> memref<10240x16xf32, #tpu.memory_space<vmem_shared>>
    tpu.wait_indirect_dma semaphore(%arg24 : memref<!tpu.dma_semaphore, #tpu.memory_space<semaphore_mem>>) src(%dma_wait3A_123 : memref<10240x16xf32, #tpu.memory_space<vmem_shared>>) dst(%arg14 : memref<128x16xf32, #tpu.memory_space<vmem>>)
    %run_scoped3A_124 = arith.constant 78 : i32
    "tpu.region"() ({
      %run_scoped3A_138 = tpu.sem_alloc : memref<!tpu.dma_semaphore, #tpu.memory_space<semaphore_mem>>
      %dma_start3A_139 = arith.constant 0 : i32
      %dma_start3A_140 = tpu.memref_slice %arg7[%run_scoped3A_124, %dma_start3A_139] : memref<80x128xi32, #tpu.memory_space<vmem>> -> memref<1x128xi32, #tpu.memory_space<vmem>>
      %dma_start3A_141 = tpu.memref_squeeze %dma_start3A_140 : memref<1x128xi32, #tpu.memory_space<vmem>> -> memref<128xi32, #tpu.memory_space<vmem>>
      %dma_start3A_142 = arith.constant 0 : i32
      %dma_start3A_143 = arith.constant 0 : i32
      %dma_start3A_144 = tpu.memref_slice %arg17[%dma_start3A_142, %dma_start3A_143] : memref<10240x16xf32, #tpu.memory_space<vmem_shared>> -> memref<10240x16xf32, #tpu.memory_space<vmem_shared>>
      tpu.enqueue_indirect_dma source(%arg14 : memref<128x16xf32, #tpu.memory_space<vmem>>) target(%dma_start3A_144 : memref<10240x16xf32, #tpu.memory_space<vmem_shared>>) offsets(%dma_start3A_141 : memref<128xi32, #tpu.memory_space<vmem>>) semaphore(%run_scoped3A_138 : memref<!tpu.dma_semaphore, #tpu.memory_space<semaphore_mem>>) {add = true}
      %dma_wait3A_145 = arith.constant 0 : i32
      %dma_wait3A_146 = tpu.memref_slice %arg7[%run_scoped3A_124, %dma_wait3A_145] : memref<80x128xi32, #tpu.memory_space<vmem>> -> memref<1x128xi32, #tpu.memory_space<vmem>>
      %dma_wait3A_147 = tpu.memref_squeeze %dma_wait3A_146 : memref<1x128xi32, #tpu.memory_space<vmem>> -> memref<128xi32, #tpu.memory_space<vmem>>
      %dma_wait3A_148 = arith.constant 0 : i32
      %dma_wait3A_149 = arith.constant 0 : i32
      %dma_wait3A_150 = tpu.memref_slice %arg17[%dma_wait3A_148, %dma_wait3A_149] : memref<10240x16xf32, #tpu.memory_space<vmem_shared>> -> memref<10240x16xf32, #tpu.memory_space<vmem_shared>>
      tpu.wait_indirect_dma semaphore(%run_scoped3A_138 : memref<!tpu.dma_semaphore, #tpu.memory_space<semaphore_mem>>) src(%arg14 : memref<128x16xf32, #tpu.memory_space<vmem>>) dst(%dma_wait3A_150 : memref<10240x16xf32, #tpu.memory_space<vmem_shared>>)
      tpu.yield
    }) : () -> ()
    %dma_wait3A_125 = arith.constant 0 : i32
    %dma_wait3A_126 = arith.constant 0 : i32
    %dma_wait3A_127 = tpu.memref_slice %arg6[%dma_wait3A_125, %dma_wait3A_126] : memref<80x128xi32, #tpu.memory_space<vmem>> -> memref<1x128xi32, #tpu.memory_space<vmem>>
    %dma_wait3A_128 = tpu.memref_squeeze %dma_wait3A_127 : memref<1x128xi32, #tpu.memory_space<vmem>> -> memref<128xi32, #tpu.memory_space<vmem>>
    %dma_wait3A_129 = arith.constant 0 : i32
    %dma_wait3A_130 = arith.constant 0 : i32
    %dma_wait3A_131 = tpu.memref_slice %arg16[%dma_wait3A_129, %dma_wait3A_130] : memref<10240x16xf32, #tpu.memory_space<vmem_shared>> -> memref<10240x16xf32, #tpu.memory_space<vmem_shared>>
    tpu.wait_indirect_dma semaphore(%arg25 : memref<!tpu.dma_semaphore, #tpu.memory_space<semaphore_mem>>) src(%dma_wait3A_131 : memref<10240x16xf32, #tpu.memory_space<vmem_shared>>) dst(%arg15 : memref<128x16xf32, #tpu.memory_space<vmem>>)
    %run_scoped3A_132 = arith.constant 79 : i32
    "tpu.region"() ({
      %run_scoped3A_138 = tpu.sem_alloc : memref<!tpu.dma_semaphore, #tpu.memory_space<semaphore_mem>>
      %dma_start3A_139 = arith.constant 0 : i32
      %dma_start3A_140 = tpu.memref_slice %arg7[%run_scoped3A_132, %dma_start3A_139] : memref<80x128xi32, #tpu.memory_space<vmem>> -> memref<1x128xi32, #tpu.memory_space<vmem>>
      %dma_start3A_141 = tpu.memref_squeeze %dma_start3A_140 : memref<1x128xi32, #tpu.memory_space<vmem>> -> memref<128xi32, #tpu.memory_space<vmem>>
      %dma_start3A_142 = arith.constant 0 : i32
      %dma_start3A_143 = arith.constant 0 : i32
      %dma_start3A_144 = tpu.memref_slice %arg17[%dma_start3A_142, %dma_start3A_143] : memref<10240x16xf32, #tpu.memory_space<vmem_shared>> -> memref<10240x16xf32, #tpu.memory_space<vmem_shared>>
      tpu.enqueue_indirect_dma source(%arg15 : memref<128x16xf32, #tpu.memory_space<vmem>>) target(%dma_start3A_144 : memref<10240x16xf32, #tpu.memory_space<vmem_shared>>) offsets(%dma_start3A_141 : memref<128xi32, #tpu.memory_space<vmem>>) semaphore(%run_scoped3A_138 : memref<!tpu.dma_semaphore, #tpu.memory_space<semaphore_mem>>) {add = true}
      %dma_wait3A_145 = arith.constant 0 : i32
      %dma_wait3A_146 = tpu.memref_slice %arg7[%run_scoped3A_132, %dma_wait3A_145] : memref<80x128xi32, #tpu.memory_space<vmem>> -> memref<1x128xi32, #tpu.memory_space<vmem>>
      %dma_wait3A_147 = tpu.memref_squeeze %dma_wait3A_146 : memref<1x128xi32, #tpu.memory_space<vmem>> -> memref<128xi32, #tpu.memory_space<vmem>>
      %dma_wait3A_148 = arith.constant 0 : i32
      %dma_wait3A_149 = arith.constant 0 : i32
      %dma_wait3A_150 = tpu.memref_slice %arg17[%dma_wait3A_148, %dma_wait3A_149] : memref<10240x16xf32, #tpu.memory_space<vmem_shared>> -> memref<10240x16xf32, #tpu.memory_space<vmem_shared>>
      tpu.wait_indirect_dma semaphore(%run_scoped3A_138 : memref<!tpu.dma_semaphore, #tpu.memory_space<semaphore_mem>>) src(%arg15 : memref<128x16xf32, #tpu.memory_space<vmem>>) dst(%dma_wait3A_150 : memref<10240x16xf32, #tpu.memory_space<vmem_shared>>)
      tpu.yield
    }) : () -> ()
    %barrier3A_133 = arith.constant 0 : index
    tpu.barrier barrier_id(%barrier3A_133)
    %mul3A_134 = arith.constant 640 : i32
    %mul3A_135 = arith.muli %arg1, %mul3A_134 : i32
    %mul3A_136 = arith.constant 640 : i32
    %mul3A_137 = arith.muli %arg1, %mul3A_136 : i32
    "tpu.region"() ({
      %run_scoped3A_138 = tpu.sem_alloc : memref<!tpu.dma_semaphore, #tpu.memory_space<semaphore_mem>>
      %dma_start3A_139 = arith.constant 0 : i32
      %dma_start3A_140 = tpu.memref_slice %arg5[%arg0, %mul3A_137, %dma_start3A_139] : memref<2x10240x16xf32, #tpu.memory_space<hbm>> -> memref<1x640x16xf32, #tpu.memory_space<hbm>>
      %dma_start3A_141 = tpu.memref_squeeze %dma_start3A_140 : memref<1x640x16xf32, #tpu.memory_space<hbm>> -> memref<640x16xf32, #tpu.memory_space<hbm>>
      %dma_start3A_142 = arith.constant 0 : i32
      %dma_start3A_143 = tpu.memref_slice %arg17[%mul3A_135, %dma_start3A_142] : memref<10240x16xf32, #tpu.memory_space<vmem_shared>> -> memref<640x16xf32, #tpu.memory_space<vmem_shared>>
      tpu.enqueue_dma source(%dma_start3A_143 : memref<640x16xf32, #tpu.memory_space<vmem_shared>>) target(%dma_start3A_141 : memref<640x16xf32, #tpu.memory_space<hbm>>) target_semaphore(%run_scoped3A_138 : memref<!tpu.dma_semaphore, #tpu.memory_space<semaphore_mem>>)
      %dma_wait3A_144 = arith.constant 0 : i32
      %dma_wait3A_145 = tpu.memref_slice %arg5[%arg0, %mul3A_137, %dma_wait3A_144] : memref<2x10240x16xf32, #tpu.memory_space<hbm>> -> memref<1x640x16xf32, #tpu.memory_space<hbm>>
      %dma_wait3A_146 = tpu.memref_squeeze %dma_wait3A_145 : memref<1x640x16xf32, #tpu.memory_space<hbm>> -> memref<640x16xf32, #tpu.memory_space<hbm>>
      %dma_wait3A_147 = arith.constant 0 : i32
      %dma_wait3A_148 = tpu.memref_slice %arg17[%mul3A_135, %dma_wait3A_147] : memref<10240x16xf32, #tpu.memory_space<vmem_shared>> -> memref<640x16xf32, #tpu.memory_space<vmem_shared>>
      tpu.wait_dma2 semaphore(%run_scoped3A_138 : memref<!tpu.dma_semaphore, #tpu.memory_space<semaphore_mem>>) src(%dma_wait3A_148 : memref<640x16xf32, #tpu.memory_space<vmem_shared>>) dst(%dma_wait3A_146 : memref<640x16xf32, #tpu.memory_space<hbm>>)
      tpu.yield
    }) : () -> ()
    return
  }
}

#map = affine_map<(d0, d1) -> (0, 0, 0, 0)>
#map1 = affine_map<(d0, d1) -> (0, 0)>
#map2 = affine_map<(d0, d1) -> (0, 0, 0)>
module attributes {stable_mosaic.version = 14 : i64} {
  func.func @_deg_body(%arg0: i32, %arg1: i32, %arg2: memref<2x32x80x128xi32, #tpu.memory_space<hbm>>, %arg3: memref<128x16xf32, #tpu.memory_space<hbm>>, %arg4: memref<10240x16xf32, #tpu.memory_space<hbm>>, %arg5: memref<2x10240x16xf32, #tpu.memory_space<hbm>>, %arg6: memref<80x128xi32, #tpu.memory_space<vmem>>, %arg7: memref<128x16xf32, #tpu.memory_space<vmem>>, %arg8: memref<10240x16xf32, #tpu.memory_space<vmem_shared>>) attributes {dimension_semantics = [#tpu.dimension_semantics<core_parallel>, #tpu.dimension_semantics<subcore_parallel>], iteration_bounds = array<i64: 2, 16>, scalar_prefetch = 0 : i64, scratch_operands = 3 : i64, tpu.core_type = #tpu.core_type<sc_vector_subcore>, window_params = [{transform_indices = #map}, {transform_indices = #map1}, {transform_indices = #map1}, {transform_indices = #map2}]} {
    %mul3A = arith.constant 16 : i32
    %mul3A_0 = arith.muli %arg0, %mul3A : i32
    %add3A = arith.addi %mul3A_0, %arg1 : i32
    %run_scoped3A = arith.constant 1 : i32
    "tpu.region"() ({
      %run_scoped3A_15 = tpu.sem_alloc : memref<!tpu.dma_semaphore, #tpu.memory_space<semaphore_mem>>
      %dma_start3A = arith.constant 0 : i32
      %dma_start3A_16 = arith.constant 0 : i32
      %dma_start3A_17 = tpu.memref_slice %arg2[%run_scoped3A, %add3A, %dma_start3A, %dma_start3A_16] : memref<2x32x80x128xi32, #tpu.memory_space<hbm>> -> memref<1x1x80x128xi32, #tpu.memory_space<hbm>>
      %dma_start3A_18 = tpu.memref_squeeze %dma_start3A_17 : memref<1x1x80x128xi32, #tpu.memory_space<hbm>> -> memref<80x128xi32, #tpu.memory_space<hbm>>
      %dma_start3A_19 = arith.constant 0 : i32
      %dma_start3A_20 = arith.constant 0 : i32
      %dma_start3A_21 = tpu.memref_slice %arg2[%run_scoped3A, %add3A, %dma_start3A_19, %dma_start3A_20] : memref<2x32x80x128xi32, #tpu.memory_space<hbm>> -> memref<1x1x80x128xi32, #tpu.memory_space<hbm>>
      %dma_start3A_22 = tpu.memref_squeeze %dma_start3A_21 : memref<1x1x80x128xi32, #tpu.memory_space<hbm>> -> memref<80x128xi32, #tpu.memory_space<hbm>>
      tpu.enqueue_dma source(%dma_start3A_22 : memref<80x128xi32, #tpu.memory_space<hbm>>) target(%arg6 : memref<80x128xi32, #tpu.memory_space<vmem>>) target_semaphore(%run_scoped3A_15 : memref<!tpu.dma_semaphore, #tpu.memory_space<semaphore_mem>>)
      %dma_wait3A = arith.constant 0 : i32
      %dma_wait3A_23 = arith.constant 0 : i32
      %dma_wait3A_24 = tpu.memref_slice %arg2[%run_scoped3A, %add3A, %dma_wait3A, %dma_wait3A_23] : memref<2x32x80x128xi32, #tpu.memory_space<hbm>> -> memref<1x1x80x128xi32, #tpu.memory_space<hbm>>
      %dma_wait3A_25 = tpu.memref_squeeze %dma_wait3A_24 : memref<1x1x80x128xi32, #tpu.memory_space<hbm>> -> memref<80x128xi32, #tpu.memory_space<hbm>>
      %dma_wait3A_26 = arith.constant 0 : i32
      %dma_wait3A_27 = arith.constant 0 : i32
      %dma_wait3A_28 = tpu.memref_slice %arg2[%run_scoped3A, %add3A, %dma_wait3A_26, %dma_wait3A_27] : memref<2x32x80x128xi32, #tpu.memory_space<hbm>> -> memref<1x1x80x128xi32, #tpu.memory_space<hbm>>
      %dma_wait3A_29 = tpu.memref_squeeze %dma_wait3A_28 : memref<1x1x80x128xi32, #tpu.memory_space<hbm>> -> memref<80x128xi32, #tpu.memory_space<hbm>>
      tpu.wait_dma2 semaphore(%run_scoped3A_15 : memref<!tpu.dma_semaphore, #tpu.memory_space<semaphore_mem>>) src(%dma_wait3A_29 : memref<80x128xi32, #tpu.memory_space<hbm>>) dst(%arg6 : memref<80x128xi32, #tpu.memory_space<vmem>>)
      tpu.yield
    }) : () -> ()
    "tpu.region"() ({
      %run_scoped3A_15 = tpu.sem_alloc : memref<!tpu.dma_semaphore, #tpu.memory_space<semaphore_mem>>
      tpu.enqueue_dma source(%arg3 : memref<128x16xf32, #tpu.memory_space<hbm>>) target(%arg7 : memref<128x16xf32, #tpu.memory_space<vmem>>) target_semaphore(%run_scoped3A_15 : memref<!tpu.dma_semaphore, #tpu.memory_space<semaphore_mem>>)
      tpu.wait_dma2 semaphore(%run_scoped3A_15 : memref<!tpu.dma_semaphore, #tpu.memory_space<semaphore_mem>>) src(%arg3 : memref<128x16xf32, #tpu.memory_space<hbm>>) dst(%arg7 : memref<128x16xf32, #tpu.memory_space<vmem>>)
      tpu.yield
    }) : () -> ()
    %mul3A_1 = arith.constant 640 : i32
    %mul3A_2 = arith.muli %arg1, %mul3A_1 : i32
    %mul3A_3 = arith.constant 640 : i32
    %mul3A_4 = arith.muli %arg1, %mul3A_3 : i32
    "tpu.region"() ({
      %run_scoped3A_15 = tpu.sem_alloc : memref<!tpu.dma_semaphore, #tpu.memory_space<semaphore_mem>>
      %dma_start3A = arith.constant 0 : i32
      %dma_start3A_16 = tpu.memref_slice %arg8[%mul3A_4, %dma_start3A] : memref<10240x16xf32, #tpu.memory_space<vmem_shared>> -> memref<640x16xf32, #tpu.memory_space<vmem_shared>>
      %dma_start3A_17 = arith.constant 0 : i32
      %dma_start3A_18 = tpu.memref_slice %arg4[%mul3A_2, %dma_start3A_17] : memref<10240x16xf32, #tpu.memory_space<hbm>> -> memref<640x16xf32, #tpu.memory_space<hbm>>
      tpu.enqueue_dma source(%dma_start3A_18 : memref<640x16xf32, #tpu.memory_space<hbm>>) target(%dma_start3A_16 : memref<640x16xf32, #tpu.memory_space<vmem_shared>>) target_semaphore(%run_scoped3A_15 : memref<!tpu.dma_semaphore, #tpu.memory_space<semaphore_mem>>)
      %dma_wait3A = arith.constant 0 : i32
      %dma_wait3A_19 = tpu.memref_slice %arg8[%mul3A_4, %dma_wait3A] : memref<10240x16xf32, #tpu.memory_space<vmem_shared>> -> memref<640x16xf32, #tpu.memory_space<vmem_shared>>
      %dma_wait3A_20 = arith.constant 0 : i32
      %dma_wait3A_21 = tpu.memref_slice %arg4[%mul3A_2, %dma_wait3A_20] : memref<10240x16xf32, #tpu.memory_space<hbm>> -> memref<640x16xf32, #tpu.memory_space<hbm>>
      tpu.wait_dma2 semaphore(%run_scoped3A_15 : memref<!tpu.dma_semaphore, #tpu.memory_space<semaphore_mem>>) src(%dma_wait3A_21 : memref<640x16xf32, #tpu.memory_space<hbm>>) dst(%dma_wait3A_19 : memref<640x16xf32, #tpu.memory_space<vmem_shared>>)
      tpu.yield
    }) : () -> ()
    %barrier3A = arith.constant 0 : index
    tpu.barrier barrier_id(%barrier3A)
    %scan3A = arith.constant 0 : i32
    %scan3A_5 = arith.constant 0 : i32
    %scan3A_6 = arith.constant 80 : i32
    %scan3A_7 = arith.addi %scan3A_5, %scan3A_6 : i32
    %scan3A_8 = arith.constant 1 : i32
    scf.for %scan3A_15 = %scan3A_5 to %scan3A_7 step %scan3A_8  : i32 {
      "tpu.region"() ({
        %run_scoped3A_16 = tpu.sem_alloc : memref<!tpu.dma_semaphore, #tpu.memory_space<semaphore_mem>>
        %dma_start3A = arith.constant 0 : i32
        %dma_start3A_17 = tpu.memref_slice %arg6[%scan3A_15, %dma_start3A] : memref<80x128xi32, #tpu.memory_space<vmem>> -> memref<1x128xi32, #tpu.memory_space<vmem>>
        %dma_start3A_18 = tpu.memref_squeeze %dma_start3A_17 : memref<1x128xi32, #tpu.memory_space<vmem>> -> memref<128xi32, #tpu.memory_space<vmem>>
        %dma_start3A_19 = arith.constant 0 : i32
        %dma_start3A_20 = arith.constant 0 : i32
        %dma_start3A_21 = tpu.memref_slice %arg8[%dma_start3A_19, %dma_start3A_20] : memref<10240x16xf32, #tpu.memory_space<vmem_shared>> -> memref<10240x16xf32, #tpu.memory_space<vmem_shared>>
        tpu.enqueue_indirect_dma source(%arg7 : memref<128x16xf32, #tpu.memory_space<vmem>>) target(%dma_start3A_21 : memref<10240x16xf32, #tpu.memory_space<vmem_shared>>) offsets(%dma_start3A_18 : memref<128xi32, #tpu.memory_space<vmem>>) semaphore(%run_scoped3A_16 : memref<!tpu.dma_semaphore, #tpu.memory_space<semaphore_mem>>) {add = true}
        %dma_wait3A = arith.constant 0 : i32
        %dma_wait3A_22 = tpu.memref_slice %arg6[%scan3A_15, %dma_wait3A] : memref<80x128xi32, #tpu.memory_space<vmem>> -> memref<1x128xi32, #tpu.memory_space<vmem>>
        %dma_wait3A_23 = tpu.memref_squeeze %dma_wait3A_22 : memref<1x128xi32, #tpu.memory_space<vmem>> -> memref<128xi32, #tpu.memory_space<vmem>>
        %dma_wait3A_24 = arith.constant 0 : i32
        %dma_wait3A_25 = arith.constant 0 : i32
        %dma_wait3A_26 = tpu.memref_slice %arg8[%dma_wait3A_24, %dma_wait3A_25] : memref<10240x16xf32, #tpu.memory_space<vmem_shared>> -> memref<10240x16xf32, #tpu.memory_space<vmem_shared>>
        tpu.wait_indirect_dma semaphore(%run_scoped3A_16 : memref<!tpu.dma_semaphore, #tpu.memory_space<semaphore_mem>>) src(%arg7 : memref<128x16xf32, #tpu.memory_space<vmem>>) dst(%dma_wait3A_26 : memref<10240x16xf32, #tpu.memory_space<vmem_shared>>)
        tpu.yield
      }) : () -> ()
    }
    %scan3A_9 = arith.constant 80 : i32
    %barrier3A_10 = arith.constant 0 : index
    tpu.barrier barrier_id(%barrier3A_10)
    %mul3A_11 = arith.constant 640 : i32
    %mul3A_12 = arith.muli %arg1, %mul3A_11 : i32
    %mul3A_13 = arith.constant 640 : i32
    %mul3A_14 = arith.muli %arg1, %mul3A_13 : i32
    "tpu.region"() ({
      %run_scoped3A_15 = tpu.sem_alloc : memref<!tpu.dma_semaphore, #tpu.memory_space<semaphore_mem>>
      %dma_start3A = arith.constant 0 : i32
      %dma_start3A_16 = tpu.memref_slice %arg5[%arg0, %mul3A_14, %dma_start3A] : memref<2x10240x16xf32, #tpu.memory_space<hbm>> -> memref<1x640x16xf32, #tpu.memory_space<hbm>>
      %dma_start3A_17 = tpu.memref_squeeze %dma_start3A_16 : memref<1x640x16xf32, #tpu.memory_space<hbm>> -> memref<640x16xf32, #tpu.memory_space<hbm>>
      %dma_start3A_18 = arith.constant 0 : i32
      %dma_start3A_19 = tpu.memref_slice %arg8[%mul3A_12, %dma_start3A_18] : memref<10240x16xf32, #tpu.memory_space<vmem_shared>> -> memref<640x16xf32, #tpu.memory_space<vmem_shared>>
      tpu.enqueue_dma source(%dma_start3A_19 : memref<640x16xf32, #tpu.memory_space<vmem_shared>>) target(%dma_start3A_17 : memref<640x16xf32, #tpu.memory_space<hbm>>) target_semaphore(%run_scoped3A_15 : memref<!tpu.dma_semaphore, #tpu.memory_space<semaphore_mem>>)
      %dma_wait3A = arith.constant 0 : i32
      %dma_wait3A_20 = tpu.memref_slice %arg5[%arg0, %mul3A_14, %dma_wait3A] : memref<2x10240x16xf32, #tpu.memory_space<hbm>> -> memref<1x640x16xf32, #tpu.memory_space<hbm>>
      %dma_wait3A_21 = tpu.memref_squeeze %dma_wait3A_20 : memref<1x640x16xf32, #tpu.memory_space<hbm>> -> memref<640x16xf32, #tpu.memory_space<hbm>>
      %dma_wait3A_22 = arith.constant 0 : i32
      %dma_wait3A_23 = tpu.memref_slice %arg8[%mul3A_12, %dma_wait3A_22] : memref<10240x16xf32, #tpu.memory_space<vmem_shared>> -> memref<640x16xf32, #tpu.memory_space<vmem_shared>>
      tpu.wait_dma2 semaphore(%run_scoped3A_15 : memref<!tpu.dma_semaphore, #tpu.memory_space<semaphore_mem>>) src(%dma_wait3A_23 : memref<640x16xf32, #tpu.memory_space<vmem_shared>>) dst(%dma_wait3A_21 : memref<640x16xf32, #tpu.memory_space<hbm>>)
      tpu.yield
    }) : () -> ()
    return
  }
}

#map = affine_map<(d0, d1) -> (0, 0)>
#map1 = affine_map<(d0, d1) -> (0, 0, 0, 0)>
#map2 = affine_map<(d0, d1) -> (0, 0, 0)>
module attributes {stable_mosaic.version = 14 : i64} {
  func.func @_prop_body(%arg0: i32, %arg1: i32, %arg2: memref<10240x16xf32, #tpu.memory_space<hbm>>, %arg3: memref<2x32x80x128xi32, #tpu.memory_space<hbm>>, %arg4: memref<10240x16xf32, #tpu.memory_space<hbm>>, %arg5: memref<2x10240x16xf32, #tpu.memory_space<hbm>>, %arg6: memref<80x128xi32, #tpu.memory_space<vmem>>, %arg7: memref<80x128xi32, #tpu.memory_space<vmem>>, %arg8: memref<128x16xf32, #tpu.memory_space<vmem>>, %arg9: memref<128x16xf32, #tpu.memory_space<vmem>>, %arg10: memref<128x16xf32, #tpu.memory_space<vmem>>, %arg11: memref<128x16xf32, #tpu.memory_space<vmem>>, %arg12: memref<128x16xf32, #tpu.memory_space<vmem>>, %arg13: memref<128x16xf32, #tpu.memory_space<vmem>>, %arg14: memref<128x16xf32, #tpu.memory_space<vmem>>, %arg15: memref<128x16xf32, #tpu.memory_space<vmem>>, %arg16: memref<10240x16xf32, #tpu.memory_space<vmem_shared>>, %arg17: memref<10240x16xf32, #tpu.memory_space<vmem_shared>>, %arg18: memref<!tpu.dma_semaphore, #tpu.memory_space<semaphore_mem>>, %arg19: memref<!tpu.dma_semaphore, #tpu.memory_space<semaphore_mem>>, %arg20: memref<!tpu.dma_semaphore, #tpu.memory_space<semaphore_mem>>, %arg21: memref<!tpu.dma_semaphore, #tpu.memory_space<semaphore_mem>>, %arg22: memref<!tpu.dma_semaphore, #tpu.memory_space<semaphore_mem>>, %arg23: memref<!tpu.dma_semaphore, #tpu.memory_space<semaphore_mem>>, %arg24: memref<!tpu.dma_semaphore, #tpu.memory_space<semaphore_mem>>, %arg25: memref<!tpu.dma_semaphore, #tpu.memory_space<semaphore_mem>>) attributes {dimension_semantics = [#tpu.dimension_semantics<core_parallel>, #tpu.dimension_semantics<subcore_parallel>], iteration_bounds = array<i64: 2, 16>, scalar_prefetch = 0 : i64, scratch_operands = 20 : i64, tpu.core_type = #tpu.core_type<sc_vector_subcore>, window_params = [{transform_indices = #map}, {transform_indices = #map1}, {transform_indices = #map}, {transform_indices = #map2}]} {
    %mul3A = arith.constant 16 : i32
    %mul3A_0 = arith.muli %arg0, %mul3A : i32
    %add3A = arith.addi %mul3A_0, %arg1 : i32
    %run_scoped3A = arith.constant 0 : i32
    "tpu.region"() ({
      %run_scoped3A_138 = tpu.sem_alloc : memref<!tpu.dma_semaphore, #tpu.memory_space<semaphore_mem>>
      %dma_start3A_139 = arith.constant 0 : i32
      %dma_start3A_140 = arith.constant 0 : i32
      %dma_start3A_141 = tpu.memref_slice %arg3[%run_scoped3A, %add3A, %dma_start3A_139, %dma_start3A_140] : memref<2x32x80x128xi32, #tpu.memory_space<hbm>> -> memref<1x1x80x128xi32, #tpu.memory_space<hbm>>
      %dma_start3A_142 = tpu.memref_squeeze %dma_start3A_141 : memref<1x1x80x128xi32, #tpu.memory_space<hbm>> -> memref<80x128xi32, #tpu.memory_space<hbm>>
      %dma_start3A_143 = arith.constant 0 : i32
      %dma_start3A_144 = arith.constant 0 : i32
      %dma_start3A_145 = tpu.memref_slice %arg3[%run_scoped3A, %add3A, %dma_start3A_143, %dma_start3A_144] : memref<2x32x80x128xi32, #tpu.memory_space<hbm>> -> memref<1x1x80x128xi32, #tpu.memory_space<hbm>>
      %dma_start3A_146 = tpu.memref_squeeze %dma_start3A_145 : memref<1x1x80x128xi32, #tpu.memory_space<hbm>> -> memref<80x128xi32, #tpu.memory_space<hbm>>
      tpu.enqueue_dma source(%dma_start3A_146 : memref<80x128xi32, #tpu.memory_space<hbm>>) target(%arg6 : memref<80x128xi32, #tpu.memory_space<vmem>>) target_semaphore(%run_scoped3A_138 : memref<!tpu.dma_semaphore, #tpu.memory_space<semaphore_mem>>)
      %dma_wait3A_147 = arith.constant 0 : i32
      %dma_wait3A_148 = arith.constant 0 : i32
      %dma_wait3A_149 = tpu.memref_slice %arg3[%run_scoped3A, %add3A, %dma_wait3A_147, %dma_wait3A_148] : memref<2x32x80x128xi32, #tpu.memory_space<hbm>> -> memref<1x1x80x128xi32, #tpu.memory_space<hbm>>
      %dma_wait3A_150 = tpu.memref_squeeze %dma_wait3A_149 : memref<1x1x80x128xi32, #tpu.memory_space<hbm>> -> memref<80x128xi32, #tpu.memory_space<hbm>>
      %dma_wait3A_151 = arith.constant 0 : i32
      %dma_wait3A_152 = arith.constant 0 : i32
      %dma_wait3A_153 = tpu.memref_slice %arg3[%run_scoped3A, %add3A, %dma_wait3A_151, %dma_wait3A_152] : memref<2x32x80x128xi32, #tpu.memory_space<hbm>> -> memref<1x1x80x128xi32, #tpu.memory_space<hbm>>
      %dma_wait3A_154 = tpu.memref_squeeze %dma_wait3A_153 : memref<1x1x80x128xi32, #tpu.memory_space<hbm>> -> memref<80x128xi32, #tpu.memory_space<hbm>>
      tpu.wait_dma2 semaphore(%run_scoped3A_138 : memref<!tpu.dma_semaphore, #tpu.memory_space<semaphore_mem>>) src(%dma_wait3A_154 : memref<80x128xi32, #tpu.memory_space<hbm>>) dst(%arg6 : memref<80x128xi32, #tpu.memory_space<vmem>>)
      tpu.yield
    }) : () -> ()
    %run_scoped3A_1 = arith.constant 1 : i32
    "tpu.region"() ({
      %run_scoped3A_138 = tpu.sem_alloc : memref<!tpu.dma_semaphore, #tpu.memory_space<semaphore_mem>>
      %dma_start3A_139 = arith.constant 0 : i32
      %dma_start3A_140 = arith.constant 0 : i32
      %dma_start3A_141 = tpu.memref_slice %arg3[%run_scoped3A_1, %add3A, %dma_start3A_139, %dma_start3A_140] : memref<2x32x80x128xi32, #tpu.memory_space<hbm>> -> memref<1x1x80x128xi32, #tpu.memory_space<hbm>>
      %dma_start3A_142 = tpu.memref_squeeze %dma_start3A_141 : memref<1x1x80x128xi32, #tpu.memory_space<hbm>> -> memref<80x128xi32, #tpu.memory_space<hbm>>
      %dma_start3A_143 = arith.constant 0 : i32
      %dma_start3A_144 = arith.constant 0 : i32
      %dma_start3A_145 = tpu.memref_slice %arg3[%run_scoped3A_1, %add3A, %dma_start3A_143, %dma_start3A_144] : memref<2x32x80x128xi32, #tpu.memory_space<hbm>> -> memref<1x1x80x128xi32, #tpu.memory_space<hbm>>
      %dma_start3A_146 = tpu.memref_squeeze %dma_start3A_145 : memref<1x1x80x128xi32, #tpu.memory_space<hbm>> -> memref<80x128xi32, #tpu.memory_space<hbm>>
      tpu.enqueue_dma source(%dma_start3A_146 : memref<80x128xi32, #tpu.memory_space<hbm>>) target(%arg7 : memref<80x128xi32, #tpu.memory_space<vmem>>) target_semaphore(%run_scoped3A_138 : memref<!tpu.dma_semaphore, #tpu.memory_space<semaphore_mem>>)
      %dma_wait3A_147 = arith.constant 0 : i32
      %dma_wait3A_148 = arith.constant 0 : i32
      %dma_wait3A_149 = tpu.memref_slice %arg3[%run_scoped3A_1, %add3A, %dma_wait3A_147, %dma_wait3A_148] : memref<2x32x80x128xi32, #tpu.memory_space<hbm>> -> memref<1x1x80x128xi32, #tpu.memory_space<hbm>>
      %dma_wait3A_150 = tpu.memref_squeeze %dma_wait3A_149 : memref<1x1x80x128xi32, #tpu.memory_space<hbm>> -> memref<80x128xi32, #tpu.memory_space<hbm>>
      %dma_wait3A_151 = arith.constant 0 : i32
      %dma_wait3A_152 = arith.constant 0 : i32
      %dma_wait3A_153 = tpu.memref_slice %arg3[%run_scoped3A_1, %add3A, %dma_wait3A_151, %dma_wait3A_152] : memref<2x32x80x128xi32, #tpu.memory_space<hbm>> -> memref<1x1x80x128xi32, #tpu.memory_space<hbm>>
      %dma_wait3A_154 = tpu.memref_squeeze %dma_wait3A_153 : memref<1x1x80x128xi32, #tpu.memory_space<hbm>> -> memref<80x128xi32, #tpu.memory_space<hbm>>
      tpu.wait_dma2 semaphore(%run_scoped3A_138 : memref<!tpu.dma_semaphore, #tpu.memory_space<semaphore_mem>>) src(%dma_wait3A_154 : memref<80x128xi32, #tpu.memory_space<hbm>>) dst(%arg7 : memref<80x128xi32, #tpu.memory_space<vmem>>)
      tpu.yield
    }) : () -> ()
    %mul3A_2 = arith.constant 640 : i32
    %mul3A_3 = arith.muli %arg1, %mul3A_2 : i32
    %mul3A_4 = arith.constant 640 : i32
    %mul3A_5 = arith.muli %arg1, %mul3A_4 : i32
    "tpu.region"() ({
      %run_scoped3A_138 = tpu.sem_alloc : memref<!tpu.dma_semaphore, #tpu.memory_space<semaphore_mem>>
      %dma_start3A_139 = arith.constant 0 : i32
      %dma_start3A_140 = tpu.memref_slice %arg16[%mul3A_5, %dma_start3A_139] : memref<10240x16xf32, #tpu.memory_space<vmem_shared>> -> memref<640x16xf32, #tpu.memory_space<vmem_shared>>
      %dma_start3A_141 = arith.constant 0 : i32
      %dma_start3A_142 = tpu.memref_slice %arg2[%mul3A_3, %dma_start3A_141] : memref<10240x16xf32, #tpu.memory_space<hbm>> -> memref<640x16xf32, #tpu.memory_space<hbm>>
      tpu.enqueue_dma source(%dma_start3A_142 : memref<640x16xf32, #tpu.memory_space<hbm>>) target(%dma_start3A_140 : memref<640x16xf32, #tpu.memory_space<vmem_shared>>) target_semaphore(%run_scoped3A_138 : memref<!tpu.dma_semaphore, #tpu.memory_space<semaphore_mem>>)
      %dma_wait3A_143 = arith.constant 0 : i32
      %dma_wait3A_144 = tpu.memref_slice %arg16[%mul3A_5, %dma_wait3A_143] : memref<10240x16xf32, #tpu.memory_space<vmem_shared>> -> memref<640x16xf32, #tpu.memory_space<vmem_shared>>
      %dma_wait3A_145 = arith.constant 0 : i32
      %dma_wait3A_146 = tpu.memref_slice %arg2[%mul3A_3, %dma_wait3A_145] : memref<10240x16xf32, #tpu.memory_space<hbm>> -> memref<640x16xf32, #tpu.memory_space<hbm>>
      tpu.wait_dma2 semaphore(%run_scoped3A_138 : memref<!tpu.dma_semaphore, #tpu.memory_space<semaphore_mem>>) src(%dma_wait3A_146 : memref<640x16xf32, #tpu.memory_space<hbm>>) dst(%dma_wait3A_144 : memref<640x16xf32, #tpu.memory_space<vmem_shared>>)
      tpu.yield
    }) : () -> ()
    %mul3A_6 = arith.constant 640 : i32
    %mul3A_7 = arith.muli %arg1, %mul3A_6 : i32
    %mul3A_8 = arith.constant 640 : i32
    %mul3A_9 = arith.muli %arg1, %mul3A_8 : i32
    "tpu.region"() ({
      %run_scoped3A_138 = tpu.sem_alloc : memref<!tpu.dma_semaphore, #tpu.memory_space<semaphore_mem>>
      %dma_start3A_139 = arith.constant 0 : i32
      %dma_start3A_140 = tpu.memref_slice %arg17[%mul3A_9, %dma_start3A_139] : memref<10240x16xf32, #tpu.memory_space<vmem_shared>> -> memref<640x16xf32, #tpu.memory_space<vmem_shared>>
      %dma_start3A_141 = arith.constant 0 : i32
      %dma_start3A_142 = tpu.memref_slice %arg4[%mul3A_7, %dma_start3A_141] : memref<10240x16xf32, #tpu.memory_space<hbm>> -> memref<640x16xf32, #tpu.memory_space<hbm>>
      tpu.enqueue_dma source(%dma_start3A_142 : memref<640x16xf32, #tpu.memory_space<hbm>>) target(%dma_start3A_140 : memref<640x16xf32, #tpu.memory_space<vmem_shared>>) target_semaphore(%run_scoped3A_138 : memref<!tpu.dma_semaphore, #tpu.memory_space<semaphore_mem>>)
      %dma_wait3A_143 = arith.constant 0 : i32
      %dma_wait3A_144 = tpu.memref_slice %arg17[%mul3A_9, %dma_wait3A_143] : memref<10240x16xf32, #tpu.memory_space<vmem_shared>> -> memref<640x16xf32, #tpu.memory_space<vmem_shared>>
      %dma_wait3A_145 = arith.constant 0 : i32
      %dma_wait3A_146 = tpu.memref_slice %arg4[%mul3A_7, %dma_wait3A_145] : memref<10240x16xf32, #tpu.memory_space<hbm>> -> memref<640x16xf32, #tpu.memory_space<hbm>>
      tpu.wait_dma2 semaphore(%run_scoped3A_138 : memref<!tpu.dma_semaphore, #tpu.memory_space<semaphore_mem>>) src(%dma_wait3A_146 : memref<640x16xf32, #tpu.memory_space<hbm>>) dst(%dma_wait3A_144 : memref<640x16xf32, #tpu.memory_space<vmem_shared>>)
      tpu.yield
    }) : () -> ()
    %barrier3A = arith.constant 0 : index
    tpu.barrier barrier_id(%barrier3A)
    %dma_start3A = arith.constant 0 : i32
    %dma_start3A_10 = arith.constant 0 : i32
    %dma_start3A_11 = tpu.memref_slice %arg6[%dma_start3A, %dma_start3A_10] : memref<80x128xi32, #tpu.memory_space<vmem>> -> memref<1x128xi32, #tpu.memory_space<vmem>>
    %dma_start3A_12 = tpu.memref_squeeze %dma_start3A_11 : memref<1x128xi32, #tpu.memory_space<vmem>> -> memref<128xi32, #tpu.memory_space<vmem>>
    %dma_start3A_13 = arith.constant 0 : i32
    %dma_start3A_14 = arith.constant 0 : i32
    %dma_start3A_15 = tpu.memref_slice %arg16[%dma_start3A_13, %dma_start3A_14] : memref<10240x16xf32, #tpu.memory_space<vmem_shared>> -> memref<10240x16xf32, #tpu.memory_space<vmem_shared>>
    tpu.enqueue_indirect_dma source(%dma_start3A_15 : memref<10240x16xf32, #tpu.memory_space<vmem_shared>>) target(%arg8 : memref<128x16xf32, #tpu.memory_space<vmem>>) offsets(%dma_start3A_12 : memref<128xi32, #tpu.memory_space<vmem>>) semaphore(%arg18 : memref<!tpu.dma_semaphore, #tpu.memory_space<semaphore_mem>>)
    %dma_start3A_16 = arith.constant 1 : i32
    %dma_start3A_17 = arith.constant 0 : i32
    %dma_start3A_18 = tpu.memref_slice %arg6[%dma_start3A_16, %dma_start3A_17] : memref<80x128xi32, #tpu.memory_space<vmem>> -> memref<1x128xi32, #tpu.memory_space<vmem>>
    %dma_start3A_19 = tpu.memref_squeeze %dma_start3A_18 : memref<1x128xi32, #tpu.memory_space<vmem>> -> memref<128xi32, #tpu.memory_space<vmem>>
    %dma_start3A_20 = arith.constant 0 : i32
    %dma_start3A_21 = arith.constant 0 : i32
    %dma_start3A_22 = tpu.memref_slice %arg16[%dma_start3A_20, %dma_start3A_21] : memref<10240x16xf32, #tpu.memory_space<vmem_shared>> -> memref<10240x16xf32, #tpu.memory_space<vmem_shared>>
    tpu.enqueue_indirect_dma source(%dma_start3A_22 : memref<10240x16xf32, #tpu.memory_space<vmem_shared>>) target(%arg9 : memref<128x16xf32, #tpu.memory_space<vmem>>) offsets(%dma_start3A_19 : memref<128xi32, #tpu.memory_space<vmem>>) semaphore(%arg19 : memref<!tpu.dma_semaphore, #tpu.memory_space<semaphore_mem>>)
    %dma_start3A_23 = arith.constant 2 : i32
    %dma_start3A_24 = arith.constant 0 : i32
    %dma_start3A_25 = tpu.memref_slice %arg6[%dma_start3A_23, %dma_start3A_24] : memref<80x128xi32, #tpu.memory_space<vmem>> -> memref<1x128xi32, #tpu.memory_space<vmem>>
    %dma_start3A_26 = tpu.memref_squeeze %dma_start3A_25 : memref<1x128xi32, #tpu.memory_space<vmem>> -> memref<128xi32, #tpu.memory_space<vmem>>
    %dma_start3A_27 = arith.constant 0 : i32
    %dma_start3A_28 = arith.constant 0 : i32
    %dma_start3A_29 = tpu.memref_slice %arg16[%dma_start3A_27, %dma_start3A_28] : memref<10240x16xf32, #tpu.memory_space<vmem_shared>> -> memref<10240x16xf32, #tpu.memory_space<vmem_shared>>
    tpu.enqueue_indirect_dma source(%dma_start3A_29 : memref<10240x16xf32, #tpu.memory_space<vmem_shared>>) target(%arg10 : memref<128x16xf32, #tpu.memory_space<vmem>>) offsets(%dma_start3A_26 : memref<128xi32, #tpu.memory_space<vmem>>) semaphore(%arg20 : memref<!tpu.dma_semaphore, #tpu.memory_space<semaphore_mem>>)
    %dma_start3A_30 = arith.constant 3 : i32
    %dma_start3A_31 = arith.constant 0 : i32
    %dma_start3A_32 = tpu.memref_slice %arg6[%dma_start3A_30, %dma_start3A_31] : memref<80x128xi32, #tpu.memory_space<vmem>> -> memref<1x128xi32, #tpu.memory_space<vmem>>
    %dma_start3A_33 = tpu.memref_squeeze %dma_start3A_32 : memref<1x128xi32, #tpu.memory_space<vmem>> -> memref<128xi32, #tpu.memory_space<vmem>>
    %dma_start3A_34 = arith.constant 0 : i32
    %dma_start3A_35 = arith.constant 0 : i32
    %dma_start3A_36 = tpu.memref_slice %arg16[%dma_start3A_34, %dma_start3A_35] : memref<10240x16xf32, #tpu.memory_space<vmem_shared>> -> memref<10240x16xf32, #tpu.memory_space<vmem_shared>>
    tpu.enqueue_indirect_dma source(%dma_start3A_36 : memref<10240x16xf32, #tpu.memory_space<vmem_shared>>) target(%arg11 : memref<128x16xf32, #tpu.memory_space<vmem>>) offsets(%dma_start3A_33 : memref<128xi32, #tpu.memory_space<vmem>>) semaphore(%arg21 : memref<!tpu.dma_semaphore, #tpu.memory_space<semaphore_mem>>)
    %dma_start3A_37 = arith.constant 4 : i32
    %dma_start3A_38 = arith.constant 0 : i32
    %dma_start3A_39 = tpu.memref_slice %arg6[%dma_start3A_37, %dma_start3A_38] : memref<80x128xi32, #tpu.memory_space<vmem>> -> memref<1x128xi32, #tpu.memory_space<vmem>>
    %dma_start3A_40 = tpu.memref_squeeze %dma_start3A_39 : memref<1x128xi32, #tpu.memory_space<vmem>> -> memref<128xi32, #tpu.memory_space<vmem>>
    %dma_start3A_41 = arith.constant 0 : i32
    %dma_start3A_42 = arith.constant 0 : i32
    %dma_start3A_43 = tpu.memref_slice %arg16[%dma_start3A_41, %dma_start3A_42] : memref<10240x16xf32, #tpu.memory_space<vmem_shared>> -> memref<10240x16xf32, #tpu.memory_space<vmem_shared>>
    tpu.enqueue_indirect_dma source(%dma_start3A_43 : memref<10240x16xf32, #tpu.memory_space<vmem_shared>>) target(%arg12 : memref<128x16xf32, #tpu.memory_space<vmem>>) offsets(%dma_start3A_40 : memref<128xi32, #tpu.memory_space<vmem>>) semaphore(%arg22 : memref<!tpu.dma_semaphore, #tpu.memory_space<semaphore_mem>>)
    %dma_start3A_44 = arith.constant 5 : i32
    %dma_start3A_45 = arith.constant 0 : i32
    %dma_start3A_46 = tpu.memref_slice %arg6[%dma_start3A_44, %dma_start3A_45] : memref<80x128xi32, #tpu.memory_space<vmem>> -> memref<1x128xi32, #tpu.memory_space<vmem>>
    %dma_start3A_47 = tpu.memref_squeeze %dma_start3A_46 : memref<1x128xi32, #tpu.memory_space<vmem>> -> memref<128xi32, #tpu.memory_space<vmem>>
    %dma_start3A_48 = arith.constant 0 : i32
    %dma_start3A_49 = arith.constant 0 : i32
    %dma_start3A_50 = tpu.memref_slice %arg16[%dma_start3A_48, %dma_start3A_49] : memref<10240x16xf32, #tpu.memory_space<vmem_shared>> -> memref<10240x16xf32, #tpu.memory_space<vmem_shared>>
    tpu.enqueue_indirect_dma source(%dma_start3A_50 : memref<10240x16xf32, #tpu.memory_space<vmem_shared>>) target(%arg13 : memref<128x16xf32, #tpu.memory_space<vmem>>) offsets(%dma_start3A_47 : memref<128xi32, #tpu.memory_space<vmem>>) semaphore(%arg23 : memref<!tpu.dma_semaphore, #tpu.memory_space<semaphore_mem>>)
    %dma_start3A_51 = arith.constant 6 : i32
    %dma_start3A_52 = arith.constant 0 : i32
    %dma_start3A_53 = tpu.memref_slice %arg6[%dma_start3A_51, %dma_start3A_52] : memref<80x128xi32, #tpu.memory_space<vmem>> -> memref<1x128xi32, #tpu.memory_space<vmem>>
    %dma_start3A_54 = tpu.memref_squeeze %dma_start3A_53 : memref<1x128xi32, #tpu.memory_space<vmem>> -> memref<128xi32, #tpu.memory_space<vmem>>
    %dma_start3A_55 = arith.constant 0 : i32
    %dma_start3A_56 = arith.constant 0 : i32
    %dma_start3A_57 = tpu.memref_slice %arg16[%dma_start3A_55, %dma_start3A_56] : memref<10240x16xf32, #tpu.memory_space<vmem_shared>> -> memref<10240x16xf32, #tpu.memory_space<vmem_shared>>
    tpu.enqueue_indirect_dma source(%dma_start3A_57 : memref<10240x16xf32, #tpu.memory_space<vmem_shared>>) target(%arg14 : memref<128x16xf32, #tpu.memory_space<vmem>>) offsets(%dma_start3A_54 : memref<128xi32, #tpu.memory_space<vmem>>) semaphore(%arg24 : memref<!tpu.dma_semaphore, #tpu.memory_space<semaphore_mem>>)
    %dma_start3A_58 = arith.constant 7 : i32
    %dma_start3A_59 = arith.constant 0 : i32
    %dma_start3A_60 = tpu.memref_slice %arg6[%dma_start3A_58, %dma_start3A_59] : memref<80x128xi32, #tpu.memory_space<vmem>> -> memref<1x128xi32, #tpu.memory_space<vmem>>
    %dma_start3A_61 = tpu.memref_squeeze %dma_start3A_60 : memref<1x128xi32, #tpu.memory_space<vmem>> -> memref<128xi32, #tpu.memory_space<vmem>>
    %dma_start3A_62 = arith.constant 0 : i32
    %dma_start3A_63 = arith.constant 0 : i32
    %dma_start3A_64 = tpu.memref_slice %arg16[%dma_start3A_62, %dma_start3A_63] : memref<10240x16xf32, #tpu.memory_space<vmem_shared>> -> memref<10240x16xf32, #tpu.memory_space<vmem_shared>>
    tpu.enqueue_indirect_dma source(%dma_start3A_64 : memref<10240x16xf32, #tpu.memory_space<vmem_shared>>) target(%arg15 : memref<128x16xf32, #tpu.memory_space<vmem>>) offsets(%dma_start3A_61 : memref<128xi32, #tpu.memory_space<vmem>>) semaphore(%arg25 : memref<!tpu.dma_semaphore, #tpu.memory_space<semaphore_mem>>)
    %scan3A = arith.constant 0 : i32
    %scan3A_65 = arith.constant 0 : i32
    %scan3A_66 = arith.constant 9 : i32
    %scan3A_67 = arith.addi %scan3A_65, %scan3A_66 : i32
    %scan3A_68 = arith.constant 1 : i32
    scf.for %scan3A_138 = %scan3A_65 to %scan3A_67 step %scan3A_68  : i32 {
      %mul3A_139 = arith.constant 8 : i32
      %mul3A_140 = arith.muli %scan3A_138, %mul3A_139 : i32
      %add3A_141 = arith.constant 0 : i32
      %add3A_142 = arith.addi %mul3A_140, %add3A_141 : i32
      %dma_wait3A_143 = arith.constant 0 : i32
      %dma_wait3A_144 = arith.constant 0 : i32
      %dma_wait3A_145 = tpu.memref_slice %arg6[%dma_wait3A_143, %dma_wait3A_144] : memref<80x128xi32, #tpu.memory_space<vmem>> -> memref<1x128xi32, #tpu.memory_space<vmem>>
      %dma_wait3A_146 = tpu.memref_squeeze %dma_wait3A_145 : memref<1x128xi32, #tpu.memory_space<vmem>> -> memref<128xi32, #tpu.memory_space<vmem>>
      %dma_wait3A_147 = arith.constant 0 : i32
      %dma_wait3A_148 = arith.constant 0 : i32
      %dma_wait3A_149 = tpu.memref_slice %arg16[%dma_wait3A_147, %dma_wait3A_148] : memref<10240x16xf32, #tpu.memory_space<vmem_shared>> -> memref<10240x16xf32, #tpu.memory_space<vmem_shared>>
      tpu.wait_indirect_dma semaphore(%arg18 : memref<!tpu.dma_semaphore, #tpu.memory_space<semaphore_mem>>) src(%dma_wait3A_149 : memref<10240x16xf32, #tpu.memory_space<vmem_shared>>) dst(%arg8 : memref<128x16xf32, #tpu.memory_space<vmem>>)
      "tpu.region"() ({
        %run_scoped3A_277 = tpu.sem_alloc : memref<!tpu.dma_semaphore, #tpu.memory_space<semaphore_mem>>
        %dma_start3A_278 = arith.constant 0 : i32
        %dma_start3A_279 = tpu.memref_slice %arg7[%add3A_142, %dma_start3A_278] : memref<80x128xi32, #tpu.memory_space<vmem>> -> memref<1x128xi32, #tpu.memory_space<vmem>>
        %dma_start3A_280 = tpu.memref_squeeze %dma_start3A_279 : memref<1x128xi32, #tpu.memory_space<vmem>> -> memref<128xi32, #tpu.memory_space<vmem>>
        %dma_start3A_281 = arith.constant 0 : i32
        %dma_start3A_282 = arith.constant 0 : i32
        %dma_start3A_283 = tpu.memref_slice %arg17[%dma_start3A_281, %dma_start3A_282] : memref<10240x16xf32, #tpu.memory_space<vmem_shared>> -> memref<10240x16xf32, #tpu.memory_space<vmem_shared>>
        tpu.enqueue_indirect_dma source(%arg8 : memref<128x16xf32, #tpu.memory_space<vmem>>) target(%dma_start3A_283 : memref<10240x16xf32, #tpu.memory_space<vmem_shared>>) offsets(%dma_start3A_280 : memref<128xi32, #tpu.memory_space<vmem>>) semaphore(%run_scoped3A_277 : memref<!tpu.dma_semaphore, #tpu.memory_space<semaphore_mem>>) {add = true}
        %dma_wait3A_284 = arith.constant 0 : i32
        %dma_wait3A_285 = tpu.memref_slice %arg7[%add3A_142, %dma_wait3A_284] : memref<80x128xi32, #tpu.memory_space<vmem>> -> memref<1x128xi32, #tpu.memory_space<vmem>>
        %dma_wait3A_286 = tpu.memref_squeeze %dma_wait3A_285 : memref<1x128xi32, #tpu.memory_space<vmem>> -> memref<128xi32, #tpu.memory_space<vmem>>
        %dma_wait3A_287 = arith.constant 0 : i32
        %dma_wait3A_288 = arith.constant 0 : i32
        %dma_wait3A_289 = tpu.memref_slice %arg17[%dma_wait3A_287, %dma_wait3A_288] : memref<10240x16xf32, #tpu.memory_space<vmem_shared>> -> memref<10240x16xf32, #tpu.memory_space<vmem_shared>>
        tpu.wait_indirect_dma semaphore(%run_scoped3A_277 : memref<!tpu.dma_semaphore, #tpu.memory_space<semaphore_mem>>) src(%arg8 : memref<128x16xf32, #tpu.memory_space<vmem>>) dst(%dma_wait3A_289 : memref<10240x16xf32, #tpu.memory_space<vmem_shared>>)
        tpu.yield
      }) : () -> ()
      %add3A_150 = arith.constant 8 : i32
      %add3A_151 = arith.addi %add3A_142, %add3A_150 : i32
      %dma_start3A_152 = arith.constant 0 : i32
      %dma_start3A_153 = tpu.memref_slice %arg6[%add3A_151, %dma_start3A_152] : memref<80x128xi32, #tpu.memory_space<vmem>> -> memref<1x128xi32, #tpu.memory_space<vmem>>
      %dma_start3A_154 = tpu.memref_squeeze %dma_start3A_153 : memref<1x128xi32, #tpu.memory_space<vmem>> -> memref<128xi32, #tpu.memory_space<vmem>>
      %dma_start3A_155 = arith.constant 0 : i32
      %dma_start3A_156 = arith.constant 0 : i32
      %dma_start3A_157 = tpu.memref_slice %arg16[%dma_start3A_155, %dma_start3A_156] : memref<10240x16xf32, #tpu.memory_space<vmem_shared>> -> memref<10240x16xf32, #tpu.memory_space<vmem_shared>>
      tpu.enqueue_indirect_dma source(%dma_start3A_157 : memref<10240x16xf32, #tpu.memory_space<vmem_shared>>) target(%arg8 : memref<128x16xf32, #tpu.memory_space<vmem>>) offsets(%dma_start3A_154 : memref<128xi32, #tpu.memory_space<vmem>>) semaphore(%arg18 : memref<!tpu.dma_semaphore, #tpu.memory_space<semaphore_mem>>)
      %add3A_158 = arith.constant 1 : i32
      %add3A_159 = arith.addi %mul3A_140, %add3A_158 : i32
      %dma_wait3A_160 = arith.constant 0 : i32
      %dma_wait3A_161 = arith.constant 0 : i32
      %dma_wait3A_162 = tpu.memref_slice %arg6[%dma_wait3A_160, %dma_wait3A_161] : memref<80x128xi32, #tpu.memory_space<vmem>> -> memref<1x128xi32, #tpu.memory_space<vmem>>
      %dma_wait3A_163 = tpu.memref_squeeze %dma_wait3A_162 : memref<1x128xi32, #tpu.memory_space<vmem>> -> memref<128xi32, #tpu.memory_space<vmem>>
      %dma_wait3A_164 = arith.constant 0 : i32
      %dma_wait3A_165 = arith.constant 0 : i32
      %dma_wait3A_166 = tpu.memref_slice %arg16[%dma_wait3A_164, %dma_wait3A_165] : memref<10240x16xf32, #tpu.memory_space<vmem_shared>> -> memref<10240x16xf32, #tpu.memory_space<vmem_shared>>
      tpu.wait_indirect_dma semaphore(%arg19 : memref<!tpu.dma_semaphore, #tpu.memory_space<semaphore_mem>>) src(%dma_wait3A_166 : memref<10240x16xf32, #tpu.memory_space<vmem_shared>>) dst(%arg9 : memref<128x16xf32, #tpu.memory_space<vmem>>)
      "tpu.region"() ({
        %run_scoped3A_277 = tpu.sem_alloc : memref<!tpu.dma_semaphore, #tpu.memory_space<semaphore_mem>>
        %dma_start3A_278 = arith.constant 0 : i32
        %dma_start3A_279 = tpu.memref_slice %arg7[%add3A_159, %dma_start3A_278] : memref<80x128xi32, #tpu.memory_space<vmem>> -> memref<1x128xi32, #tpu.memory_space<vmem>>
        %dma_start3A_280 = tpu.memref_squeeze %dma_start3A_279 : memref<1x128xi32, #tpu.memory_space<vmem>> -> memref<128xi32, #tpu.memory_space<vmem>>
        %dma_start3A_281 = arith.constant 0 : i32
        %dma_start3A_282 = arith.constant 0 : i32
        %dma_start3A_283 = tpu.memref_slice %arg17[%dma_start3A_281, %dma_start3A_282] : memref<10240x16xf32, #tpu.memory_space<vmem_shared>> -> memref<10240x16xf32, #tpu.memory_space<vmem_shared>>
        tpu.enqueue_indirect_dma source(%arg9 : memref<128x16xf32, #tpu.memory_space<vmem>>) target(%dma_start3A_283 : memref<10240x16xf32, #tpu.memory_space<vmem_shared>>) offsets(%dma_start3A_280 : memref<128xi32, #tpu.memory_space<vmem>>) semaphore(%run_scoped3A_277 : memref<!tpu.dma_semaphore, #tpu.memory_space<semaphore_mem>>) {add = true}
        %dma_wait3A_284 = arith.constant 0 : i32
        %dma_wait3A_285 = tpu.memref_slice %arg7[%add3A_159, %dma_wait3A_284] : memref<80x128xi32, #tpu.memory_space<vmem>> -> memref<1x128xi32, #tpu.memory_space<vmem>>
        %dma_wait3A_286 = tpu.memref_squeeze %dma_wait3A_285 : memref<1x128xi32, #tpu.memory_space<vmem>> -> memref<128xi32, #tpu.memory_space<vmem>>
        %dma_wait3A_287 = arith.constant 0 : i32
        %dma_wait3A_288 = arith.constant 0 : i32
        %dma_wait3A_289 = tpu.memref_slice %arg17[%dma_wait3A_287, %dma_wait3A_288] : memref<10240x16xf32, #tpu.memory_space<vmem_shared>> -> memref<10240x16xf32, #tpu.memory_space<vmem_shared>>
        tpu.wait_indirect_dma semaphore(%run_scoped3A_277 : memref<!tpu.dma_semaphore, #tpu.memory_space<semaphore_mem>>) src(%arg9 : memref<128x16xf32, #tpu.memory_space<vmem>>) dst(%dma_wait3A_289 : memref<10240x16xf32, #tpu.memory_space<vmem_shared>>)
        tpu.yield
      }) : () -> ()
      %add3A_167 = arith.constant 8 : i32
      %add3A_168 = arith.addi %add3A_159, %add3A_167 : i32
      %dma_start3A_169 = arith.constant 0 : i32
      %dma_start3A_170 = tpu.memref_slice %arg6[%add3A_168, %dma_start3A_169] : memref<80x128xi32, #tpu.memory_space<vmem>> -> memref<1x128xi32, #tpu.memory_space<vmem>>
      %dma_start3A_171 = tpu.memref_squeeze %dma_start3A_170 : memref<1x128xi32, #tpu.memory_space<vmem>> -> memref<128xi32, #tpu.memory_space<vmem>>
      %dma_start3A_172 = arith.constant 0 : i32
      %dma_start3A_173 = arith.constant 0 : i32
      %dma_start3A_174 = tpu.memref_slice %arg16[%dma_start3A_172, %dma_start3A_173] : memref<10240x16xf32, #tpu.memory_space<vmem_shared>> -> memref<10240x16xf32, #tpu.memory_space<vmem_shared>>
      tpu.enqueue_indirect_dma source(%dma_start3A_174 : memref<10240x16xf32, #tpu.memory_space<vmem_shared>>) target(%arg9 : memref<128x16xf32, #tpu.memory_space<vmem>>) offsets(%dma_start3A_171 : memref<128xi32, #tpu.memory_space<vmem>>) semaphore(%arg19 : memref<!tpu.dma_semaphore, #tpu.memory_space<semaphore_mem>>)
      %add3A_175 = arith.constant 2 : i32
      %add3A_176 = arith.addi %mul3A_140, %add3A_175 : i32
      %dma_wait3A_177 = arith.constant 0 : i32
      %dma_wait3A_178 = arith.constant 0 : i32
      %dma_wait3A_179 = tpu.memref_slice %arg6[%dma_wait3A_177, %dma_wait3A_178] : memref<80x128xi32, #tpu.memory_space<vmem>> -> memref<1x128xi32, #tpu.memory_space<vmem>>
      %dma_wait3A_180 = tpu.memref_squeeze %dma_wait3A_179 : memref<1x128xi32, #tpu.memory_space<vmem>> -> memref<128xi32, #tpu.memory_space<vmem>>
      %dma_wait3A_181 = arith.constant 0 : i32
      %dma_wait3A_182 = arith.constant 0 : i32
      %dma_wait3A_183 = tpu.memref_slice %arg16[%dma_wait3A_181, %dma_wait3A_182] : memref<10240x16xf32, #tpu.memory_space<vmem_shared>> -> memref<10240x16xf32, #tpu.memory_space<vmem_shared>>
      tpu.wait_indirect_dma semaphore(%arg20 : memref<!tpu.dma_semaphore, #tpu.memory_space<semaphore_mem>>) src(%dma_wait3A_183 : memref<10240x16xf32, #tpu.memory_space<vmem_shared>>) dst(%arg10 : memref<128x16xf32, #tpu.memory_space<vmem>>)
      "tpu.region"() ({
        %run_scoped3A_277 = tpu.sem_alloc : memref<!tpu.dma_semaphore, #tpu.memory_space<semaphore_mem>>
        %dma_start3A_278 = arith.constant 0 : i32
        %dma_start3A_279 = tpu.memref_slice %arg7[%add3A_176, %dma_start3A_278] : memref<80x128xi32, #tpu.memory_space<vmem>> -> memref<1x128xi32, #tpu.memory_space<vmem>>
        %dma_start3A_280 = tpu.memref_squeeze %dma_start3A_279 : memref<1x128xi32, #tpu.memory_space<vmem>> -> memref<128xi32, #tpu.memory_space<vmem>>
        %dma_start3A_281 = arith.constant 0 : i32
        %dma_start3A_282 = arith.constant 0 : i32
        %dma_start3A_283 = tpu.memref_slice %arg17[%dma_start3A_281, %dma_start3A_282] : memref<10240x16xf32, #tpu.memory_space<vmem_shared>> -> memref<10240x16xf32, #tpu.memory_space<vmem_shared>>
        tpu.enqueue_indirect_dma source(%arg10 : memref<128x16xf32, #tpu.memory_space<vmem>>) target(%dma_start3A_283 : memref<10240x16xf32, #tpu.memory_space<vmem_shared>>) offsets(%dma_start3A_280 : memref<128xi32, #tpu.memory_space<vmem>>) semaphore(%run_scoped3A_277 : memref<!tpu.dma_semaphore, #tpu.memory_space<semaphore_mem>>) {add = true}
        %dma_wait3A_284 = arith.constant 0 : i32
        %dma_wait3A_285 = tpu.memref_slice %arg7[%add3A_176, %dma_wait3A_284] : memref<80x128xi32, #tpu.memory_space<vmem>> -> memref<1x128xi32, #tpu.memory_space<vmem>>
        %dma_wait3A_286 = tpu.memref_squeeze %dma_wait3A_285 : memref<1x128xi32, #tpu.memory_space<vmem>> -> memref<128xi32, #tpu.memory_space<vmem>>
        %dma_wait3A_287 = arith.constant 0 : i32
        %dma_wait3A_288 = arith.constant 0 : i32
        %dma_wait3A_289 = tpu.memref_slice %arg17[%dma_wait3A_287, %dma_wait3A_288] : memref<10240x16xf32, #tpu.memory_space<vmem_shared>> -> memref<10240x16xf32, #tpu.memory_space<vmem_shared>>
        tpu.wait_indirect_dma semaphore(%run_scoped3A_277 : memref<!tpu.dma_semaphore, #tpu.memory_space<semaphore_mem>>) src(%arg10 : memref<128x16xf32, #tpu.memory_space<vmem>>) dst(%dma_wait3A_289 : memref<10240x16xf32, #tpu.memory_space<vmem_shared>>)
        tpu.yield
      }) : () -> ()
      %add3A_184 = arith.constant 8 : i32
      %add3A_185 = arith.addi %add3A_176, %add3A_184 : i32
      %dma_start3A_186 = arith.constant 0 : i32
      %dma_start3A_187 = tpu.memref_slice %arg6[%add3A_185, %dma_start3A_186] : memref<80x128xi32, #tpu.memory_space<vmem>> -> memref<1x128xi32, #tpu.memory_space<vmem>>
      %dma_start3A_188 = tpu.memref_squeeze %dma_start3A_187 : memref<1x128xi32, #tpu.memory_space<vmem>> -> memref<128xi32, #tpu.memory_space<vmem>>
      %dma_start3A_189 = arith.constant 0 : i32
      %dma_start3A_190 = arith.constant 0 : i32
      %dma_start3A_191 = tpu.memref_slice %arg16[%dma_start3A_189, %dma_start3A_190] : memref<10240x16xf32, #tpu.memory_space<vmem_shared>> -> memref<10240x16xf32, #tpu.memory_space<vmem_shared>>
      tpu.enqueue_indirect_dma source(%dma_start3A_191 : memref<10240x16xf32, #tpu.memory_space<vmem_shared>>) target(%arg10 : memref<128x16xf32, #tpu.memory_space<vmem>>) offsets(%dma_start3A_188 : memref<128xi32, #tpu.memory_space<vmem>>) semaphore(%arg20 : memref<!tpu.dma_semaphore, #tpu.memory_space<semaphore_mem>>)
      %add3A_192 = arith.constant 3 : i32
      %add3A_193 = arith.addi %mul3A_140, %add3A_192 : i32
      %dma_wait3A_194 = arith.constant 0 : i32
      %dma_wait3A_195 = arith.constant 0 : i32
      %dma_wait3A_196 = tpu.memref_slice %arg6[%dma_wait3A_194, %dma_wait3A_195] : memref<80x128xi32, #tpu.memory_space<vmem>> -> memref<1x128xi32, #tpu.memory_space<vmem>>
      %dma_wait3A_197 = tpu.memref_squeeze %dma_wait3A_196 : memref<1x128xi32, #tpu.memory_space<vmem>> -> memref<128xi32, #tpu.memory_space<vmem>>
      %dma_wait3A_198 = arith.constant 0 : i32
      %dma_wait3A_199 = arith.constant 0 : i32
      %dma_wait3A_200 = tpu.memref_slice %arg16[%dma_wait3A_198, %dma_wait3A_199] : memref<10240x16xf32, #tpu.memory_space<vmem_shared>> -> memref<10240x16xf32, #tpu.memory_space<vmem_shared>>
      tpu.wait_indirect_dma semaphore(%arg21 : memref<!tpu.dma_semaphore, #tpu.memory_space<semaphore_mem>>) src(%dma_wait3A_200 : memref<10240x16xf32, #tpu.memory_space<vmem_shared>>) dst(%arg11 : memref<128x16xf32, #tpu.memory_space<vmem>>)
      "tpu.region"() ({
        %run_scoped3A_277 = tpu.sem_alloc : memref<!tpu.dma_semaphore, #tpu.memory_space<semaphore_mem>>
        %dma_start3A_278 = arith.constant 0 : i32
        %dma_start3A_279 = tpu.memref_slice %arg7[%add3A_193, %dma_start3A_278] : memref<80x128xi32, #tpu.memory_space<vmem>> -> memref<1x128xi32, #tpu.memory_space<vmem>>
        %dma_start3A_280 = tpu.memref_squeeze %dma_start3A_279 : memref<1x128xi32, #tpu.memory_space<vmem>> -> memref<128xi32, #tpu.memory_space<vmem>>
        %dma_start3A_281 = arith.constant 0 : i32
        %dma_start3A_282 = arith.constant 0 : i32
        %dma_start3A_283 = tpu.memref_slice %arg17[%dma_start3A_281, %dma_start3A_282] : memref<10240x16xf32, #tpu.memory_space<vmem_shared>> -> memref<10240x16xf32, #tpu.memory_space<vmem_shared>>
        tpu.enqueue_indirect_dma source(%arg11 : memref<128x16xf32, #tpu.memory_space<vmem>>) target(%dma_start3A_283 : memref<10240x16xf32, #tpu.memory_space<vmem_shared>>) offsets(%dma_start3A_280 : memref<128xi32, #tpu.memory_space<vmem>>) semaphore(%run_scoped3A_277 : memref<!tpu.dma_semaphore, #tpu.memory_space<semaphore_mem>>) {add = true}
        %dma_wait3A_284 = arith.constant 0 : i32
        %dma_wait3A_285 = tpu.memref_slice %arg7[%add3A_193, %dma_wait3A_284] : memref<80x128xi32, #tpu.memory_space<vmem>> -> memref<1x128xi32, #tpu.memory_space<vmem>>
        %dma_wait3A_286 = tpu.memref_squeeze %dma_wait3A_285 : memref<1x128xi32, #tpu.memory_space<vmem>> -> memref<128xi32, #tpu.memory_space<vmem>>
        %dma_wait3A_287 = arith.constant 0 : i32
        %dma_wait3A_288 = arith.constant 0 : i32
        %dma_wait3A_289 = tpu.memref_slice %arg17[%dma_wait3A_287, %dma_wait3A_288] : memref<10240x16xf32, #tpu.memory_space<vmem_shared>> -> memref<10240x16xf32, #tpu.memory_space<vmem_shared>>
        tpu.wait_indirect_dma semaphore(%run_scoped3A_277 : memref<!tpu.dma_semaphore, #tpu.memory_space<semaphore_mem>>) src(%arg11 : memref<128x16xf32, #tpu.memory_space<vmem>>) dst(%dma_wait3A_289 : memref<10240x16xf32, #tpu.memory_space<vmem_shared>>)
        tpu.yield
      }) : () -> ()
      %add3A_201 = arith.constant 8 : i32
      %add3A_202 = arith.addi %add3A_193, %add3A_201 : i32
      %dma_start3A_203 = arith.constant 0 : i32
      %dma_start3A_204 = tpu.memref_slice %arg6[%add3A_202, %dma_start3A_203] : memref<80x128xi32, #tpu.memory_space<vmem>> -> memref<1x128xi32, #tpu.memory_space<vmem>>
      %dma_start3A_205 = tpu.memref_squeeze %dma_start3A_204 : memref<1x128xi32, #tpu.memory_space<vmem>> -> memref<128xi32, #tpu.memory_space<vmem>>
      %dma_start3A_206 = arith.constant 0 : i32
      %dma_start3A_207 = arith.constant 0 : i32
      %dma_start3A_208 = tpu.memref_slice %arg16[%dma_start3A_206, %dma_start3A_207] : memref<10240x16xf32, #tpu.memory_space<vmem_shared>> -> memref<10240x16xf32, #tpu.memory_space<vmem_shared>>
      tpu.enqueue_indirect_dma source(%dma_start3A_208 : memref<10240x16xf32, #tpu.memory_space<vmem_shared>>) target(%arg11 : memref<128x16xf32, #tpu.memory_space<vmem>>) offsets(%dma_start3A_205 : memref<128xi32, #tpu.memory_space<vmem>>) semaphore(%arg21 : memref<!tpu.dma_semaphore, #tpu.memory_space<semaphore_mem>>)
      %add3A_209 = arith.constant 4 : i32
      %add3A_210 = arith.addi %mul3A_140, %add3A_209 : i32
      %dma_wait3A_211 = arith.constant 0 : i32
      %dma_wait3A_212 = arith.constant 0 : i32
      %dma_wait3A_213 = tpu.memref_slice %arg6[%dma_wait3A_211, %dma_wait3A_212] : memref<80x128xi32, #tpu.memory_space<vmem>> -> memref<1x128xi32, #tpu.memory_space<vmem>>
      %dma_wait3A_214 = tpu.memref_squeeze %dma_wait3A_213 : memref<1x128xi32, #tpu.memory_space<vmem>> -> memref<128xi32, #tpu.memory_space<vmem>>
      %dma_wait3A_215 = arith.constant 0 : i32
      %dma_wait3A_216 = arith.constant 0 : i32
      %dma_wait3A_217 = tpu.memref_slice %arg16[%dma_wait3A_215, %dma_wait3A_216] : memref<10240x16xf32, #tpu.memory_space<vmem_shared>> -> memref<10240x16xf32, #tpu.memory_space<vmem_shared>>
      tpu.wait_indirect_dma semaphore(%arg22 : memref<!tpu.dma_semaphore, #tpu.memory_space<semaphore_mem>>) src(%dma_wait3A_217 : memref<10240x16xf32, #tpu.memory_space<vmem_shared>>) dst(%arg12 : memref<128x16xf32, #tpu.memory_space<vmem>>)
      "tpu.region"() ({
        %run_scoped3A_277 = tpu.sem_alloc : memref<!tpu.dma_semaphore, #tpu.memory_space<semaphore_mem>>
        %dma_start3A_278 = arith.constant 0 : i32
        %dma_start3A_279 = tpu.memref_slice %arg7[%add3A_210, %dma_start3A_278] : memref<80x128xi32, #tpu.memory_space<vmem>> -> memref<1x128xi32, #tpu.memory_space<vmem>>
        %dma_start3A_280 = tpu.memref_squeeze %dma_start3A_279 : memref<1x128xi32, #tpu.memory_space<vmem>> -> memref<128xi32, #tpu.memory_space<vmem>>
        %dma_start3A_281 = arith.constant 0 : i32
        %dma_start3A_282 = arith.constant 0 : i32
        %dma_start3A_283 = tpu.memref_slice %arg17[%dma_start3A_281, %dma_start3A_282] : memref<10240x16xf32, #tpu.memory_space<vmem_shared>> -> memref<10240x16xf32, #tpu.memory_space<vmem_shared>>
        tpu.enqueue_indirect_dma source(%arg12 : memref<128x16xf32, #tpu.memory_space<vmem>>) target(%dma_start3A_283 : memref<10240x16xf32, #tpu.memory_space<vmem_shared>>) offsets(%dma_start3A_280 : memref<128xi32, #tpu.memory_space<vmem>>) semaphore(%run_scoped3A_277 : memref<!tpu.dma_semaphore, #tpu.memory_space<semaphore_mem>>) {add = true}
        %dma_wait3A_284 = arith.constant 0 : i32
        %dma_wait3A_285 = tpu.memref_slice %arg7[%add3A_210, %dma_wait3A_284] : memref<80x128xi32, #tpu.memory_space<vmem>> -> memref<1x128xi32, #tpu.memory_space<vmem>>
        %dma_wait3A_286 = tpu.memref_squeeze %dma_wait3A_285 : memref<1x128xi32, #tpu.memory_space<vmem>> -> memref<128xi32, #tpu.memory_space<vmem>>
        %dma_wait3A_287 = arith.constant 0 : i32
        %dma_wait3A_288 = arith.constant 0 : i32
        %dma_wait3A_289 = tpu.memref_slice %arg17[%dma_wait3A_287, %dma_wait3A_288] : memref<10240x16xf32, #tpu.memory_space<vmem_shared>> -> memref<10240x16xf32, #tpu.memory_space<vmem_shared>>
        tpu.wait_indirect_dma semaphore(%run_scoped3A_277 : memref<!tpu.dma_semaphore, #tpu.memory_space<semaphore_mem>>) src(%arg12 : memref<128x16xf32, #tpu.memory_space<vmem>>) dst(%dma_wait3A_289 : memref<10240x16xf32, #tpu.memory_space<vmem_shared>>)
        tpu.yield
      }) : () -> ()
      %add3A_218 = arith.constant 8 : i32
      %add3A_219 = arith.addi %add3A_210, %add3A_218 : i32
      %dma_start3A_220 = arith.constant 0 : i32
      %dma_start3A_221 = tpu.memref_slice %arg6[%add3A_219, %dma_start3A_220] : memref<80x128xi32, #tpu.memory_space<vmem>> -> memref<1x128xi32, #tpu.memory_space<vmem>>
      %dma_start3A_222 = tpu.memref_squeeze %dma_start3A_221 : memref<1x128xi32, #tpu.memory_space<vmem>> -> memref<128xi32, #tpu.memory_space<vmem>>
      %dma_start3A_223 = arith.constant 0 : i32
      %dma_start3A_224 = arith.constant 0 : i32
      %dma_start3A_225 = tpu.memref_slice %arg16[%dma_start3A_223, %dma_start3A_224] : memref<10240x16xf32, #tpu.memory_space<vmem_shared>> -> memref<10240x16xf32, #tpu.memory_space<vmem_shared>>
      tpu.enqueue_indirect_dma source(%dma_start3A_225 : memref<10240x16xf32, #tpu.memory_space<vmem_shared>>) target(%arg12 : memref<128x16xf32, #tpu.memory_space<vmem>>) offsets(%dma_start3A_222 : memref<128xi32, #tpu.memory_space<vmem>>) semaphore(%arg22 : memref<!tpu.dma_semaphore, #tpu.memory_space<semaphore_mem>>)
      %add3A_226 = arith.constant 5 : i32
      %add3A_227 = arith.addi %mul3A_140, %add3A_226 : i32
      %dma_wait3A_228 = arith.constant 0 : i32
      %dma_wait3A_229 = arith.constant 0 : i32
      %dma_wait3A_230 = tpu.memref_slice %arg6[%dma_wait3A_228, %dma_wait3A_229] : memref<80x128xi32, #tpu.memory_space<vmem>> -> memref<1x128xi32, #tpu.memory_space<vmem>>
      %dma_wait3A_231 = tpu.memref_squeeze %dma_wait3A_230 : memref<1x128xi32, #tpu.memory_space<vmem>> -> memref<128xi32, #tpu.memory_space<vmem>>
      %dma_wait3A_232 = arith.constant 0 : i32
      %dma_wait3A_233 = arith.constant 0 : i32
      %dma_wait3A_234 = tpu.memref_slice %arg16[%dma_wait3A_232, %dma_wait3A_233] : memref<10240x16xf32, #tpu.memory_space<vmem_shared>> -> memref<10240x16xf32, #tpu.memory_space<vmem_shared>>
      tpu.wait_indirect_dma semaphore(%arg23 : memref<!tpu.dma_semaphore, #tpu.memory_space<semaphore_mem>>) src(%dma_wait3A_234 : memref<10240x16xf32, #tpu.memory_space<vmem_shared>>) dst(%arg13 : memref<128x16xf32, #tpu.memory_space<vmem>>)
      "tpu.region"() ({
        %run_scoped3A_277 = tpu.sem_alloc : memref<!tpu.dma_semaphore, #tpu.memory_space<semaphore_mem>>
        %dma_start3A_278 = arith.constant 0 : i32
        %dma_start3A_279 = tpu.memref_slice %arg7[%add3A_227, %dma_start3A_278] : memref<80x128xi32, #tpu.memory_space<vmem>> -> memref<1x128xi32, #tpu.memory_space<vmem>>
        %dma_start3A_280 = tpu.memref_squeeze %dma_start3A_279 : memref<1x128xi32, #tpu.memory_space<vmem>> -> memref<128xi32, #tpu.memory_space<vmem>>
        %dma_start3A_281 = arith.constant 0 : i32
        %dma_start3A_282 = arith.constant 0 : i32
        %dma_start3A_283 = tpu.memref_slice %arg17[%dma_start3A_281, %dma_start3A_282] : memref<10240x16xf32, #tpu.memory_space<vmem_shared>> -> memref<10240x16xf32, #tpu.memory_space<vmem_shared>>
        tpu.enqueue_indirect_dma source(%arg13 : memref<128x16xf32, #tpu.memory_space<vmem>>) target(%dma_start3A_283 : memref<10240x16xf32, #tpu.memory_space<vmem_shared>>) offsets(%dma_start3A_280 : memref<128xi32, #tpu.memory_space<vmem>>) semaphore(%run_scoped3A_277 : memref<!tpu.dma_semaphore, #tpu.memory_space<semaphore_mem>>) {add = true}
        %dma_wait3A_284 = arith.constant 0 : i32
        %dma_wait3A_285 = tpu.memref_slice %arg7[%add3A_227, %dma_wait3A_284] : memref<80x128xi32, #tpu.memory_space<vmem>> -> memref<1x128xi32, #tpu.memory_space<vmem>>
        %dma_wait3A_286 = tpu.memref_squeeze %dma_wait3A_285 : memref<1x128xi32, #tpu.memory_space<vmem>> -> memref<128xi32, #tpu.memory_space<vmem>>
        %dma_wait3A_287 = arith.constant 0 : i32
        %dma_wait3A_288 = arith.constant 0 : i32
        %dma_wait3A_289 = tpu.memref_slice %arg17[%dma_wait3A_287, %dma_wait3A_288] : memref<10240x16xf32, #tpu.memory_space<vmem_shared>> -> memref<10240x16xf32, #tpu.memory_space<vmem_shared>>
        tpu.wait_indirect_dma semaphore(%run_scoped3A_277 : memref<!tpu.dma_semaphore, #tpu.memory_space<semaphore_mem>>) src(%arg13 : memref<128x16xf32, #tpu.memory_space<vmem>>) dst(%dma_wait3A_289 : memref<10240x16xf32, #tpu.memory_space<vmem_shared>>)
        tpu.yield
      }) : () -> ()
      %add3A_235 = arith.constant 8 : i32
      %add3A_236 = arith.addi %add3A_227, %add3A_235 : i32
      %dma_start3A_237 = arith.constant 0 : i32
      %dma_start3A_238 = tpu.memref_slice %arg6[%add3A_236, %dma_start3A_237] : memref<80x128xi32, #tpu.memory_space<vmem>> -> memref<1x128xi32, #tpu.memory_space<vmem>>
      %dma_start3A_239 = tpu.memref_squeeze %dma_start3A_238 : memref<1x128xi32, #tpu.memory_space<vmem>> -> memref<128xi32, #tpu.memory_space<vmem>>
      %dma_start3A_240 = arith.constant 0 : i32
      %dma_start3A_241 = arith.constant 0 : i32
      %dma_start3A_242 = tpu.memref_slice %arg16[%dma_start3A_240, %dma_start3A_241] : memref<10240x16xf32, #tpu.memory_space<vmem_shared>> -> memref<10240x16xf32, #tpu.memory_space<vmem_shared>>
      tpu.enqueue_indirect_dma source(%dma_start3A_242 : memref<10240x16xf32, #tpu.memory_space<vmem_shared>>) target(%arg13 : memref<128x16xf32, #tpu.memory_space<vmem>>) offsets(%dma_start3A_239 : memref<128xi32, #tpu.memory_space<vmem>>) semaphore(%arg23 : memref<!tpu.dma_semaphore, #tpu.memory_space<semaphore_mem>>)
      %add3A_243 = arith.constant 6 : i32
      %add3A_244 = arith.addi %mul3A_140, %add3A_243 : i32
      %dma_wait3A_245 = arith.constant 0 : i32
      %dma_wait3A_246 = arith.constant 0 : i32
      %dma_wait3A_247 = tpu.memref_slice %arg6[%dma_wait3A_245, %dma_wait3A_246] : memref<80x128xi32, #tpu.memory_space<vmem>> -> memref<1x128xi32, #tpu.memory_space<vmem>>
      %dma_wait3A_248 = tpu.memref_squeeze %dma_wait3A_247 : memref<1x128xi32, #tpu.memory_space<vmem>> -> memref<128xi32, #tpu.memory_space<vmem>>
      %dma_wait3A_249 = arith.constant 0 : i32
      %dma_wait3A_250 = arith.constant 0 : i32
      %dma_wait3A_251 = tpu.memref_slice %arg16[%dma_wait3A_249, %dma_wait3A_250] : memref<10240x16xf32, #tpu.memory_space<vmem_shared>> -> memref<10240x16xf32, #tpu.memory_space<vmem_shared>>
      tpu.wait_indirect_dma semaphore(%arg24 : memref<!tpu.dma_semaphore, #tpu.memory_space<semaphore_mem>>) src(%dma_wait3A_251 : memref<10240x16xf32, #tpu.memory_space<vmem_shared>>) dst(%arg14 : memref<128x16xf32, #tpu.memory_space<vmem>>)
      "tpu.region"() ({
        %run_scoped3A_277 = tpu.sem_alloc : memref<!tpu.dma_semaphore, #tpu.memory_space<semaphore_mem>>
        %dma_start3A_278 = arith.constant 0 : i32
        %dma_start3A_279 = tpu.memref_slice %arg7[%add3A_244, %dma_start3A_278] : memref<80x128xi32, #tpu.memory_space<vmem>> -> memref<1x128xi32, #tpu.memory_space<vmem>>
        %dma_start3A_280 = tpu.memref_squeeze %dma_start3A_279 : memref<1x128xi32, #tpu.memory_space<vmem>> -> memref<128xi32, #tpu.memory_space<vmem>>
        %dma_start3A_281 = arith.constant 0 : i32
        %dma_start3A_282 = arith.constant 0 : i32
        %dma_start3A_283 = tpu.memref_slice %arg17[%dma_start3A_281, %dma_start3A_282] : memref<10240x16xf32, #tpu.memory_space<vmem_shared>> -> memref<10240x16xf32, #tpu.memory_space<vmem_shared>>
        tpu.enqueue_indirect_dma source(%arg14 : memref<128x16xf32, #tpu.memory_space<vmem>>) target(%dma_start3A_283 : memref<10240x16xf32, #tpu.memory_space<vmem_shared>>) offsets(%dma_start3A_280 : memref<128xi32, #tpu.memory_space<vmem>>) semaphore(%run_scoped3A_277 : memref<!tpu.dma_semaphore, #tpu.memory_space<semaphore_mem>>) {add = true}
        %dma_wait3A_284 = arith.constant 0 : i32
        %dma_wait3A_285 = tpu.memref_slice %arg7[%add3A_244, %dma_wait3A_284] : memref<80x128xi32, #tpu.memory_space<vmem>> -> memref<1x128xi32, #tpu.memory_space<vmem>>
        %dma_wait3A_286 = tpu.memref_squeeze %dma_wait3A_285 : memref<1x128xi32, #tpu.memory_space<vmem>> -> memref<128xi32, #tpu.memory_space<vmem>>
        %dma_wait3A_287 = arith.constant 0 : i32
        %dma_wait3A_288 = arith.constant 0 : i32
        %dma_wait3A_289 = tpu.memref_slice %arg17[%dma_wait3A_287, %dma_wait3A_288] : memref<10240x16xf32, #tpu.memory_space<vmem_shared>> -> memref<10240x16xf32, #tpu.memory_space<vmem_shared>>
        tpu.wait_indirect_dma semaphore(%run_scoped3A_277 : memref<!tpu.dma_semaphore, #tpu.memory_space<semaphore_mem>>) src(%arg14 : memref<128x16xf32, #tpu.memory_space<vmem>>) dst(%dma_wait3A_289 : memref<10240x16xf32, #tpu.memory_space<vmem_shared>>)
        tpu.yield
      }) : () -> ()
      %add3A_252 = arith.constant 8 : i32
      %add3A_253 = arith.addi %add3A_244, %add3A_252 : i32
      %dma_start3A_254 = arith.constant 0 : i32
      %dma_start3A_255 = tpu.memref_slice %arg6[%add3A_253, %dma_start3A_254] : memref<80x128xi32, #tpu.memory_space<vmem>> -> memref<1x128xi32, #tpu.memory_space<vmem>>
      %dma_start3A_256 = tpu.memref_squeeze %dma_start3A_255 : memref<1x128xi32, #tpu.memory_space<vmem>> -> memref<128xi32, #tpu.memory_space<vmem>>
      %dma_start3A_257 = arith.constant 0 : i32
      %dma_start3A_258 = arith.constant 0 : i32
      %dma_start3A_259 = tpu.memref_slice %arg16[%dma_start3A_257, %dma_start3A_258] : memref<10240x16xf32, #tpu.memory_space<vmem_shared>> -> memref<10240x16xf32, #tpu.memory_space<vmem_shared>>
      tpu.enqueue_indirect_dma source(%dma_start3A_259 : memref<10240x16xf32, #tpu.memory_space<vmem_shared>>) target(%arg14 : memref<128x16xf32, #tpu.memory_space<vmem>>) offsets(%dma_start3A_256 : memref<128xi32, #tpu.memory_space<vmem>>) semaphore(%arg24 : memref<!tpu.dma_semaphore, #tpu.memory_space<semaphore_mem>>)
      %add3A_260 = arith.constant 7 : i32
      %add3A_261 = arith.addi %mul3A_140, %add3A_260 : i32
      %dma_wait3A_262 = arith.constant 0 : i32
      %dma_wait3A_263 = arith.constant 0 : i32
      %dma_wait3A_264 = tpu.memref_slice %arg6[%dma_wait3A_262, %dma_wait3A_263] : memref<80x128xi32, #tpu.memory_space<vmem>> -> memref<1x128xi32, #tpu.memory_space<vmem>>
      %dma_wait3A_265 = tpu.memref_squeeze %dma_wait3A_264 : memref<1x128xi32, #tpu.memory_space<vmem>> -> memref<128xi32, #tpu.memory_space<vmem>>
      %dma_wait3A_266 = arith.constant 0 : i32
      %dma_wait3A_267 = arith.constant 0 : i32
      %dma_wait3A_268 = tpu.memref_slice %arg16[%dma_wait3A_266, %dma_wait3A_267] : memref<10240x16xf32, #tpu.memory_space<vmem_shared>> -> memref<10240x16xf32, #tpu.memory_space<vmem_shared>>
      tpu.wait_indirect_dma semaphore(%arg25 : memref<!tpu.dma_semaphore, #tpu.memory_space<semaphore_mem>>) src(%dma_wait3A_268 : memref<10240x16xf32, #tpu.memory_space<vmem_shared>>) dst(%arg15 : memref<128x16xf32, #tpu.memory_space<vmem>>)
      "tpu.region"() ({
        %run_scoped3A_277 = tpu.sem_alloc : memref<!tpu.dma_semaphore, #tpu.memory_space<semaphore_mem>>
        %dma_start3A_278 = arith.constant 0 : i32
        %dma_start3A_279 = tpu.memref_slice %arg7[%add3A_261, %dma_start3A_278] : memref<80x128xi32, #tpu.memory_space<vmem>> -> memref<1x128xi32, #tpu.memory_space<vmem>>
        %dma_start3A_280 = tpu.memref_squeeze %dma_start3A_279 : memref<1x128xi32, #tpu.memory_space<vmem>> -> memref<128xi32, #tpu.memory_space<vmem>>
        %dma_start3A_281 = arith.constant 0 : i32
        %dma_start3A_282 = arith.constant 0 : i32
        %dma_start3A_283 = tpu.memref_slice %arg17[%dma_start3A_281, %dma_start3A_282] : memref<10240x16xf32, #tpu.memory_space<vmem_shared>> -> memref<10240x16xf32, #tpu.memory_space<vmem_shared>>
        tpu.enqueue_indirect_dma source(%arg15 : memref<128x16xf32, #tpu.memory_space<vmem>>) target(%dma_start3A_283 : memref<10240x16xf32, #tpu.memory_space<vmem_shared>>) offsets(%dma_start3A_280 : memref<128xi32, #tpu.memory_space<vmem>>) semaphore(%run_scoped3A_277 : memref<!tpu.dma_semaphore, #tpu.memory_space<semaphore_mem>>) {add = true}
        %dma_wait3A_284 = arith.constant 0 : i32
        %dma_wait3A_285 = tpu.memref_slice %arg7[%add3A_261, %dma_wait3A_284] : memref<80x128xi32, #tpu.memory_space<vmem>> -> memref<1x128xi32, #tpu.memory_space<vmem>>
        %dma_wait3A_286 = tpu.memref_squeeze %dma_wait3A_285 : memref<1x128xi32, #tpu.memory_space<vmem>> -> memref<128xi32, #tpu.memory_space<vmem>>
        %dma_wait3A_287 = arith.constant 0 : i32
        %dma_wait3A_288 = arith.constant 0 : i32
        %dma_wait3A_289 = tpu.memref_slice %arg17[%dma_wait3A_287, %dma_wait3A_288] : memref<10240x16xf32, #tpu.memory_space<vmem_shared>> -> memref<10240x16xf32, #tpu.memory_space<vmem_shared>>
        tpu.wait_indirect_dma semaphore(%run_scoped3A_277 : memref<!tpu.dma_semaphore, #tpu.memory_space<semaphore_mem>>) src(%arg15 : memref<128x16xf32, #tpu.memory_space<vmem>>) dst(%dma_wait3A_289 : memref<10240x16xf32, #tpu.memory_space<vmem_shared>>)
        tpu.yield
      }) : () -> ()
      %add3A_269 = arith.constant 8 : i32
      %add3A_270 = arith.addi %add3A_261, %add3A_269 : i32
      %dma_start3A_271 = arith.constant 0 : i32
      %dma_start3A_272 = tpu.memref_slice %arg6[%add3A_270, %dma_start3A_271] : memref<80x128xi32, #tpu.memory_space<vmem>> -> memref<1x128xi32, #tpu.memory_space<vmem>>
      %dma_start3A_273 = tpu.memref_squeeze %dma_start3A_272 : memref<1x128xi32, #tpu.memory_space<vmem>> -> memref<128xi32, #tpu.memory_space<vmem>>
      %dma_start3A_274 = arith.constant 0 : i32
      %dma_start3A_275 = arith.constant 0 : i32
      %dma_start3A_276 = tpu.memref_slice %arg16[%dma_start3A_274, %dma_start3A_275] : memref<10240x16xf32, #tpu.memory_space<vmem_shared>> -> memref<10240x16xf32, #tpu.memory_space<vmem_shared>>
      tpu.enqueue_indirect_dma source(%dma_start3A_276 : memref<10240x16xf32, #tpu.memory_space<vmem_shared>>) target(%arg15 : memref<128x16xf32, #tpu.memory_space<vmem>>) offsets(%dma_start3A_273 : memref<128xi32, #tpu.memory_space<vmem>>) semaphore(%arg25 : memref<!tpu.dma_semaphore, #tpu.memory_space<semaphore_mem>>)
    }
    %scan3A_69 = arith.constant 9 : i32
    %dma_wait3A = arith.constant 0 : i32
    %dma_wait3A_70 = arith.constant 0 : i32
    %dma_wait3A_71 = tpu.memref_slice %arg6[%dma_wait3A, %dma_wait3A_70] : memref<80x128xi32, #tpu.memory_space<vmem>> -> memref<1x128xi32, #tpu.memory_space<vmem>>
    %dma_wait3A_72 = tpu.memref_squeeze %dma_wait3A_71 : memref<1x128xi32, #tpu.memory_space<vmem>> -> memref<128xi32, #tpu.memory_space<vmem>>
    %dma_wait3A_73 = arith.constant 0 : i32
    %dma_wait3A_74 = arith.constant 0 : i32
    %dma_wait3A_75 = tpu.memref_slice %arg16[%dma_wait3A_73, %dma_wait3A_74] : memref<10240x16xf32, #tpu.memory_space<vmem_shared>> -> memref<10240x16xf32, #tpu.memory_space<vmem_shared>>
    tpu.wait_indirect_dma semaphore(%arg18 : memref<!tpu.dma_semaphore, #tpu.memory_space<semaphore_mem>>) src(%dma_wait3A_75 : memref<10240x16xf32, #tpu.memory_space<vmem_shared>>) dst(%arg8 : memref<128x16xf32, #tpu.memory_space<vmem>>)
    %run_scoped3A_76 = arith.constant 72 : i32
    "tpu.region"() ({
      %run_scoped3A_138 = tpu.sem_alloc : memref<!tpu.dma_semaphore, #tpu.memory_space<semaphore_mem>>
      %dma_start3A_139 = arith.constant 0 : i32
      %dma_start3A_140 = tpu.memref_slice %arg7[%run_scoped3A_76, %dma_start3A_139] : memref<80x128xi32, #tpu.memory_space<vmem>> -> memref<1x128xi32, #tpu.memory_space<vmem>>
      %dma_start3A_141 = tpu.memref_squeeze %dma_start3A_140 : memref<1x128xi32, #tpu.memory_space<vmem>> -> memref<128xi32, #tpu.memory_space<vmem>>
      %dma_start3A_142 = arith.constant 0 : i32
      %dma_start3A_143 = arith.constant 0 : i32
      %dma_start3A_144 = tpu.memref_slice %arg17[%dma_start3A_142, %dma_start3A_143] : memref<10240x16xf32, #tpu.memory_space<vmem_shared>> -> memref<10240x16xf32, #tpu.memory_space<vmem_shared>>
      tpu.enqueue_indirect_dma source(%arg8 : memref<128x16xf32, #tpu.memory_space<vmem>>) target(%dma_start3A_144 : memref<10240x16xf32, #tpu.memory_space<vmem_shared>>) offsets(%dma_start3A_141 : memref<128xi32, #tpu.memory_space<vmem>>) semaphore(%run_scoped3A_138 : memref<!tpu.dma_semaphore, #tpu.memory_space<semaphore_mem>>) {add = true}
      %dma_wait3A_145 = arith.constant 0 : i32
      %dma_wait3A_146 = tpu.memref_slice %arg7[%run_scoped3A_76, %dma_wait3A_145] : memref<80x128xi32, #tpu.memory_space<vmem>> -> memref<1x128xi32, #tpu.memory_space<vmem>>
      %dma_wait3A_147 = tpu.memref_squeeze %dma_wait3A_146 : memref<1x128xi32, #tpu.memory_space<vmem>> -> memref<128xi32, #tpu.memory_space<vmem>>
      %dma_wait3A_148 = arith.constant 0 : i32
      %dma_wait3A_149 = arith.constant 0 : i32
      %dma_wait3A_150 = tpu.memref_slice %arg17[%dma_wait3A_148, %dma_wait3A_149] : memref<10240x16xf32, #tpu.memory_space<vmem_shared>> -> memref<10240x16xf32, #tpu.memory_space<vmem_shared>>
      tpu.wait_indirect_dma semaphore(%run_scoped3A_138 : memref<!tpu.dma_semaphore, #tpu.memory_space<semaphore_mem>>) src(%arg8 : memref<128x16xf32, #tpu.memory_space<vmem>>) dst(%dma_wait3A_150 : memref<10240x16xf32, #tpu.memory_space<vmem_shared>>)
      tpu.yield
    }) : () -> ()
    %dma_wait3A_77 = arith.constant 0 : i32
    %dma_wait3A_78 = arith.constant 0 : i32
    %dma_wait3A_79 = tpu.memref_slice %arg6[%dma_wait3A_77, %dma_wait3A_78] : memref<80x128xi32, #tpu.memory_space<vmem>> -> memref<1x128xi32, #tpu.memory_space<vmem>>
    %dma_wait3A_80 = tpu.memref_squeeze %dma_wait3A_79 : memref<1x128xi32, #tpu.memory_space<vmem>> -> memref<128xi32, #tpu.memory_space<vmem>>
    %dma_wait3A_81 = arith.constant 0 : i32
    %dma_wait3A_82 = arith.constant 0 : i32
    %dma_wait3A_83 = tpu.memref_slice %arg16[%dma_wait3A_81, %dma_wait3A_82] : memref<10240x16xf32, #tpu.memory_space<vmem_shared>> -> memref<10240x16xf32, #tpu.memory_space<vmem_shared>>
    tpu.wait_indirect_dma semaphore(%arg19 : memref<!tpu.dma_semaphore, #tpu.memory_space<semaphore_mem>>) src(%dma_wait3A_83 : memref<10240x16xf32, #tpu.memory_space<vmem_shared>>) dst(%arg9 : memref<128x16xf32, #tpu.memory_space<vmem>>)
    %run_scoped3A_84 = arith.constant 73 : i32
    "tpu.region"() ({
      %run_scoped3A_138 = tpu.sem_alloc : memref<!tpu.dma_semaphore, #tpu.memory_space<semaphore_mem>>
      %dma_start3A_139 = arith.constant 0 : i32
      %dma_start3A_140 = tpu.memref_slice %arg7[%run_scoped3A_84, %dma_start3A_139] : memref<80x128xi32, #tpu.memory_space<vmem>> -> memref<1x128xi32, #tpu.memory_space<vmem>>
      %dma_start3A_141 = tpu.memref_squeeze %dma_start3A_140 : memref<1x128xi32, #tpu.memory_space<vmem>> -> memref<128xi32, #tpu.memory_space<vmem>>
      %dma_start3A_142 = arith.constant 0 : i32
      %dma_start3A_143 = arith.constant 0 : i32
      %dma_start3A_144 = tpu.memref_slice %arg17[%dma_start3A_142, %dma_start3A_143] : memref<10240x16xf32, #tpu.memory_space<vmem_shared>> -> memref<10240x16xf32, #tpu.memory_space<vmem_shared>>
      tpu.enqueue_indirect_dma source(%arg9 : memref<128x16xf32, #tpu.memory_space<vmem>>) target(%dma_start3A_144 : memref<10240x16xf32, #tpu.memory_space<vmem_shared>>) offsets(%dma_start3A_141 : memref<128xi32, #tpu.memory_space<vmem>>) semaphore(%run_scoped3A_138 : memref<!tpu.dma_semaphore, #tpu.memory_space<semaphore_mem>>) {add = true}
      %dma_wait3A_145 = arith.constant 0 : i32
      %dma_wait3A_146 = tpu.memref_slice %arg7[%run_scoped3A_84, %dma_wait3A_145] : memref<80x128xi32, #tpu.memory_space<vmem>> -> memref<1x128xi32, #tpu.memory_space<vmem>>
      %dma_wait3A_147 = tpu.memref_squeeze %dma_wait3A_146 : memref<1x128xi32, #tpu.memory_space<vmem>> -> memref<128xi32, #tpu.memory_space<vmem>>
      %dma_wait3A_148 = arith.constant 0 : i32
      %dma_wait3A_149 = arith.constant 0 : i32
      %dma_wait3A_150 = tpu.memref_slice %arg17[%dma_wait3A_148, %dma_wait3A_149] : memref<10240x16xf32, #tpu.memory_space<vmem_shared>> -> memref<10240x16xf32, #tpu.memory_space<vmem_shared>>
      tpu.wait_indirect_dma semaphore(%run_scoped3A_138 : memref<!tpu.dma_semaphore, #tpu.memory_space<semaphore_mem>>) src(%arg9 : memref<128x16xf32, #tpu.memory_space<vmem>>) dst(%dma_wait3A_150 : memref<10240x16xf32, #tpu.memory_space<vmem_shared>>)
      tpu.yield
    }) : () -> ()
    %dma_wait3A_85 = arith.constant 0 : i32
    %dma_wait3A_86 = arith.constant 0 : i32
    %dma_wait3A_87 = tpu.memref_slice %arg6[%dma_wait3A_85, %dma_wait3A_86] : memref<80x128xi32, #tpu.memory_space<vmem>> -> memref<1x128xi32, #tpu.memory_space<vmem>>
    %dma_wait3A_88 = tpu.memref_squeeze %dma_wait3A_87 : memref<1x128xi32, #tpu.memory_space<vmem>> -> memref<128xi32, #tpu.memory_space<vmem>>
    %dma_wait3A_89 = arith.constant 0 : i32
    %dma_wait3A_90 = arith.constant 0 : i32
    %dma_wait3A_91 = tpu.memref_slice %arg16[%dma_wait3A_89, %dma_wait3A_90] : memref<10240x16xf32, #tpu.memory_space<vmem_shared>> -> memref<10240x16xf32, #tpu.memory_space<vmem_shared>>
    tpu.wait_indirect_dma semaphore(%arg20 : memref<!tpu.dma_semaphore, #tpu.memory_space<semaphore_mem>>) src(%dma_wait3A_91 : memref<10240x16xf32, #tpu.memory_space<vmem_shared>>) dst(%arg10 : memref<128x16xf32, #tpu.memory_space<vmem>>)
    %run_scoped3A_92 = arith.constant 74 : i32
    "tpu.region"() ({
      %run_scoped3A_138 = tpu.sem_alloc : memref<!tpu.dma_semaphore, #tpu.memory_space<semaphore_mem>>
      %dma_start3A_139 = arith.constant 0 : i32
      %dma_start3A_140 = tpu.memref_slice %arg7[%run_scoped3A_92, %dma_start3A_139] : memref<80x128xi32, #tpu.memory_space<vmem>> -> memref<1x128xi32, #tpu.memory_space<vmem>>
      %dma_start3A_141 = tpu.memref_squeeze %dma_start3A_140 : memref<1x128xi32, #tpu.memory_space<vmem>> -> memref<128xi32, #tpu.memory_space<vmem>>
      %dma_start3A_142 = arith.constant 0 : i32
      %dma_start3A_143 = arith.constant 0 : i32
      %dma_start3A_144 = tpu.memref_slice %arg17[%dma_start3A_142, %dma_start3A_143] : memref<10240x16xf32, #tpu.memory_space<vmem_shared>> -> memref<10240x16xf32, #tpu.memory_space<vmem_shared>>
      tpu.enqueue_indirect_dma source(%arg10 : memref<128x16xf32, #tpu.memory_space<vmem>>) target(%dma_start3A_144 : memref<10240x16xf32, #tpu.memory_space<vmem_shared>>) offsets(%dma_start3A_141 : memref<128xi32, #tpu.memory_space<vmem>>) semaphore(%run_scoped3A_138 : memref<!tpu.dma_semaphore, #tpu.memory_space<semaphore_mem>>) {add = true}
      %dma_wait3A_145 = arith.constant 0 : i32
      %dma_wait3A_146 = tpu.memref_slice %arg7[%run_scoped3A_92, %dma_wait3A_145] : memref<80x128xi32, #tpu.memory_space<vmem>> -> memref<1x128xi32, #tpu.memory_space<vmem>>
      %dma_wait3A_147 = tpu.memref_squeeze %dma_wait3A_146 : memref<1x128xi32, #tpu.memory_space<vmem>> -> memref<128xi32, #tpu.memory_space<vmem>>
      %dma_wait3A_148 = arith.constant 0 : i32
      %dma_wait3A_149 = arith.constant 0 : i32
      %dma_wait3A_150 = tpu.memref_slice %arg17[%dma_wait3A_148, %dma_wait3A_149] : memref<10240x16xf32, #tpu.memory_space<vmem_shared>> -> memref<10240x16xf32, #tpu.memory_space<vmem_shared>>
      tpu.wait_indirect_dma semaphore(%run_scoped3A_138 : memref<!tpu.dma_semaphore, #tpu.memory_space<semaphore_mem>>) src(%arg10 : memref<128x16xf32, #tpu.memory_space<vmem>>) dst(%dma_wait3A_150 : memref<10240x16xf32, #tpu.memory_space<vmem_shared>>)
      tpu.yield
    }) : () -> ()
    %dma_wait3A_93 = arith.constant 0 : i32
    %dma_wait3A_94 = arith.constant 0 : i32
    %dma_wait3A_95 = tpu.memref_slice %arg6[%dma_wait3A_93, %dma_wait3A_94] : memref<80x128xi32, #tpu.memory_space<vmem>> -> memref<1x128xi32, #tpu.memory_space<vmem>>
    %dma_wait3A_96 = tpu.memref_squeeze %dma_wait3A_95 : memref<1x128xi32, #tpu.memory_space<vmem>> -> memref<128xi32, #tpu.memory_space<vmem>>
    %dma_wait3A_97 = arith.constant 0 : i32
    %dma_wait3A_98 = arith.constant 0 : i32
    %dma_wait3A_99 = tpu.memref_slice %arg16[%dma_wait3A_97, %dma_wait3A_98] : memref<10240x16xf32, #tpu.memory_space<vmem_shared>> -> memref<10240x16xf32, #tpu.memory_space<vmem_shared>>
    tpu.wait_indirect_dma semaphore(%arg21 : memref<!tpu.dma_semaphore, #tpu.memory_space<semaphore_mem>>) src(%dma_wait3A_99 : memref<10240x16xf32, #tpu.memory_space<vmem_shared>>) dst(%arg11 : memref<128x16xf32, #tpu.memory_space<vmem>>)
    %run_scoped3A_100 = arith.constant 75 : i32
    "tpu.region"() ({
      %run_scoped3A_138 = tpu.sem_alloc : memref<!tpu.dma_semaphore, #tpu.memory_space<semaphore_mem>>
      %dma_start3A_139 = arith.constant 0 : i32
      %dma_start3A_140 = tpu.memref_slice %arg7[%run_scoped3A_100, %dma_start3A_139] : memref<80x128xi32, #tpu.memory_space<vmem>> -> memref<1x128xi32, #tpu.memory_space<vmem>>
      %dma_start3A_141 = tpu.memref_squeeze %dma_start3A_140 : memref<1x128xi32, #tpu.memory_space<vmem>> -> memref<128xi32, #tpu.memory_space<vmem>>
      %dma_start3A_142 = arith.constant 0 : i32
      %dma_start3A_143 = arith.constant 0 : i32
      %dma_start3A_144 = tpu.memref_slice %arg17[%dma_start3A_142, %dma_start3A_143] : memref<10240x16xf32, #tpu.memory_space<vmem_shared>> -> memref<10240x16xf32, #tpu.memory_space<vmem_shared>>
      tpu.enqueue_indirect_dma source(%arg11 : memref<128x16xf32, #tpu.memory_space<vmem>>) target(%dma_start3A_144 : memref<10240x16xf32, #tpu.memory_space<vmem_shared>>) offsets(%dma_start3A_141 : memref<128xi32, #tpu.memory_space<vmem>>) semaphore(%run_scoped3A_138 : memref<!tpu.dma_semaphore, #tpu.memory_space<semaphore_mem>>) {add = true}
      %dma_wait3A_145 = arith.constant 0 : i32
      %dma_wait3A_146 = tpu.memref_slice %arg7[%run_scoped3A_100, %dma_wait3A_145] : memref<80x128xi32, #tpu.memory_space<vmem>> -> memref<1x128xi32, #tpu.memory_space<vmem>>
      %dma_wait3A_147 = tpu.memref_squeeze %dma_wait3A_146 : memref<1x128xi32, #tpu.memory_space<vmem>> -> memref<128xi32, #tpu.memory_space<vmem>>
      %dma_wait3A_148 = arith.constant 0 : i32
      %dma_wait3A_149 = arith.constant 0 : i32
      %dma_wait3A_150 = tpu.memref_slice %arg17[%dma_wait3A_148, %dma_wait3A_149] : memref<10240x16xf32, #tpu.memory_space<vmem_shared>> -> memref<10240x16xf32, #tpu.memory_space<vmem_shared>>
      tpu.wait_indirect_dma semaphore(%run_scoped3A_138 : memref<!tpu.dma_semaphore, #tpu.memory_space<semaphore_mem>>) src(%arg11 : memref<128x16xf32, #tpu.memory_space<vmem>>) dst(%dma_wait3A_150 : memref<10240x16xf32, #tpu.memory_space<vmem_shared>>)
      tpu.yield
    }) : () -> ()
    %dma_wait3A_101 = arith.constant 0 : i32
    %dma_wait3A_102 = arith.constant 0 : i32
    %dma_wait3A_103 = tpu.memref_slice %arg6[%dma_wait3A_101, %dma_wait3A_102] : memref<80x128xi32, #tpu.memory_space<vmem>> -> memref<1x128xi32, #tpu.memory_space<vmem>>
    %dma_wait3A_104 = tpu.memref_squeeze %dma_wait3A_103 : memref<1x128xi32, #tpu.memory_space<vmem>> -> memref<128xi32, #tpu.memory_space<vmem>>
    %dma_wait3A_105 = arith.constant 0 : i32
    %dma_wait3A_106 = arith.constant 0 : i32
    %dma_wait3A_107 = tpu.memref_slice %arg16[%dma_wait3A_105, %dma_wait3A_106] : memref<10240x16xf32, #tpu.memory_space<vmem_shared>> -> memref<10240x16xf32, #tpu.memory_space<vmem_shared>>
    tpu.wait_indirect_dma semaphore(%arg22 : memref<!tpu.dma_semaphore, #tpu.memory_space<semaphore_mem>>) src(%dma_wait3A_107 : memref<10240x16xf32, #tpu.memory_space<vmem_shared>>) dst(%arg12 : memref<128x16xf32, #tpu.memory_space<vmem>>)
    %run_scoped3A_108 = arith.constant 76 : i32
    "tpu.region"() ({
      %run_scoped3A_138 = tpu.sem_alloc : memref<!tpu.dma_semaphore, #tpu.memory_space<semaphore_mem>>
      %dma_start3A_139 = arith.constant 0 : i32
      %dma_start3A_140 = tpu.memref_slice %arg7[%run_scoped3A_108, %dma_start3A_139] : memref<80x128xi32, #tpu.memory_space<vmem>> -> memref<1x128xi32, #tpu.memory_space<vmem>>
      %dma_start3A_141 = tpu.memref_squeeze %dma_start3A_140 : memref<1x128xi32, #tpu.memory_space<vmem>> -> memref<128xi32, #tpu.memory_space<vmem>>
      %dma_start3A_142 = arith.constant 0 : i32
      %dma_start3A_143 = arith.constant 0 : i32
      %dma_start3A_144 = tpu.memref_slice %arg17[%dma_start3A_142, %dma_start3A_143] : memref<10240x16xf32, #tpu.memory_space<vmem_shared>> -> memref<10240x16xf32, #tpu.memory_space<vmem_shared>>
      tpu.enqueue_indirect_dma source(%arg12 : memref<128x16xf32, #tpu.memory_space<vmem>>) target(%dma_start3A_144 : memref<10240x16xf32, #tpu.memory_space<vmem_shared>>) offsets(%dma_start3A_141 : memref<128xi32, #tpu.memory_space<vmem>>) semaphore(%run_scoped3A_138 : memref<!tpu.dma_semaphore, #tpu.memory_space<semaphore_mem>>) {add = true}
      %dma_wait3A_145 = arith.constant 0 : i32
      %dma_wait3A_146 = tpu.memref_slice %arg7[%run_scoped3A_108, %dma_wait3A_145] : memref<80x128xi32, #tpu.memory_space<vmem>> -> memref<1x128xi32, #tpu.memory_space<vmem>>
      %dma_wait3A_147 = tpu.memref_squeeze %dma_wait3A_146 : memref<1x128xi32, #tpu.memory_space<vmem>> -> memref<128xi32, #tpu.memory_space<vmem>>
      %dma_wait3A_148 = arith.constant 0 : i32
      %dma_wait3A_149 = arith.constant 0 : i32
      %dma_wait3A_150 = tpu.memref_slice %arg17[%dma_wait3A_148, %dma_wait3A_149] : memref<10240x16xf32, #tpu.memory_space<vmem_shared>> -> memref<10240x16xf32, #tpu.memory_space<vmem_shared>>
      tpu.wait_indirect_dma semaphore(%run_scoped3A_138 : memref<!tpu.dma_semaphore, #tpu.memory_space<semaphore_mem>>) src(%arg12 : memref<128x16xf32, #tpu.memory_space<vmem>>) dst(%dma_wait3A_150 : memref<10240x16xf32, #tpu.memory_space<vmem_shared>>)
      tpu.yield
    }) : () -> ()
    %dma_wait3A_109 = arith.constant 0 : i32
    %dma_wait3A_110 = arith.constant 0 : i32
    %dma_wait3A_111 = tpu.memref_slice %arg6[%dma_wait3A_109, %dma_wait3A_110] : memref<80x128xi32, #tpu.memory_space<vmem>> -> memref<1x128xi32, #tpu.memory_space<vmem>>
    %dma_wait3A_112 = tpu.memref_squeeze %dma_wait3A_111 : memref<1x128xi32, #tpu.memory_space<vmem>> -> memref<128xi32, #tpu.memory_space<vmem>>
    %dma_wait3A_113 = arith.constant 0 : i32
    %dma_wait3A_114 = arith.constant 0 : i32
    %dma_wait3A_115 = tpu.memref_slice %arg16[%dma_wait3A_113, %dma_wait3A_114] : memref<10240x16xf32, #tpu.memory_space<vmem_shared>> -> memref<10240x16xf32, #tpu.memory_space<vmem_shared>>
    tpu.wait_indirect_dma semaphore(%arg23 : memref<!tpu.dma_semaphore, #tpu.memory_space<semaphore_mem>>) src(%dma_wait3A_115 : memref<10240x16xf32, #tpu.memory_space<vmem_shared>>) dst(%arg13 : memref<128x16xf32, #tpu.memory_space<vmem>>)
    %run_scoped3A_116 = arith.constant 77 : i32
    "tpu.region"() ({
      %run_scoped3A_138 = tpu.sem_alloc : memref<!tpu.dma_semaphore, #tpu.memory_space<semaphore_mem>>
      %dma_start3A_139 = arith.constant 0 : i32
      %dma_start3A_140 = tpu.memref_slice %arg7[%run_scoped3A_116, %dma_start3A_139] : memref<80x128xi32, #tpu.memory_space<vmem>> -> memref<1x128xi32, #tpu.memory_space<vmem>>
      %dma_start3A_141 = tpu.memref_squeeze %dma_start3A_140 : memref<1x128xi32, #tpu.memory_space<vmem>> -> memref<128xi32, #tpu.memory_space<vmem>>
      %dma_start3A_142 = arith.constant 0 : i32
      %dma_start3A_143 = arith.constant 0 : i32
      %dma_start3A_144 = tpu.memref_slice %arg17[%dma_start3A_142, %dma_start3A_143] : memref<10240x16xf32, #tpu.memory_space<vmem_shared>> -> memref<10240x16xf32, #tpu.memory_space<vmem_shared>>
      tpu.enqueue_indirect_dma source(%arg13 : memref<128x16xf32, #tpu.memory_space<vmem>>) target(%dma_start3A_144 : memref<10240x16xf32, #tpu.memory_space<vmem_shared>>) offsets(%dma_start3A_141 : memref<128xi32, #tpu.memory_space<vmem>>) semaphore(%run_scoped3A_138 : memref<!tpu.dma_semaphore, #tpu.memory_space<semaphore_mem>>) {add = true}
      %dma_wait3A_145 = arith.constant 0 : i32
      %dma_wait3A_146 = tpu.memref_slice %arg7[%run_scoped3A_116, %dma_wait3A_145] : memref<80x128xi32, #tpu.memory_space<vmem>> -> memref<1x128xi32, #tpu.memory_space<vmem>>
      %dma_wait3A_147 = tpu.memref_squeeze %dma_wait3A_146 : memref<1x128xi32, #tpu.memory_space<vmem>> -> memref<128xi32, #tpu.memory_space<vmem>>
      %dma_wait3A_148 = arith.constant 0 : i32
      %dma_wait3A_149 = arith.constant 0 : i32
      %dma_wait3A_150 = tpu.memref_slice %arg17[%dma_wait3A_148, %dma_wait3A_149] : memref<10240x16xf32, #tpu.memory_space<vmem_shared>> -> memref<10240x16xf32, #tpu.memory_space<vmem_shared>>
      tpu.wait_indirect_dma semaphore(%run_scoped3A_138 : memref<!tpu.dma_semaphore, #tpu.memory_space<semaphore_mem>>) src(%arg13 : memref<128x16xf32, #tpu.memory_space<vmem>>) dst(%dma_wait3A_150 : memref<10240x16xf32, #tpu.memory_space<vmem_shared>>)
      tpu.yield
    }) : () -> ()
    %dma_wait3A_117 = arith.constant 0 : i32
    %dma_wait3A_118 = arith.constant 0 : i32
    %dma_wait3A_119 = tpu.memref_slice %arg6[%dma_wait3A_117, %dma_wait3A_118] : memref<80x128xi32, #tpu.memory_space<vmem>> -> memref<1x128xi32, #tpu.memory_space<vmem>>
    %dma_wait3A_120 = tpu.memref_squeeze %dma_wait3A_119 : memref<1x128xi32, #tpu.memory_space<vmem>> -> memref<128xi32, #tpu.memory_space<vmem>>
    %dma_wait3A_121 = arith.constant 0 : i32
    %dma_wait3A_122 = arith.constant 0 : i32
    %dma_wait3A_123 = tpu.memref_slice %arg16[%dma_wait3A_121, %dma_wait3A_122] : memref<10240x16xf32, #tpu.memory_space<vmem_shared>> -> memref<10240x16xf32, #tpu.memory_space<vmem_shared>>
    tpu.wait_indirect_dma semaphore(%arg24 : memref<!tpu.dma_semaphore, #tpu.memory_space<semaphore_mem>>) src(%dma_wait3A_123 : memref<10240x16xf32, #tpu.memory_space<vmem_shared>>) dst(%arg14 : memref<128x16xf32, #tpu.memory_space<vmem>>)
    %run_scoped3A_124 = arith.constant 78 : i32
    "tpu.region"() ({
      %run_scoped3A_138 = tpu.sem_alloc : memref<!tpu.dma_semaphore, #tpu.memory_space<semaphore_mem>>
      %dma_start3A_139 = arith.constant 0 : i32
      %dma_start3A_140 = tpu.memref_slice %arg7[%run_scoped3A_124, %dma_start3A_139] : memref<80x128xi32, #tpu.memory_space<vmem>> -> memref<1x128xi32, #tpu.memory_space<vmem>>
      %dma_start3A_141 = tpu.memref_squeeze %dma_start3A_140 : memref<1x128xi32, #tpu.memory_space<vmem>> -> memref<128xi32, #tpu.memory_space<vmem>>
      %dma_start3A_142 = arith.constant 0 : i32
      %dma_start3A_143 = arith.constant 0 : i32
      %dma_start3A_144 = tpu.memref_slice %arg17[%dma_start3A_142, %dma_start3A_143] : memref<10240x16xf32, #tpu.memory_space<vmem_shared>> -> memref<10240x16xf32, #tpu.memory_space<vmem_shared>>
      tpu.enqueue_indirect_dma source(%arg14 : memref<128x16xf32, #tpu.memory_space<vmem>>) target(%dma_start3A_144 : memref<10240x16xf32, #tpu.memory_space<vmem_shared>>) offsets(%dma_start3A_141 : memref<128xi32, #tpu.memory_space<vmem>>) semaphore(%run_scoped3A_138 : memref<!tpu.dma_semaphore, #tpu.memory_space<semaphore_mem>>) {add = true}
      %dma_wait3A_145 = arith.constant 0 : i32
      %dma_wait3A_146 = tpu.memref_slice %arg7[%run_scoped3A_124, %dma_wait3A_145] : memref<80x128xi32, #tpu.memory_space<vmem>> -> memref<1x128xi32, #tpu.memory_space<vmem>>
      %dma_wait3A_147 = tpu.memref_squeeze %dma_wait3A_146 : memref<1x128xi32, #tpu.memory_space<vmem>> -> memref<128xi32, #tpu.memory_space<vmem>>
      %dma_wait3A_148 = arith.constant 0 : i32
      %dma_wait3A_149 = arith.constant 0 : i32
      %dma_wait3A_150 = tpu.memref_slice %arg17[%dma_wait3A_148, %dma_wait3A_149] : memref<10240x16xf32, #tpu.memory_space<vmem_shared>> -> memref<10240x16xf32, #tpu.memory_space<vmem_shared>>
      tpu.wait_indirect_dma semaphore(%run_scoped3A_138 : memref<!tpu.dma_semaphore, #tpu.memory_space<semaphore_mem>>) src(%arg14 : memref<128x16xf32, #tpu.memory_space<vmem>>) dst(%dma_wait3A_150 : memref<10240x16xf32, #tpu.memory_space<vmem_shared>>)
      tpu.yield
    }) : () -> ()
    %dma_wait3A_125 = arith.constant 0 : i32
    %dma_wait3A_126 = arith.constant 0 : i32
    %dma_wait3A_127 = tpu.memref_slice %arg6[%dma_wait3A_125, %dma_wait3A_126] : memref<80x128xi32, #tpu.memory_space<vmem>> -> memref<1x128xi32, #tpu.memory_space<vmem>>
    %dma_wait3A_128 = tpu.memref_squeeze %dma_wait3A_127 : memref<1x128xi32, #tpu.memory_space<vmem>> -> memref<128xi32, #tpu.memory_space<vmem>>
    %dma_wait3A_129 = arith.constant 0 : i32
    %dma_wait3A_130 = arith.constant 0 : i32
    %dma_wait3A_131 = tpu.memref_slice %arg16[%dma_wait3A_129, %dma_wait3A_130] : memref<10240x16xf32, #tpu.memory_space<vmem_shared>> -> memref<10240x16xf32, #tpu.memory_space<vmem_shared>>
    tpu.wait_indirect_dma semaphore(%arg25 : memref<!tpu.dma_semaphore, #tpu.memory_space<semaphore_mem>>) src(%dma_wait3A_131 : memref<10240x16xf32, #tpu.memory_space<vmem_shared>>) dst(%arg15 : memref<128x16xf32, #tpu.memory_space<vmem>>)
    %run_scoped3A_132 = arith.constant 79 : i32
    "tpu.region"() ({
      %run_scoped3A_138 = tpu.sem_alloc : memref<!tpu.dma_semaphore, #tpu.memory_space<semaphore_mem>>
      %dma_start3A_139 = arith.constant 0 : i32
      %dma_start3A_140 = tpu.memref_slice %arg7[%run_scoped3A_132, %dma_start3A_139] : memref<80x128xi32, #tpu.memory_space<vmem>> -> memref<1x128xi32, #tpu.memory_space<vmem>>
      %dma_start3A_141 = tpu.memref_squeeze %dma_start3A_140 : memref<1x128xi32, #tpu.memory_space<vmem>> -> memref<128xi32, #tpu.memory_space<vmem>>
      %dma_start3A_142 = arith.constant 0 : i32
      %dma_start3A_143 = arith.constant 0 : i32
      %dma_start3A_144 = tpu.memref_slice %arg17[%dma_start3A_142, %dma_start3A_143] : memref<10240x16xf32, #tpu.memory_space<vmem_shared>> -> memref<10240x16xf32, #tpu.memory_space<vmem_shared>>
      tpu.enqueue_indirect_dma source(%arg15 : memref<128x16xf32, #tpu.memory_space<vmem>>) target(%dma_start3A_144 : memref<10240x16xf32, #tpu.memory_space<vmem_shared>>) offsets(%dma_start3A_141 : memref<128xi32, #tpu.memory_space<vmem>>) semaphore(%run_scoped3A_138 : memref<!tpu.dma_semaphore, #tpu.memory_space<semaphore_mem>>) {add = true}
      %dma_wait3A_145 = arith.constant 0 : i32
      %dma_wait3A_146 = tpu.memref_slice %arg7[%run_scoped3A_132, %dma_wait3A_145] : memref<80x128xi32, #tpu.memory_space<vmem>> -> memref<1x128xi32, #tpu.memory_space<vmem>>
      %dma_wait3A_147 = tpu.memref_squeeze %dma_wait3A_146 : memref<1x128xi32, #tpu.memory_space<vmem>> -> memref<128xi32, #tpu.memory_space<vmem>>
      %dma_wait3A_148 = arith.constant 0 : i32
      %dma_wait3A_149 = arith.constant 0 : i32
      %dma_wait3A_150 = tpu.memref_slice %arg17[%dma_wait3A_148, %dma_wait3A_149] : memref<10240x16xf32, #tpu.memory_space<vmem_shared>> -> memref<10240x16xf32, #tpu.memory_space<vmem_shared>>
      tpu.wait_indirect_dma semaphore(%run_scoped3A_138 : memref<!tpu.dma_semaphore, #tpu.memory_space<semaphore_mem>>) src(%arg15 : memref<128x16xf32, #tpu.memory_space<vmem>>) dst(%dma_wait3A_150 : memref<10240x16xf32, #tpu.memory_space<vmem_shared>>)
      tpu.yield
    }) : () -> ()
    %barrier3A_133 = arith.constant 0 : index
    tpu.barrier barrier_id(%barrier3A_133)
    %mul3A_134 = arith.constant 640 : i32
    %mul3A_135 = arith.muli %arg1, %mul3A_134 : i32
    %mul3A_136 = arith.constant 640 : i32
    %mul3A_137 = arith.muli %arg1, %mul3A_136 : i32
    "tpu.region"() ({
      %run_scoped3A_138 = tpu.sem_alloc : memref<!tpu.dma_semaphore, #tpu.memory_space<semaphore_mem>>
      %dma_start3A_139 = arith.constant 0 : i32
      %dma_start3A_140 = tpu.memref_slice %arg5[%arg0, %mul3A_137, %dma_start3A_139] : memref<2x10240x16xf32, #tpu.memory_space<hbm>> -> memref<1x640x16xf32, #tpu.memory_space<hbm>>
      %dma_start3A_141 = tpu.memref_squeeze %dma_start3A_140 : memref<1x640x16xf32, #tpu.memory_space<hbm>> -> memref<640x16xf32, #tpu.memory_space<hbm>>
      %dma_start3A_142 = arith.constant 0 : i32
      %dma_start3A_143 = tpu.memref_slice %arg17[%mul3A_135, %dma_start3A_142] : memref<10240x16xf32, #tpu.memory_space<vmem_shared>> -> memref<640x16xf32, #tpu.memory_space<vmem_shared>>
      tpu.enqueue_dma source(%dma_start3A_143 : memref<640x16xf32, #tpu.memory_space<vmem_shared>>) target(%dma_start3A_141 : memref<640x16xf32, #tpu.memory_space<hbm>>) target_semaphore(%run_scoped3A_138 : memref<!tpu.dma_semaphore, #tpu.memory_space<semaphore_mem>>)
      %dma_wait3A_144 = arith.constant 0 : i32
      %dma_wait3A_145 = tpu.memref_slice %arg5[%arg0, %mul3A_137, %dma_wait3A_144] : memref<2x10240x16xf32, #tpu.memory_space<hbm>> -> memref<1x640x16xf32, #tpu.memory_space<hbm>>
      %dma_wait3A_146 = tpu.memref_squeeze %dma_wait3A_145 : memref<1x640x16xf32, #tpu.memory_space<hbm>> -> memref<640x16xf32, #tpu.memory_space<hbm>>
      %dma_wait3A_147 = arith.constant 0 : i32
      %dma_wait3A_148 = tpu.memref_slice %arg17[%mul3A_135, %dma_wait3A_147] : memref<10240x16xf32, #tpu.memory_space<vmem_shared>> -> memref<640x16xf32, #tpu.memory_space<vmem_shared>>
      tpu.wait_dma2 semaphore(%run_scoped3A_138 : memref<!tpu.dma_semaphore, #tpu.memory_space<semaphore_mem>>) src(%dma_wait3A_148 : memref<640x16xf32, #tpu.memory_space<vmem_shared>>) dst(%dma_wait3A_146 : memref<640x16xf32, #tpu.memory_space<hbm>>)
      tpu.yield
    }) : () -> ()
    return
  }
}

#map = affine_map<(d0, d1) -> (0, 0)>
#map1 = affine_map<(d0, d1) -> (0, 0, 0, 0)>
#map2 = affine_map<(d0, d1) -> (0, 0, 0)>
module attributes {stable_mosaic.version = 14 : i64} {
  func.func @_prop_body(%arg0: i32, %arg1: i32, %arg2: memref<10240x16xf32, #tpu.memory_space<hbm>>, %arg3: memref<2x32x80x128xi32, #tpu.memory_space<hbm>>, %arg4: memref<10240x16xf32, #tpu.memory_space<hbm>>, %arg5: memref<2x10240x16xf32, #tpu.memory_space<hbm>>, %arg6: memref<80x128xi32, #tpu.memory_space<vmem>>, %arg7: memref<80x128xi32, #tpu.memory_space<vmem>>, %arg8: memref<128x16xf32, #tpu.memory_space<vmem>>, %arg9: memref<128x16xf32, #tpu.memory_space<vmem>>, %arg10: memref<128x16xf32, #tpu.memory_space<vmem>>, %arg11: memref<128x16xf32, #tpu.memory_space<vmem>>, %arg12: memref<128x16xf32, #tpu.memory_space<vmem>>, %arg13: memref<128x16xf32, #tpu.memory_space<vmem>>, %arg14: memref<128x16xf32, #tpu.memory_space<vmem>>, %arg15: memref<128x16xf32, #tpu.memory_space<vmem>>, %arg16: memref<10240x16xf32, #tpu.memory_space<vmem_shared>>, %arg17: memref<10240x16xf32, #tpu.memory_space<vmem_shared>>, %arg18: memref<!tpu.dma_semaphore, #tpu.memory_space<semaphore_mem>>, %arg19: memref<!tpu.dma_semaphore, #tpu.memory_space<semaphore_mem>>, %arg20: memref<!tpu.dma_semaphore, #tpu.memory_space<semaphore_mem>>, %arg21: memref<!tpu.dma_semaphore, #tpu.memory_space<semaphore_mem>>, %arg22: memref<!tpu.dma_semaphore, #tpu.memory_space<semaphore_mem>>, %arg23: memref<!tpu.dma_semaphore, #tpu.memory_space<semaphore_mem>>, %arg24: memref<!tpu.dma_semaphore, #tpu.memory_space<semaphore_mem>>, %arg25: memref<!tpu.dma_semaphore, #tpu.memory_space<semaphore_mem>>) attributes {dimension_semantics = [#tpu.dimension_semantics<core_parallel>, #tpu.dimension_semantics<subcore_parallel>], iteration_bounds = array<i64: 2, 16>, scalar_prefetch = 0 : i64, scratch_operands = 20 : i64, tpu.core_type = #tpu.core_type<sc_vector_subcore>, window_params = [{transform_indices = #map}, {transform_indices = #map1}, {transform_indices = #map}, {transform_indices = #map2}]} {
    %mul3A = arith.constant 16 : i32
    %mul3A_0 = arith.muli %arg0, %mul3A : i32
    %add3A = arith.addi %mul3A_0, %arg1 : i32
    %run_scoped3A = arith.constant 0 : i32
    "tpu.region"() ({
      %run_scoped3A_138 = tpu.sem_alloc : memref<!tpu.dma_semaphore, #tpu.memory_space<semaphore_mem>>
      %dma_start3A_139 = arith.constant 0 : i32
      %dma_start3A_140 = arith.constant 0 : i32
      %dma_start3A_141 = tpu.memref_slice %arg3[%run_scoped3A, %add3A, %dma_start3A_139, %dma_start3A_140] : memref<2x32x80x128xi32, #tpu.memory_space<hbm>> -> memref<1x1x80x128xi32, #tpu.memory_space<hbm>>
      %dma_start3A_142 = tpu.memref_squeeze %dma_start3A_141 : memref<1x1x80x128xi32, #tpu.memory_space<hbm>> -> memref<80x128xi32, #tpu.memory_space<hbm>>
      %dma_start3A_143 = arith.constant 0 : i32
      %dma_start3A_144 = arith.constant 0 : i32
      %dma_start3A_145 = tpu.memref_slice %arg3[%run_scoped3A, %add3A, %dma_start3A_143, %dma_start3A_144] : memref<2x32x80x128xi32, #tpu.memory_space<hbm>> -> memref<1x1x80x128xi32, #tpu.memory_space<hbm>>
      %dma_start3A_146 = tpu.memref_squeeze %dma_start3A_145 : memref<1x1x80x128xi32, #tpu.memory_space<hbm>> -> memref<80x128xi32, #tpu.memory_space<hbm>>
      tpu.enqueue_dma source(%dma_start3A_146 : memref<80x128xi32, #tpu.memory_space<hbm>>) target(%arg6 : memref<80x128xi32, #tpu.memory_space<vmem>>) target_semaphore(%run_scoped3A_138 : memref<!tpu.dma_semaphore, #tpu.memory_space<semaphore_mem>>)
      %dma_wait3A_147 = arith.constant 0 : i32
      %dma_wait3A_148 = arith.constant 0 : i32
      %dma_wait3A_149 = tpu.memref_slice %arg3[%run_scoped3A, %add3A, %dma_wait3A_147, %dma_wait3A_148] : memref<2x32x80x128xi32, #tpu.memory_space<hbm>> -> memref<1x1x80x128xi32, #tpu.memory_space<hbm>>
      %dma_wait3A_150 = tpu.memref_squeeze %dma_wait3A_149 : memref<1x1x80x128xi32, #tpu.memory_space<hbm>> -> memref<80x128xi32, #tpu.memory_space<hbm>>
      %dma_wait3A_151 = arith.constant 0 : i32
      %dma_wait3A_152 = arith.constant 0 : i32
      %dma_wait3A_153 = tpu.memref_slice %arg3[%run_scoped3A, %add3A, %dma_wait3A_151, %dma_wait3A_152] : memref<2x32x80x128xi32, #tpu.memory_space<hbm>> -> memref<1x1x80x128xi32, #tpu.memory_space<hbm>>
      %dma_wait3A_154 = tpu.memref_squeeze %dma_wait3A_153 : memref<1x1x80x128xi32, #tpu.memory_space<hbm>> -> memref<80x128xi32, #tpu.memory_space<hbm>>
      tpu.wait_dma2 semaphore(%run_scoped3A_138 : memref<!tpu.dma_semaphore, #tpu.memory_space<semaphore_mem>>) src(%dma_wait3A_154 : memref<80x128xi32, #tpu.memory_space<hbm>>) dst(%arg6 : memref<80x128xi32, #tpu.memory_space<vmem>>)
      tpu.yield
    }) : () -> ()
    %run_scoped3A_1 = arith.constant 1 : i32
    "tpu.region"() ({
      %run_scoped3A_138 = tpu.sem_alloc : memref<!tpu.dma_semaphore, #tpu.memory_space<semaphore_mem>>
      %dma_start3A_139 = arith.constant 0 : i32
      %dma_start3A_140 = arith.constant 0 : i32
      %dma_start3A_141 = tpu.memref_slice %arg3[%run_scoped3A_1, %add3A, %dma_start3A_139, %dma_start3A_140] : memref<2x32x80x128xi32, #tpu.memory_space<hbm>> -> memref<1x1x80x128xi32, #tpu.memory_space<hbm>>
      %dma_start3A_142 = tpu.memref_squeeze %dma_start3A_141 : memref<1x1x80x128xi32, #tpu.memory_space<hbm>> -> memref<80x128xi32, #tpu.memory_space<hbm>>
      %dma_start3A_143 = arith.constant 0 : i32
      %dma_start3A_144 = arith.constant 0 : i32
      %dma_start3A_145 = tpu.memref_slice %arg3[%run_scoped3A_1, %add3A, %dma_start3A_143, %dma_start3A_144] : memref<2x32x80x128xi32, #tpu.memory_space<hbm>> -> memref<1x1x80x128xi32, #tpu.memory_space<hbm>>
      %dma_start3A_146 = tpu.memref_squeeze %dma_start3A_145 : memref<1x1x80x128xi32, #tpu.memory_space<hbm>> -> memref<80x128xi32, #tpu.memory_space<hbm>>
      tpu.enqueue_dma source(%dma_start3A_146 : memref<80x128xi32, #tpu.memory_space<hbm>>) target(%arg7 : memref<80x128xi32, #tpu.memory_space<vmem>>) target_semaphore(%run_scoped3A_138 : memref<!tpu.dma_semaphore, #tpu.memory_space<semaphore_mem>>)
      %dma_wait3A_147 = arith.constant 0 : i32
      %dma_wait3A_148 = arith.constant 0 : i32
      %dma_wait3A_149 = tpu.memref_slice %arg3[%run_scoped3A_1, %add3A, %dma_wait3A_147, %dma_wait3A_148] : memref<2x32x80x128xi32, #tpu.memory_space<hbm>> -> memref<1x1x80x128xi32, #tpu.memory_space<hbm>>
      %dma_wait3A_150 = tpu.memref_squeeze %dma_wait3A_149 : memref<1x1x80x128xi32, #tpu.memory_space<hbm>> -> memref<80x128xi32, #tpu.memory_space<hbm>>
      %dma_wait3A_151 = arith.constant 0 : i32
      %dma_wait3A_152 = arith.constant 0 : i32
      %dma_wait3A_153 = tpu.memref_slice %arg3[%run_scoped3A_1, %add3A, %dma_wait3A_151, %dma_wait3A_152] : memref<2x32x80x128xi32, #tpu.memory_space<hbm>> -> memref<1x1x80x128xi32, #tpu.memory_space<hbm>>
      %dma_wait3A_154 = tpu.memref_squeeze %dma_wait3A_153 : memref<1x1x80x128xi32, #tpu.memory_space<hbm>> -> memref<80x128xi32, #tpu.memory_space<hbm>>
      tpu.wait_dma2 semaphore(%run_scoped3A_138 : memref<!tpu.dma_semaphore, #tpu.memory_space<semaphore_mem>>) src(%dma_wait3A_154 : memref<80x128xi32, #tpu.memory_space<hbm>>) dst(%arg7 : memref<80x128xi32, #tpu.memory_space<vmem>>)
      tpu.yield
    }) : () -> ()
    %mul3A_2 = arith.constant 640 : i32
    %mul3A_3 = arith.muli %arg1, %mul3A_2 : i32
    %mul3A_4 = arith.constant 640 : i32
    %mul3A_5 = arith.muli %arg1, %mul3A_4 : i32
    "tpu.region"() ({
      %run_scoped3A_138 = tpu.sem_alloc : memref<!tpu.dma_semaphore, #tpu.memory_space<semaphore_mem>>
      %dma_start3A_139 = arith.constant 0 : i32
      %dma_start3A_140 = tpu.memref_slice %arg16[%mul3A_5, %dma_start3A_139] : memref<10240x16xf32, #tpu.memory_space<vmem_shared>> -> memref<640x16xf32, #tpu.memory_space<vmem_shared>>
      %dma_start3A_141 = arith.constant 0 : i32
      %dma_start3A_142 = tpu.memref_slice %arg2[%mul3A_3, %dma_start3A_141] : memref<10240x16xf32, #tpu.memory_space<hbm>> -> memref<640x16xf32, #tpu.memory_space<hbm>>
      tpu.enqueue_dma source(%dma_start3A_142 : memref<640x16xf32, #tpu.memory_space<hbm>>) target(%dma_start3A_140 : memref<640x16xf32, #tpu.memory_space<vmem_shared>>) target_semaphore(%run_scoped3A_138 : memref<!tpu.dma_semaphore, #tpu.memory_space<semaphore_mem>>)
      %dma_wait3A_143 = arith.constant 0 : i32
      %dma_wait3A_144 = tpu.memref_slice %arg16[%mul3A_5, %dma_wait3A_143] : memref<10240x16xf32, #tpu.memory_space<vmem_shared>> -> memref<640x16xf32, #tpu.memory_space<vmem_shared>>
      %dma_wait3A_145 = arith.constant 0 : i32
      %dma_wait3A_146 = tpu.memref_slice %arg2[%mul3A_3, %dma_wait3A_145] : memref<10240x16xf32, #tpu.memory_space<hbm>> -> memref<640x16xf32, #tpu.memory_space<hbm>>
      tpu.wait_dma2 semaphore(%run_scoped3A_138 : memref<!tpu.dma_semaphore, #tpu.memory_space<semaphore_mem>>) src(%dma_wait3A_146 : memref<640x16xf32, #tpu.memory_space<hbm>>) dst(%dma_wait3A_144 : memref<640x16xf32, #tpu.memory_space<vmem_shared>>)
      tpu.yield
    }) : () -> ()
    %mul3A_6 = arith.constant 640 : i32
    %mul3A_7 = arith.muli %arg1, %mul3A_6 : i32
    %mul3A_8 = arith.constant 640 : i32
    %mul3A_9 = arith.muli %arg1, %mul3A_8 : i32
    "tpu.region"() ({
      %run_scoped3A_138 = tpu.sem_alloc : memref<!tpu.dma_semaphore, #tpu.memory_space<semaphore_mem>>
      %dma_start3A_139 = arith.constant 0 : i32
      %dma_start3A_140 = tpu.memref_slice %arg17[%mul3A_9, %dma_start3A_139] : memref<10240x16xf32, #tpu.memory_space<vmem_shared>> -> memref<640x16xf32, #tpu.memory_space<vmem_shared>>
      %dma_start3A_141 = arith.constant 0 : i32
      %dma_start3A_142 = tpu.memref_slice %arg4[%mul3A_7, %dma_start3A_141] : memref<10240x16xf32, #tpu.memory_space<hbm>> -> memref<640x16xf32, #tpu.memory_space<hbm>>
      tpu.enqueue_dma source(%dma_start3A_142 : memref<640x16xf32, #tpu.memory_space<hbm>>) target(%dma_start3A_140 : memref<640x16xf32, #tpu.memory_space<vmem_shared>>) target_semaphore(%run_scoped3A_138 : memref<!tpu.dma_semaphore, #tpu.memory_space<semaphore_mem>>)
      %dma_wait3A_143 = arith.constant 0 : i32
      %dma_wait3A_144 = tpu.memref_slice %arg17[%mul3A_9, %dma_wait3A_143] : memref<10240x16xf32, #tpu.memory_space<vmem_shared>> -> memref<640x16xf32, #tpu.memory_space<vmem_shared>>
      %dma_wait3A_145 = arith.constant 0 : i32
      %dma_wait3A_146 = tpu.memref_slice %arg4[%mul3A_7, %dma_wait3A_145] : memref<10240x16xf32, #tpu.memory_space<hbm>> -> memref<640x16xf32, #tpu.memory_space<hbm>>
      tpu.wait_dma2 semaphore(%run_scoped3A_138 : memref<!tpu.dma_semaphore, #tpu.memory_space<semaphore_mem>>) src(%dma_wait3A_146 : memref<640x16xf32, #tpu.memory_space<hbm>>) dst(%dma_wait3A_144 : memref<640x16xf32, #tpu.memory_space<vmem_shared>>)
      tpu.yield
    }) : () -> ()
    %barrier3A = arith.constant 0 : index
    tpu.barrier barrier_id(%barrier3A)
    %dma_start3A = arith.constant 0 : i32
    %dma_start3A_10 = arith.constant 0 : i32
    %dma_start3A_11 = tpu.memref_slice %arg6[%dma_start3A, %dma_start3A_10] : memref<80x128xi32, #tpu.memory_space<vmem>> -> memref<1x128xi32, #tpu.memory_space<vmem>>
    %dma_start3A_12 = tpu.memref_squeeze %dma_start3A_11 : memref<1x128xi32, #tpu.memory_space<vmem>> -> memref<128xi32, #tpu.memory_space<vmem>>
    %dma_start3A_13 = arith.constant 0 : i32
    %dma_start3A_14 = arith.constant 0 : i32
    %dma_start3A_15 = tpu.memref_slice %arg16[%dma_start3A_13, %dma_start3A_14] : memref<10240x16xf32, #tpu.memory_space<vmem_shared>> -> memref<10240x16xf32, #tpu.memory_space<vmem_shared>>
    tpu.enqueue_indirect_dma source(%dma_start3A_15 : memref<10240x16xf32, #tpu.memory_space<vmem_shared>>) target(%arg8 : memref<128x16xf32, #tpu.memory_space<vmem>>) offsets(%dma_start3A_12 : memref<128xi32, #tpu.memory_space<vmem>>) semaphore(%arg18 : memref<!tpu.dma_semaphore, #tpu.memory_space<semaphore_mem>>)
    %dma_start3A_16 = arith.constant 1 : i32
    %dma_start3A_17 = arith.constant 0 : i32
    %dma_start3A_18 = tpu.memref_slice %arg6[%dma_start3A_16, %dma_start3A_17] : memref<80x128xi32, #tpu.memory_space<vmem>> -> memref<1x128xi32, #tpu.memory_space<vmem>>
    %dma_start3A_19 = tpu.memref_squeeze %dma_start3A_18 : memref<1x128xi32, #tpu.memory_space<vmem>> -> memref<128xi32, #tpu.memory_space<vmem>>
    %dma_start3A_20 = arith.constant 0 : i32
    %dma_start3A_21 = arith.constant 0 : i32
    %dma_start3A_22 = tpu.memref_slice %arg16[%dma_start3A_20, %dma_start3A_21] : memref<10240x16xf32, #tpu.memory_space<vmem_shared>> -> memref<10240x16xf32, #tpu.memory_space<vmem_shared>>
    tpu.enqueue_indirect_dma source(%dma_start3A_22 : memref<10240x16xf32, #tpu.memory_space<vmem_shared>>) target(%arg9 : memref<128x16xf32, #tpu.memory_space<vmem>>) offsets(%dma_start3A_19 : memref<128xi32, #tpu.memory_space<vmem>>) semaphore(%arg19 : memref<!tpu.dma_semaphore, #tpu.memory_space<semaphore_mem>>)
    %dma_start3A_23 = arith.constant 2 : i32
    %dma_start3A_24 = arith.constant 0 : i32
    %dma_start3A_25 = tpu.memref_slice %arg6[%dma_start3A_23, %dma_start3A_24] : memref<80x128xi32, #tpu.memory_space<vmem>> -> memref<1x128xi32, #tpu.memory_space<vmem>>
    %dma_start3A_26 = tpu.memref_squeeze %dma_start3A_25 : memref<1x128xi32, #tpu.memory_space<vmem>> -> memref<128xi32, #tpu.memory_space<vmem>>
    %dma_start3A_27 = arith.constant 0 : i32
    %dma_start3A_28 = arith.constant 0 : i32
    %dma_start3A_29 = tpu.memref_slice %arg16[%dma_start3A_27, %dma_start3A_28] : memref<10240x16xf32, #tpu.memory_space<vmem_shared>> -> memref<10240x16xf32, #tpu.memory_space<vmem_shared>>
    tpu.enqueue_indirect_dma source(%dma_start3A_29 : memref<10240x16xf32, #tpu.memory_space<vmem_shared>>) target(%arg10 : memref<128x16xf32, #tpu.memory_space<vmem>>) offsets(%dma_start3A_26 : memref<128xi32, #tpu.memory_space<vmem>>) semaphore(%arg20 : memref<!tpu.dma_semaphore, #tpu.memory_space<semaphore_mem>>)
    %dma_start3A_30 = arith.constant 3 : i32
    %dma_start3A_31 = arith.constant 0 : i32
    %dma_start3A_32 = tpu.memref_slice %arg6[%dma_start3A_30, %dma_start3A_31] : memref<80x128xi32, #tpu.memory_space<vmem>> -> memref<1x128xi32, #tpu.memory_space<vmem>>
    %dma_start3A_33 = tpu.memref_squeeze %dma_start3A_32 : memref<1x128xi32, #tpu.memory_space<vmem>> -> memref<128xi32, #tpu.memory_space<vmem>>
    %dma_start3A_34 = arith.constant 0 : i32
    %dma_start3A_35 = arith.constant 0 : i32
    %dma_start3A_36 = tpu.memref_slice %arg16[%dma_start3A_34, %dma_start3A_35] : memref<10240x16xf32, #tpu.memory_space<vmem_shared>> -> memref<10240x16xf32, #tpu.memory_space<vmem_shared>>
    tpu.enqueue_indirect_dma source(%dma_start3A_36 : memref<10240x16xf32, #tpu.memory_space<vmem_shared>>) target(%arg11 : memref<128x16xf32, #tpu.memory_space<vmem>>) offsets(%dma_start3A_33 : memref<128xi32, #tpu.memory_space<vmem>>) semaphore(%arg21 : memref<!tpu.dma_semaphore, #tpu.memory_space<semaphore_mem>>)
    %dma_start3A_37 = arith.constant 4 : i32
    %dma_start3A_38 = arith.constant 0 : i32
    %dma_start3A_39 = tpu.memref_slice %arg6[%dma_start3A_37, %dma_start3A_38] : memref<80x128xi32, #tpu.memory_space<vmem>> -> memref<1x128xi32, #tpu.memory_space<vmem>>
    %dma_start3A_40 = tpu.memref_squeeze %dma_start3A_39 : memref<1x128xi32, #tpu.memory_space<vmem>> -> memref<128xi32, #tpu.memory_space<vmem>>
    %dma_start3A_41 = arith.constant 0 : i32
    %dma_start3A_42 = arith.constant 0 : i32
    %dma_start3A_43 = tpu.memref_slice %arg16[%dma_start3A_41, %dma_start3A_42] : memref<10240x16xf32, #tpu.memory_space<vmem_shared>> -> memref<10240x16xf32, #tpu.memory_space<vmem_shared>>
    tpu.enqueue_indirect_dma source(%dma_start3A_43 : memref<10240x16xf32, #tpu.memory_space<vmem_shared>>) target(%arg12 : memref<128x16xf32, #tpu.memory_space<vmem>>) offsets(%dma_start3A_40 : memref<128xi32, #tpu.memory_space<vmem>>) semaphore(%arg22 : memref<!tpu.dma_semaphore, #tpu.memory_space<semaphore_mem>>)
    %dma_start3A_44 = arith.constant 5 : i32
    %dma_start3A_45 = arith.constant 0 : i32
    %dma_start3A_46 = tpu.memref_slice %arg6[%dma_start3A_44, %dma_start3A_45] : memref<80x128xi32, #tpu.memory_space<vmem>> -> memref<1x128xi32, #tpu.memory_space<vmem>>
    %dma_start3A_47 = tpu.memref_squeeze %dma_start3A_46 : memref<1x128xi32, #tpu.memory_space<vmem>> -> memref<128xi32, #tpu.memory_space<vmem>>
    %dma_start3A_48 = arith.constant 0 : i32
    %dma_start3A_49 = arith.constant 0 : i32
    %dma_start3A_50 = tpu.memref_slice %arg16[%dma_start3A_48, %dma_start3A_49] : memref<10240x16xf32, #tpu.memory_space<vmem_shared>> -> memref<10240x16xf32, #tpu.memory_space<vmem_shared>>
    tpu.enqueue_indirect_dma source(%dma_start3A_50 : memref<10240x16xf32, #tpu.memory_space<vmem_shared>>) target(%arg13 : memref<128x16xf32, #tpu.memory_space<vmem>>) offsets(%dma_start3A_47 : memref<128xi32, #tpu.memory_space<vmem>>) semaphore(%arg23 : memref<!tpu.dma_semaphore, #tpu.memory_space<semaphore_mem>>)
    %dma_start3A_51 = arith.constant 6 : i32
    %dma_start3A_52 = arith.constant 0 : i32
    %dma_start3A_53 = tpu.memref_slice %arg6[%dma_start3A_51, %dma_start3A_52] : memref<80x128xi32, #tpu.memory_space<vmem>> -> memref<1x128xi32, #tpu.memory_space<vmem>>
    %dma_start3A_54 = tpu.memref_squeeze %dma_start3A_53 : memref<1x128xi32, #tpu.memory_space<vmem>> -> memref<128xi32, #tpu.memory_space<vmem>>
    %dma_start3A_55 = arith.constant 0 : i32
    %dma_start3A_56 = arith.constant 0 : i32
    %dma_start3A_57 = tpu.memref_slice %arg16[%dma_start3A_55, %dma_start3A_56] : memref<10240x16xf32, #tpu.memory_space<vmem_shared>> -> memref<10240x16xf32, #tpu.memory_space<vmem_shared>>
    tpu.enqueue_indirect_dma source(%dma_start3A_57 : memref<10240x16xf32, #tpu.memory_space<vmem_shared>>) target(%arg14 : memref<128x16xf32, #tpu.memory_space<vmem>>) offsets(%dma_start3A_54 : memref<128xi32, #tpu.memory_space<vmem>>) semaphore(%arg24 : memref<!tpu.dma_semaphore, #tpu.memory_space<semaphore_mem>>)
    %dma_start3A_58 = arith.constant 7 : i32
    %dma_start3A_59 = arith.constant 0 : i32
    %dma_start3A_60 = tpu.memref_slice %arg6[%dma_start3A_58, %dma_start3A_59] : memref<80x128xi32, #tpu.memory_space<vmem>> -> memref<1x128xi32, #tpu.memory_space<vmem>>
    %dma_start3A_61 = tpu.memref_squeeze %dma_start3A_60 : memref<1x128xi32, #tpu.memory_space<vmem>> -> memref<128xi32, #tpu.memory_space<vmem>>
    %dma_start3A_62 = arith.constant 0 : i32
    %dma_start3A_63 = arith.constant 0 : i32
    %dma_start3A_64 = tpu.memref_slice %arg16[%dma_start3A_62, %dma_start3A_63] : memref<10240x16xf32, #tpu.memory_space<vmem_shared>> -> memref<10240x16xf32, #tpu.memory_space<vmem_shared>>
    tpu.enqueue_indirect_dma source(%dma_start3A_64 : memref<10240x16xf32, #tpu.memory_space<vmem_shared>>) target(%arg15 : memref<128x16xf32, #tpu.memory_space<vmem>>) offsets(%dma_start3A_61 : memref<128xi32, #tpu.memory_space<vmem>>) semaphore(%arg25 : memref<!tpu.dma_semaphore, #tpu.memory_space<semaphore_mem>>)
    %scan3A = arith.constant 0 : i32
    %scan3A_65 = arith.constant 0 : i32
    %scan3A_66 = arith.constant 9 : i32
    %scan3A_67 = arith.addi %scan3A_65, %scan3A_66 : i32
    %scan3A_68 = arith.constant 1 : i32
    scf.for %scan3A_138 = %scan3A_65 to %scan3A_67 step %scan3A_68  : i32 {
      %mul3A_139 = arith.constant 8 : i32
      %mul3A_140 = arith.muli %scan3A_138, %mul3A_139 : i32
      %add3A_141 = arith.constant 0 : i32
      %add3A_142 = arith.addi %mul3A_140, %add3A_141 : i32
      %dma_wait3A_143 = arith.constant 0 : i32
      %dma_wait3A_144 = arith.constant 0 : i32
      %dma_wait3A_145 = tpu.memref_slice %arg6[%dma_wait3A_143, %dma_wait3A_144] : memref<80x128xi32, #tpu.memory_space<vmem>> -> memref<1x128xi32, #tpu.memory_space<vmem>>
      %dma_wait3A_146 = tpu.memref_squeeze %dma_wait3A_145 : memref<1x128xi32, #tpu.memory_space<vmem>> -> memref<128xi32, #tpu.memory_space<vmem>>
      %dma_wait3A_147 = arith.constant 0 : i32
      %dma_wait3A_148 = arith.constant 0 : i32
      %dma_wait3A_149 = tpu.memref_slice %arg16[%dma_wait3A_147, %dma_wait3A_148] : memref<10240x16xf32, #tpu.memory_space<vmem_shared>> -> memref<10240x16xf32, #tpu.memory_space<vmem_shared>>
      tpu.wait_indirect_dma semaphore(%arg18 : memref<!tpu.dma_semaphore, #tpu.memory_space<semaphore_mem>>) src(%dma_wait3A_149 : memref<10240x16xf32, #tpu.memory_space<vmem_shared>>) dst(%arg8 : memref<128x16xf32, #tpu.memory_space<vmem>>)
      "tpu.region"() ({
        %run_scoped3A_277 = tpu.sem_alloc : memref<!tpu.dma_semaphore, #tpu.memory_space<semaphore_mem>>
        %dma_start3A_278 = arith.constant 0 : i32
        %dma_start3A_279 = tpu.memref_slice %arg7[%add3A_142, %dma_start3A_278] : memref<80x128xi32, #tpu.memory_space<vmem>> -> memref<1x128xi32, #tpu.memory_space<vmem>>
        %dma_start3A_280 = tpu.memref_squeeze %dma_start3A_279 : memref<1x128xi32, #tpu.memory_space<vmem>> -> memref<128xi32, #tpu.memory_space<vmem>>
        %dma_start3A_281 = arith.constant 0 : i32
        %dma_start3A_282 = arith.constant 0 : i32
        %dma_start3A_283 = tpu.memref_slice %arg17[%dma_start3A_281, %dma_start3A_282] : memref<10240x16xf32, #tpu.memory_space<vmem_shared>> -> memref<10240x16xf32, #tpu.memory_space<vmem_shared>>
        tpu.enqueue_indirect_dma source(%arg8 : memref<128x16xf32, #tpu.memory_space<vmem>>) target(%dma_start3A_283 : memref<10240x16xf32, #tpu.memory_space<vmem_shared>>) offsets(%dma_start3A_280 : memref<128xi32, #tpu.memory_space<vmem>>) semaphore(%run_scoped3A_277 : memref<!tpu.dma_semaphore, #tpu.memory_space<semaphore_mem>>) {add = true}
        %dma_wait3A_284 = arith.constant 0 : i32
        %dma_wait3A_285 = tpu.memref_slice %arg7[%add3A_142, %dma_wait3A_284] : memref<80x128xi32, #tpu.memory_space<vmem>> -> memref<1x128xi32, #tpu.memory_space<vmem>>
        %dma_wait3A_286 = tpu.memref_squeeze %dma_wait3A_285 : memref<1x128xi32, #tpu.memory_space<vmem>> -> memref<128xi32, #tpu.memory_space<vmem>>
        %dma_wait3A_287 = arith.constant 0 : i32
        %dma_wait3A_288 = arith.constant 0 : i32
        %dma_wait3A_289 = tpu.memref_slice %arg17[%dma_wait3A_287, %dma_wait3A_288] : memref<10240x16xf32, #tpu.memory_space<vmem_shared>> -> memref<10240x16xf32, #tpu.memory_space<vmem_shared>>
        tpu.wait_indirect_dma semaphore(%run_scoped3A_277 : memref<!tpu.dma_semaphore, #tpu.memory_space<semaphore_mem>>) src(%arg8 : memref<128x16xf32, #tpu.memory_space<vmem>>) dst(%dma_wait3A_289 : memref<10240x16xf32, #tpu.memory_space<vmem_shared>>)
        tpu.yield
      }) : () -> ()
      %add3A_150 = arith.constant 8 : i32
      %add3A_151 = arith.addi %add3A_142, %add3A_150 : i32
      %dma_start3A_152 = arith.constant 0 : i32
      %dma_start3A_153 = tpu.memref_slice %arg6[%add3A_151, %dma_start3A_152] : memref<80x128xi32, #tpu.memory_space<vmem>> -> memref<1x128xi32, #tpu.memory_space<vmem>>
      %dma_start3A_154 = tpu.memref_squeeze %dma_start3A_153 : memref<1x128xi32, #tpu.memory_space<vmem>> -> memref<128xi32, #tpu.memory_space<vmem>>
      %dma_start3A_155 = arith.constant 0 : i32
      %dma_start3A_156 = arith.constant 0 : i32
      %dma_start3A_157 = tpu.memref_slice %arg16[%dma_start3A_155, %dma_start3A_156] : memref<10240x16xf32, #tpu.memory_space<vmem_shared>> -> memref<10240x16xf32, #tpu.memory_space<vmem_shared>>
      tpu.enqueue_indirect_dma source(%dma_start3A_157 : memref<10240x16xf32, #tpu.memory_space<vmem_shared>>) target(%arg8 : memref<128x16xf32, #tpu.memory_space<vmem>>) offsets(%dma_start3A_154 : memref<128xi32, #tpu.memory_space<vmem>>) semaphore(%arg18 : memref<!tpu.dma_semaphore, #tpu.memory_space<semaphore_mem>>)
      %add3A_158 = arith.constant 1 : i32
      %add3A_159 = arith.addi %mul3A_140, %add3A_158 : i32
      %dma_wait3A_160 = arith.constant 0 : i32
      %dma_wait3A_161 = arith.constant 0 : i32
      %dma_wait3A_162 = tpu.memref_slice %arg6[%dma_wait3A_160, %dma_wait3A_161] : memref<80x128xi32, #tpu.memory_space<vmem>> -> memref<1x128xi32, #tpu.memory_space<vmem>>
      %dma_wait3A_163 = tpu.memref_squeeze %dma_wait3A_162 : memref<1x128xi32, #tpu.memory_space<vmem>> -> memref<128xi32, #tpu.memory_space<vmem>>
      %dma_wait3A_164 = arith.constant 0 : i32
      %dma_wait3A_165 = arith.constant 0 : i32
      %dma_wait3A_166 = tpu.memref_slice %arg16[%dma_wait3A_164, %dma_wait3A_165] : memref<10240x16xf32, #tpu.memory_space<vmem_shared>> -> memref<10240x16xf32, #tpu.memory_space<vmem_shared>>
      tpu.wait_indirect_dma semaphore(%arg19 : memref<!tpu.dma_semaphore, #tpu.memory_space<semaphore_mem>>) src(%dma_wait3A_166 : memref<10240x16xf32, #tpu.memory_space<vmem_shared>>) dst(%arg9 : memref<128x16xf32, #tpu.memory_space<vmem>>)
      "tpu.region"() ({
        %run_scoped3A_277 = tpu.sem_alloc : memref<!tpu.dma_semaphore, #tpu.memory_space<semaphore_mem>>
        %dma_start3A_278 = arith.constant 0 : i32
        %dma_start3A_279 = tpu.memref_slice %arg7[%add3A_159, %dma_start3A_278] : memref<80x128xi32, #tpu.memory_space<vmem>> -> memref<1x128xi32, #tpu.memory_space<vmem>>
        %dma_start3A_280 = tpu.memref_squeeze %dma_start3A_279 : memref<1x128xi32, #tpu.memory_space<vmem>> -> memref<128xi32, #tpu.memory_space<vmem>>
        %dma_start3A_281 = arith.constant 0 : i32
        %dma_start3A_282 = arith.constant 0 : i32
        %dma_start3A_283 = tpu.memref_slice %arg17[%dma_start3A_281, %dma_start3A_282] : memref<10240x16xf32, #tpu.memory_space<vmem_shared>> -> memref<10240x16xf32, #tpu.memory_space<vmem_shared>>
        tpu.enqueue_indirect_dma source(%arg9 : memref<128x16xf32, #tpu.memory_space<vmem>>) target(%dma_start3A_283 : memref<10240x16xf32, #tpu.memory_space<vmem_shared>>) offsets(%dma_start3A_280 : memref<128xi32, #tpu.memory_space<vmem>>) semaphore(%run_scoped3A_277 : memref<!tpu.dma_semaphore, #tpu.memory_space<semaphore_mem>>) {add = true}
        %dma_wait3A_284 = arith.constant 0 : i32
        %dma_wait3A_285 = tpu.memref_slice %arg7[%add3A_159, %dma_wait3A_284] : memref<80x128xi32, #tpu.memory_space<vmem>> -> memref<1x128xi32, #tpu.memory_space<vmem>>
        %dma_wait3A_286 = tpu.memref_squeeze %dma_wait3A_285 : memref<1x128xi32, #tpu.memory_space<vmem>> -> memref<128xi32, #tpu.memory_space<vmem>>
        %dma_wait3A_287 = arith.constant 0 : i32
        %dma_wait3A_288 = arith.constant 0 : i32
        %dma_wait3A_289 = tpu.memref_slice %arg17[%dma_wait3A_287, %dma_wait3A_288] : memref<10240x16xf32, #tpu.memory_space<vmem_shared>> -> memref<10240x16xf32, #tpu.memory_space<vmem_shared>>
        tpu.wait_indirect_dma semaphore(%run_scoped3A_277 : memref<!tpu.dma_semaphore, #tpu.memory_space<semaphore_mem>>) src(%arg9 : memref<128x16xf32, #tpu.memory_space<vmem>>) dst(%dma_wait3A_289 : memref<10240x16xf32, #tpu.memory_space<vmem_shared>>)
        tpu.yield
      }) : () -> ()
      %add3A_167 = arith.constant 8 : i32
      %add3A_168 = arith.addi %add3A_159, %add3A_167 : i32
      %dma_start3A_169 = arith.constant 0 : i32
      %dma_start3A_170 = tpu.memref_slice %arg6[%add3A_168, %dma_start3A_169] : memref<80x128xi32, #tpu.memory_space<vmem>> -> memref<1x128xi32, #tpu.memory_space<vmem>>
      %dma_start3A_171 = tpu.memref_squeeze %dma_start3A_170 : memref<1x128xi32, #tpu.memory_space<vmem>> -> memref<128xi32, #tpu.memory_space<vmem>>
      %dma_start3A_172 = arith.constant 0 : i32
      %dma_start3A_173 = arith.constant 0 : i32
      %dma_start3A_174 = tpu.memref_slice %arg16[%dma_start3A_172, %dma_start3A_173] : memref<10240x16xf32, #tpu.memory_space<vmem_shared>> -> memref<10240x16xf32, #tpu.memory_space<vmem_shared>>
      tpu.enqueue_indirect_dma source(%dma_start3A_174 : memref<10240x16xf32, #tpu.memory_space<vmem_shared>>) target(%arg9 : memref<128x16xf32, #tpu.memory_space<vmem>>) offsets(%dma_start3A_171 : memref<128xi32, #tpu.memory_space<vmem>>) semaphore(%arg19 : memref<!tpu.dma_semaphore, #tpu.memory_space<semaphore_mem>>)
      %add3A_175 = arith.constant 2 : i32
      %add3A_176 = arith.addi %mul3A_140, %add3A_175 : i32
      %dma_wait3A_177 = arith.constant 0 : i32
      %dma_wait3A_178 = arith.constant 0 : i32
      %dma_wait3A_179 = tpu.memref_slice %arg6[%dma_wait3A_177, %dma_wait3A_178] : memref<80x128xi32, #tpu.memory_space<vmem>> -> memref<1x128xi32, #tpu.memory_space<vmem>>
      %dma_wait3A_180 = tpu.memref_squeeze %dma_wait3A_179 : memref<1x128xi32, #tpu.memory_space<vmem>> -> memref<128xi32, #tpu.memory_space<vmem>>
      %dma_wait3A_181 = arith.constant 0 : i32
      %dma_wait3A_182 = arith.constant 0 : i32
      %dma_wait3A_183 = tpu.memref_slice %arg16[%dma_wait3A_181, %dma_wait3A_182] : memref<10240x16xf32, #tpu.memory_space<vmem_shared>> -> memref<10240x16xf32, #tpu.memory_space<vmem_shared>>
      tpu.wait_indirect_dma semaphore(%arg20 : memref<!tpu.dma_semaphore, #tpu.memory_space<semaphore_mem>>) src(%dma_wait3A_183 : memref<10240x16xf32, #tpu.memory_space<vmem_shared>>) dst(%arg10 : memref<128x16xf32, #tpu.memory_space<vmem>>)
      "tpu.region"() ({
        %run_scoped3A_277 = tpu.sem_alloc : memref<!tpu.dma_semaphore, #tpu.memory_space<semaphore_mem>>
        %dma_start3A_278 = arith.constant 0 : i32
        %dma_start3A_279 = tpu.memref_slice %arg7[%add3A_176, %dma_start3A_278] : memref<80x128xi32, #tpu.memory_space<vmem>> -> memref<1x128xi32, #tpu.memory_space<vmem>>
        %dma_start3A_280 = tpu.memref_squeeze %dma_start3A_279 : memref<1x128xi32, #tpu.memory_space<vmem>> -> memref<128xi32, #tpu.memory_space<vmem>>
        %dma_start3A_281 = arith.constant 0 : i32
        %dma_start3A_282 = arith.constant 0 : i32
        %dma_start3A_283 = tpu.memref_slice %arg17[%dma_start3A_281, %dma_start3A_282] : memref<10240x16xf32, #tpu.memory_space<vmem_shared>> -> memref<10240x16xf32, #tpu.memory_space<vmem_shared>>
        tpu.enqueue_indirect_dma source(%arg10 : memref<128x16xf32, #tpu.memory_space<vmem>>) target(%dma_start3A_283 : memref<10240x16xf32, #tpu.memory_space<vmem_shared>>) offsets(%dma_start3A_280 : memref<128xi32, #tpu.memory_space<vmem>>) semaphore(%run_scoped3A_277 : memref<!tpu.dma_semaphore, #tpu.memory_space<semaphore_mem>>) {add = true}
        %dma_wait3A_284 = arith.constant 0 : i32
        %dma_wait3A_285 = tpu.memref_slice %arg7[%add3A_176, %dma_wait3A_284] : memref<80x128xi32, #tpu.memory_space<vmem>> -> memref<1x128xi32, #tpu.memory_space<vmem>>
        %dma_wait3A_286 = tpu.memref_squeeze %dma_wait3A_285 : memref<1x128xi32, #tpu.memory_space<vmem>> -> memref<128xi32, #tpu.memory_space<vmem>>
        %dma_wait3A_287 = arith.constant 0 : i32
        %dma_wait3A_288 = arith.constant 0 : i32
        %dma_wait3A_289 = tpu.memref_slice %arg17[%dma_wait3A_287, %dma_wait3A_288] : memref<10240x16xf32, #tpu.memory_space<vmem_shared>> -> memref<10240x16xf32, #tpu.memory_space<vmem_shared>>
        tpu.wait_indirect_dma semaphore(%run_scoped3A_277 : memref<!tpu.dma_semaphore, #tpu.memory_space<semaphore_mem>>) src(%arg10 : memref<128x16xf32, #tpu.memory_space<vmem>>) dst(%dma_wait3A_289 : memref<10240x16xf32, #tpu.memory_space<vmem_shared>>)
        tpu.yield
      }) : () -> ()
      %add3A_184 = arith.constant 8 : i32
      %add3A_185 = arith.addi %add3A_176, %add3A_184 : i32
      %dma_start3A_186 = arith.constant 0 : i32
      %dma_start3A_187 = tpu.memref_slice %arg6[%add3A_185, %dma_start3A_186] : memref<80x128xi32, #tpu.memory_space<vmem>> -> memref<1x128xi32, #tpu.memory_space<vmem>>
      %dma_start3A_188 = tpu.memref_squeeze %dma_start3A_187 : memref<1x128xi32, #tpu.memory_space<vmem>> -> memref<128xi32, #tpu.memory_space<vmem>>
      %dma_start3A_189 = arith.constant 0 : i32
      %dma_start3A_190 = arith.constant 0 : i32
      %dma_start3A_191 = tpu.memref_slice %arg16[%dma_start3A_189, %dma_start3A_190] : memref<10240x16xf32, #tpu.memory_space<vmem_shared>> -> memref<10240x16xf32, #tpu.memory_space<vmem_shared>>
      tpu.enqueue_indirect_dma source(%dma_start3A_191 : memref<10240x16xf32, #tpu.memory_space<vmem_shared>>) target(%arg10 : memref<128x16xf32, #tpu.memory_space<vmem>>) offsets(%dma_start3A_188 : memref<128xi32, #tpu.memory_space<vmem>>) semaphore(%arg20 : memref<!tpu.dma_semaphore, #tpu.memory_space<semaphore_mem>>)
      %add3A_192 = arith.constant 3 : i32
      %add3A_193 = arith.addi %mul3A_140, %add3A_192 : i32
      %dma_wait3A_194 = arith.constant 0 : i32
      %dma_wait3A_195 = arith.constant 0 : i32
      %dma_wait3A_196 = tpu.memref_slice %arg6[%dma_wait3A_194, %dma_wait3A_195] : memref<80x128xi32, #tpu.memory_space<vmem>> -> memref<1x128xi32, #tpu.memory_space<vmem>>
      %dma_wait3A_197 = tpu.memref_squeeze %dma_wait3A_196 : memref<1x128xi32, #tpu.memory_space<vmem>> -> memref<128xi32, #tpu.memory_space<vmem>>
      %dma_wait3A_198 = arith.constant 0 : i32
      %dma_wait3A_199 = arith.constant 0 : i32
      %dma_wait3A_200 = tpu.memref_slice %arg16[%dma_wait3A_198, %dma_wait3A_199] : memref<10240x16xf32, #tpu.memory_space<vmem_shared>> -> memref<10240x16xf32, #tpu.memory_space<vmem_shared>>
      tpu.wait_indirect_dma semaphore(%arg21 : memref<!tpu.dma_semaphore, #tpu.memory_space<semaphore_mem>>) src(%dma_wait3A_200 : memref<10240x16xf32, #tpu.memory_space<vmem_shared>>) dst(%arg11 : memref<128x16xf32, #tpu.memory_space<vmem>>)
      "tpu.region"() ({
        %run_scoped3A_277 = tpu.sem_alloc : memref<!tpu.dma_semaphore, #tpu.memory_space<semaphore_mem>>
        %dma_start3A_278 = arith.constant 0 : i32
        %dma_start3A_279 = tpu.memref_slice %arg7[%add3A_193, %dma_start3A_278] : memref<80x128xi32, #tpu.memory_space<vmem>> -> memref<1x128xi32, #tpu.memory_space<vmem>>
        %dma_start3A_280 = tpu.memref_squeeze %dma_start3A_279 : memref<1x128xi32, #tpu.memory_space<vmem>> -> memref<128xi32, #tpu.memory_space<vmem>>
        %dma_start3A_281 = arith.constant 0 : i32
        %dma_start3A_282 = arith.constant 0 : i32
        %dma_start3A_283 = tpu.memref_slice %arg17[%dma_start3A_281, %dma_start3A_282] : memref<10240x16xf32, #tpu.memory_space<vmem_shared>> -> memref<10240x16xf32, #tpu.memory_space<vmem_shared>>
        tpu.enqueue_indirect_dma source(%arg11 : memref<128x16xf32, #tpu.memory_space<vmem>>) target(%dma_start3A_283 : memref<10240x16xf32, #tpu.memory_space<vmem_shared>>) offsets(%dma_start3A_280 : memref<128xi32, #tpu.memory_space<vmem>>) semaphore(%run_scoped3A_277 : memref<!tpu.dma_semaphore, #tpu.memory_space<semaphore_mem>>) {add = true}
        %dma_wait3A_284 = arith.constant 0 : i32
        %dma_wait3A_285 = tpu.memref_slice %arg7[%add3A_193, %dma_wait3A_284] : memref<80x128xi32, #tpu.memory_space<vmem>> -> memref<1x128xi32, #tpu.memory_space<vmem>>
        %dma_wait3A_286 = tpu.memref_squeeze %dma_wait3A_285 : memref<1x128xi32, #tpu.memory_space<vmem>> -> memref<128xi32, #tpu.memory_space<vmem>>
        %dma_wait3A_287 = arith.constant 0 : i32
        %dma_wait3A_288 = arith.constant 0 : i32
        %dma_wait3A_289 = tpu.memref_slice %arg17[%dma_wait3A_287, %dma_wait3A_288] : memref<10240x16xf32, #tpu.memory_space<vmem_shared>> -> memref<10240x16xf32, #tpu.memory_space<vmem_shared>>
        tpu.wait_indirect_dma semaphore(%run_scoped3A_277 : memref<!tpu.dma_semaphore, #tpu.memory_space<semaphore_mem>>) src(%arg11 : memref<128x16xf32, #tpu.memory_space<vmem>>) dst(%dma_wait3A_289 : memref<10240x16xf32, #tpu.memory_space<vmem_shared>>)
        tpu.yield
      }) : () -> ()
      %add3A_201 = arith.constant 8 : i32
      %add3A_202 = arith.addi %add3A_193, %add3A_201 : i32
      %dma_start3A_203 = arith.constant 0 : i32
      %dma_start3A_204 = tpu.memref_slice %arg6[%add3A_202, %dma_start3A_203] : memref<80x128xi32, #tpu.memory_space<vmem>> -> memref<1x128xi32, #tpu.memory_space<vmem>>
      %dma_start3A_205 = tpu.memref_squeeze %dma_start3A_204 : memref<1x128xi32, #tpu.memory_space<vmem>> -> memref<128xi32, #tpu.memory_space<vmem>>
      %dma_start3A_206 = arith.constant 0 : i32
      %dma_start3A_207 = arith.constant 0 : i32
      %dma_start3A_208 = tpu.memref_slice %arg16[%dma_start3A_206, %dma_start3A_207] : memref<10240x16xf32, #tpu.memory_space<vmem_shared>> -> memref<10240x16xf32, #tpu.memory_space<vmem_shared>>
      tpu.enqueue_indirect_dma source(%dma_start3A_208 : memref<10240x16xf32, #tpu.memory_space<vmem_shared>>) target(%arg11 : memref<128x16xf32, #tpu.memory_space<vmem>>) offsets(%dma_start3A_205 : memref<128xi32, #tpu.memory_space<vmem>>) semaphore(%arg21 : memref<!tpu.dma_semaphore, #tpu.memory_space<semaphore_mem>>)
      %add3A_209 = arith.constant 4 : i32
      %add3A_210 = arith.addi %mul3A_140, %add3A_209 : i32
      %dma_wait3A_211 = arith.constant 0 : i32
      %dma_wait3A_212 = arith.constant 0 : i32
      %dma_wait3A_213 = tpu.memref_slice %arg6[%dma_wait3A_211, %dma_wait3A_212] : memref<80x128xi32, #tpu.memory_space<vmem>> -> memref<1x128xi32, #tpu.memory_space<vmem>>
      %dma_wait3A_214 = tpu.memref_squeeze %dma_wait3A_213 : memref<1x128xi32, #tpu.memory_space<vmem>> -> memref<128xi32, #tpu.memory_space<vmem>>
      %dma_wait3A_215 = arith.constant 0 : i32
      %dma_wait3A_216 = arith.constant 0 : i32
      %dma_wait3A_217 = tpu.memref_slice %arg16[%dma_wait3A_215, %dma_wait3A_216] : memref<10240x16xf32, #tpu.memory_space<vmem_shared>> -> memref<10240x16xf32, #tpu.memory_space<vmem_shared>>
      tpu.wait_indirect_dma semaphore(%arg22 : memref<!tpu.dma_semaphore, #tpu.memory_space<semaphore_mem>>) src(%dma_wait3A_217 : memref<10240x16xf32, #tpu.memory_space<vmem_shared>>) dst(%arg12 : memref<128x16xf32, #tpu.memory_space<vmem>>)
      "tpu.region"() ({
        %run_scoped3A_277 = tpu.sem_alloc : memref<!tpu.dma_semaphore, #tpu.memory_space<semaphore_mem>>
        %dma_start3A_278 = arith.constant 0 : i32
        %dma_start3A_279 = tpu.memref_slice %arg7[%add3A_210, %dma_start3A_278] : memref<80x128xi32, #tpu.memory_space<vmem>> -> memref<1x128xi32, #tpu.memory_space<vmem>>
        %dma_start3A_280 = tpu.memref_squeeze %dma_start3A_279 : memref<1x128xi32, #tpu.memory_space<vmem>> -> memref<128xi32, #tpu.memory_space<vmem>>
        %dma_start3A_281 = arith.constant 0 : i32
        %dma_start3A_282 = arith.constant 0 : i32
        %dma_start3A_283 = tpu.memref_slice %arg17[%dma_start3A_281, %dma_start3A_282] : memref<10240x16xf32, #tpu.memory_space<vmem_shared>> -> memref<10240x16xf32, #tpu.memory_space<vmem_shared>>
        tpu.enqueue_indirect_dma source(%arg12 : memref<128x16xf32, #tpu.memory_space<vmem>>) target(%dma_start3A_283 : memref<10240x16xf32, #tpu.memory_space<vmem_shared>>) offsets(%dma_start3A_280 : memref<128xi32, #tpu.memory_space<vmem>>) semaphore(%run_scoped3A_277 : memref<!tpu.dma_semaphore, #tpu.memory_space<semaphore_mem>>) {add = true}
        %dma_wait3A_284 = arith.constant 0 : i32
        %dma_wait3A_285 = tpu.memref_slice %arg7[%add3A_210, %dma_wait3A_284] : memref<80x128xi32, #tpu.memory_space<vmem>> -> memref<1x128xi32, #tpu.memory_space<vmem>>
        %dma_wait3A_286 = tpu.memref_squeeze %dma_wait3A_285 : memref<1x128xi32, #tpu.memory_space<vmem>> -> memref<128xi32, #tpu.memory_space<vmem>>
        %dma_wait3A_287 = arith.constant 0 : i32
        %dma_wait3A_288 = arith.constant 0 : i32
        %dma_wait3A_289 = tpu.memref_slice %arg17[%dma_wait3A_287, %dma_wait3A_288] : memref<10240x16xf32, #tpu.memory_space<vmem_shared>> -> memref<10240x16xf32, #tpu.memory_space<vmem_shared>>
        tpu.wait_indirect_dma semaphore(%run_scoped3A_277 : memref<!tpu.dma_semaphore, #tpu.memory_space<semaphore_mem>>) src(%arg12 : memref<128x16xf32, #tpu.memory_space<vmem>>) dst(%dma_wait3A_289 : memref<10240x16xf32, #tpu.memory_space<vmem_shared>>)
        tpu.yield
      }) : () -> ()
      %add3A_218 = arith.constant 8 : i32
      %add3A_219 = arith.addi %add3A_210, %add3A_218 : i32
      %dma_start3A_220 = arith.constant 0 : i32
      %dma_start3A_221 = tpu.memref_slice %arg6[%add3A_219, %dma_start3A_220] : memref<80x128xi32, #tpu.memory_space<vmem>> -> memref<1x128xi32, #tpu.memory_space<vmem>>
      %dma_start3A_222 = tpu.memref_squeeze %dma_start3A_221 : memref<1x128xi32, #tpu.memory_space<vmem>> -> memref<128xi32, #tpu.memory_space<vmem>>
      %dma_start3A_223 = arith.constant 0 : i32
      %dma_start3A_224 = arith.constant 0 : i32
      %dma_start3A_225 = tpu.memref_slice %arg16[%dma_start3A_223, %dma_start3A_224] : memref<10240x16xf32, #tpu.memory_space<vmem_shared>> -> memref<10240x16xf32, #tpu.memory_space<vmem_shared>>
      tpu.enqueue_indirect_dma source(%dma_start3A_225 : memref<10240x16xf32, #tpu.memory_space<vmem_shared>>) target(%arg12 : memref<128x16xf32, #tpu.memory_space<vmem>>) offsets(%dma_start3A_222 : memref<128xi32, #tpu.memory_space<vmem>>) semaphore(%arg22 : memref<!tpu.dma_semaphore, #tpu.memory_space<semaphore_mem>>)
      %add3A_226 = arith.constant 5 : i32
      %add3A_227 = arith.addi %mul3A_140, %add3A_226 : i32
      %dma_wait3A_228 = arith.constant 0 : i32
      %dma_wait3A_229 = arith.constant 0 : i32
      %dma_wait3A_230 = tpu.memref_slice %arg6[%dma_wait3A_228, %dma_wait3A_229] : memref<80x128xi32, #tpu.memory_space<vmem>> -> memref<1x128xi32, #tpu.memory_space<vmem>>
      %dma_wait3A_231 = tpu.memref_squeeze %dma_wait3A_230 : memref<1x128xi32, #tpu.memory_space<vmem>> -> memref<128xi32, #tpu.memory_space<vmem>>
      %dma_wait3A_232 = arith.constant 0 : i32
      %dma_wait3A_233 = arith.constant 0 : i32
      %dma_wait3A_234 = tpu.memref_slice %arg16[%dma_wait3A_232, %dma_wait3A_233] : memref<10240x16xf32, #tpu.memory_space<vmem_shared>> -> memref<10240x16xf32, #tpu.memory_space<vmem_shared>>
      tpu.wait_indirect_dma semaphore(%arg23 : memref<!tpu.dma_semaphore, #tpu.memory_space<semaphore_mem>>) src(%dma_wait3A_234 : memref<10240x16xf32, #tpu.memory_space<vmem_shared>>) dst(%arg13 : memref<128x16xf32, #tpu.memory_space<vmem>>)
      "tpu.region"() ({
        %run_scoped3A_277 = tpu.sem_alloc : memref<!tpu.dma_semaphore, #tpu.memory_space<semaphore_mem>>
        %dma_start3A_278 = arith.constant 0 : i32
        %dma_start3A_279 = tpu.memref_slice %arg7[%add3A_227, %dma_start3A_278] : memref<80x128xi32, #tpu.memory_space<vmem>> -> memref<1x128xi32, #tpu.memory_space<vmem>>
        %dma_start3A_280 = tpu.memref_squeeze %dma_start3A_279 : memref<1x128xi32, #tpu.memory_space<vmem>> -> memref<128xi32, #tpu.memory_space<vmem>>
        %dma_start3A_281 = arith.constant 0 : i32
        %dma_start3A_282 = arith.constant 0 : i32
        %dma_start3A_283 = tpu.memref_slice %arg17[%dma_start3A_281, %dma_start3A_282] : memref<10240x16xf32, #tpu.memory_space<vmem_shared>> -> memref<10240x16xf32, #tpu.memory_space<vmem_shared>>
        tpu.enqueue_indirect_dma source(%arg13 : memref<128x16xf32, #tpu.memory_space<vmem>>) target(%dma_start3A_283 : memref<10240x16xf32, #tpu.memory_space<vmem_shared>>) offsets(%dma_start3A_280 : memref<128xi32, #tpu.memory_space<vmem>>) semaphore(%run_scoped3A_277 : memref<!tpu.dma_semaphore, #tpu.memory_space<semaphore_mem>>) {add = true}
        %dma_wait3A_284 = arith.constant 0 : i32
        %dma_wait3A_285 = tpu.memref_slice %arg7[%add3A_227, %dma_wait3A_284] : memref<80x128xi32, #tpu.memory_space<vmem>> -> memref<1x128xi32, #tpu.memory_space<vmem>>
        %dma_wait3A_286 = tpu.memref_squeeze %dma_wait3A_285 : memref<1x128xi32, #tpu.memory_space<vmem>> -> memref<128xi32, #tpu.memory_space<vmem>>
        %dma_wait3A_287 = arith.constant 0 : i32
        %dma_wait3A_288 = arith.constant 0 : i32
        %dma_wait3A_289 = tpu.memref_slice %arg17[%dma_wait3A_287, %dma_wait3A_288] : memref<10240x16xf32, #tpu.memory_space<vmem_shared>> -> memref<10240x16xf32, #tpu.memory_space<vmem_shared>>
        tpu.wait_indirect_dma semaphore(%run_scoped3A_277 : memref<!tpu.dma_semaphore, #tpu.memory_space<semaphore_mem>>) src(%arg13 : memref<128x16xf32, #tpu.memory_space<vmem>>) dst(%dma_wait3A_289 : memref<10240x16xf32, #tpu.memory_space<vmem_shared>>)
        tpu.yield
      }) : () -> ()
      %add3A_235 = arith.constant 8 : i32
      %add3A_236 = arith.addi %add3A_227, %add3A_235 : i32
      %dma_start3A_237 = arith.constant 0 : i32
      %dma_start3A_238 = tpu.memref_slice %arg6[%add3A_236, %dma_start3A_237] : memref<80x128xi32, #tpu.memory_space<vmem>> -> memref<1x128xi32, #tpu.memory_space<vmem>>
      %dma_start3A_239 = tpu.memref_squeeze %dma_start3A_238 : memref<1x128xi32, #tpu.memory_space<vmem>> -> memref<128xi32, #tpu.memory_space<vmem>>
      %dma_start3A_240 = arith.constant 0 : i32
      %dma_start3A_241 = arith.constant 0 : i32
      %dma_start3A_242 = tpu.memref_slice %arg16[%dma_start3A_240, %dma_start3A_241] : memref<10240x16xf32, #tpu.memory_space<vmem_shared>> -> memref<10240x16xf32, #tpu.memory_space<vmem_shared>>
      tpu.enqueue_indirect_dma source(%dma_start3A_242 : memref<10240x16xf32, #tpu.memory_space<vmem_shared>>) target(%arg13 : memref<128x16xf32, #tpu.memory_space<vmem>>) offsets(%dma_start3A_239 : memref<128xi32, #tpu.memory_space<vmem>>) semaphore(%arg23 : memref<!tpu.dma_semaphore, #tpu.memory_space<semaphore_mem>>)
      %add3A_243 = arith.constant 6 : i32
      %add3A_244 = arith.addi %mul3A_140, %add3A_243 : i32
      %dma_wait3A_245 = arith.constant 0 : i32
      %dma_wait3A_246 = arith.constant 0 : i32
      %dma_wait3A_247 = tpu.memref_slice %arg6[%dma_wait3A_245, %dma_wait3A_246] : memref<80x128xi32, #tpu.memory_space<vmem>> -> memref<1x128xi32, #tpu.memory_space<vmem>>
      %dma_wait3A_248 = tpu.memref_squeeze %dma_wait3A_247 : memref<1x128xi32, #tpu.memory_space<vmem>> -> memref<128xi32, #tpu.memory_space<vmem>>
      %dma_wait3A_249 = arith.constant 0 : i32
      %dma_wait3A_250 = arith.constant 0 : i32
      %dma_wait3A_251 = tpu.memref_slice %arg16[%dma_wait3A_249, %dma_wait3A_250] : memref<10240x16xf32, #tpu.memory_space<vmem_shared>> -> memref<10240x16xf32, #tpu.memory_space<vmem_shared>>
      tpu.wait_indirect_dma semaphore(%arg24 : memref<!tpu.dma_semaphore, #tpu.memory_space<semaphore_mem>>) src(%dma_wait3A_251 : memref<10240x16xf32, #tpu.memory_space<vmem_shared>>) dst(%arg14 : memref<128x16xf32, #tpu.memory_space<vmem>>)
      "tpu.region"() ({
        %run_scoped3A_277 = tpu.sem_alloc : memref<!tpu.dma_semaphore, #tpu.memory_space<semaphore_mem>>
        %dma_start3A_278 = arith.constant 0 : i32
        %dma_start3A_279 = tpu.memref_slice %arg7[%add3A_244, %dma_start3A_278] : memref<80x128xi32, #tpu.memory_space<vmem>> -> memref<1x128xi32, #tpu.memory_space<vmem>>
        %dma_start3A_280 = tpu.memref_squeeze %dma_start3A_279 : memref<1x128xi32, #tpu.memory_space<vmem>> -> memref<128xi32, #tpu.memory_space<vmem>>
        %dma_start3A_281 = arith.constant 0 : i32
        %dma_start3A_282 = arith.constant 0 : i32
        %dma_start3A_283 = tpu.memref_slice %arg17[%dma_start3A_281, %dma_start3A_282] : memref<10240x16xf32, #tpu.memory_space<vmem_shared>> -> memref<10240x16xf32, #tpu.memory_space<vmem_shared>>
        tpu.enqueue_indirect_dma source(%arg14 : memref<128x16xf32, #tpu.memory_space<vmem>>) target(%dma_start3A_283 : memref<10240x16xf32, #tpu.memory_space<vmem_shared>>) offsets(%dma_start3A_280 : memref<128xi32, #tpu.memory_space<vmem>>) semaphore(%run_scoped3A_277 : memref<!tpu.dma_semaphore, #tpu.memory_space<semaphore_mem>>) {add = true}
        %dma_wait3A_284 = arith.constant 0 : i32
        %dma_wait3A_285 = tpu.memref_slice %arg7[%add3A_244, %dma_wait3A_284] : memref<80x128xi32, #tpu.memory_space<vmem>> -> memref<1x128xi32, #tpu.memory_space<vmem>>
        %dma_wait3A_286 = tpu.memref_squeeze %dma_wait3A_285 : memref<1x128xi32, #tpu.memory_space<vmem>> -> memref<128xi32, #tpu.memory_space<vmem>>
        %dma_wait3A_287 = arith.constant 0 : i32
        %dma_wait3A_288 = arith.constant 0 : i32
        %dma_wait3A_289 = tpu.memref_slice %arg17[%dma_wait3A_287, %dma_wait3A_288] : memref<10240x16xf32, #tpu.memory_space<vmem_shared>> -> memref<10240x16xf32, #tpu.memory_space<vmem_shared>>
        tpu.wait_indirect_dma semaphore(%run_scoped3A_277 : memref<!tpu.dma_semaphore, #tpu.memory_space<semaphore_mem>>) src(%arg14 : memref<128x16xf32, #tpu.memory_space<vmem>>) dst(%dma_wait3A_289 : memref<10240x16xf32, #tpu.memory_space<vmem_shared>>)
        tpu.yield
      }) : () -> ()
      %add3A_252 = arith.constant 8 : i32
      %add3A_253 = arith.addi %add3A_244, %add3A_252 : i32
      %dma_start3A_254 = arith.constant 0 : i32
      %dma_start3A_255 = tpu.memref_slice %arg6[%add3A_253, %dma_start3A_254] : memref<80x128xi32, #tpu.memory_space<vmem>> -> memref<1x128xi32, #tpu.memory_space<vmem>>
      %dma_start3A_256 = tpu.memref_squeeze %dma_start3A_255 : memref<1x128xi32, #tpu.memory_space<vmem>> -> memref<128xi32, #tpu.memory_space<vmem>>
      %dma_start3A_257 = arith.constant 0 : i32
      %dma_start3A_258 = arith.constant 0 : i32
      %dma_start3A_259 = tpu.memref_slice %arg16[%dma_start3A_257, %dma_start3A_258] : memref<10240x16xf32, #tpu.memory_space<vmem_shared>> -> memref<10240x16xf32, #tpu.memory_space<vmem_shared>>
      tpu.enqueue_indirect_dma source(%dma_start3A_259 : memref<10240x16xf32, #tpu.memory_space<vmem_shared>>) target(%arg14 : memref<128x16xf32, #tpu.memory_space<vmem>>) offsets(%dma_start3A_256 : memref<128xi32, #tpu.memory_space<vmem>>) semaphore(%arg24 : memref<!tpu.dma_semaphore, #tpu.memory_space<semaphore_mem>>)
      %add3A_260 = arith.constant 7 : i32
      %add3A_261 = arith.addi %mul3A_140, %add3A_260 : i32
      %dma_wait3A_262 = arith.constant 0 : i32
      %dma_wait3A_263 = arith.constant 0 : i32
      %dma_wait3A_264 = tpu.memref_slice %arg6[%dma_wait3A_262, %dma_wait3A_263] : memref<80x128xi32, #tpu.memory_space<vmem>> -> memref<1x128xi32, #tpu.memory_space<vmem>>
      %dma_wait3A_265 = tpu.memref_squeeze %dma_wait3A_264 : memref<1x128xi32, #tpu.memory_space<vmem>> -> memref<128xi32, #tpu.memory_space<vmem>>
      %dma_wait3A_266 = arith.constant 0 : i32
      %dma_wait3A_267 = arith.constant 0 : i32
      %dma_wait3A_268 = tpu.memref_slice %arg16[%dma_wait3A_266, %dma_wait3A_267] : memref<10240x16xf32, #tpu.memory_space<vmem_shared>> -> memref<10240x16xf32, #tpu.memory_space<vmem_shared>>
      tpu.wait_indirect_dma semaphore(%arg25 : memref<!tpu.dma_semaphore, #tpu.memory_space<semaphore_mem>>) src(%dma_wait3A_268 : memref<10240x16xf32, #tpu.memory_space<vmem_shared>>) dst(%arg15 : memref<128x16xf32, #tpu.memory_space<vmem>>)
      "tpu.region"() ({
        %run_scoped3A_277 = tpu.sem_alloc : memref<!tpu.dma_semaphore, #tpu.memory_space<semaphore_mem>>
        %dma_start3A_278 = arith.constant 0 : i32
        %dma_start3A_279 = tpu.memref_slice %arg7[%add3A_261, %dma_start3A_278] : memref<80x128xi32, #tpu.memory_space<vmem>> -> memref<1x128xi32, #tpu.memory_space<vmem>>
        %dma_start3A_280 = tpu.memref_squeeze %dma_start3A_279 : memref<1x128xi32, #tpu.memory_space<vmem>> -> memref<128xi32, #tpu.memory_space<vmem>>
        %dma_start3A_281 = arith.constant 0 : i32
        %dma_start3A_282 = arith.constant 0 : i32
        %dma_start3A_283 = tpu.memref_slice %arg17[%dma_start3A_281, %dma_start3A_282] : memref<10240x16xf32, #tpu.memory_space<vmem_shared>> -> memref<10240x16xf32, #tpu.memory_space<vmem_shared>>
        tpu.enqueue_indirect_dma source(%arg15 : memref<128x16xf32, #tpu.memory_space<vmem>>) target(%dma_start3A_283 : memref<10240x16xf32, #tpu.memory_space<vmem_shared>>) offsets(%dma_start3A_280 : memref<128xi32, #tpu.memory_space<vmem>>) semaphore(%run_scoped3A_277 : memref<!tpu.dma_semaphore, #tpu.memory_space<semaphore_mem>>) {add = true}
        %dma_wait3A_284 = arith.constant 0 : i32
        %dma_wait3A_285 = tpu.memref_slice %arg7[%add3A_261, %dma_wait3A_284] : memref<80x128xi32, #tpu.memory_space<vmem>> -> memref<1x128xi32, #tpu.memory_space<vmem>>
        %dma_wait3A_286 = tpu.memref_squeeze %dma_wait3A_285 : memref<1x128xi32, #tpu.memory_space<vmem>> -> memref<128xi32, #tpu.memory_space<vmem>>
        %dma_wait3A_287 = arith.constant 0 : i32
        %dma_wait3A_288 = arith.constant 0 : i32
        %dma_wait3A_289 = tpu.memref_slice %arg17[%dma_wait3A_287, %dma_wait3A_288] : memref<10240x16xf32, #tpu.memory_space<vmem_shared>> -> memref<10240x16xf32, #tpu.memory_space<vmem_shared>>
        tpu.wait_indirect_dma semaphore(%run_scoped3A_277 : memref<!tpu.dma_semaphore, #tpu.memory_space<semaphore_mem>>) src(%arg15 : memref<128x16xf32, #tpu.memory_space<vmem>>) dst(%dma_wait3A_289 : memref<10240x16xf32, #tpu.memory_space<vmem_shared>>)
        tpu.yield
      }) : () -> ()
      %add3A_269 = arith.constant 8 : i32
      %add3A_270 = arith.addi %add3A_261, %add3A_269 : i32
      %dma_start3A_271 = arith.constant 0 : i32
      %dma_start3A_272 = tpu.memref_slice %arg6[%add3A_270, %dma_start3A_271] : memref<80x128xi32, #tpu.memory_space<vmem>> -> memref<1x128xi32, #tpu.memory_space<vmem>>
      %dma_start3A_273 = tpu.memref_squeeze %dma_start3A_272 : memref<1x128xi32, #tpu.memory_space<vmem>> -> memref<128xi32, #tpu.memory_space<vmem>>
      %dma_start3A_274 = arith.constant 0 : i32
      %dma_start3A_275 = arith.constant 0 : i32
      %dma_start3A_276 = tpu.memref_slice %arg16[%dma_start3A_274, %dma_start3A_275] : memref<10240x16xf32, #tpu.memory_space<vmem_shared>> -> memref<10240x16xf32, #tpu.memory_space<vmem_shared>>
      tpu.enqueue_indirect_dma source(%dma_start3A_276 : memref<10240x16xf32, #tpu.memory_space<vmem_shared>>) target(%arg15 : memref<128x16xf32, #tpu.memory_space<vmem>>) offsets(%dma_start3A_273 : memref<128xi32, #tpu.memory_space<vmem>>) semaphore(%arg25 : memref<!tpu.dma_semaphore, #tpu.memory_space<semaphore_mem>>)
    }
    %scan3A_69 = arith.constant 9 : i32
    %dma_wait3A = arith.constant 0 : i32
    %dma_wait3A_70 = arith.constant 0 : i32
    %dma_wait3A_71 = tpu.memref_slice %arg6[%dma_wait3A, %dma_wait3A_70] : memref<80x128xi32, #tpu.memory_space<vmem>> -> memref<1x128xi32, #tpu.memory_space<vmem>>
    %dma_wait3A_72 = tpu.memref_squeeze %dma_wait3A_71 : memref<1x128xi32, #tpu.memory_space<vmem>> -> memref<128xi32, #tpu.memory_space<vmem>>
    %dma_wait3A_73 = arith.constant 0 : i32
    %dma_wait3A_74 = arith.constant 0 : i32
    %dma_wait3A_75 = tpu.memref_slice %arg16[%dma_wait3A_73, %dma_wait3A_74] : memref<10240x16xf32, #tpu.memory_space<vmem_shared>> -> memref<10240x16xf32, #tpu.memory_space<vmem_shared>>
    tpu.wait_indirect_dma semaphore(%arg18 : memref<!tpu.dma_semaphore, #tpu.memory_space<semaphore_mem>>) src(%dma_wait3A_75 : memref<10240x16xf32, #tpu.memory_space<vmem_shared>>) dst(%arg8 : memref<128x16xf32, #tpu.memory_space<vmem>>)
    %run_scoped3A_76 = arith.constant 72 : i32
    "tpu.region"() ({
      %run_scoped3A_138 = tpu.sem_alloc : memref<!tpu.dma_semaphore, #tpu.memory_space<semaphore_mem>>
      %dma_start3A_139 = arith.constant 0 : i32
      %dma_start3A_140 = tpu.memref_slice %arg7[%run_scoped3A_76, %dma_start3A_139] : memref<80x128xi32, #tpu.memory_space<vmem>> -> memref<1x128xi32, #tpu.memory_space<vmem>>
      %dma_start3A_141 = tpu.memref_squeeze %dma_start3A_140 : memref<1x128xi32, #tpu.memory_space<vmem>> -> memref<128xi32, #tpu.memory_space<vmem>>
      %dma_start3A_142 = arith.constant 0 : i32
      %dma_start3A_143 = arith.constant 0 : i32
      %dma_start3A_144 = tpu.memref_slice %arg17[%dma_start3A_142, %dma_start3A_143] : memref<10240x16xf32, #tpu.memory_space<vmem_shared>> -> memref<10240x16xf32, #tpu.memory_space<vmem_shared>>
      tpu.enqueue_indirect_dma source(%arg8 : memref<128x16xf32, #tpu.memory_space<vmem>>) target(%dma_start3A_144 : memref<10240x16xf32, #tpu.memory_space<vmem_shared>>) offsets(%dma_start3A_141 : memref<128xi32, #tpu.memory_space<vmem>>) semaphore(%run_scoped3A_138 : memref<!tpu.dma_semaphore, #tpu.memory_space<semaphore_mem>>) {add = true}
      %dma_wait3A_145 = arith.constant 0 : i32
      %dma_wait3A_146 = tpu.memref_slice %arg7[%run_scoped3A_76, %dma_wait3A_145] : memref<80x128xi32, #tpu.memory_space<vmem>> -> memref<1x128xi32, #tpu.memory_space<vmem>>
      %dma_wait3A_147 = tpu.memref_squeeze %dma_wait3A_146 : memref<1x128xi32, #tpu.memory_space<vmem>> -> memref<128xi32, #tpu.memory_space<vmem>>
      %dma_wait3A_148 = arith.constant 0 : i32
      %dma_wait3A_149 = arith.constant 0 : i32
      %dma_wait3A_150 = tpu.memref_slice %arg17[%dma_wait3A_148, %dma_wait3A_149] : memref<10240x16xf32, #tpu.memory_space<vmem_shared>> -> memref<10240x16xf32, #tpu.memory_space<vmem_shared>>
      tpu.wait_indirect_dma semaphore(%run_scoped3A_138 : memref<!tpu.dma_semaphore, #tpu.memory_space<semaphore_mem>>) src(%arg8 : memref<128x16xf32, #tpu.memory_space<vmem>>) dst(%dma_wait3A_150 : memref<10240x16xf32, #tpu.memory_space<vmem_shared>>)
      tpu.yield
    }) : () -> ()
    %dma_wait3A_77 = arith.constant 0 : i32
    %dma_wait3A_78 = arith.constant 0 : i32
    %dma_wait3A_79 = tpu.memref_slice %arg6[%dma_wait3A_77, %dma_wait3A_78] : memref<80x128xi32, #tpu.memory_space<vmem>> -> memref<1x128xi32, #tpu.memory_space<vmem>>
    %dma_wait3A_80 = tpu.memref_squeeze %dma_wait3A_79 : memref<1x128xi32, #tpu.memory_space<vmem>> -> memref<128xi32, #tpu.memory_space<vmem>>
    %dma_wait3A_81 = arith.constant 0 : i32
    %dma_wait3A_82 = arith.constant 0 : i32
    %dma_wait3A_83 = tpu.memref_slice %arg16[%dma_wait3A_81, %dma_wait3A_82] : memref<10240x16xf32, #tpu.memory_space<vmem_shared>> -> memref<10240x16xf32, #tpu.memory_space<vmem_shared>>
    tpu.wait_indirect_dma semaphore(%arg19 : memref<!tpu.dma_semaphore, #tpu.memory_space<semaphore_mem>>) src(%dma_wait3A_83 : memref<10240x16xf32, #tpu.memory_space<vmem_shared>>) dst(%arg9 : memref<128x16xf32, #tpu.memory_space<vmem>>)
    %run_scoped3A_84 = arith.constant 73 : i32
    "tpu.region"() ({
      %run_scoped3A_138 = tpu.sem_alloc : memref<!tpu.dma_semaphore, #tpu.memory_space<semaphore_mem>>
      %dma_start3A_139 = arith.constant 0 : i32
      %dma_start3A_140 = tpu.memref_slice %arg7[%run_scoped3A_84, %dma_start3A_139] : memref<80x128xi32, #tpu.memory_space<vmem>> -> memref<1x128xi32, #tpu.memory_space<vmem>>
      %dma_start3A_141 = tpu.memref_squeeze %dma_start3A_140 : memref<1x128xi32, #tpu.memory_space<vmem>> -> memref<128xi32, #tpu.memory_space<vmem>>
      %dma_start3A_142 = arith.constant 0 : i32
      %dma_start3A_143 = arith.constant 0 : i32
      %dma_start3A_144 = tpu.memref_slice %arg17[%dma_start3A_142, %dma_start3A_143] : memref<10240x16xf32, #tpu.memory_space<vmem_shared>> -> memref<10240x16xf32, #tpu.memory_space<vmem_shared>>
      tpu.enqueue_indirect_dma source(%arg9 : memref<128x16xf32, #tpu.memory_space<vmem>>) target(%dma_start3A_144 : memref<10240x16xf32, #tpu.memory_space<vmem_shared>>) offsets(%dma_start3A_141 : memref<128xi32, #tpu.memory_space<vmem>>) semaphore(%run_scoped3A_138 : memref<!tpu.dma_semaphore, #tpu.memory_space<semaphore_mem>>) {add = true}
      %dma_wait3A_145 = arith.constant 0 : i32
      %dma_wait3A_146 = tpu.memref_slice %arg7[%run_scoped3A_84, %dma_wait3A_145] : memref<80x128xi32, #tpu.memory_space<vmem>> -> memref<1x128xi32, #tpu.memory_space<vmem>>
      %dma_wait3A_147 = tpu.memref_squeeze %dma_wait3A_146 : memref<1x128xi32, #tpu.memory_space<vmem>> -> memref<128xi32, #tpu.memory_space<vmem>>
      %dma_wait3A_148 = arith.constant 0 : i32
      %dma_wait3A_149 = arith.constant 0 : i32
      %dma_wait3A_150 = tpu.memref_slice %arg17[%dma_wait3A_148, %dma_wait3A_149] : memref<10240x16xf32, #tpu.memory_space<vmem_shared>> -> memref<10240x16xf32, #tpu.memory_space<vmem_shared>>
      tpu.wait_indirect_dma semaphore(%run_scoped3A_138 : memref<!tpu.dma_semaphore, #tpu.memory_space<semaphore_mem>>) src(%arg9 : memref<128x16xf32, #tpu.memory_space<vmem>>) dst(%dma_wait3A_150 : memref<10240x16xf32, #tpu.memory_space<vmem_shared>>)
      tpu.yield
    }) : () -> ()
    %dma_wait3A_85 = arith.constant 0 : i32
    %dma_wait3A_86 = arith.constant 0 : i32
    %dma_wait3A_87 = tpu.memref_slice %arg6[%dma_wait3A_85, %dma_wait3A_86] : memref<80x128xi32, #tpu.memory_space<vmem>> -> memref<1x128xi32, #tpu.memory_space<vmem>>
    %dma_wait3A_88 = tpu.memref_squeeze %dma_wait3A_87 : memref<1x128xi32, #tpu.memory_space<vmem>> -> memref<128xi32, #tpu.memory_space<vmem>>
    %dma_wait3A_89 = arith.constant 0 : i32
    %dma_wait3A_90 = arith.constant 0 : i32
    %dma_wait3A_91 = tpu.memref_slice %arg16[%dma_wait3A_89, %dma_wait3A_90] : memref<10240x16xf32, #tpu.memory_space<vmem_shared>> -> memref<10240x16xf32, #tpu.memory_space<vmem_shared>>
    tpu.wait_indirect_dma semaphore(%arg20 : memref<!tpu.dma_semaphore, #tpu.memory_space<semaphore_mem>>) src(%dma_wait3A_91 : memref<10240x16xf32, #tpu.memory_space<vmem_shared>>) dst(%arg10 : memref<128x16xf32, #tpu.memory_space<vmem>>)
    %run_scoped3A_92 = arith.constant 74 : i32
    "tpu.region"() ({
      %run_scoped3A_138 = tpu.sem_alloc : memref<!tpu.dma_semaphore, #tpu.memory_space<semaphore_mem>>
      %dma_start3A_139 = arith.constant 0 : i32
      %dma_start3A_140 = tpu.memref_slice %arg7[%run_scoped3A_92, %dma_start3A_139] : memref<80x128xi32, #tpu.memory_space<vmem>> -> memref<1x128xi32, #tpu.memory_space<vmem>>
      %dma_start3A_141 = tpu.memref_squeeze %dma_start3A_140 : memref<1x128xi32, #tpu.memory_space<vmem>> -> memref<128xi32, #tpu.memory_space<vmem>>
      %dma_start3A_142 = arith.constant 0 : i32
      %dma_start3A_143 = arith.constant 0 : i32
      %dma_start3A_144 = tpu.memref_slice %arg17[%dma_start3A_142, %dma_start3A_143] : memref<10240x16xf32, #tpu.memory_space<vmem_shared>> -> memref<10240x16xf32, #tpu.memory_space<vmem_shared>>
      tpu.enqueue_indirect_dma source(%arg10 : memref<128x16xf32, #tpu.memory_space<vmem>>) target(%dma_start3A_144 : memref<10240x16xf32, #tpu.memory_space<vmem_shared>>) offsets(%dma_start3A_141 : memref<128xi32, #tpu.memory_space<vmem>>) semaphore(%run_scoped3A_138 : memref<!tpu.dma_semaphore, #tpu.memory_space<semaphore_mem>>) {add = true}
      %dma_wait3A_145 = arith.constant 0 : i32
      %dma_wait3A_146 = tpu.memref_slice %arg7[%run_scoped3A_92, %dma_wait3A_145] : memref<80x128xi32, #tpu.memory_space<vmem>> -> memref<1x128xi32, #tpu.memory_space<vmem>>
      %dma_wait3A_147 = tpu.memref_squeeze %dma_wait3A_146 : memref<1x128xi32, #tpu.memory_space<vmem>> -> memref<128xi32, #tpu.memory_space<vmem>>
      %dma_wait3A_148 = arith.constant 0 : i32
      %dma_wait3A_149 = arith.constant 0 : i32
      %dma_wait3A_150 = tpu.memref_slice %arg17[%dma_wait3A_148, %dma_wait3A_149] : memref<10240x16xf32, #tpu.memory_space<vmem_shared>> -> memref<10240x16xf32, #tpu.memory_space<vmem_shared>>
      tpu.wait_indirect_dma semaphore(%run_scoped3A_138 : memref<!tpu.dma_semaphore, #tpu.memory_space<semaphore_mem>>) src(%arg10 : memref<128x16xf32, #tpu.memory_space<vmem>>) dst(%dma_wait3A_150 : memref<10240x16xf32, #tpu.memory_space<vmem_shared>>)
      tpu.yield
    }) : () -> ()
    %dma_wait3A_93 = arith.constant 0 : i32
    %dma_wait3A_94 = arith.constant 0 : i32
    %dma_wait3A_95 = tpu.memref_slice %arg6[%dma_wait3A_93, %dma_wait3A_94] : memref<80x128xi32, #tpu.memory_space<vmem>> -> memref<1x128xi32, #tpu.memory_space<vmem>>
    %dma_wait3A_96 = tpu.memref_squeeze %dma_wait3A_95 : memref<1x128xi32, #tpu.memory_space<vmem>> -> memref<128xi32, #tpu.memory_space<vmem>>
    %dma_wait3A_97 = arith.constant 0 : i32
    %dma_wait3A_98 = arith.constant 0 : i32
    %dma_wait3A_99 = tpu.memref_slice %arg16[%dma_wait3A_97, %dma_wait3A_98] : memref<10240x16xf32, #tpu.memory_space<vmem_shared>> -> memref<10240x16xf32, #tpu.memory_space<vmem_shared>>
    tpu.wait_indirect_dma semaphore(%arg21 : memref<!tpu.dma_semaphore, #tpu.memory_space<semaphore_mem>>) src(%dma_wait3A_99 : memref<10240x16xf32, #tpu.memory_space<vmem_shared>>) dst(%arg11 : memref<128x16xf32, #tpu.memory_space<vmem>>)
    %run_scoped3A_100 = arith.constant 75 : i32
    "tpu.region"() ({
      %run_scoped3A_138 = tpu.sem_alloc : memref<!tpu.dma_semaphore, #tpu.memory_space<semaphore_mem>>
      %dma_start3A_139 = arith.constant 0 : i32
      %dma_start3A_140 = tpu.memref_slice %arg7[%run_scoped3A_100, %dma_start3A_139] : memref<80x128xi32, #tpu.memory_space<vmem>> -> memref<1x128xi32, #tpu.memory_space<vmem>>
      %dma_start3A_141 = tpu.memref_squeeze %dma_start3A_140 : memref<1x128xi32, #tpu.memory_space<vmem>> -> memref<128xi32, #tpu.memory_space<vmem>>
      %dma_start3A_142 = arith.constant 0 : i32
      %dma_start3A_143 = arith.constant 0 : i32
      %dma_start3A_144 = tpu.memref_slice %arg17[%dma_start3A_142, %dma_start3A_143] : memref<10240x16xf32, #tpu.memory_space<vmem_shared>> -> memref<10240x16xf32, #tpu.memory_space<vmem_shared>>
      tpu.enqueue_indirect_dma source(%arg11 : memref<128x16xf32, #tpu.memory_space<vmem>>) target(%dma_start3A_144 : memref<10240x16xf32, #tpu.memory_space<vmem_shared>>) offsets(%dma_start3A_141 : memref<128xi32, #tpu.memory_space<vmem>>) semaphore(%run_scoped3A_138 : memref<!tpu.dma_semaphore, #tpu.memory_space<semaphore_mem>>) {add = true}
      %dma_wait3A_145 = arith.constant 0 : i32
      %dma_wait3A_146 = tpu.memref_slice %arg7[%run_scoped3A_100, %dma_wait3A_145] : memref<80x128xi32, #tpu.memory_space<vmem>> -> memref<1x128xi32, #tpu.memory_space<vmem>>
      %dma_wait3A_147 = tpu.memref_squeeze %dma_wait3A_146 : memref<1x128xi32, #tpu.memory_space<vmem>> -> memref<128xi32, #tpu.memory_space<vmem>>
      %dma_wait3A_148 = arith.constant 0 : i32
      %dma_wait3A_149 = arith.constant 0 : i32
      %dma_wait3A_150 = tpu.memref_slice %arg17[%dma_wait3A_148, %dma_wait3A_149] : memref<10240x16xf32, #tpu.memory_space<vmem_shared>> -> memref<10240x16xf32, #tpu.memory_space<vmem_shared>>
      tpu.wait_indirect_dma semaphore(%run_scoped3A_138 : memref<!tpu.dma_semaphore, #tpu.memory_space<semaphore_mem>>) src(%arg11 : memref<128x16xf32, #tpu.memory_space<vmem>>) dst(%dma_wait3A_150 : memref<10240x16xf32, #tpu.memory_space<vmem_shared>>)
      tpu.yield
    }) : () -> ()
    %dma_wait3A_101 = arith.constant 0 : i32
    %dma_wait3A_102 = arith.constant 0 : i32
    %dma_wait3A_103 = tpu.memref_slice %arg6[%dma_wait3A_101, %dma_wait3A_102] : memref<80x128xi32, #tpu.memory_space<vmem>> -> memref<1x128xi32, #tpu.memory_space<vmem>>
    %dma_wait3A_104 = tpu.memref_squeeze %dma_wait3A_103 : memref<1x128xi32, #tpu.memory_space<vmem>> -> memref<128xi32, #tpu.memory_space<vmem>>
    %dma_wait3A_105 = arith.constant 0 : i32
    %dma_wait3A_106 = arith.constant 0 : i32
    %dma_wait3A_107 = tpu.memref_slice %arg16[%dma_wait3A_105, %dma_wait3A_106] : memref<10240x16xf32, #tpu.memory_space<vmem_shared>> -> memref<10240x16xf32, #tpu.memory_space<vmem_shared>>
    tpu.wait_indirect_dma semaphore(%arg22 : memref<!tpu.dma_semaphore, #tpu.memory_space<semaphore_mem>>) src(%dma_wait3A_107 : memref<10240x16xf32, #tpu.memory_space<vmem_shared>>) dst(%arg12 : memref<128x16xf32, #tpu.memory_space<vmem>>)
    %run_scoped3A_108 = arith.constant 76 : i32
    "tpu.region"() ({
      %run_scoped3A_138 = tpu.sem_alloc : memref<!tpu.dma_semaphore, #tpu.memory_space<semaphore_mem>>
      %dma_start3A_139 = arith.constant 0 : i32
      %dma_start3A_140 = tpu.memref_slice %arg7[%run_scoped3A_108, %dma_start3A_139] : memref<80x128xi32, #tpu.memory_space<vmem>> -> memref<1x128xi32, #tpu.memory_space<vmem>>
      %dma_start3A_141 = tpu.memref_squeeze %dma_start3A_140 : memref<1x128xi32, #tpu.memory_space<vmem>> -> memref<128xi32, #tpu.memory_space<vmem>>
      %dma_start3A_142 = arith.constant 0 : i32
      %dma_start3A_143 = arith.constant 0 : i32
      %dma_start3A_144 = tpu.memref_slice %arg17[%dma_start3A_142, %dma_start3A_143] : memref<10240x16xf32, #tpu.memory_space<vmem_shared>> -> memref<10240x16xf32, #tpu.memory_space<vmem_shared>>
      tpu.enqueue_indirect_dma source(%arg12 : memref<128x16xf32, #tpu.memory_space<vmem>>) target(%dma_start3A_144 : memref<10240x16xf32, #tpu.memory_space<vmem_shared>>) offsets(%dma_start3A_141 : memref<128xi32, #tpu.memory_space<vmem>>) semaphore(%run_scoped3A_138 : memref<!tpu.dma_semaphore, #tpu.memory_space<semaphore_mem>>) {add = true}
      %dma_wait3A_145 = arith.constant 0 : i32
      %dma_wait3A_146 = tpu.memref_slice %arg7[%run_scoped3A_108, %dma_wait3A_145] : memref<80x128xi32, #tpu.memory_space<vmem>> -> memref<1x128xi32, #tpu.memory_space<vmem>>
      %dma_wait3A_147 = tpu.memref_squeeze %dma_wait3A_146 : memref<1x128xi32, #tpu.memory_space<vmem>> -> memref<128xi32, #tpu.memory_space<vmem>>
      %dma_wait3A_148 = arith.constant 0 : i32
      %dma_wait3A_149 = arith.constant 0 : i32
      %dma_wait3A_150 = tpu.memref_slice %arg17[%dma_wait3A_148, %dma_wait3A_149] : memref<10240x16xf32, #tpu.memory_space<vmem_shared>> -> memref<10240x16xf32, #tpu.memory_space<vmem_shared>>
      tpu.wait_indirect_dma semaphore(%run_scoped3A_138 : memref<!tpu.dma_semaphore, #tpu.memory_space<semaphore_mem>>) src(%arg12 : memref<128x16xf32, #tpu.memory_space<vmem>>) dst(%dma_wait3A_150 : memref<10240x16xf32, #tpu.memory_space<vmem_shared>>)
      tpu.yield
    }) : () -> ()
    %dma_wait3A_109 = arith.constant 0 : i32
    %dma_wait3A_110 = arith.constant 0 : i32
    %dma_wait3A_111 = tpu.memref_slice %arg6[%dma_wait3A_109, %dma_wait3A_110] : memref<80x128xi32, #tpu.memory_space<vmem>> -> memref<1x128xi32, #tpu.memory_space<vmem>>
    %dma_wait3A_112 = tpu.memref_squeeze %dma_wait3A_111 : memref<1x128xi32, #tpu.memory_space<vmem>> -> memref<128xi32, #tpu.memory_space<vmem>>
    %dma_wait3A_113 = arith.constant 0 : i32
    %dma_wait3A_114 = arith.constant 0 : i32
    %dma_wait3A_115 = tpu.memref_slice %arg16[%dma_wait3A_113, %dma_wait3A_114] : memref<10240x16xf32, #tpu.memory_space<vmem_shared>> -> memref<10240x16xf32, #tpu.memory_space<vmem_shared>>
    tpu.wait_indirect_dma semaphore(%arg23 : memref<!tpu.dma_semaphore, #tpu.memory_space<semaphore_mem>>) src(%dma_wait3A_115 : memref<10240x16xf32, #tpu.memory_space<vmem_shared>>) dst(%arg13 : memref<128x16xf32, #tpu.memory_space<vmem>>)
    %run_scoped3A_116 = arith.constant 77 : i32
    "tpu.region"() ({
      %run_scoped3A_138 = tpu.sem_alloc : memref<!tpu.dma_semaphore, #tpu.memory_space<semaphore_mem>>
      %dma_start3A_139 = arith.constant 0 : i32
      %dma_start3A_140 = tpu.memref_slice %arg7[%run_scoped3A_116, %dma_start3A_139] : memref<80x128xi32, #tpu.memory_space<vmem>> -> memref<1x128xi32, #tpu.memory_space<vmem>>
      %dma_start3A_141 = tpu.memref_squeeze %dma_start3A_140 : memref<1x128xi32, #tpu.memory_space<vmem>> -> memref<128xi32, #tpu.memory_space<vmem>>
      %dma_start3A_142 = arith.constant 0 : i32
      %dma_start3A_143 = arith.constant 0 : i32
      %dma_start3A_144 = tpu.memref_slice %arg17[%dma_start3A_142, %dma_start3A_143] : memref<10240x16xf32, #tpu.memory_space<vmem_shared>> -> memref<10240x16xf32, #tpu.memory_space<vmem_shared>>
      tpu.enqueue_indirect_dma source(%arg13 : memref<128x16xf32, #tpu.memory_space<vmem>>) target(%dma_start3A_144 : memref<10240x16xf32, #tpu.memory_space<vmem_shared>>) offsets(%dma_start3A_141 : memref<128xi32, #tpu.memory_space<vmem>>) semaphore(%run_scoped3A_138 : memref<!tpu.dma_semaphore, #tpu.memory_space<semaphore_mem>>) {add = true}
      %dma_wait3A_145 = arith.constant 0 : i32
      %dma_wait3A_146 = tpu.memref_slice %arg7[%run_scoped3A_116, %dma_wait3A_145] : memref<80x128xi32, #tpu.memory_space<vmem>> -> memref<1x128xi32, #tpu.memory_space<vmem>>
      %dma_wait3A_147 = tpu.memref_squeeze %dma_wait3A_146 : memref<1x128xi32, #tpu.memory_space<vmem>> -> memref<128xi32, #tpu.memory_space<vmem>>
      %dma_wait3A_148 = arith.constant 0 : i32
      %dma_wait3A_149 = arith.constant 0 : i32
      %dma_wait3A_150 = tpu.memref_slice %arg17[%dma_wait3A_148, %dma_wait3A_149] : memref<10240x16xf32, #tpu.memory_space<vmem_shared>> -> memref<10240x16xf32, #tpu.memory_space<vmem_shared>>
      tpu.wait_indirect_dma semaphore(%run_scoped3A_138 : memref<!tpu.dma_semaphore, #tpu.memory_space<semaphore_mem>>) src(%arg13 : memref<128x16xf32, #tpu.memory_space<vmem>>) dst(%dma_wait3A_150 : memref<10240x16xf32, #tpu.memory_space<vmem_shared>>)
      tpu.yield
    }) : () -> ()
    %dma_wait3A_117 = arith.constant 0 : i32
    %dma_wait3A_118 = arith.constant 0 : i32
    %dma_wait3A_119 = tpu.memref_slice %arg6[%dma_wait3A_117, %dma_wait3A_118] : memref<80x128xi32, #tpu.memory_space<vmem>> -> memref<1x128xi32, #tpu.memory_space<vmem>>
    %dma_wait3A_120 = tpu.memref_squeeze %dma_wait3A_119 : memref<1x128xi32, #tpu.memory_space<vmem>> -> memref<128xi32, #tpu.memory_space<vmem>>
    %dma_wait3A_121 = arith.constant 0 : i32
    %dma_wait3A_122 = arith.constant 0 : i32
    %dma_wait3A_123 = tpu.memref_slice %arg16[%dma_wait3A_121, %dma_wait3A_122] : memref<10240x16xf32, #tpu.memory_space<vmem_shared>> -> memref<10240x16xf32, #tpu.memory_space<vmem_shared>>
    tpu.wait_indirect_dma semaphore(%arg24 : memref<!tpu.dma_semaphore, #tpu.memory_space<semaphore_mem>>) src(%dma_wait3A_123 : memref<10240x16xf32, #tpu.memory_space<vmem_shared>>) dst(%arg14 : memref<128x16xf32, #tpu.memory_space<vmem>>)
    %run_scoped3A_124 = arith.constant 78 : i32
    "tpu.region"() ({
      %run_scoped3A_138 = tpu.sem_alloc : memref<!tpu.dma_semaphore, #tpu.memory_space<semaphore_mem>>
      %dma_start3A_139 = arith.constant 0 : i32
      %dma_start3A_140 = tpu.memref_slice %arg7[%run_scoped3A_124, %dma_start3A_139] : memref<80x128xi32, #tpu.memory_space<vmem>> -> memref<1x128xi32, #tpu.memory_space<vmem>>
      %dma_start3A_141 = tpu.memref_squeeze %dma_start3A_140 : memref<1x128xi32, #tpu.memory_space<vmem>> -> memref<128xi32, #tpu.memory_space<vmem>>
      %dma_start3A_142 = arith.constant 0 : i32
      %dma_start3A_143 = arith.constant 0 : i32
      %dma_start3A_144 = tpu.memref_slice %arg17[%dma_start3A_142, %dma_start3A_143] : memref<10240x16xf32, #tpu.memory_space<vmem_shared>> -> memref<10240x16xf32, #tpu.memory_space<vmem_shared>>
      tpu.enqueue_indirect_dma source(%arg14 : memref<128x16xf32, #tpu.memory_space<vmem>>) target(%dma_start3A_144 : memref<10240x16xf32, #tpu.memory_space<vmem_shared>>) offsets(%dma_start3A_141 : memref<128xi32, #tpu.memory_space<vmem>>) semaphore(%run_scoped3A_138 : memref<!tpu.dma_semaphore, #tpu.memory_space<semaphore_mem>>) {add = true}
      %dma_wait3A_145 = arith.constant 0 : i32
      %dma_wait3A_146 = tpu.memref_slice %arg7[%run_scoped3A_124, %dma_wait3A_145] : memref<80x128xi32, #tpu.memory_space<vmem>> -> memref<1x128xi32, #tpu.memory_space<vmem>>
      %dma_wait3A_147 = tpu.memref_squeeze %dma_wait3A_146 : memref<1x128xi32, #tpu.memory_space<vmem>> -> memref<128xi32, #tpu.memory_space<vmem>>
      %dma_wait3A_148 = arith.constant 0 : i32
      %dma_wait3A_149 = arith.constant 0 : i32
      %dma_wait3A_150 = tpu.memref_slice %arg17[%dma_wait3A_148, %dma_wait3A_149] : memref<10240x16xf32, #tpu.memory_space<vmem_shared>> -> memref<10240x16xf32, #tpu.memory_space<vmem_shared>>
      tpu.wait_indirect_dma semaphore(%run_scoped3A_138 : memref<!tpu.dma_semaphore, #tpu.memory_space<semaphore_mem>>) src(%arg14 : memref<128x16xf32, #tpu.memory_space<vmem>>) dst(%dma_wait3A_150 : memref<10240x16xf32, #tpu.memory_space<vmem_shared>>)
      tpu.yield
    }) : () -> ()
    %dma_wait3A_125 = arith.constant 0 : i32
    %dma_wait3A_126 = arith.constant 0 : i32
    %dma_wait3A_127 = tpu.memref_slice %arg6[%dma_wait3A_125, %dma_wait3A_126] : memref<80x128xi32, #tpu.memory_space<vmem>> -> memref<1x128xi32, #tpu.memory_space<vmem>>
    %dma_wait3A_128 = tpu.memref_squeeze %dma_wait3A_127 : memref<1x128xi32, #tpu.memory_space<vmem>> -> memref<128xi32, #tpu.memory_space<vmem>>
    %dma_wait3A_129 = arith.constant 0 : i32
    %dma_wait3A_130 = arith.constant 0 : i32
    %dma_wait3A_131 = tpu.memref_slice %arg16[%dma_wait3A_129, %dma_wait3A_130] : memref<10240x16xf32, #tpu.memory_space<vmem_shared>> -> memref<10240x16xf32, #tpu.memory_space<vmem_shared>>
    tpu.wait_indirect_dma semaphore(%arg25 : memref<!tpu.dma_semaphore, #tpu.memory_space<semaphore_mem>>) src(%dma_wait3A_131 : memref<10240x16xf32, #tpu.memory_space<vmem_shared>>) dst(%arg15 : memref<128x16xf32, #tpu.memory_space<vmem>>)
    %run_scoped3A_132 = arith.constant 79 : i32
    "tpu.region"() ({
      %run_scoped3A_138 = tpu.sem_alloc : memref<!tpu.dma_semaphore, #tpu.memory_space<semaphore_mem>>
      %dma_start3A_139 = arith.constant 0 : i32
      %dma_start3A_140 = tpu.memref_slice %arg7[%run_scoped3A_132, %dma_start3A_139] : memref<80x128xi32, #tpu.memory_space<vmem>> -> memref<1x128xi32, #tpu.memory_space<vmem>>
      %dma_start3A_141 = tpu.memref_squeeze %dma_start3A_140 : memref<1x128xi32, #tpu.memory_space<vmem>> -> memref<128xi32, #tpu.memory_space<vmem>>
      %dma_start3A_142 = arith.constant 0 : i32
      %dma_start3A_143 = arith.constant 0 : i32
      %dma_start3A_144 = tpu.memref_slice %arg17[%dma_start3A_142, %dma_start3A_143] : memref<10240x16xf32, #tpu.memory_space<vmem_shared>> -> memref<10240x16xf32, #tpu.memory_space<vmem_shared>>
      tpu.enqueue_indirect_dma source(%arg15 : memref<128x16xf32, #tpu.memory_space<vmem>>) target(%dma_start3A_144 : memref<10240x16xf32, #tpu.memory_space<vmem_shared>>) offsets(%dma_start3A_141 : memref<128xi32, #tpu.memory_space<vmem>>) semaphore(%run_scoped3A_138 : memref<!tpu.dma_semaphore, #tpu.memory_space<semaphore_mem>>) {add = true}
      %dma_wait3A_145 = arith.constant 0 : i32
      %dma_wait3A_146 = tpu.memref_slice %arg7[%run_scoped3A_132, %dma_wait3A_145] : memref<80x128xi32, #tpu.memory_space<vmem>> -> memref<1x128xi32, #tpu.memory_space<vmem>>
      %dma_wait3A_147 = tpu.memref_squeeze %dma_wait3A_146 : memref<1x128xi32, #tpu.memory_space<vmem>> -> memref<128xi32, #tpu.memory_space<vmem>>
      %dma_wait3A_148 = arith.constant 0 : i32
      %dma_wait3A_149 = arith.constant 0 : i32
      %dma_wait3A_150 = tpu.memref_slice %arg17[%dma_wait3A_148, %dma_wait3A_149] : memref<10240x16xf32, #tpu.memory_space<vmem_shared>> -> memref<10240x16xf32, #tpu.memory_space<vmem_shared>>
      tpu.wait_indirect_dma semaphore(%run_scoped3A_138 : memref<!tpu.dma_semaphore, #tpu.memory_space<semaphore_mem>>) src(%arg15 : memref<128x16xf32, #tpu.memory_space<vmem>>) dst(%dma_wait3A_150 : memref<10240x16xf32, #tpu.memory_space<vmem_shared>>)
      tpu.yield
    }) : () -> ()
    %barrier3A_133 = arith.constant 0 : index
    tpu.barrier barrier_id(%barrier3A_133)
    %mul3A_134 = arith.constant 640 : i32
    %mul3A_135 = arith.muli %arg1, %mul3A_134 : i32
    %mul3A_136 = arith.constant 640 : i32
    %mul3A_137 = arith.muli %arg1, %mul3A_136 : i32
    "tpu.region"() ({
      %run_scoped3A_138 = tpu.sem_alloc : memref<!tpu.dma_semaphore, #tpu.memory_space<semaphore_mem>>
      %dma_start3A_139 = arith.constant 0 : i32
      %dma_start3A_140 = tpu.memref_slice %arg5[%arg0, %mul3A_137, %dma_start3A_139] : memref<2x10240x16xf32, #tpu.memory_space<hbm>> -> memref<1x640x16xf32, #tpu.memory_space<hbm>>
      %dma_start3A_141 = tpu.memref_squeeze %dma_start3A_140 : memref<1x640x16xf32, #tpu.memory_space<hbm>> -> memref<640x16xf32, #tpu.memory_space<hbm>>
      %dma_start3A_142 = arith.constant 0 : i32
      %dma_start3A_143 = tpu.memref_slice %arg17[%mul3A_135, %dma_start3A_142] : memref<10240x16xf32, #tpu.memory_space<vmem_shared>> -> memref<640x16xf32, #tpu.memory_space<vmem_shared>>
      tpu.enqueue_dma source(%dma_start3A_143 : memref<640x16xf32, #tpu.memory_space<vmem_shared>>) target(%dma_start3A_141 : memref<640x16xf32, #tpu.memory_space<hbm>>) target_semaphore(%run_scoped3A_138 : memref<!tpu.dma_semaphore, #tpu.memory_space<semaphore_mem>>)
      %dma_wait3A_144 = arith.constant 0 : i32
      %dma_wait3A_145 = tpu.memref_slice %arg5[%arg0, %mul3A_137, %dma_wait3A_144] : memref<2x10240x16xf32, #tpu.memory_space<hbm>> -> memref<1x640x16xf32, #tpu.memory_space<hbm>>
      %dma_wait3A_146 = tpu.memref_squeeze %dma_wait3A_145 : memref<1x640x16xf32, #tpu.memory_space<hbm>> -> memref<640x16xf32, #tpu.memory_space<hbm>>
      %dma_wait3A_147 = arith.constant 0 : i32
      %dma_wait3A_148 = tpu.memref_slice %arg17[%mul3A_135, %dma_wait3A_147] : memref<10240x16xf32, #tpu.memory_space<vmem_shared>> -> memref<640x16xf32, #tpu.memory_space<vmem_shared>>
      tpu.wait_dma2 semaphore(%run_scoped3A_138 : memref<!tpu.dma_semaphore, #tpu.memory_space<semaphore_mem>>) src(%dma_wait3A_148 : memref<640x16xf32, #tpu.memory_space<vmem_shared>>) dst(%dma_wait3A_146 : memref<640x16xf32, #tpu.memory_space<hbm>>)
      tpu.yield
    }) : () -> ()
    return
  }
}

module attributes {stable_mosaic.version = 14 : i64} {
  func.func @_tc0_body(%arg0: memref<1280x1024xf32, #tpu.memory_space<vmem>>, %arg1: memref<1024x128xf32, #tpu.memory_space<vmem>>, %arg2: memref<1280x128xf32, #tpu.memory_space<vmem>>) attributes {dimension_semantics = [], scalar_prefetch = 0 : i64, scratch_operands = 0 : i64, tpu.core_type = #tpu.core_type<tc>} {
    %get3A = arith.constant 0 : index
    %get3A_0 = arith.constant 0 : index
    %get3A_1 = vector.load %arg0[%get3A, %get3A_0] : memref<1280x1024xf32, #tpu.memory_space<vmem>>, vector<1280x1024xf32>
    %get3A_2 = arith.constant 0 : index
    %get3A_3 = arith.constant 0 : index
    %get3A_4 = vector.load %arg1[%get3A_2, %get3A_3] : memref<1024x128xf32, #tpu.memory_space<vmem>>, vector<1024x128xf32>
    %dot_general3A = arith.constant dense<0.000000e+00> : vector<1280x128xf32>
    %dot_general3A_5 = tpu.matmul %get3A_1, %get3A_4, %dot_general3A {dimension_numbers = #tpu.dot_dimension_numbers<[1], [0], [0], [1], [0, 0, 1, 1], [], []>, transpose_lhs_hint = false} : vector<1280x1024xf32>, vector<1024x128xf32>, vector<1280x128xf32> -> vector<1280x128xf32>
    %swap3A = arith.constant 0 : index
    %swap3A_6 = arith.constant 0 : index
    %swap3A_7 = vector.load %arg2[%swap3A, %swap3A_6] : memref<1280x128xf32, #tpu.memory_space<vmem>>, vector<1280x128xf32>
    tpu.vector_store %arg2[%swap3A, %swap3A_6], %dot_general3A_5 {strides = array<i32>} : memref<1280x128xf32, #tpu.memory_space<vmem>>, vector<1280x128xf32>,
    return
  }
}

module attributes {stable_mosaic.version = 14 : i64} {
  func.func @_tc1_body(%arg0: memref<1280x128xf32, #tpu.memory_space<vmem>>, %arg1: memref<2x1280x128xf32, #tpu.memory_space<vmem>>, %arg2: memref<1280x128xf32, #tpu.memory_space<vmem>>, %arg3: memref<1280x128xf32, #tpu.memory_space<vmem>>) attributes {dimension_semantics = [], scalar_prefetch = 0 : i64, scratch_operands = 0 : i64, tpu.core_type = #tpu.core_type<tc>} {
    %get3A = arith.constant 0 : index
    %get3A_0 = arith.constant 0 : index
    %get3A_1 = arith.constant 0 : index
    %get3A_2 = vector.load %arg1[%get3A, %get3A_0, %get3A_1] : memref<2x1280x128xf32, #tpu.memory_space<vmem>>, vector<1x1280x128xf32>
    %get3A_3 = vector.shape_cast %get3A_2 : vector<1x1280x128xf32> to vector<1280x128xf32>
    %get3A_4 = arith.constant 1 : index
    %get3A_5 = arith.constant 0 : index
    %get3A_6 = arith.constant 0 : index
    %get3A_7 = vector.load %arg1[%get3A_4, %get3A_5, %get3A_6] : memref<2x1280x128xf32, #tpu.memory_space<vmem>>, vector<1x1280x128xf32>
    %get3A_8 = vector.shape_cast %get3A_7 : vector<1x1280x128xf32> to vector<1280x128xf32>
    %add3A = arith.addf %get3A_3, %get3A_8 : vector<1280x128xf32>
    %add3A_9 = arith.constant 1.000000e+00 : f32
    %add3A_10 = vector.broadcast %add3A_9 : f32 to vector<1280x128xf32>
    %add3A_11 = arith.addf %add3A, %add3A_10 : vector<1280x128xf32>
    %rsqrt3A = math.rsqrt %add3A_11 : vector<1280x128xf32>
    %swap3A = arith.constant 0 : index
    %swap3A_12 = arith.constant 0 : index
    %swap3A_13 = vector.load %arg3[%swap3A, %swap3A_12] : memref<1280x128xf32, #tpu.memory_space<vmem>>, vector<1280x128xf32>
    tpu.vector_store %arg3[%swap3A, %swap3A_12], %rsqrt3A {strides = array<i32>} : memref<1280x128xf32, #tpu.memory_space<vmem>>, vector<1280x128xf32>,
    %get3A_14 = arith.constant 0 : index
    %get3A_15 = arith.constant 0 : index
    %get3A_16 = vector.load %arg0[%get3A_14, %get3A_15] : memref<1280x128xf32, #tpu.memory_space<vmem>>, vector<1280x128xf32>
    %mul3A = arith.mulf %get3A_16, %rsqrt3A : vector<1280x128xf32>
    %swap3A_17 = arith.constant 0 : index
    %swap3A_18 = arith.constant 0 : index
    %swap3A_19 = vector.load %arg2[%swap3A_17, %swap3A_18] : memref<1280x128xf32, #tpu.memory_space<vmem>>, vector<1280x128xf32>
    tpu.vector_store %arg2[%swap3A_17, %swap3A_18], %mul3A {strides = array<i32>} : memref<1280x128xf32, #tpu.memory_space<vmem>>, vector<1280x128xf32>,
    return
  }
}

module attributes {stable_mosaic.version = 14 : i64} {
  func.func @_tc_mid_body(%arg0: memref<2x1280x128xf32, #tpu.memory_space<vmem>>, %arg1: memref<1280x128xf32, #tpu.memory_space<vmem>>, %arg2: memref<1280x128xf32, #tpu.memory_space<vmem>>, %arg3: memref<128xf32, #tpu.memory_space<vmem>>, %arg4: memref<128x128xf32, #tpu.memory_space<vmem>>, %arg5: memref<1280x128xf32, #tpu.memory_space<vmem>>) attributes {dimension_semantics = [], scalar_prefetch = 0 : i64, scratch_operands = 0 : i64, tpu.core_type = #tpu.core_type<tc>} {
    %get3A = arith.constant 0 : index
    %get3A_0 = arith.constant 0 : index
    %get3A_1 = vector.load %arg2[%get3A, %get3A_0] : memref<1280x128xf32, #tpu.memory_space<vmem>>, vector<1280x128xf32>
    %get3A_2 = arith.constant 0 : index
    %get3A_3 = arith.constant 0 : index
    %get3A_4 = arith.constant 0 : index
    %get3A_5 = vector.load %arg0[%get3A_2, %get3A_3, %get3A_4] : memref<2x1280x128xf32, #tpu.memory_space<vmem>>, vector<1x1280x128xf32>
    %get3A_6 = vector.shape_cast %get3A_5 : vector<1x1280x128xf32> to vector<1280x128xf32>
    %get3A_7 = arith.constant 1 : index
    %get3A_8 = arith.constant 0 : index
    %get3A_9 = arith.constant 0 : index
    %get3A_10 = vector.load %arg0[%get3A_7, %get3A_8, %get3A_9] : memref<2x1280x128xf32, #tpu.memory_space<vmem>>, vector<1x1280x128xf32>
    %get3A_11 = vector.shape_cast %get3A_10 : vector<1x1280x128xf32> to vector<1280x128xf32>
    %add3A = arith.addf %get3A_6, %get3A_11 : vector<1280x128xf32>
    %get3A_12 = arith.constant 0 : index
    %get3A_13 = arith.constant 0 : index
    %get3A_14 = vector.load %arg1[%get3A_12, %get3A_13] : memref<1280x128xf32, #tpu.memory_space<vmem>>, vector<1280x128xf32>
    %add3A_15 = arith.addf %add3A, %get3A_14 : vector<1280x128xf32>
    %mul3A = arith.mulf %get3A_1, %add3A_15 : vector<1280x128xf32>
    %get3A_16 = arith.constant 0 : index
    %get3A_17 = vector.load %arg3[%get3A_16] : memref<128xf32, #tpu.memory_space<vmem>>, vector<128xf32>
    %broadcast_in_dim3A = vector.shape_cast %get3A_17 : vector<128xf32> to vector<1x128xf32>
    %add3A_18 = vector.broadcast %broadcast_in_dim3A : vector<1x128xf32> to vector<1280x128xf32>
    %add3A_19 = arith.addf %mul3A, %add3A_18 : vector<1280x128xf32>
    %max3A = arith.constant 0.000000e+00 : f32
    %max3A_20 = vector.broadcast %max3A : f32 to vector<1280x128xf32>
    %max3A_21 = arith.maximumf %add3A_19, %max3A_20 : vector<1280x128xf32>
    %get3A_22 = arith.constant 0 : index
    %get3A_23 = arith.constant 0 : index
    %get3A_24 = vector.load %arg4[%get3A_22, %get3A_23] : memref<128x128xf32, #tpu.memory_space<vmem>>, vector<128x128xf32>
    %dot_general3A = arith.constant dense<0.000000e+00> : vector<1280x128xf32>
    %dot_general3A_25 = tpu.matmul %max3A_21, %get3A_24, %dot_general3A {dimension_numbers = #tpu.dot_dimension_numbers<[1], [0], [0], [1], [0, 0, 1, 1], [], []>, transpose_lhs_hint = false} : vector<1280x128xf32>, vector<128x128xf32>, vector<1280x128xf32> -> vector<1280x128xf32>
    %mul3A_26 = arith.mulf %dot_general3A_25, %get3A_1 : vector<1280x128xf32>
    %swap3A = arith.constant 0 : index
    %swap3A_27 = arith.constant 0 : index
    %swap3A_28 = vector.load %arg5[%swap3A, %swap3A_27] : memref<1280x128xf32, #tpu.memory_space<vmem>>, vector<1280x128xf32>
    tpu.vector_store %arg5[%swap3A, %swap3A_27], %mul3A_26 {strides = array<i32>} : memref<1280x128xf32, #tpu.memory_space<vmem>>, vector<1280x128xf32>,
    return
  }
}

module attributes {stable_mosaic.version = 14 : i64} {
  func.func @_tc_head_body(%arg0: memref<2x1280x128xf32, #tpu.memory_space<vmem>>, %arg1: memref<1280x128xf32, #tpu.memory_space<vmem>>, %arg2: memref<1280x128xf32, #tpu.memory_space<vmem>>, %arg3: memref<128xf32, #tpu.memory_space<vmem>>, %arg4: memref<128x512xf32, #tpu.memory_space<vmem>>, %arg5: memref<512xf32, #tpu.memory_space<vmem>>, %arg6: memref<512xf32, #tpu.memory_space<vmem>>, %arg7: memref<512xf32, #tpu.memory_space<vmem>>, %arg8: memref<512x128xf32, #tpu.memory_space<vmem>>, %arg9: memref<128xf32, #tpu.memory_space<vmem>>, %arg10: memref<128xf32, #tpu.memory_space<vmem>>, %arg11: memref<128xf32, #tpu.memory_space<vmem>>, %arg12: memref<128x320xf32, #tpu.memory_space<vmem>>, %arg13: memref<320xf32, #tpu.memory_space<vmem>>, %arg14: memref<512x512xf32, #tpu.memory_space<vmem>>, %arg15: memref<128x128xf32, #tpu.memory_space<vmem>>, %arg16: memref<320x320xf32, #tpu.memory_space<vmem>>, %arg17: memref<1280x320xf32, #tpu.memory_space<vmem>>) attributes {dimension_semantics = [], scalar_prefetch = 0 : i64, scratch_operands = 0 : i64, tpu.core_type = #tpu.core_type<tc>} {
    %get3A = arith.constant 0 : index
    %get3A_0 = arith.constant 0 : index
    %get3A_1 = vector.load %arg2[%get3A, %get3A_0] : memref<1280x128xf32, #tpu.memory_space<vmem>>, vector<1280x128xf32>
    %get3A_2 = arith.constant 0 : index
    %get3A_3 = arith.constant 0 : index
    %get3A_4 = arith.constant 0 : index
    %get3A_5 = vector.load %arg0[%get3A_2, %get3A_3, %get3A_4] : memref<2x1280x128xf32, #tpu.memory_space<vmem>>, vector<1x1280x128xf32>
    %get3A_6 = vector.shape_cast %get3A_5 : vector<1x1280x128xf32> to vector<1280x128xf32>
    %get3A_7 = arith.constant 1 : index
    %get3A_8 = arith.constant 0 : index
    %get3A_9 = arith.constant 0 : index
    %get3A_10 = vector.load %arg0[%get3A_7, %get3A_8, %get3A_9] : memref<2x1280x128xf32, #tpu.memory_space<vmem>>, vector<1x1280x128xf32>
    %get3A_11 = vector.shape_cast %get3A_10 : vector<1x1280x128xf32> to vector<1280x128xf32>
    %add3A = arith.addf %get3A_6, %get3A_11 : vector<1280x128xf32>
    %get3A_12 = arith.constant 0 : index
    %get3A_13 = arith.constant 0 : index
    %get3A_14 = vector.load %arg1[%get3A_12, %get3A_13] : memref<1280x128xf32, #tpu.memory_space<vmem>>, vector<1280x128xf32>
    %add3A_15 = arith.addf %add3A, %get3A_14 : vector<1280x128xf32>
    %mul3A = arith.mulf %get3A_1, %add3A_15 : vector<1280x128xf32>
    %get3A_16 = arith.constant 0 : index
    %get3A_17 = vector.load %arg3[%get3A_16] : memref<128xf32, #tpu.memory_space<vmem>>, vector<128xf32>
    %broadcast_in_dim3A = vector.shape_cast %get3A_17 : vector<128xf32> to vector<1x128xf32>
    %add3A_18 = vector.broadcast %broadcast_in_dim3A : vector<1x128xf32> to vector<1280x128xf32>
    %add3A_19 = arith.addf %mul3A, %add3A_18 : vector<1280x128xf32>
    %iota3A = tpu.iota {dimensions = array<i32: 0>} : vector<1280x1xi32>
    %lt3A = arith.constant 1250 : i32
    %lt3A_20 = vector.broadcast %lt3A : i32 to vector<1280x1xi32>
    %lt3A_21 = arith.cmpi slt, %iota3A, %lt3A_20 : vector<1280x1xi32>
    %convert_element_type3A = arith.extui %lt3A_21 : vector<1280x1xi1> to vector<1280x1xi32>
    %convert_element_type3A_22 = arith.sitofp %convert_element_type3A : vector<1280x1xi32> to vector<1280x1xf32>
    %get3A_23 = arith.constant 0 : index
    %get3A_24 = arith.constant 0 : index
    %get3A_25 = vector.load %arg4[%get3A_23, %get3A_24] : memref<128x512xf32, #tpu.memory_space<vmem>>, vector<128x512xf32>
    %dot_general3A = arith.constant dense<0.000000e+00> : vector<1280x512xf32>
    %dot_general3A_26 = tpu.matmul %add3A_19, %get3A_25, %dot_general3A {dimension_numbers = #tpu.dot_dimension_numbers<[1], [0], [0], [1], [0, 0, 1, 1], [], []>, transpose_lhs_hint = false} : vector<1280x128xf32>, vector<128x512xf32>, vector<1280x512xf32> -> vector<1280x512xf32>
    %get3A_27 = arith.constant 0 : index
    %get3A_28 = vector.load %arg5[%get3A_27] : memref<512xf32, #tpu.memory_space<vmem>>, vector<512xf32>
    %broadcast_in_dim3A_29 = vector.shape_cast %get3A_28 : vector<512xf32> to vector<1x512xf32>
    %add3A_30 = vector.broadcast %broadcast_in_dim3A_29 : vector<1x512xf32> to vector<1280x512xf32>
    %add3A_31 = arith.addf %dot_general3A_26, %add3A_30 : vector<1280x512xf32>
    %get3A_32 = arith.constant 0 : index
    %get3A_33 = vector.load %arg6[%get3A_32] : memref<512xf32, #tpu.memory_space<vmem>>, vector<512xf32>
    %get3A_34 = arith.constant 0 : index
    %get3A_35 = vector.load %arg7[%get3A_34] : memref<512xf32, #tpu.memory_space<vmem>>, vector<512xf32>
    %mul3A_36 = vector.broadcast %convert_element_type3A_22 : vector<1280x1xf32> to vector<1280x512xf32>
    %mul3A_37 = arith.mulf %add3A_31, %mul3A_36 : vector<1280x512xf32>
    %reduce_sum3A = arith.constant dense<0.000000e+00> : vector<512xf32>
    %reduce_sum3A_38 = vector.multi_reduction <add>, %mul3A_37, %reduce_sum3A [0] : vector<1280x512xf32> to vector<512xf32>
    %broadcast_in_dim3A_39 = vector.shape_cast %reduce_sum3A_38 : vector<512xf32> to vector<1x512xf32>
    %get3A_40 = arith.constant 0 : index
    %get3A_41 = arith.constant 0 : index
    %get3A_42 = vector.load %arg14[%get3A_40, %get3A_41] : memref<512x512xf32, #tpu.memory_space<vmem>>, vector<512x512xf32>
    %dot_general3A_43 = arith.constant dense<0.000000e+00> : vector<1x512xf32>
    %dot_general3A_44 = tpu.matmul %broadcast_in_dim3A_39, %get3A_42, %dot_general3A_43 {dimension_numbers = #tpu.dot_dimension_numbers<[1], [0], [0], [1], [0, 0, 1, 1], [], []>, transpose_lhs_hint = false} : vector<1x512xf32>, vector<512x512xf32>, vector<1x512xf32> -> vector<1x512xf32>
    %squeeze3A = vector.shape_cast %dot_general3A_44 : vector<1x512xf32> to vector<512xf32>
    %mul3A_45 = arith.constant 9.99999974E-5 : f32
    %mul3A_46 = vector.broadcast %mul3A_45 : f32 to vector<512xf32>
    %mul3A_47 = arith.mulf %squeeze3A, %mul3A_46 : vector<512xf32>
    %broadcast_in_dim3A_48 = vector.shape_cast %mul3A_47 : vector<512xf32> to vector<1x512xf32>
    %sub3A = vector.broadcast %broadcast_in_dim3A_48 : vector<1x512xf32> to vector<1280x512xf32>
    %sub3A_49 = arith.subf %add3A_31, %sub3A : vector<1280x512xf32>
    %mul3A_50 = vector.broadcast %convert_element_type3A_22 : vector<1280x1xf32> to vector<1280x512xf32>
    %mul3A_51 = arith.mulf %sub3A_49, %mul3A_50 : vector<1280x512xf32>
    %mul3A_52 = arith.mulf %mul3A_51, %mul3A_51 : vector<1280x512xf32>
    %reduce_sum3A_53 = arith.constant dense<0.000000e+00> : vector<512xf32>
    %reduce_sum3A_54 = vector.multi_reduction <add>, %mul3A_52, %reduce_sum3A_53 [0] : vector<1280x512xf32> to vector<512xf32>
    %broadcast_in_dim3A_55 = vector.shape_cast %reduce_sum3A_54 : vector<512xf32> to vector<1x512xf32>
    %get3A_56 = arith.constant 0 : index
    %get3A_57 = arith.constant 0 : index
    %get3A_58 = vector.load %arg14[%get3A_56, %get3A_57] : memref<512x512xf32, #tpu.memory_space<vmem>>, vector<512x512xf32>
    %dot_general3A_59 = arith.constant dense<0.000000e+00> : vector<1x512xf32>
    %dot_general3A_60 = tpu.matmul %broadcast_in_dim3A_55, %get3A_58, %dot_general3A_59 {dimension_numbers = #tpu.dot_dimension_numbers<[1], [0], [0], [1], [0, 0, 1, 1], [], []>, transpose_lhs_hint = false} : vector<1x512xf32>, vector<512x512xf32>, vector<1x512xf32> -> vector<1x512xf32>
    %squeeze3A_61 = vector.shape_cast %dot_general3A_60 : vector<1x512xf32> to vector<512xf32>
    %mul3A_62 = arith.constant 9.99999974E-5 : f32
    %mul3A_63 = vector.broadcast %mul3A_62 : f32 to vector<512xf32>
    %mul3A_64 = arith.mulf %squeeze3A_61, %mul3A_63 : vector<512xf32>
    %broadcast_in_dim3A_65 = vector.shape_cast %mul3A_47 : vector<512xf32> to vector<1x512xf32>
    %sub3A_66 = vector.broadcast %broadcast_in_dim3A_65 : vector<1x512xf32> to vector<1280x512xf32>
    %sub3A_67 = arith.subf %add3A_31, %sub3A_66 : vector<1280x512xf32>
    %add3A_68 = arith.constant 9.99999974E-6 : f32
    %add3A_69 = vector.broadcast %add3A_68 : f32 to vector<512xf32>
    %add3A_70 = arith.addf %mul3A_64, %add3A_69 : vector<512xf32>
    %rsqrt3A = math.rsqrt %add3A_70 : vector<512xf32>
    %broadcast_in_dim3A_71 = vector.shape_cast %rsqrt3A : vector<512xf32> to vector<1x512xf32>
    %mul3A_72 = vector.broadcast %broadcast_in_dim3A_71 : vector<1x512xf32> to vector<1280x512xf32>
    %mul3A_73 = arith.mulf %sub3A_67, %mul3A_72 : vector<1280x512xf32>
    %broadcast_in_dim3A_74 = vector.shape_cast %get3A_33 : vector<512xf32> to vector<1x512xf32>
    %mul3A_75 = vector.broadcast %broadcast_in_dim3A_74 : vector<1x512xf32> to vector<1280x512xf32>
    %mul3A_76 = arith.mulf %mul3A_73, %mul3A_75 : vector<1280x512xf32>
    %broadcast_in_dim3A_77 = vector.shape_cast %get3A_35 : vector<512xf32> to vector<1x512xf32>
    %add3A_78 = vector.broadcast %broadcast_in_dim3A_77 : vector<1x512xf32> to vector<1280x512xf32>
    %add3A_79 = arith.addf %mul3A_76, %add3A_78 : vector<1280x512xf32>
    %gt3A = arith.constant 0.000000e+00 : f32
    %gt3A_80 = vector.broadcast %gt3A : f32 to vector<1280x512xf32>
    %gt3A_81 = arith.cmpf ogt, %add3A_79, %gt3A_80 : vector<1280x512xf32>
    %mul3A_82 = arith.constant 2.000000e-02 : f32
    %mul3A_83 = vector.broadcast %mul3A_82 : f32 to vector<1280x512xf32>
    %mul3A_84 = arith.mulf %mul3A_83, %add3A_79 : vector<1280x512xf32>
    %select_n3A = arith.select %gt3A_81, %add3A_79, %mul3A_84 : vector<1280x512xi1>, vector<1280x512xf32>
    %get3A_85 = arith.constant 0 : index
    %get3A_86 = arith.constant 0 : index
    %get3A_87 = vector.load %arg8[%get3A_85, %get3A_86] : memref<512x128xf32, #tpu.memory_space<vmem>>, vector<512x128xf32>
    %dot_general3A_88 = arith.constant dense<0.000000e+00> : vector<1280x128xf32>
    %dot_general3A_89 = tpu.matmul %select_n3A, %get3A_87, %dot_general3A_88 {dimension_numbers = #tpu.dot_dimension_numbers<[1], [0], [0], [1], [0, 0, 1, 1], [], []>, transpose_lhs_hint = false} : vector<1280x512xf32>, vector<512x128xf32>, vector<1280x128xf32> -> vector<1280x128xf32>
    %get3A_90 = arith.constant 0 : index
    %get3A_91 = vector.load %arg9[%get3A_90] : memref<128xf32, #tpu.memory_space<vmem>>, vector<128xf32>
    %broadcast_in_dim3A_92 = vector.shape_cast %get3A_91 : vector<128xf32> to vector<1x128xf32>
    %add3A_93 = vector.broadcast %broadcast_in_dim3A_92 : vector<1x128xf32> to vector<1280x128xf32>
    %add3A_94 = arith.addf %dot_general3A_89, %add3A_93 : vector<1280x128xf32>
    %get3A_95 = arith.constant 0 : index
    %get3A_96 = vector.load %arg10[%get3A_95] : memref<128xf32, #tpu.memory_space<vmem>>, vector<128xf32>
    %get3A_97 = arith.constant 0 : index
    %get3A_98 = vector.load %arg11[%get3A_97] : memref<128xf32, #tpu.memory_space<vmem>>, vector<128xf32>
    %mul3A_99 = vector.broadcast %convert_element_type3A_22 : vector<1280x1xf32> to vector<1280x128xf32>
    %mul3A_100 = arith.mulf %add3A_94, %mul3A_99 : vector<1280x128xf32>
    %reduce_sum3A_101 = arith.constant dense<0.000000e+00> : vector<128xf32>
    %reduce_sum3A_102 = vector.multi_reduction <add>, %mul3A_100, %reduce_sum3A_101 [0] : vector<1280x128xf32> to vector<128xf32>
    %broadcast_in_dim3A_103 = vector.shape_cast %reduce_sum3A_102 : vector<128xf32> to vector<1x128xf32>
    %get3A_104 = arith.constant 0 : index
    %get3A_105 = arith.constant 0 : index
    %get3A_106 = vector.load %arg15[%get3A_104, %get3A_105] : memref<128x128xf32, #tpu.memory_space<vmem>>, vector<128x128xf32>
    %dot_general3A_107 = arith.constant dense<0.000000e+00> : vector<1x128xf32>
    %dot_general3A_108 = tpu.matmul %broadcast_in_dim3A_103, %get3A_106, %dot_general3A_107 {dimension_numbers = #tpu.dot_dimension_numbers<[1], [0], [0], [1], [0, 0, 1, 1], [], []>, transpose_lhs_hint = false} : vector<1x128xf32>, vector<128x128xf32>, vector<1x128xf32> -> vector<1x128xf32>
    %squeeze3A_109 = vector.shape_cast %dot_general3A_108 : vector<1x128xf32> to vector<128xf32>
    %mul3A_110 = arith.constant 9.99999974E-5 : f32
    %mul3A_111 = vector.broadcast %mul3A_110 : f32 to vector<128xf32>
    %mul3A_112 = arith.mulf %squeeze3A_109, %mul3A_111 : vector<128xf32>
    %broadcast_in_dim3A_113 = vector.shape_cast %mul3A_112 : vector<128xf32> to vector<1x128xf32>
    %sub3A_114 = vector.broadcast %broadcast_in_dim3A_113 : vector<1x128xf32> to vector<1280x128xf32>
    %sub3A_115 = arith.subf %add3A_94, %sub3A_114 : vector<1280x128xf32>
    %mul3A_116 = vector.broadcast %convert_element_type3A_22 : vector<1280x1xf32> to vector<1280x128xf32>
    %mul3A_117 = arith.mulf %sub3A_115, %mul3A_116 : vector<1280x128xf32>
    %mul3A_118 = arith.mulf %mul3A_117, %mul3A_117 : vector<1280x128xf32>
    %reduce_sum3A_119 = arith.constant dense<0.000000e+00> : vector<128xf32>
    %reduce_sum3A_120 = vector.multi_reduction <add>, %mul3A_118, %reduce_sum3A_119 [0] : vector<1280x128xf32> to vector<128xf32>
    %broadcast_in_dim3A_121 = vector.shape_cast %reduce_sum3A_120 : vector<128xf32> to vector<1x128xf32>
    %get3A_122 = arith.constant 0 : index
    %get3A_123 = arith.constant 0 : index
    %get3A_124 = vector.load %arg15[%get3A_122, %get3A_123] : memref<128x128xf32, #tpu.memory_space<vmem>>, vector<128x128xf32>
    %dot_general3A_125 = arith.constant dense<0.000000e+00> : vector<1x128xf32>
    %dot_general3A_126 = tpu.matmul %broadcast_in_dim3A_121, %get3A_124, %dot_general3A_125 {dimension_numbers = #tpu.dot_dimension_numbers<[1], [0], [0], [1], [0, 0, 1, 1], [], []>, transpose_lhs_hint = false} : vector<1x128xf32>, vector<128x128xf32>, vector<1x128xf32> -> vector<1x128xf32>
    %squeeze3A_127 = vector.shape_cast %dot_general3A_126 : vector<1x128xf32> to vector<128xf32>
    %mul3A_128 = arith.constant 9.99999974E-5 : f32
    %mul3A_129 = vector.broadcast %mul3A_128 : f32 to vector<128xf32>
    %mul3A_130 = arith.mulf %squeeze3A_127, %mul3A_129 : vector<128xf32>
    %broadcast_in_dim3A_131 = vector.shape_cast %mul3A_112 : vector<128xf32> to vector<1x128xf32>
    %sub3A_132 = vector.broadcast %broadcast_in_dim3A_131 : vector<1x128xf32> to vector<1280x128xf32>
    %sub3A_133 = arith.subf %add3A_94, %sub3A_132 : vector<1280x128xf32>
    %add3A_134 = arith.constant 9.99999974E-6 : f32
    %add3A_135 = vector.broadcast %add3A_134 : f32 to vector<128xf32>
    %add3A_136 = arith.addf %mul3A_130, %add3A_135 : vector<128xf32>
    %rsqrt3A_137 = math.rsqrt %add3A_136 : vector<128xf32>
    %broadcast_in_dim3A_138 = vector.shape_cast %rsqrt3A_137 : vector<128xf32> to vector<1x128xf32>
    %mul3A_139 = vector.broadcast %broadcast_in_dim3A_138 : vector<1x128xf32> to vector<1280x128xf32>
    %mul3A_140 = arith.mulf %sub3A_133, %mul3A_139 : vector<1280x128xf32>
    %broadcast_in_dim3A_141 = vector.shape_cast %get3A_96 : vector<128xf32> to vector<1x128xf32>
    %mul3A_142 = vector.broadcast %broadcast_in_dim3A_141 : vector<1x128xf32> to vector<1280x128xf32>
    %mul3A_143 = arith.mulf %mul3A_140, %mul3A_142 : vector<1280x128xf32>
    %broadcast_in_dim3A_144 = vector.shape_cast %get3A_98 : vector<128xf32> to vector<1x128xf32>
    %add3A_145 = vector.broadcast %broadcast_in_dim3A_144 : vector<1x128xf32> to vector<1280x128xf32>
    %add3A_146 = arith.addf %mul3A_143, %add3A_145 : vector<1280x128xf32>
    %gt3A_147 = arith.constant 0.000000e+00 : f32
    %gt3A_148 = vector.broadcast %gt3A_147 : f32 to vector<1280x128xf32>
    %gt3A_149 = arith.cmpf ogt, %add3A_146, %gt3A_148 : vector<1280x128xf32>
    %mul3A_150 = arith.constant 2.000000e-02 : f32
    %mul3A_151 = vector.broadcast %mul3A_150 : f32 to vector<1280x128xf32>
    %mul3A_152 = arith.mulf %mul3A_151, %add3A_146 : vector<1280x128xf32>
    %select_n3A_153 = arith.select %gt3A_149, %add3A_146, %mul3A_152 : vector<1280x128xi1>, vector<1280x128xf32>
    %get3A_154 = arith.constant 0 : index
    %get3A_155 = arith.constant 0 : index
    %get3A_156 = vector.load %arg12[%get3A_154, %get3A_155] : memref<128x320xf32, #tpu.memory_space<vmem>>, vector<128x320xf32>
    %dot_general3A_157 = arith.constant dense<0.000000e+00> : vector<1280x320xf32>
    %dot_general3A_158 = tpu.matmul %select_n3A_153, %get3A_156, %dot_general3A_157 {dimension_numbers = #tpu.dot_dimension_numbers<[1], [0], [0], [1], [0, 0, 1, 1], [], []>, transpose_lhs_hint = false} : vector<1280x128xf32>, vector<128x320xf32>, vector<1280x320xf32> -> vector<1280x320xf32>
    %get3A_159 = arith.constant 0 : index
    %get3A_160 = vector.load %arg13[%get3A_159] : memref<320xf32, #tpu.memory_space<vmem>>, vector<320xf32>
    %broadcast_in_dim3A_161 = vector.shape_cast %get3A_160 : vector<320xf32> to vector<1x320xf32>
    %add3A_162 = vector.broadcast %broadcast_in_dim3A_161 : vector<1x320xf32> to vector<1280x320xf32>
    %add3A_163 = arith.addf %dot_general3A_158, %add3A_162 : vector<1280x320xf32>
    %reduce_max3A = arith.constant dense<0xFF800000> : vector<1280xf32>
    %reduce_max3A_164 = vector.multi_reduction <maximumf>, %add3A_163, %reduce_max3A [1] : vector<1280x320xf32> to vector<1280xf32>
    %broadcast_in_dim3A_165 = vector.shape_cast %reduce_max3A_164 : vector<1280xf32> to vector<1280x1xf32>
    %sub3A_166 = vector.broadcast %broadcast_in_dim3A_165 : vector<1280x1xf32> to vector<1280x320xf32>
    %sub3A_167 = arith.subf %add3A_163, %sub3A_166 : vector<1280x320xf32>
    %exp3A = math.exp %sub3A_167 : vector<1280x320xf32>
    %get3A_168 = arith.constant 0 : index
    %get3A_169 = arith.constant 0 : index
    %get3A_170 = vector.load %arg16[%get3A_168, %get3A_169] : memref<320x320xf32, #tpu.memory_space<vmem>>, vector<320x320xf32>
    %dot_general3A_171 = arith.constant dense<0.000000e+00> : vector<1280x320xf32>
    %dot_general3A_172 = tpu.matmul %exp3A, %get3A_170, %dot_general3A_171 {dimension_numbers = #tpu.dot_dimension_numbers<[1], [0], [0], [1], [0, 0, 1, 1], [], []>, transpose_lhs_hint = false} : vector<1280x320xf32>, vector<320x320xf32>, vector<1280x320xf32> -> vector<1280x320xf32>
    %sub3A_173 = vector.broadcast %broadcast_in_dim3A_165 : vector<1280x1xf32> to vector<1280x320xf32>
    %sub3A_174 = arith.subf %add3A_163, %sub3A_173 : vector<1280x320xf32>
    %log3A = math.log %dot_general3A_172 : vector<1280x320xf32>
    %sub3A_175 = arith.subf %sub3A_174, %log3A : vector<1280x320xf32>
    %swap3A = arith.constant 0 : index
    %swap3A_176 = arith.constant 0 : index
    %swap3A_177 = vector.load %arg17[%swap3A, %swap3A_176] : memref<1280x320xf32, #tpu.memory_space<vmem>>, vector<1280x320xf32>
    tpu.vector_store %arg17[%swap3A, %swap3A_176], %sub3A_175 {strides = array<i32>} : memref<1280x320xf32, #tpu.memory_space<vmem>>, vector<1280x320xf32>,
    return
  }
}

</mosaic_0001>

<sc_bundles>
// kernel: kernel.11.cloned.1.call-start
scs
__scs_entry_jumppad:
0x0: {  	(pc) =	sbr.rel $0x88, $3  }
0x1: {  	(tag) =	ssettag $0x0;
	lr =	simm.s32 $0x1  }
0x2: {  	[smem:$0x3F8F] =	sst lr;
	_ =	strace $0xD0000000  }
0x3: {  	_ = 	snop  }
0x4: {  	_ = 	snop  }
0x5: {  	_ = 	snop  }
0x6: {  	_ = 	snop  }
0x7: {  	_ = 	snop  }
__scs_overlays_trampoline_lowered:
0x8: {  	[smem:$0x3F9E] =	sst s0  }
0x9: {  	[smem:$0x3F9F] =	sst s1  }
0xa: {  	[smem:$0x3FA0] =	sst s2  }
0xb: {  	[smem:$0x3FA1] =	sst s3  }
0xc: {  	[smem:$0x3FA2] =	sst s4  }
0xd: {  	[smem:$0x3FA3] =	sst s5  }
0xe: {  	[smem:$0x3FA4] =	sst s6  }
0xf: {  	[smem:$0x3FA5] =	sst s7  }
0x10: {  	[smem:$0x3FA6] =	sst s8  }
0x11: {  	[smem:$0x3FA7] =	sst s9;
	s0 =	simm.s32 @!p0 $0x0  }
0x12: {  	s1 =	sld [smem:$0x3F8D];
	s0 =	simm.s32 @p0 $0x1  }
0x13: {  	[smem:$0x3FA8] =	sst s0;
	s0 =	simm.s32 @!p1 $0x0  }
0x14: {  	s2 =	sld [smem:$0x3F8C];
	s0 =	simm.s32 @p1 $0x1  }
0x15: {  	[smem:$0x3FA9] =	sst s0;
	s0 =	simm.s32 @!p2 $0x0  }
0x16: {  	s3 =	sld [smem:$0x3FDB];
	s0 =	simm.s32 @p2 $0x1  }
0x17: {  	s4 =	simm.s32 $0x1BF5;
	[smem:$0x3FAB] =	sst s0  }
0x18: {  	s0 =	sld [smem:$0x3F8E];
	_ =	swait.ge [sflag:s4], $0x0  }
0x19: {  	s7 =	sld [smem:$0x3F8F]  }
0x1a: {  	s8 =	sadd.s32 $0xFFFFE003, lr  }
0x1b: {  	s9 =	sadd.s32 $0xFFFFFEF7, lr;
	s5 =	simm.s32 $0xFFFFFFFF;
	p2 =	slt.u32 s8, $0xFFFFF086  }
0x1c: {  	p1 =	slt.u32 s9, $0xF7A;
	s5 =	simm.s32 @!p2 $0x0  }
0x1d: {  	s5 =	simm.s32 @p1 $0x1;
	p0 =	seq.s32 s7, s2  }
0x1e: {  	s7 =	smul.u32 @!p0 $0xF7A, s2;
	p2 =	seq.s32 @!p0 s5, $0x0  }
0x1f: {  	s9 =	smul.u32 $0xF7A, s1;
	s8 =	simm.s32 @!p0 $0x1BF5;
	p2 =	por !p2, p0  }
0x20: {  	[sflag:s8] =	ssyncset.s32 @!p0 $0xFFFFF086;
	s6 =	sadd.s32 @!p0 s3, s7;
	s7 =	simm.s32 @!p0 $0x108  }
0x21: {  	s3 =	sadd.s32 s3, s9;
	s6 =	sadd.s32 @!p0 $0x88, s6;
	s7 =	simm.s32 @p2 $0x1082  }
0x22: {  	[simem:s7], [sflag:s8] =	dma.local @!p0 [hbm:s6], $0xF7A  }
0x23: {  	s9 =	sor.u32 $0xD0000000, s2;
	s6 =	simm.s32 $0x108;
	_ =	swait.ge @!p0 [sflag:s8], $0x0  }
0x24: {  	s3 =	sadd.s32 $0x88, s3;
	s6 =	simm.s32 @!p1 $0x1082;
	[sflag:s4] =	ssyncset.s32 $0xFFFFF086  }
0x25: {  	[simem:s6], [sflag:s4] =	dma.local [hbm:s3], $0xF7A  }
0x26: {  	[smem:$0x3F8F] =	sst s1;
	(tag) =	ssettag s2;
	_ =	strace s9  }
0x27: {  	s1 =	sld [smem:$0x3F9F]  }
0x28: {  	s2 =	sld [smem:$0x3FA0]  }
0x29: {  	s4 =	sld [smem:$0x3FA2]  }
0x2a: {  	p0 =	seq.s32 s5, $0x0;
	s5 =	sld [smem:$0x3FA3]  }
0x2b: {  	s6 =	sld [smem:$0x3FA4]  }
0x2c: {  	s7 =	sld [smem:$0x3FA5]  }
0x2d: {  	s3 =	simm.s32 $0x108;
	s8 =	sld [smem:$0x3FA6]  }
0x2e: {  	s3 =	simm.s32 @!p0 $0x1082;
	s9 =	sld [smem:$0x3FA7]  }
0x2f: {  	lr =	sadd.s32 s0, s3;
	s0 =	sld [smem:$0x3F9E]  }
0x30: {  	s3 =	sld [smem:$0x3FA1]  }
0x31: {  	[smem:$0x3FAA] =	sst s10  }
0x32: {  	s10 =	sld [smem:$0x3FA8];
	_ =	sdelay $0x3  }
0x33: {  	p0 =	seq.s32 s10, $0x1;
	s10 =	sld [smem:$0x3FAA];
	_ =	sdelay $0x3  }
0x34: {  	[smem:$0x3FAA] =	sst s10  }
0x35: {  	s10 =	sld [smem:$0x3FA9];
	_ =	sdelay $0x3  }
0x36: {  	p1 =	seq.s32 s10, $0x1;
	s10 =	sld [smem:$0x3FAA];
	_ =	sdelay $0x3  }
0x37: {  	[smem:$0x3FAA] =	sst s10  }
0x38: {  	s10 =	sld [smem:$0x3FAB]  }
0x39: {  	_ = 	snop;
	(pc) =	sbr.ind lr, $3  }
0x3a: {  	_ = 	snop  }
0x3b: {  	_ = 	snop  }
0x3c: {  	p2 =	seq.s32 s10, $0x1;
	s10 =	sld [smem:$0x3FAA]  }
0x3d: {  	_ =	shalt  }
0x3e: {  	_ =	shalt  }
0x3f: {  	_ =	shalt  }
0x40: {  	_ =	shalt  }
0x41: {  	_ =	shalt  }
0x42: {  	_ =	shalt  }
0x43: {  	_ =	shalt  }
0x44: {  	_ =	shalt  }
0x45: {  	_ =	shalt  }
0x46: {  	_ =	shalt  }
0x47: {  	_ =	shalt  }
0x48: {  	_ =	shalt  }
0x49: {  	_ =	shalt  }
0x4a: {  	_ =	shalt  }
0x4b: {  	_ =	shalt  }
0x4c: {  	_ =	shalt  }
0x4d: {  	_ =	shalt  }
0x4e: {  	_ =	shalt  }
0x4f: {  	_ =	shalt  }
0x50: {  	_ =	shalt  }
0x51: {  	_ =	shalt  }
0x52: {  	_ =	shalt  }
0x53: {  	_ =	shalt  }
0x54: {  	_ =	shalt  }
0x55: {  	_ =	shalt  }
0x56: {  	_ =	shalt  }
0x57: {  	_ =	shalt  }
0x58: {  	_ =	shalt  }
0x59: {  	_ =	shalt  }
0x5a: {  	_ =	shalt  }
0x5b: {  	_ =	shalt  }
0x5c: {  	_ =	shalt  }
0x5d: {  	_ =	shalt  }
0x5e: {  	_ =	shalt  }
0x5f: {  	_ =	shalt  }
0x60: {  	_ =	shalt  }
0x61: {  	_ =	shalt  }
0x62: {  	_ =	shalt  }
0x63: {  	_ =	shalt  }
0x64: {  	_ =	shalt  }
0x65: {  	_ =	shalt  }
0x66: {  	_ =	shalt  }
0x67: {  	_ =	shalt  }
0x68: {  	_ =	shalt  }
0x69: {  	_ =	shalt  }
0x6a: {  	_ =	shalt  }
0x6b: {  	_ =	shalt  }
0x6c: {  	_ =	shalt  }
0x6d: {  	_ =	shalt  }
0x6e: {  	_ =	shalt  }
0x6f: {  	_ =	shalt  }
0x70: {  	_ =	shalt  }
0x71: {  	_ =	shalt  }
0x72: {  	_ =	shalt  }
0x73: {  	_ =	shalt  }
0x74: {  	_ =	shalt  }
0x75: {  	_ =	shalt  }
0x76: {  	_ =	shalt  }
0x77: {  	_ =	shalt  }
0x78: {  	_ =	shalt  }
0x79: {  	_ =	shalt  }
0x7a: {  	_ =	shalt  }
0x7b: {  	_ =	shalt  }
0x7c: {  	_ =	shalt  }
0x7d: {  	_ =	shalt  }
0x7e: {  	_ =	shalt  }
0x7f: {  	_ =	shalt  }
0x80: {  	_ =	shalt  }
0x81: {  	_ =	shalt  }
0x82: {  	_ =	shalt  }
0x83: {  	_ =	shalt  }
0x84: {  	_ =	shalt  }
0x85: {  	_ =	shalt  }
0x86: {  	_ =	shalt  }
0x87: {  	_ =	shalt  }
.Lfunc_end0:
.L_simem_size_0:
called_computation_lowered:
.L_overlay_start_0:
0x88: {  	s2 =	sld [smem:$0x3FD9]  }
0x89: {  	s3 =	sld [smem:$0x3FFE];
	_ =	sdelay $0x1  }
0x8a: {  	s1 =	srdreg.scid  }
0x8b: {  	s0 =	sand.u32 $0x1, s1  }
0x8c: {  	s17 =	sshll.u32 s0, $0xA;
	s2 =	sadd.s32 s3, s2  }
0x8d: {  	s2 =	sadd.s32 s2, s17  }
0x8e: {  	[smem:$0x3FB6] =	sst s2  }
0x8f: {  	_ = 	snop  }
0x90: {  	s2 =	sld [smem:$0x3FD0];
	(tm) =	ssettm $0x1  }
0x91: {  	s18 =	sld [smem:$0x3FFB];
	_ =	sdelay $0x3  }
0x92: {  	_ =	strace s18  }
0x93: {  	s3 =	sld [smem:$0x3FFC];
	_ =	sdelay $0x3  }
0x94: {  	_ =	strace s3  }
0x95: {  	s3 =	sld [smem:$0x3FFD];
	_ =	sdelay $0x3  }
0x96: {  	_ =	strace s3  }
0x97: {  	_ =	strace $0x8FFFFFFF  }
0x98: {  	s19 =	sld [smem:$0x3FDB];
	_ =	sdelay $0x1  }
0x99: {  	s4 =	simm.s32 $_scs_section_size  }
0x9a: {  	s5 =	simm.s32 $_size__tile_overlayer_lowered;
	s6 =	simm.s32 $_tile_overlayer_lowered  }
0x9b: {  	s22 =	simm.s32 $0x1BFF;
	s21 =	sshll.u32 s6, $0x1;
	s3 =	sadd.s32 s4, s19  }
0x9c: {  	s7 =	simm.s32 $0x0;
	s20 =	sshll.u32 s5, $0x1;
	s5 =	sadd.s32 s21, s3  }
0x9d: {  	[timem:s7], [sflag:s22] =	dma.local [hbm:s5], s20  }
0x9e: {  	_ =	swait.ge [sflag:s22], s20  }
0x9f: {  	s4 =	ssub.s32 $0x0, s20;
	[sflag:s22] =	ssyncset.done $0x0  }
0xa0: {  	[sflag:s22] =	ssyncadd.s32 s4;
	_ =	sdelay $0x1  }
0xa1: {  	s23 =	simm.s32 $0x1B8B  }
0xa2: {  	_ =	swait.ge [sflag:s23], $0x1  }
0xa3: {  	[sflag:s23] =	ssyncset.done $0x0  }
0xa4: {  	s25 =	simm.s32 $0x1B8E;
	s24 =	sld [smem:$0x3FFE];
	[sflag:s23] =	ssyncadd.s32 $0xFFFFFFFF  }
0xa5: {  	s26 =	simm.s32 $execute0_lowered;
	[smem:$0x3FD2] =	sst s25  }
0xa6: {  	s5 =	sshll.u32 s26, $0x1;
	_ =	strace $0x80000046;
	[dreg:$0x1] =	wrdreg $0xFFFFFFFF  }
0xa7: {  	s28 =	simm.s32 $_size_execute0_lowered;
	s3 =	sadd.s32 s3, s5;
	[dreg:$0x0] =	wrdreg $0x0  }
0xa8: {  	s5 =	sshll.u32 s28, $0x1;
	[dreg:$0x2] =	wrdreg s3  }
0xa9: {  	[dreg:$0x3] =	wrdreg s5  }
0xaa: {  	[dreg:$0x4] =	wrdreg $0xC0  }
0xab: {  	_ =	task [dreg:s7], $0x5FFFF  }
0xac: {  	[dreg:$0x1] =	wrdreg $0xFFFFFFFF  }
0xad: {  	[dreg:$0x0] =	wrdreg $0x60  }
0xae: {  	[dreg:$0x2] =	wrdreg s24  }
0xaf: {  	[dreg:$0x3] =	wrdreg s2  }
0xb0: {  	[dreg:$0x4] =	wrdreg $0x30000  }
0xb1: {  	[dreg:$0x5] =	wrdreg $0x9  }
0xb2: {  	_ =	task.clear_ibuf [dreg:s7], $0x6FFFF;
	_ =	strace $0x90000046  }
0xb3: {  	s29 =	simm.s32 $0x9;
	_ =	strace $0x80000048  }
0xb4: {  	_ =	swait.ge [sflag:s29], $0x1  }
0xb5: {  	[sflag:s29] =	ssyncadd.s32 $0xFFFFFFFF  }
0xb6: {  	_ =	strace $0x90000048  }
0xb7: {  	_ =	sfence  }
0xb8: {  	s30 =	sld [smem:$0x0];
	_ =	sdelay $0x2  }
0xb9: {  	s31 =	sshll.u32 s1, $0xD;
	s1 =	sshrl.u32 s1, $0x2  }
0xba: {  	s3 =	sand.u32 $0x4000, s31;
	s1 =	sadd.s32 s1, s30  }
0xbb: {  	s0 =	sor.u32 s3, s0;
	s1 =	sshll.u32 s1, $0x11  }
0xbc: {  	s0 =	sor.u32 s1, s0  }
0xbd: {  	s0 =	sadd.s32 $0x8F2B, s0  }
0xbe: {  	[sflag:s0] =	ssyncadd.remote.s32 $0x1  }
0xbf: {  	_ =	sfence.sel $0xFFFF  }
0xc0: {  	[dreg:$0x0] =	wrdreg $0xFFFFFFFF;
	(pc) =	sbr.abs _section_cstart, $3  }
0xc1: {  	[dreg:$0x1] =	wrdreg $0xFFFFFFFF  }
0xc2: {  	_ =	task.clear_ibuf [dreg:s7], $0x2FFFF;
	_ =	strace $0x9FFFFFFF  }
0xc3: {  	(tm) =	ssettm $0x7FFFFFFF  }
tec
execute0_lowered:
.L_overlay_start_1:
0x0: {  	(tag) =	ssettag $0x1  }
0x1: {  	s5 =	rddreg [dreg:$0x0]  }
0x2: {  	s7 =	rddreg [dreg:$0x1]  }
0x3: {  	s0 =	srdreg.scid;
	s2 =	rddreg [dreg:$0x2]  }
0x4: {  	s1 =	stileid.u32;
	s3 =	simm.s32 $0x0;
	s13 =	simm.s32 $0x80  }
0x5: {  	s14 =	simm.s32 $0x0;
	s6 =	sand.u32 $0x1, s0;
	s0 =	rddreg [dreg:$0x3]  }
0x6: {  	s8 =	smul.u32 $0x2800, s1;
	[smem:$0x7FF] =	sst s3;
	s31 =	sshll.u32 s1, $0x6  }
0x7: {  	s4 =	sshll.u32 s6, $0x4;
	_ =	strace $0x80000047;
	s11 =	ssub.s32 $0x2, s6  }
0x8: {  	s6 =	smul.u32 $0x28000, s6;
	s4 =	sor.u32 s1, s4;
	s10 =	sshrl.u32 s8, $0x3  }
0x9: {  	s12 =	sshrl.u32 s11, $0x1;
	s29 =	sadd.s32 s8, s2;
	s9 =	smul.u32 $0x2800, s4  }
0xa: {  	s4 =	sadd.s32 $0x19000, s5;
	s10 =	sadd.s32 s10, s5;
	s26 =	ssub.s32 s11, s12  }
0xb: {  	s28 =	sadd.s32 s8, s6;
	s11 =	sor.u32 $0x1C01, s31;
	s12 =	sshrl.u32 s29, $0x3  }
0xc: {  	s6 =	sadd.s32 $0x19200, s10;
	s30 =	sshrl.u32 s28, $0x3;
	s9 =	sshrl.u32 s9, $0x3  }
0xd: {  	s8 =	smax.u32 s26, $0x1;
	s10 =	simm.s32 $0x2800;
	s5 =	sadd.s32 s5, s9  }
0xe: {  	s7 =	sadd.s32 s7, s30;
	s9 =	simm.s32 $0x1;
	s5 =	sadd.s32 $0xF000, s5  }
.LBB2_1:
0xf: {  	[tilespmem:s3], [sflag:$0x1] =	stream.linear.gather [hbm4b:s5+s3], $0x2800, $0x38;
	[tilespmem:$0x5800] =	vst v63  }
0x10: {  	_ =	swait.ge [sflag:s9], $0x2800  }
0x11: {  	[sflag:s9] =	ssyncset.done $0x0  }
0x12: {  	[sflag:s9] =	ssyncadd.s32 $0xFFFFD800  }
0x13: {  	[tilespmem:s10], [sflag:$0x1] =	stream.linear.gather [hbm4b:s4+s3], $0x800, $0x38;
	[tilespmem:$0x5800] =	vst v63  }
0x14: {  	_ =	swait.ge [sflag:s9], $0x800  }
0x15: {  	[sflag:s9] =	ssyncset.done $0x0  }
0x16: {  	[sflag:s9] =	ssyncadd.s32 $0xFFFFF800  }
0x17: {  	[spmem:s12], [sflag:s11] =	dma.local [hbm:s6], $0x500  }
0x18: {  	_ =	swait.ge [sflag:s9], $0x500  }
0x19: {  	[sflag:s9] =	ssyncset.done $0x0  }
0x1a: {  	[sflag:s9] =	ssyncadd.s32 $0xFFFFFB00  }
0x1b: {  	s15 =	simm.s32 $0x0;
	[bflag:$0x0] =	sbarrier.arrive $0xFFFF  }
0x1c: {  	[spmem:s2] =	stream.indirect.scatter.add.f32 [tilespmem:s10], [sflag:$0x1], $0x10, s15, s13, $0xb8;
	[tilespmem:$0x5800] =	vst v63  }
0x1d: {  	_ =	swait.ge [sflag:s9], $0x800  }
0x1e: {  	s15 =	simm.s32 $0x200;
	[sflag:s9] =	ssyncset.done $0x0  }
.LBB2_2:
0x1f: {  	s16 =	sshra.s32 s15, $0x2;
	[sflag:s9] =	ssyncadd.s32 $0xFFFFF800;
	p0 =	sne.s32 s15, $0x9E00  }
0x20: {  	[spmem:s2] =	stream.indirect.scatter.add.f32 [tilespmem:s10], [sflag:$0x1], $0x10, s16, s13, $0xb8;
	[tilespmem:$0x5800] =	vst v63  }
.Ltmp0:
0x21: {  	_ = 	snop;
	(pc) =	sbr.rel @p0 .LBB2_2-.Ltmp0, $4  }
0x22: {  	_ = 	snop  }
0x23: {  	s15 =	sadd.s32 $0x200, s15  }
0x24: {  	_ =	swait.ge [sflag:s9], $0x800  }
0x25: {  	[sflag:s9] =	ssyncset.done $0x0  }
0x26: {  	s14 =	sadd.s32 $0x1, s14  }
0x27: {  	[sflag:s9] =	ssyncadd.s32 $0xFFFFF800;
	p0 =	sne.s32 s14, s8  }
.Ltmp1:
0x28: {  	[bflag:$0x0] =	sbarrier.arrive $0xFFFF;
	(pc) =	sbr.rel @p0 .LBB2_1-.Ltmp1, $4  }
0x29: {  	[hbm:s7], [sflag:s11] =	dma.local [spmem:s12], $0x500  }
0x2a: {  	_ =	swait.ge [sflag:s9], $0x500  }
0x2b: {  	[sflag:s9] =	ssyncset.done $0x0  }
0x2c: {  	[sflag:s9] =	ssyncadd.s32 $0xFFFFFB00  }
0x2d: {  	_ =	sfence.sel $0x180000  }
0x2e: {  	[bflag:$0x0] =	sbarrier.arrive $0xFFFF  }
0x2f: {  	p0 =	sne.s32 s1, $0x0;
	_ =	strace $0x90000047  }
0x30: {  	s0 =	sadd.s32 @!p0 $0x100000, s0;
	[bflag:$0x2] =	sbarrier.arrive $0xFFFF  }
0x31: {  	[sflag:s0] =	ssyncadd.tile.s32 @!p0 $0x1;
	_ =	shalt  }
.Lfunc_end2:
_tile_overlayer_lowered:
.L_overlay_start_2:
0x32: {  	(tag) =	ssettag $0x2  }
0x33: {  	s0 =	rddreg [dreg:$0x0];
	s2 =	stileid.u32  }
0x34: {  	s1 =	rddreg [dreg:$0x1];
	p0 =	sne.s32 s2, $0x0  }
0x35: {  	s3 =	rddreg [dreg:$0x2];
	[bflag:$0x3] =	sbarrier.arrive $0xFFFF;
	s2 =	simm.s32 @!p0 $0x1C01  }
0x36: {  	[timem:s3], [sflag:s2] =	dma.local @!p0 [hbm:s0], s1  }
0x37: {  	s0 =	simm.s32 @!p0 $0x1  }
0x38: {  	_ =	swait.ge @!p0 [sflag:s0], s1  }
0x39: {  	s1 =	ssub.s32 @!p0 $0x0, s1;
	[sflag:s0] =	ssyncset.done @!p0 $0x0  }
0x3a: {  	[sflag:s0] =	ssyncadd.s32 @!p0 s1  }
0x3b: {  	[bflag:$0x3] =	sbarrier.arrive $0xFFFF  }
0x3c: {  	_ =	shalt  }

// kernel: kernel.14.cloned.1.call-start
scs
__scs_entry_jumppad:
0x0: {  	(pc) =	sbr.rel $0x88, $3  }
0x1: {  	(tag) =	ssettag $0x0;
	lr =	simm.s32 $0x1  }
0x2: {  	[smem:$0x3F8F] =	sst lr;
	_ =	strace $0xD0000000  }
0x3: {  	_ = 	snop  }
0x4: {  	_ = 	snop  }
0x5: {  	_ = 	snop  }
0x6: {  	_ = 	snop  }
0x7: {  	_ = 	snop  }
__scs_overlays_trampoline_lowered:
0x8: {  	[smem:$0x3F9E] =	sst s0  }
0x9: {  	[smem:$0x3F9F] =	sst s1  }
0xa: {  	[smem:$0x3FA0] =	sst s2  }
0xb: {  	[smem:$0x3FA1] =	sst s3  }
0xc: {  	[smem:$0x3FA2] =	sst s4  }
0xd: {  	[smem:$0x3FA3] =	sst s5  }
0xe: {  	[smem:$0x3FA4] =	sst s6  }
0xf: {  	[smem:$0x3FA5] =	sst s7  }
0x10: {  	[smem:$0x3FA6] =	sst s8  }
0x11: {  	[smem:$0x3FA7] =	sst s9;
	s0 =	simm.s32 @!p0 $0x0  }
0x12: {  	s1 =	sld [smem:$0x3F8D];
	s0 =	simm.s32 @p0 $0x1  }
0x13: {  	[smem:$0x3FA8] =	sst s0;
	s0 =	simm.s32 @!p1 $0x0  }
0x14: {  	s2 =	sld [smem:$0x3F8C];
	s0 =	simm.s32 @p1 $0x1  }
0x15: {  	[smem:$0x3FA9] =	sst s0;
	s0 =	simm.s32 @!p2 $0x0  }
0x16: {  	s3 =	sld [smem:$0x3FDB];
	s0 =	simm.s32 @p2 $0x1  }
0x17: {  	s4 =	simm.s32 $0x1BF5;
	[smem:$0x3FAB] =	sst s0  }
0x18: {  	s0 =	sld [smem:$0x3F8E];
	_ =	swait.ge [sflag:s4], $0x0  }
0x19: {  	s7 =	sld [smem:$0x3F8F]  }
0x1a: {  	s8 =	sadd.s32 $0xFFFFE003, lr  }
0x1b: {  	s9 =	sadd.s32 $0xFFFFFEF7, lr;
	s5 =	simm.s32 $0xFFFFFFFF;
	p2 =	slt.u32 s8, $0xFFFFF086  }
0x1c: {  	p1 =	slt.u32 s9, $0xF7A;
	s5 =	simm.s32 @!p2 $0x0  }
0x1d: {  	s5 =	simm.s32 @p1 $0x1;
	p0 =	seq.s32 s7, s2  }
0x1e: {  	s7 =	smul.u32 @!p0 $0xF7A, s2;
	p2 =	seq.s32 @!p0 s5, $0x0  }
0x1f: {  	s9 =	smul.u32 $0xF7A, s1;
	s8 =	simm.s32 @!p0 $0x1BF5;
	p2 =	por !p2, p0  }
0x20: {  	[sflag:s8] =	ssyncset.s32 @!p0 $0xFFFFF086;
	s6 =	sadd.s32 @!p0 s3, s7;
	s7 =	simm.s32 @!p0 $0x108  }
0x21: {  	s3 =	sadd.s32 s3, s9;
	s6 =	sadd.s32 @!p0 $0x88, s6;
	s7 =	simm.s32 @p2 $0x1082  }
0x22: {  	[simem:s7], [sflag:s8] =	dma.local @!p0 [hbm:s6], $0xF7A  }
0x23: {  	s9 =	sor.u32 $0xD0000000, s2;
	s6 =	simm.s32 $0x108;
	_ =	swait.ge @!p0 [sflag:s8], $0x0  }
0x24: {  	s3 =	sadd.s32 $0x88, s3;
	s6 =	simm.s32 @!p1 $0x1082;
	[sflag:s4] =	ssyncset.s32 $0xFFFFF086  }
0x25: {  	[simem:s6], [sflag:s4] =	dma.local [hbm:s3], $0xF7A  }
0x26: {  	[smem:$0x3F8F] =	sst s1;
	(tag) =	ssettag s2;
	_ =	strace s9  }
0x27: {  	s1 =	sld [smem:$0x3F9F]  }
0x28: {  	s2 =	sld [smem:$0x3FA0]  }
0x29: {  	s4 =	sld [smem:$0x3FA2]  }
0x2a: {  	p0 =	seq.s32 s5, $0x0;
	s5 =	sld [smem:$0x3FA3]  }
0x2b: {  	s6 =	sld [smem:$0x3FA4]  }
0x2c: {  	s7 =	sld [smem:$0x3FA5]  }
0x2d: {  	s3 =	simm.s32 $0x108;
	s8 =	sld [smem:$0x3FA6]  }
0x2e: {  	s3 =	simm.s32 @!p0 $0x1082;
	s9 =	sld [smem:$0x3FA7]  }
0x2f: {  	lr =	sadd.s32 s0, s3;
	s0 =	sld [smem:$0x3F9E]  }
0x30: {  	s3 =	sld [smem:$0x3FA1]  }
0x31: {  	[smem:$0x3FAA] =	sst s10  }
0x32: {  	s10 =	sld [smem:$0x3FA8];
	_ =	sdelay $0x3  }
0x33: {  	p0 =	seq.s32 s10, $0x1;
	s10 =	sld [smem:$0x3FAA];
	_ =	sdelay $0x3  }
0x34: {  	[smem:$0x3FAA] =	sst s10  }
0x35: {  	s10 =	sld [smem:$0x3FA9];
	_ =	sdelay $0x3  }
0x36: {  	p1 =	seq.s32 s10, $0x1;
	s10 =	sld [smem:$0x3FAA];
	_ =	sdelay $0x3  }
0x37: {  	[smem:$0x3FAA] =	sst s10  }
0x38: {  	s10 =	sld [smem:$0x3FAB]  }
0x39: {  	_ = 	snop;
	(pc) =	sbr.ind lr, $3  }
0x3a: {  	_ = 	snop  }
0x3b: {  	_ = 	snop  }
0x3c: {  	p2 =	seq.s32 s10, $0x1;
	s10 =	sld [smem:$0x3FAA]  }
0x3d: {  	_ =	shalt  }
0x3e: {  	_ =	shalt  }
0x3f: {  	_ =	shalt  }
0x40: {  	_ =	shalt  }
0x41: {  	_ =	shalt  }
0x42: {  	_ =	shalt  }
0x43: {  	_ =	shalt  }
0x44: {  	_ =	shalt  }
0x45: {  	_ =	shalt  }
0x46: {  	_ =	shalt  }
0x47: {  	_ =	shalt  }
0x48: {  	_ =	shalt  }
0x49: {  	_ =	shalt  }
0x4a: {  	_ =	shalt  }
0x4b: {  	_ =	shalt  }
0x4c: {  	_ =	shalt  }
0x4d: {  	_ =	shalt  }
0x4e: {  	_ =	shalt  }
0x4f: {  	_ =	shalt  }
0x50: {  	_ =	shalt  }
0x51: {  	_ =	shalt  }
0x52: {  	_ =	shalt  }
0x53: {  	_ =	shalt  }
0x54: {  	_ =	shalt  }
0x55: {  	_ =	shalt  }
0x56: {  	_ =	shalt  }
0x57: {  	_ =	shalt  }
0x58: {  	_ =	shalt  }
0x59: {  	_ =	shalt  }
0x5a: {  	_ =	shalt  }
0x5b: {  	_ =	shalt  }
0x5c: {  	_ =	shalt  }
0x5d: {  	_ =	shalt  }
0x5e: {  	_ =	shalt  }
0x5f: {  	_ =	shalt  }
0x60: {  	_ =	shalt  }
0x61: {  	_ =	shalt  }
0x62: {  	_ =	shalt  }
0x63: {  	_ =	shalt  }
0x64: {  	_ =	shalt  }
0x65: {  	_ =	shalt  }
0x66: {  	_ =	shalt  }
0x67: {  	_ =	shalt  }
0x68: {  	_ =	shalt  }
0x69: {  	_ =	shalt  }
0x6a: {  	_ =	shalt  }
0x6b: {  	_ =	shalt  }
0x6c: {  	_ =	shalt  }
0x6d: {  	_ =	shalt  }
0x6e: {  	_ =	shalt  }
0x6f: {  	_ =	shalt  }
0x70: {  	_ =	shalt  }
0x71: {  	_ =	shalt  }
0x72: {  	_ =	shalt  }
0x73: {  	_ =	shalt  }
0x74: {  	_ =	shalt  }
0x75: {  	_ =	shalt  }
0x76: {  	_ =	shalt  }
0x77: {  	_ =	shalt  }
0x78: {  	_ =	shalt  }
0x79: {  	_ =	shalt  }
0x7a: {  	_ =	shalt  }
0x7b: {  	_ =	shalt  }
0x7c: {  	_ =	shalt  }
0x7d: {  	_ =	shalt  }
0x7e: {  	_ =	shalt  }
0x7f: {  	_ =	shalt  }
0x80: {  	_ =	shalt  }
0x81: {  	_ =	shalt  }
0x82: {  	_ =	shalt  }
0x83: {  	_ =	shalt  }
0x84: {  	_ =	shalt  }
0x85: {  	_ =	shalt  }
0x86: {  	_ =	shalt  }
0x87: {  	_ =	shalt  }
.Lfunc_end0:
.L_simem_size_0:
called_computation.1_lowered:
.L_overlay_start_0:
0x88: {  	s2 =	sld [smem:$0x3FD9]  }
0x89: {  	s3 =	sld [smem:$0x3FFE];
	_ =	sdelay $0x1  }
0x8a: {  	s1 =	srdreg.scid  }
0x8b: {  	s0 =	sand.u32 $0x1, s1  }
0x8c: {  	s17 =	sshll.u32 s0, $0xA;
	s2 =	sadd.s32 s3, s2  }
0x8d: {  	s2 =	sadd.s32 s2, s17  }
0x8e: {  	[smem:$0x3FB6] =	sst s2  }
0x8f: {  	_ = 	snop  }
0x90: {  	s2 =	sld [smem:$0x3FD0];
	(tm) =	ssettm $0x1  }
0x91: {  	s18 =	sld [smem:$0x3FFB];
	_ =	sdelay $0x3  }
0x92: {  	_ =	strace s18  }
0x93: {  	s3 =	sld [smem:$0x3FFC];
	_ =	sdelay $0x3  }
0x94: {  	_ =	strace s3  }
0x95: {  	s3 =	sld [smem:$0x3FFD];
	_ =	sdelay $0x3  }
0x96: {  	_ =	strace s3  }
0x97: {  	_ =	strace $0x8FFFFFFF  }
0x98: {  	s19 =	sld [smem:$0x3FDB];
	_ =	sdelay $0x1  }
0x99: {  	s4 =	simm.s32 $_scs_section_size  }
0x9a: {  	s5 =	simm.s32 $_size__tile_overlayer_lowered;
	s6 =	simm.s32 $_tile_overlayer_lowered  }
0x9b: {  	s22 =	simm.s32 $0x1BFF;
	s21 =	sshll.u32 s6, $0x1;
	s3 =	sadd.s32 s4, s19  }
0x9c: {  	s7 =	simm.s32 $0x0;
	s20 =	sshll.u32 s5, $0x1;
	s5 =	sadd.s32 s21, s3  }
0x9d: {  	[timem:s7], [sflag:s22] =	dma.local [hbm:s5], s20  }
0x9e: {  	_ =	swait.ge [sflag:s22], s20  }
0x9f: {  	s4 =	ssub.s32 $0x0, s20;
	[sflag:s22] =	ssyncset.done $0x0  }
0xa0: {  	[sflag:s22] =	ssyncadd.s32 s4;
	_ =	sdelay $0x1  }
0xa1: {  	s23 =	simm.s32 $0x1B8B  }
0xa2: {  	_ =	swait.ge [sflag:s23], $0x1  }
0xa3: {  	[sflag:s23] =	ssyncset.done $0x0  }
0xa4: {  	s25 =	simm.s32 $0x1B8E;
	s24 =	sld [smem:$0x3FFE];
	[sflag:s23] =	ssyncadd.s32 $0xFFFFFFFF  }
0xa5: {  	s26 =	simm.s32 $execute0_lowered;
	[smem:$0x3FD2] =	sst s25  }
0xa6: {  	s5 =	sshll.u32 s26, $0x1;
	_ =	strace $0x80000049;
	[dreg:$0x1] =	wrdreg $0xFFFFFFFF  }
0xa7: {  	s28 =	simm.s32 $_size_execute0_lowered;
	s3 =	sadd.s32 s3, s5;
	[dreg:$0x0] =	wrdreg $0x0  }
0xa8: {  	s5 =	sshll.u32 s28, $0x1;
	[dreg:$0x2] =	wrdreg s3  }
0xa9: {  	[dreg:$0x3] =	wrdreg s5  }
0xaa: {  	[dreg:$0x4] =	wrdreg $0xC0  }
0xab: {  	_ =	task [dreg:s7], $0x5FFFF  }
0xac: {  	[dreg:$0x1] =	wrdreg $0xFFFFFFFF  }
0xad: {  	[dreg:$0x0] =	wrdreg $0x60  }
0xae: {  	[dreg:$0x2] =	wrdreg s24  }
0xaf: {  	[dreg:$0x3] =	wrdreg s2  }
0xb0: {  	[dreg:$0x4] =	wrdreg $0x90000  }
0xb1: {  	[dreg:$0x5] =	wrdreg $0xB8000  }
0xb2: {  	[dreg:$0x6] =	wrdreg $0x9  }
0xb3: {  	_ =	task.clear_ibuf [dreg:s7], $0x7FFFF;
	_ =	strace $0x90000049  }
0xb4: {  	s29 =	simm.s32 $0x9;
	_ =	strace $0x8000004B  }
0xb5: {  	_ =	swait.ge [sflag:s29], $0x1  }
0xb6: {  	[sflag:s29] =	ssyncadd.s32 $0xFFFFFFFF  }
0xb7: {  	_ =	strace $0x9000004B  }
0xb8: {  	_ =	sfence  }
0xb9: {  	s30 =	sld [smem:$0x0];
	_ =	sdelay $0x2  }
0xba: {  	s31 =	sshll.u32 s1, $0xD;
	s1 =	sshrl.u32 s1, $0x2  }
0xbb: {  	s3 =	sand.u32 $0x4000, s31;
	s1 =	sadd.s32 s1, s30  }
0xbc: {  	s0 =	sor.u32 s3, s0;
	s1 =	sshll.u32 s1, $0x11  }
0xbd: {  	s0 =	sor.u32 s1, s0  }
0xbe: {  	s0 =	sadd.s32 $0x8F2B, s0  }
0xbf: {  	[sflag:s0] =	ssyncadd.remote.s32 $0x1  }
0xc0: {  	_ =	sfence.sel $0xFFFF  }
0xc1: {  	[dreg:$0x0] =	wrdreg $0xFFFFFFFF;
	(pc) =	sbr.abs _section_cstart, $3  }
0xc2: {  	[dreg:$0x1] =	wrdreg $0xFFFFFFFF  }
0xc3: {  	_ =	task.clear_ibuf [dreg:s7], $0x2FFFF;
	_ =	strace $0x9FFFFFFF  }
0xc4: {  	(tm) =	ssettm $0x7FFFFFFF  }
0xc5: {  	_ =	shalt  }
tec
execute0_lowered:
.L_overlay_start_1:
0x0: {  	(tag) =	ssettag $0x1  }
0x1: {  	s0 =	rddreg [dreg:$0x0]  }
0x2: {  	s5 =	rddreg [dreg:$0x1]  }
0x3: {  	s1 =	srdreg.scid;
	s2 =	rddreg [dreg:$0x2]  }
0x4: {  	s13 =	stileid.u32;
	s3 =	rddreg [dreg:$0x3];
	s11 =	simm.s32 $0x9  }
0x5: {  	s16 =	simm.s32 $0x80;
	s17 =	simm.s32 $0x5000;
	s18 =	simm.s32 $0x5800  }
0x6: {  	s20 =	simm.s32 $0x6000;
	s22 =	simm.s32 $0x6800;
	s29 =	simm.s32 $0x8000  }
0x7: {  	s31 =	simm.s32 $0x8800;
	s19 =	simm.s32 $0x4;
	s21 =	simm.s32 $0x5  }
0x8: {  	s28 =	simm.s32 $0x8;
	s30 =	simm.s32 $0x0;
	s1 =	sand.u32 $0x1, s1  }
0x9: {  	s8 =	smul.u32 $0x2800, s13;
	s26 =	sshll.u32 s13, $0x6;
	s4 =	sshll.u32 s1, $0x4  }
0xa: {  	s7 =	ssub.s32 $0x2, s1;
	s1 =	smul.u32 $0x28000, s1;
	s6 =	sor.u32 s13, s4  }
0xb: {  	s4 =	simm.s32 $0x0;
	s9 =	sshrl.u32 s8, $0x3;
	s10 =	sshrl.u32 s7, $0x1  }
0xc: {  	s24 =	sadd.s32 s8, s2;
	s12 =	sadd.s32 s8, s3;
	s13 =	sor.u32 $0x1C09, s26  }
0xd: {  	s26 =	simm.s32 $0x7800;
	s6 =	smul.u32 $0x2800, s6;
	[smem:$0x7FF] =	sst s4  }
0xe: {  	s10 =	ssub.s32 s7, s10;
	s1 =	sadd.s32 s8, s1;
	s14 =	sshrl.u32 s24, $0x3  }
0xf: {  	s15 =	sshrl.u32 s12, $0x3;
	s24 =	simm.s32 $0x7000;
	s12 =	simm.s32 $0x3  }
0x10: {  	_ =	strace $0x8000004A;
	s1 =	sshrl.u32 s1, $0x3;
	s6 =	sshrl.u32 s6, $0x3  }
0x11: {  	s10 =	smax.u32 s10, $0x1;
	s6 =	sadd.s32 s6, s0;
	s0 =	sadd.s32 s9, s0  }
0x12: {  	s9 =	sadd.s32 s5, s1;
	s1 =	simm.s32 $0x1;
	s23 =	sadd.s32 $0x5000, s6  }
0x13: {  	s6 =	sadd.s32 $0xF000, s6;
	s25 =	sadd.s32 $0x1E200, s0;
	[dreg:$0x5] =	wrdreg s23  }
0x14: {  	s8 =	sadd.s32 $0x19200, s0;
	s0 =	simm.s32 $0x2;
	[dreg:$0x6] =	wrdreg s6  }
0x15: {  	[dreg:$0x7] =	wrdreg s25;
	s23 =	simm.s32 $0x6;
	s25 =	simm.s32 $0x7  }
.LBB2_1:
0x16: {  	s5 =	rddreg [dreg:$0x5]  }
0x17: {  	[tilespmem:s4], [sflag:$0x9] =	stream.linear.gather [hbm4b:s5+s4], $0x2800, $0x38;
	[tilespmem:$0xE000] =	vst v63  }
0x18: {  	_ =	swait.ge [sflag:s11], $0x2800  }
0x19: {  	[sflag:s11] =	ssyncset.done $0x0  }
0x1a: {  	s6 =	simm.s32 $0x2800;
	s7 =	rddreg [dreg:$0x6];
	[sflag:s11] =	ssyncadd.s32 $0xFFFFD800  }
0x1b: {  	[tilespmem:s6], [sflag:$0x9] =	stream.linear.gather [hbm4b:s7+s4], $0x2800, $0x38;
	[tilespmem:$0xE000] =	vst v63  }
0x1c: {  	_ =	swait.ge [sflag:s11], $0x2800  }
0x1d: {  	[sflag:s11] =	ssyncset.done $0x0  }
0x1e: {  	s6 =	rddreg [dreg:$0x7];
	[sflag:s11] =	ssyncadd.s32 $0xFFFFD800  }
0x1f: {  	[spmem:s14], [sflag:s13] =	dma.local [hbm:s6], $0x500  }
0x20: {  	_ =	swait.ge [sflag:s11], $0x500  }
0x21: {  	[sflag:s11] =	ssyncset.done $0x0  }
0x22: {  	[sflag:s11] =	ssyncadd.s32 $0xFFFFFB00  }
0x23: {  	[spmem:s15], [sflag:s13] =	dma.local [hbm:s8], $0x500  }
0x24: {  	_ =	swait.ge [sflag:s11], $0x500  }
0x25: {  	[sflag:s11] =	ssyncset.done $0x0  }
0x26: {  	[sflag:s11] =	ssyncadd.s32 $0xFFFFFB00  }
0x27: {  	[bflag:$0x0] =	sbarrier.arrive $0xFFFF  }
0x28: {  	[tilespmem:s17], [sflag:$0x1] =	stream.indirect.gather [spmem:s2], $0x10, s4, s16, $0xb8;
	[tilespmem:$0xE000] =	vst v63  }
0x29: {  	_ = 	snop  }
0x2a: {  	[tilespmem:s18], [sflag:$0x2] =	stream.indirect.gather [spmem:s2], $0x10, s16, s16, $0xb8;
	[tilespmem:$0xE000] =	vst v63  }
0x2b: {  	s7 =	simm.s32 $0x100  }
0x2c: {  	[tilespmem:s20], [sflag:$0x3] =	stream.indirect.gather [spmem:s2], $0x10, s7, s16, $0xb8;
	[tilespmem:$0xE000] =	vst v63  }
0x2d: {  	s6 =	simm.s32 $0x180  }
0x2e: {  	[tilespmem:s22], [sflag:$0x4] =	stream.indirect.gather [spmem:s2], $0x10, s6, s16, $0xb8;
	[tilespmem:$0xE000] =	vst v63  }
0x2f: {  	s7 =	simm.s32 $0x200  }
0x30: {  	[tilespmem:s24], [sflag:$0x5] =	stream.indirect.gather [spmem:s2], $0x10, s7, s16, $0xb8;
	[tilespmem:$0xE000] =	vst v63  }
0x31: {  	s6 =	simm.s32 $0x280  }
0x32: {  	[tilespmem:s26], [sflag:$0x6] =	stream.indirect.gather [spmem:s2], $0x10, s6, s16, $0xb8;
	[tilespmem:$0xE000] =	vst v63  }
0x33: {  	s7 =	simm.s32 $0x300  }
0x34: {  	[tilespmem:s29], [sflag:$0x7] =	stream.indirect.gather [spmem:s2], $0x10, s7, s16, $0xb8;
	[tilespmem:$0xE000] =	vst v63  }
0x35: {  	s6 =	simm.s32 $0x380  }
0x36: {  	[tilespmem:s31], [sflag:$0x8] =	stream.indirect.gather [spmem:s2], $0x10, s6, s16, $0xb8;
	[tilespmem:$0xE000] =	vst v63  }
0x37: {  	_ =	swait.ge [sflag:s1], $0x800  }
0x38: {  	[sflag:s1] =	ssyncset.done $0x0  }
0x39: {  	s7 =	simm.s32 $0x2800;
	[sflag:s1] =	ssyncadd.s32 $0xFFFFF800  }
0x3a: {  	[spmem:s3] =	stream.indirect.scatter.add.f32 [tilespmem:s17], [sflag:$0x9], $0x10, s7, s16, $0xb8;
	[tilespmem:$0xE000] =	vst v63  }
0x3b: {  	_ =	swait.ge [sflag:s11], $0x800  }
0x3c: {  	[sflag:s11] =	ssyncset.done $0x0  }
0x3d: {  	s6 =	simm.s32 $0x400;
	[sflag:s11] =	ssyncadd.s32 $0xFFFFF800  }
0x3e: {  	[tilespmem:s17], [sflag:$0x1] =	stream.indirect.gather [spmem:s2], $0x10, s6, s16, $0xb8;
	[tilespmem:$0xE000] =	vst v63  }
0x3f: {  	_ =	swait.ge [sflag:s0], $0x800  }
0x40: {  	[sflag:s0] =	ssyncset.done $0x0  }
0x41: {  	s7 =	simm.s32 $0x2880;
	[sflag:s0] =	ssyncadd.s32 $0xFFFFF800  }
0x42: {  	[spmem:s3] =	stream.indirect.scatter.add.f32 [tilespmem:s18], [sflag:$0x9], $0x10, s7, s16, $0xb8;
	[tilespmem:$0xE000] =	vst v63  }
0x43: {  	_ =	swait.ge [sflag:s11], $0x800  }
0x44: {  	[sflag:s11] =	ssyncset.done $0x0  }
0x45: {  	s6 =	simm.s32 $0x480;
	[sflag:s11] =	ssyncadd.s32 $0xFFFFF800  }
0x46: {  	[tilespmem:s18], [sflag:$0x2] =	stream.indirect.gather [spmem:s2], $0x10, s6, s16, $0xb8;
	[tilespmem:$0xE000] =	vst v63  }
0x47: {  	_ =	swait.ge [sflag:s12], $0x800  }
0x48: {  	[sflag:s12] =	ssyncset.done $0x0  }
0x49: {  	s7 =	simm.s32 $0x2900;
	[sflag:s12] =	ssyncadd.s32 $0xFFFFF800  }
0x4a: {  	[spmem:s3] =	stream.indirect.scatter.add.f32 [tilespmem:s20], [sflag:$0x9], $0x10, s7, s16, $0xb8;
	[tilespmem:$0xE000] =	vst v63  }
0x4b: {  	_ =	swait.ge [sflag:s11], $0x800  }
0x4c: {  	[sflag:s11] =	ssyncset.done $0x0  }
0x4d: {  	s6 =	simm.s32 $0x500;
	[sflag:s11] =	ssyncadd.s32 $0xFFFFF800  }
0x4e: {  	[tilespmem:s20], [sflag:$0x3] =	stream.indirect.gather [spmem:s2], $0x10, s6, s16, $0xb8;
	[tilespmem:$0xE000] =	vst v63  }
0x4f: {  	_ =	swait.ge [sflag:s19], $0x800  }
0x50: {  	[sflag:s19] =	ssyncset.done $0x0  }
0x51: {  	s7 =	simm.s32 $0x2980;
	[sflag:s19] =	ssyncadd.s32 $0xFFFFF800  }
0x52: {  	[spmem:s3] =	stream.indirect.scatter.add.f32 [tilespmem:s22], [sflag:$0x9], $0x10, s7, s16, $0xb8;
	[tilespmem:$0xE000] =	vst v63  }
0x53: {  	_ =	swait.ge [sflag:s11], $0x800  }
0x54: {  	[sflag:s11] =	ssyncset.done $0x0  }
0x55: {  	s6 =	simm.s32 $0x580;
	[sflag:s11] =	ssyncadd.s32 $0xFFFFF800  }
0x56: {  	[tilespmem:s22], [sflag:$0x4] =	stream.indirect.gather [spmem:s2], $0x10, s6, s16, $0xb8;
	[tilespmem:$0xE000] =	vst v63  }
0x57: {  	_ =	swait.ge [sflag:s21], $0x800  }
0x58: {  	[sflag:s21] =	ssyncset.done $0x0  }
0x59: {  	s7 =	simm.s32 $0x2A00;
	[sflag:s21] =	ssyncadd.s32 $0xFFFFF800  }
0x5a: {  	[spmem:s3] =	stream.indirect.scatter.add.f32 [tilespmem:s24], [sflag:$0x9], $0x10, s7, s16, $0xb8;
	[tilespmem:$0xE000] =	vst v63  }
0x5b: {  	_ =	swait.ge [sflag:s11], $0x800  }
0x5c: {  	[sflag:s11] =	ssyncset.done $0x0  }
0x5d: {  	s6 =	simm.s32 $0x600;
	[sflag:s11] =	ssyncadd.s32 $0xFFFFF800  }
0x5e: {  	[tilespmem:s24], [sflag:$0x5] =	stream.indirect.gather [spmem:s2], $0x10, s6, s16, $0xb8;
	[tilespmem:$0xE000] =	vst v63  }
0x5f: {  	_ =	swait.ge [sflag:s23], $0x800  }
0x60: {  	[sflag:s23] =	ssyncset.done $0x0  }
0x61: {  	s7 =	simm.s32 $0x2A80;
	[sflag:s23] =	ssyncadd.s32 $0xFFFFF800  }
0x62: {  	[spmem:s3] =	stream.indirect.scatter.add.f32 [tilespmem:s26], [sflag:$0x9], $0x10, s7, s16, $0xb8;
	[tilespmem:$0xE000] =	vst v63  }
0x63: {  	_ =	swait.ge [sflag:s11], $0x800  }
0x64: {  	[sflag:s11] =	ssyncset.done $0x0  }
0x65: {  	s6 =	simm.s32 $0x680;
	[sflag:s11] =	ssyncadd.s32 $0xFFFFF800  }
0x66: {  	[tilespmem:s26], [sflag:$0x6] =	stream.indirect.gather [spmem:s2], $0x10, s6, s16, $0xb8;
	[tilespmem:$0xE000] =	vst v63  }
0x67: {  	_ =	swait.ge [sflag:s25], $0x800  }
0x68: {  	[sflag:s25] =	ssyncset.done $0x0  }
0x69: {  	s7 =	simm.s32 $0x2B00;
	[sflag:s25] =	ssyncadd.s32 $0xFFFFF800  }
0x6a: {  	[spmem:s3] =	stream.indirect.scatter.add.f32 [tilespmem:s29], [sflag:$0x9], $0x10, s7, s16, $0xb8;
	[tilespmem:$0xE000] =	vst v63  }
0x6b: {  	_ =	swait.ge [sflag:s11], $0x800  }
0x6c: {  	[sflag:s11] =	ssyncset.done $0x0  }
0x6d: {  	s6 =	simm.s32 $0x700;
	[sflag:s11] =	ssyncadd.s32 $0xFFFFF800  }
0x6e: {  	[tilespmem:s29], [sflag:$0x7] =	stream.indirect.gather [spmem:s2], $0x10, s6, s16, $0xb8;
	[tilespmem:$0xE000] =	vst v63  }
0x6f: {  	_ =	swait.ge [sflag:s28], $0x800  }
0x70: {  	[sflag:s28] =	ssyncset.done $0x0  }
0x71: {  	s7 =	simm.s32 $0x2B80;
	[sflag:s28] =	ssyncadd.s32 $0xFFFFF800  }
0x72: {  	[spmem:s3] =	stream.indirect.scatter.add.f32 [tilespmem:s31], [sflag:$0x9], $0x10, s7, s16, $0xb8;
	[tilespmem:$0xE000] =	vst v63  }
0x73: {  	_ =	swait.ge [sflag:s11], $0x800  }
0x74: {  	[sflag:s11] =	ssyncset.done $0x0  }
0x75: {  	s5 =	simm.s32 $0x1000;
	s6 =	simm.s32 $0x780;
	[sflag:s11] =	ssyncadd.s32 $0xFFFFF800  }
.LBB2_2:
0x76: {  	[tilespmem:s31], [sflag:$0x8] =	stream.indirect.gather [spmem:s2], $0x10, s6, s16, $0xb8;
	[tilespmem:$0xE000] =	vst v63  }
0x77: {  	s6 =	smov.u32 s5  }
0x78: {  	p0 =	sne.s32 s5, $0x8000;
	s5 =	sadd.s32 $0x1000, s5;
	_ =	swait.ge [sflag:s1], $0x800  }
0x79: {  	s6 =	sshra.s32 s6, $0x2;
	[sflag:s1] =	ssyncset.done $0x0  }
0x7a: {  	s7 =	sadd.s32 $0x2800, s6;
	[sflag:s1] =	ssyncadd.s32 $0xFFFFF800  }
0x7b: {  	[spmem:s3] =	stream.indirect.scatter.add.f32 [tilespmem:s17], [sflag:$0x9], $0x10, s7, s16, $0xb8;
	[tilespmem:$0xE000] =	vst v63  }
0x7c: {  	_ =	swait.ge [sflag:s11], $0x800  }
0x7d: {  	[sflag:s11] =	ssyncset.done $0x0  }
0x7e: {  	s7 =	sadd.s32 $0x400, s6;
	[sflag:s11] =	ssyncadd.s32 $0xFFFFF800  }
0x7f: {  	[tilespmem:s17], [sflag:$0x1] =	stream.indirect.gather [spmem:s2], $0x10, s7, s16, $0xb8;
	[tilespmem:$0xE000] =	vst v63  }
0x80: {  	_ =	swait.ge [sflag:s0], $0x800  }
0x81: {  	[sflag:s0] =	ssyncset.done $0x0  }
0x82: {  	s7 =	sadd.s32 $0x2880, s6;
	[sflag:s0] =	ssyncadd.s32 $0xFFFFF800  }
0x83: {  	[spmem:s3] =	stream.indirect.scatter.add.f32 [tilespmem:s18], [sflag:$0x9], $0x10, s7, s16, $0xb8;
	[tilespmem:$0xE000] =	vst v63  }
0x84: {  	_ =	swait.ge [sflag:s11], $0x800  }
0x85: {  	[sflag:s11] =	ssyncset.done $0x0  }
0x86: {  	s7 =	sadd.s32 $0x480, s6;
	[sflag:s11] =	ssyncadd.s32 $0xFFFFF800  }
0x87: {  	[tilespmem:s18], [sflag:$0x2] =	stream.indirect.gather [spmem:s2], $0x10, s7, s16, $0xb8;
	[tilespmem:$0xE000] =	vst v63  }
0x88: {  	_ =	swait.ge [sflag:s12], $0x800  }
0x89: {  	[sflag:s12] =	ssyncset.done $0x0  }
0x8a: {  	s7 =	sadd.s32 $0x2900, s6;
	[sflag:s12] =	ssyncadd.s32 $0xFFFFF800  }
0x8b: {  	[spmem:s3] =	stream.indirect.scatter.add.f32 [tilespmem:s20], [sflag:$0x9], $0x10, s7, s16, $0xb8;
	[tilespmem:$0xE000] =	vst v63  }
0x8c: {  	_ =	swait.ge [sflag:s11], $0x800  }
0x8d: {  	[sflag:s11] =	ssyncset.done $0x0  }
0x8e: {  	s7 =	sadd.s32 $0x500, s6;
	[sflag:s11] =	ssyncadd.s32 $0xFFFFF800  }
0x8f: {  	[tilespmem:s20], [sflag:$0x3] =	stream.indirect.gather [spmem:s2], $0x10, s7, s16, $0xb8;
	[tilespmem:$0xE000] =	vst v63  }
0x90: {  	_ =	swait.ge [sflag:s19], $0x800  }
0x91: {  	[sflag:s19] =	ssyncset.done $0x0  }
0x92: {  	s7 =	sadd.s32 $0x2980, s6;
	[sflag:s19] =	ssyncadd.s32 $0xFFFFF800  }
0x93: {  	[spmem:s3] =	stream.indirect.scatter.add.f32 [tilespmem:s22], [sflag:$0x9], $0x10, s7, s16, $0xb8;
	[tilespmem:$0xE000] =	vst v63  }
0x94: {  	_ =	swait.ge [sflag:s11], $0x800  }
0x95: {  	[sflag:s11] =	ssyncset.done $0x0  }
0x96: {  	s7 =	sadd.s32 $0x580, s6;
	[sflag:s11] =	ssyncadd.s32 $0xFFFFF800  }
0x97: {  	[tilespmem:s22], [sflag:$0x4] =	stream.indirect.gather [spmem:s2], $0x10, s7, s16, $0xb8;
	[tilespmem:$0xE000] =	vst v63  }
0x98: {  	_ =	swait.ge [sflag:s21], $0x800  }
0x99: {  	[sflag:s21] =	ssyncset.done $0x0  }
0x9a: {  	s7 =	sadd.s32 $0x2A00, s6;
	[sflag:s21] =	ssyncadd.s32 $0xFFFFF800  }
0x9b: {  	[spmem:s3] =	stream.indirect.scatter.add.f32 [tilespmem:s24], [sflag:$0x9], $0x10, s7, s16, $0xb8;
	[tilespmem:$0xE000] =	vst v63  }
0x9c: {  	_ =	swait.ge [sflag:s11], $0x800  }
0x9d: {  	[sflag:s11] =	ssyncset.done $0x0  }
0x9e: {  	s7 =	sadd.s32 $0x600, s6;
	[sflag:s11] =	ssyncadd.s32 $0xFFFFF800  }
0x9f: {  	[tilespmem:s24], [sflag:$0x5] =	stream.indirect.gather [spmem:s2], $0x10, s7, s16, $0xb8;
	[tilespmem:$0xE000] =	vst v63  }
0xa0: {  	_ =	swait.ge [sflag:s23], $0x800  }
0xa1: {  	[sflag:s23] =	ssyncset.done $0x0  }
0xa2: {  	s7 =	sadd.s32 $0x2A80, s6;
	[sflag:s23] =	ssyncadd.s32 $0xFFFFF800  }
0xa3: {  	[spmem:s3] =	stream.indirect.scatter.add.f32 [tilespmem:s26], [sflag:$0x9], $0x10, s7, s16, $0xb8;
	[tilespmem:$0xE000] =	vst v63  }
0xa4: {  	_ =	swait.ge [sflag:s11], $0x800  }
0xa5: {  	[sflag:s11] =	ssyncset.done $0x0  }
0xa6: {  	s7 =	sadd.s32 $0x680, s6;
	[sflag:s11] =	ssyncadd.s32 $0xFFFFF800  }
0xa7: {  	[tilespmem:s26], [sflag:$0x6] =	stream.indirect.gather [spmem:s2], $0x10, s7, s16, $0xb8;
	[tilespmem:$0xE000] =	vst v63  }
0xa8: {  	_ =	swait.ge [sflag:s25], $0x800  }
0xa9: {  	[sflag:s25] =	ssyncset.done $0x0  }
0xaa: {  	s7 =	sadd.s32 $0x2B00, s6;
	[sflag:s25] =	ssyncadd.s32 $0xFFFFF800  }
0xab: {  	[spmem:s3] =	stream.indirect.scatter.add.f32 [tilespmem:s29], [sflag:$0x9], $0x10, s7, s16, $0xb8;
	[tilespmem:$0xE000] =	vst v63  }
0xac: {  	_ =	swait.ge [sflag:s11], $0x800  }
0xad: {  	[sflag:s11] =	ssyncset.done $0x0  }
0xae: {  	s7 =	sadd.s32 $0x700, s6;
	[sflag:s11] =	ssyncadd.s32 $0xFFFFF800  }
0xaf: {  	[tilespmem:s29], [sflag:$0x7] =	stream.indirect.gather [spmem:s2], $0x10, s7, s16, $0xb8;
	[tilespmem:$0xE000] =	vst v63  }
0xb0: {  	_ =	swait.ge [sflag:s28], $0x800  }
0xb1: {  	[sflag:s28] =	ssyncset.done $0x0  }
.Ltmp0:
0xb2: {  	s7 =	sadd.s32 $0x2B80, s6;
	[sflag:s28] =	ssyncadd.s32 $0xFFFFF800;
	(pc) =	sbr.rel @p0 .LBB2_2-.Ltmp0, $4  }
0xb3: {  	[spmem:s3] =	stream.indirect.scatter.add.f32 [tilespmem:s31], [sflag:$0x9], $0x10, s7, s16, $0xb8;
	[tilespmem:$0xE000] =	vst v63  }
0xb4: {  	_ =	swait.ge [sflag:s11], $0x800  }
0xb5: {  	[sflag:s11] =	ssyncset.done $0x0  }
0xb6: {  	s6 =	sadd.s32 $0x780, s6;
	[sflag:s11] =	ssyncadd.s32 $0xFFFFF800  }
0xb7: {  	[tilespmem:s31], [sflag:$0x8] =	stream.indirect.gather [spmem:s2], $0x10, s6, s16, $0xb8;
	[tilespmem:$0xE000] =	vst v63  }
0xb8: {  	_ =	swait.ge [sflag:s1], $0x800  }
0xb9: {  	[sflag:s1] =	ssyncset.done $0x0  }
0xba: {  	s5 =	simm.s32 $0x4C00;
	[sflag:s1] =	ssyncadd.s32 $0xFFFFF800  }
0xbb: {  	[spmem:s3] =	stream.indirect.scatter.add.f32 [tilespmem:s17], [sflag:$0x9], $0x10, s5, s16, $0xb8;
	[tilespmem:$0xE000] =	vst v63  }
0xbc: {  	_ =	swait.ge [sflag:s11], $0x800  }
0xbd: {  	[sflag:s11] =	ssyncset.done $0x0  }
0xbe: {  	[sflag:s11] =	ssyncadd.s32 $0xFFFFF800  }
0xbf: {  	_ =	swait.ge [sflag:s0], $0x800  }
0xc0: {  	[sflag:s0] =	ssyncset.done $0x0  }
0xc1: {  	s7 =	simm.s32 $0x4C80;
	[sflag:s0] =	ssyncadd.s32 $0xFFFFF800  }
0xc2: {  	[spmem:s3] =	stream.indirect.scatter.add.f32 [tilespmem:s18], [sflag:$0x9], $0x10, s7, s16, $0xb8;
	[tilespmem:$0xE000] =	vst v63  }
0xc3: {  	_ =	swait.ge [sflag:s11], $0x800  }
0xc4: {  	[sflag:s11] =	ssyncset.done $0x0  }
0xc5: {  	[sflag:s11] =	ssyncadd.s32 $0xFFFFF800  }
0xc6: {  	_ =	swait.ge [sflag:s12], $0x800  }
0xc7: {  	[sflag:s12] =	ssyncset.done $0x0  }
0xc8: {  	s6 =	simm.s32 $0x4D00;
	[sflag:s12] =	ssyncadd.s32 $0xFFFFF800  }
0xc9: {  	[spmem:s3] =	stream.indirect.scatter.add.f32 [tilespmem:s20], [sflag:$0x9], $0x10, s6, s16, $0xb8;
	[tilespmem:$0xE000] =	vst v63  }
0xca: {  	_ =	swait.ge [sflag:s11], $0x800  }
0xcb: {  	[sflag:s11] =	ssyncset.done $0x0  }
0xcc: {  	[sflag:s11] =	ssyncadd.s32 $0xFFFFF800  }
0xcd: {  	_ =	swait.ge [sflag:s19], $0x800  }
0xce: {  	[sflag:s19] =	ssyncset.done $0x0  }
0xcf: {  	s7 =	simm.s32 $0x4D80;
	[sflag:s19] =	ssyncadd.s32 $0xFFFFF800  }
0xd0: {  	[spmem:s3] =	stream.indirect.scatter.add.f32 [tilespmem:s22], [sflag:$0x9], $0x10, s7, s16, $0xb8;
	[tilespmem:$0xE000] =	vst v63  }
0xd1: {  	_ =	swait.ge [sflag:s11], $0x800  }
0xd2: {  	[sflag:s11] =	ssyncset.done $0x0  }
0xd3: {  	[sflag:s11] =	ssyncadd.s32 $0xFFFFF800  }
0xd4: {  	_ =	swait.ge [sflag:s21], $0x800  }
0xd5: {  	[sflag:s21] =	ssyncset.done $0x0  }
0xd6: {  	s6 =	simm.s32 $0x4E00;
	[sflag:s21] =	ssyncadd.s32 $0xFFFFF800  }
0xd7: {  	[spmem:s3] =	stream.indirect.scatter.add.f32 [tilespmem:s24], [sflag:$0x9], $0x10, s6, s16, $0xb8;
	[tilespmem:$0xE000] =	vst v63  }
0xd8: {  	_ =	swait.ge [sflag:s11], $0x800  }
0xd9: {  	[sflag:s11] =	ssyncset.done $0x0  }
0xda: {  	[sflag:s11] =	ssyncadd.s32 $0xFFFFF800  }
0xdb: {  	_ =	swait.ge [sflag:s23], $0x800  }
0xdc: {  	[sflag:s23] =	ssyncset.done $0x0  }
0xdd: {  	s7 =	simm.s32 $0x4E80;
	[sflag:s23] =	ssyncadd.s32 $0xFFFFF800  }
0xde: {  	[spmem:s3] =	stream.indirect.scatter.add.f32 [tilespmem:s26], [sflag:$0x9], $0x10, s7, s16, $0xb8;
	[tilespmem:$0xE000] =	vst v63  }
0xdf: {  	_ =	swait.ge [sflag:s11], $0x800  }
0xe0: {  	[sflag:s11] =	ssyncset.done $0x0  }
0xe1: {  	[sflag:s11] =	ssyncadd.s32 $0xFFFFF800  }
0xe2: {  	_ =	swait.ge [sflag:s25], $0x800  }
0xe3: {  	[sflag:s25] =	ssyncset.done $0x0  }
0xe4: {  	s6 =	simm.s32 $0x4F00;
	[sflag:s25] =	ssyncadd.s32 $0xFFFFF800  }
0xe5: {  	[spmem:s3] =	stream.indirect.scatter.add.f32 [tilespmem:s29], [sflag:$0x9], $0x10, s6, s16, $0xb8;
	[tilespmem:$0xE000] =	vst v63  }
0xe6: {  	_ =	swait.ge [sflag:s11], $0x800  }
0xe7: {  	[sflag:s11] =	ssyncset.done $0x0  }
0xe8: {  	[sflag:s11] =	ssyncadd.s32 $0xFFFFF800  }
0xe9: {  	_ =	swait.ge [sflag:s28], $0x800  }
0xea: {  	[sflag:s28] =	ssyncset.done $0x0  }
0xeb: {  	s7 =	simm.s32 $0x4F80;
	[sflag:s28] =	ssyncadd.s32 $0xFFFFF800  }
0xec: {  	[spmem:s3] =	stream.indirect.scatter.add.f32 [tilespmem:s31], [sflag:$0x9], $0x10, s7, s16, $0xb8;
	[tilespmem:$0xE000] =	vst v63  }
0xed: {  	_ =	swait.ge [sflag:s11], $0x800  }
0xee: {  	s30 =	sadd.s32 $0x1, s30;
	[sflag:s11] =	ssyncset.done $0x0  }
0xef: {  	p0 =	sne.s32 s30, s10;
	[sflag:s11] =	ssyncadd.s32 $0xFFFFF800  }
.Ltmp1:
0xf0: {  	[bflag:$0x0] =	sbarrier.arrive $0xFFFF;
	(pc) =	sbr.rel @p0 .LBB2_1-.Ltmp1, $4  }
0xf1: {  	[hbm:s9], [sflag:s13] =	dma.local [spmem:s15], $0x500  }
0xf2: {  	_ =	swait.ge [sflag:s11], $0x500  }
0xf3: {  	[sflag:s11] =	ssyncset.done $0x0  }
0xf4: {  	[sflag:s11] =	ssyncadd.s32 $0xFFFFFB00  }
0xf5: {  	_ =	sfence.sel $0x180000  }
0xf6: {  	[bflag:$0x0] =	sbarrier.arrive $0xFFFF  }
0xf7: {  	_ =	strace $0x9000004A  }
0xf8: {  	s0 =	stileid.u32;
	[bflag:$0x2] =	sbarrier.arrive $0xFFFF  }
0xf9: {  	p0 =	sne.s32 s0, $0x0;
	s0 =	rddreg [dreg:$0x4]  }
0xfa: {  	s0 =	sadd.s32 @!p0 $0x100000, s0  }
0xfb: {  	[sflag:s0] =	ssyncadd.tile.s32 @!p0 $0x1;
	_ =	shalt  }
.Lfunc_end2:
_tile_overlayer_lowered:
.L_overlay_start_2:
0xfc: {  	(tag) =	ssettag $0x2  }
0xfd: {  	s0 =	rddreg [dreg:$0x0];
	s2 =	stileid.u32  }
0xfe: {  	s1 =	rddreg [dreg:$0x1];
	p0 =	sne.s32 s2, $0x0  }
0xff: {  	s3 =	rddreg [dreg:$0x2];
	[bflag:$0x3] =	sbarrier.arrive $0xFFFF;
	s2 =	simm.s32 @!p0 $0x1C09  }
0x100: {  	[timem:s3], [sflag:s2] =	dma.local @!p0 [hbm:s0], s1  }
0x101: {  	s0 =	simm.s32 @!p0 $0x9  }
0x102: {  	_ =	swait.ge @!p0 [sflag:s0], s1  }
0x103: {  	s1 =	ssub.s32 @!p0 $0x0, s1;
	[sflag:s0] =	ssyncset.done @!p0 $0x0  }
0x104: {  	[sflag:s0] =	ssyncadd.s32 @!p0 s1  }
0x105: {  	[bflag:$0x3] =	sbarrier.arrive $0xFFFF  }
0x106: {  	_ =	shalt  }

// kernel: kernel.17.cloned.1.call-start
scs
__scs_entry_jumppad:
0x0: {  	(pc) =	sbr.rel $0x88, $3  }
0x1: {  	(tag) =	ssettag $0x0;
	lr =	simm.s32 $0x1  }
0x2: {  	[smem:$0x3F8F] =	sst lr;
	_ =	strace $0xD0000000  }
0x3: {  	_ = 	snop  }
0x4: {  	_ = 	snop  }
0x5: {  	_ = 	snop  }
0x6: {  	_ = 	snop  }
0x7: {  	_ = 	snop  }
__scs_overlays_trampoline_lowered:
0x8: {  	[smem:$0x3F9E] =	sst s0  }
0x9: {  	[smem:$0x3F9F] =	sst s1  }
0xa: {  	[smem:$0x3FA0] =	sst s2  }
0xb: {  	[smem:$0x3FA1] =	sst s3  }
0xc: {  	[smem:$0x3FA2] =	sst s4  }
0xd: {  	[smem:$0x3FA3] =	sst s5  }
0xe: {  	[smem:$0x3FA4] =	sst s6  }
0xf: {  	[smem:$0x3FA5] =	sst s7  }
0x10: {  	[smem:$0x3FA6] =	sst s8  }
0x11: {  	[smem:$0x3FA7] =	sst s9;
	s0 =	simm.s32 @!p0 $0x0  }
0x12: {  	s1 =	sld [smem:$0x3F8D];
	s0 =	simm.s32 @p0 $0x1  }
0x13: {  	[smem:$0x3FA8] =	sst s0;
	s0 =	simm.s32 @!p1 $0x0  }
0x14: {  	s2 =	sld [smem:$0x3F8C];
	s0 =	simm.s32 @p1 $0x1  }
0x15: {  	[smem:$0x3FA9] =	sst s0;
	s0 =	simm.s32 @!p2 $0x0  }
0x16: {  	s3 =	sld [smem:$0x3FDB];
	s0 =	simm.s32 @p2 $0x1  }
0x17: {  	s4 =	simm.s32 $0x1BF5;
	[smem:$0x3FAB] =	sst s0  }
0x18: {  	s0 =	sld [smem:$0x3F8E];
	_ =	swait.ge [sflag:s4], $0x0  }
0x19: {  	s7 =	sld [smem:$0x3F8F]  }
0x1a: {  	s8 =	sadd.s32 $0xFFFFE003, lr  }
0x1b: {  	s9 =	sadd.s32 $0xFFFFFEF7, lr;
	s5 =	simm.s32 $0xFFFFFFFF;
	p2 =	slt.u32 s8, $0xFFFFF086  }
0x1c: {  	p1 =	slt.u32 s9, $0xF7A;
	s5 =	simm.s32 @!p2 $0x0  }
0x1d: {  	s5 =	simm.s32 @p1 $0x1;
	p0 =	seq.s32 s7, s2  }
0x1e: {  	s7 =	smul.u32 @!p0 $0xF7A, s2;
	p2 =	seq.s32 @!p0 s5, $0x0  }
0x1f: {  	s9 =	smul.u32 $0xF7A, s1;
	s8 =	simm.s32 @!p0 $0x1BF5;
	p2 =	por !p2, p0  }
0x20: {  	[sflag:s8] =	ssyncset.s32 @!p0 $0xFFFFF086;
	s6 =	sadd.s32 @!p0 s3, s7;
	s7 =	simm.s32 @!p0 $0x108  }
0x21: {  	s3 =	sadd.s32 s3, s9;
	s6 =	sadd.s32 @!p0 $0x88, s6;
	s7 =	simm.s32 @p2 $0x1082  }
0x22: {  	[simem:s7], [sflag:s8] =	dma.local @!p0 [hbm:s6], $0xF7A  }
0x23: {  	s9 =	sor.u32 $0xD0000000, s2;
	s6 =	simm.s32 $0x108;
	_ =	swait.ge @!p0 [sflag:s8], $0x0  }
0x24: {  	s3 =	sadd.s32 $0x88, s3;
	s6 =	simm.s32 @!p1 $0x1082;
	[sflag:s4] =	ssyncset.s32 $0xFFFFF086  }
0x25: {  	[simem:s6], [sflag:s4] =	dma.local [hbm:s3], $0xF7A  }
0x26: {  	[smem:$0x3F8F] =	sst s1;
	(tag) =	ssettag s2;
	_ =	strace s9  }
0x27: {  	s1 =	sld [smem:$0x3F9F]  }
0x28: {  	s2 =	sld [smem:$0x3FA0]  }
0x29: {  	s4 =	sld [smem:$0x3FA2]  }
0x2a: {  	p0 =	seq.s32 s5, $0x0;
	s5 =	sld [smem:$0x3FA3]  }
0x2b: {  	s6 =	sld [smem:$0x3FA4]  }
0x2c: {  	s7 =	sld [smem:$0x3FA5]  }
0x2d: {  	s3 =	simm.s32 $0x108;
	s8 =	sld [smem:$0x3FA6]  }
0x2e: {  	s3 =	simm.s32 @!p0 $0x1082;
	s9 =	sld [smem:$0x3FA7]  }
0x2f: {  	lr =	sadd.s32 s0, s3;
	s0 =	sld [smem:$0x3F9E]  }
0x30: {  	s3 =	sld [smem:$0x3FA1]  }
0x31: {  	[smem:$0x3FAA] =	sst s10  }
0x32: {  	s10 =	sld [smem:$0x3FA8];
	_ =	sdelay $0x3  }
0x33: {  	p0 =	seq.s32 s10, $0x1;
	s10 =	sld [smem:$0x3FAA];
	_ =	sdelay $0x3  }
0x34: {  	[smem:$0x3FAA] =	sst s10  }
0x35: {  	s10 =	sld [smem:$0x3FA9];
	_ =	sdelay $0x3  }
0x36: {  	p1 =	seq.s32 s10, $0x1;
	s10 =	sld [smem:$0x3FAA];
	_ =	sdelay $0x3  }
0x37: {  	[smem:$0x3FAA] =	sst s10  }
0x38: {  	s10 =	sld [smem:$0x3FAB]  }
0x39: {  	_ = 	snop;
	(pc) =	sbr.ind lr, $3  }
0x3a: {  	_ = 	snop  }
0x3b: {  	_ = 	snop  }
0x3c: {  	p2 =	seq.s32 s10, $0x1;
	s10 =	sld [smem:$0x3FAA]  }
0x3d: {  	_ =	shalt  }
0x3e: {  	_ =	shalt  }
0x3f: {  	_ =	shalt  }
0x40: {  	_ =	shalt  }
0x41: {  	_ =	shalt  }
0x42: {  	_ =	shalt  }
0x43: {  	_ =	shalt  }
0x44: {  	_ =	shalt  }
0x45: {  	_ =	shalt  }
0x46: {  	_ =	shalt  }
0x47: {  	_ =	shalt  }
0x48: {  	_ =	shalt  }
0x49: {  	_ =	shalt  }
0x4a: {  	_ =	shalt  }
0x4b: {  	_ =	shalt  }
0x4c: {  	_ =	shalt  }
0x4d: {  	_ =	shalt  }
0x4e: {  	_ =	shalt  }
0x4f: {  	_ =	shalt  }
0x50: {  	_ =	shalt  }
0x51: {  	_ =	shalt  }
0x52: {  	_ =	shalt  }
0x53: {  	_ =	shalt  }
0x54: {  	_ =	shalt  }
0x55: {  	_ =	shalt  }
0x56: {  	_ =	shalt  }
0x57: {  	_ =	shalt  }
0x58: {  	_ =	shalt  }
0x59: {  	_ =	shalt  }
0x5a: {  	_ =	shalt  }
0x5b: {  	_ =	shalt  }
0x5c: {  	_ =	shalt  }
0x5d: {  	_ =	shalt  }
0x5e: {  	_ =	shalt  }
0x5f: {  	_ =	shalt  }
0x60: {  	_ =	shalt  }
0x61: {  	_ =	shalt  }
0x62: {  	_ =	shalt  }
0x63: {  	_ =	shalt  }
0x64: {  	_ =	shalt  }
0x65: {  	_ =	shalt  }
0x66: {  	_ =	shalt  }
0x67: {  	_ =	shalt  }
0x68: {  	_ =	shalt  }
0x69: {  	_ =	shalt  }
0x6a: {  	_ =	shalt  }
0x6b: {  	_ =	shalt  }
0x6c: {  	_ =	shalt  }
0x6d: {  	_ =	shalt  }
0x6e: {  	_ =	shalt  }
0x6f: {  	_ =	shalt  }
0x70: {  	_ =	shalt  }
0x71: {  	_ =	shalt  }
0x72: {  	_ =	shalt  }
0x73: {  	_ =	shalt  }
0x74: {  	_ =	shalt  }
0x75: {  	_ =	shalt  }
0x76: {  	_ =	shalt  }
0x77: {  	_ =	shalt  }
0x78: {  	_ =	shalt  }
0x79: {  	_ =	shalt  }
0x7a: {  	_ =	shalt  }
0x7b: {  	_ =	shalt  }
0x7c: {  	_ =	shalt  }
0x7d: {  	_ =	shalt  }
0x7e: {  	_ =	shalt  }
0x7f: {  	_ =	shalt  }
0x80: {  	_ =	shalt  }
0x81: {  	_ =	shalt  }
0x82: {  	_ =	shalt  }
0x83: {  	_ =	shalt  }
0x84: {  	_ =	shalt  }
0x85: {  	_ =	shalt  }
0x86: {  	_ =	shalt  }
0x87: {  	_ =	shalt  }
.Lfunc_end0:
.L_simem_size_0:
called_computation.2_lowered:
.L_overlay_start_0:
0x88: {  	s2 =	sld [smem:$0x3FD9]  }
0x89: {  	s3 =	sld [smem:$0x3FFE];
	_ =	sdelay $0x1  }
0x8a: {  	s1 =	srdreg.scid  }
0x8b: {  	s0 =	sand.u32 $0x1, s1  }
0x8c: {  	s17 =	sshll.u32 s0, $0xA;
	s2 =	sadd.s32 s3, s2  }
0x8d: {  	s2 =	sadd.s32 s2, s17  }
0x8e: {  	[smem:$0x3FB6] =	sst s2  }
0x8f: {  	_ = 	snop  }
0x90: {  	s2 =	sld [smem:$0x3FD0];
	(tm) =	ssettm $0x1  }
0x91: {  	s18 =	sld [smem:$0x3FFB];
	_ =	sdelay $0x3  }
0x92: {  	_ =	strace s18  }
0x93: {  	s3 =	sld [smem:$0x3FFC];
	_ =	sdelay $0x3  }
0x94: {  	_ =	strace s3  }
0x95: {  	s3 =	sld [smem:$0x3FFD];
	_ =	sdelay $0x3  }
0x96: {  	_ =	strace s3  }
0x97: {  	_ =	strace $0x8FFFFFFF  }
0x98: {  	s19 =	sld [smem:$0x3FDB];
	_ =	sdelay $0x1  }
0x99: {  	s4 =	simm.s32 $_scs_section_size  }
0x9a: {  	s5 =	simm.s32 $_size__tile_overlayer_lowered;
	s6 =	simm.s32 $_tile_overlayer_lowered  }
0x9b: {  	s22 =	simm.s32 $0x1BFF;
	s21 =	sshll.u32 s6, $0x1;
	s3 =	sadd.s32 s4, s19  }
0x9c: {  	s7 =	simm.s32 $0x0;
	s20 =	sshll.u32 s5, $0x1;
	s5 =	sadd.s32 s21, s3  }
0x9d: {  	[timem:s7], [sflag:s22] =	dma.local [hbm:s5], s20  }
0x9e: {  	_ =	swait.ge [sflag:s22], s20  }
0x9f: {  	s4 =	ssub.s32 $0x0, s20;
	[sflag:s22] =	ssyncset.done $0x0  }
0xa0: {  	[sflag:s22] =	ssyncadd.s32 s4;
	_ =	sdelay $0x1  }
0xa1: {  	s23 =	simm.s32 $0x1B8B  }
0xa2: {  	_ =	swait.ge [sflag:s23], $0x1  }
0xa3: {  	[sflag:s23] =	ssyncset.done $0x0  }
0xa4: {  	s25 =	simm.s32 $0x1B8E;
	s24 =	sld [smem:$0x3FFE];
	[sflag:s23] =	ssyncadd.s32 $0xFFFFFFFF  }
0xa5: {  	s26 =	simm.s32 $execute0_lowered;
	[smem:$0x3FD2] =	sst s25  }
0xa6: {  	s5 =	sshll.u32 s26, $0x1;
	_ =	strace $0x8000004C;
	[dreg:$0x1] =	wrdreg $0xFFFFFFFF  }
0xa7: {  	s28 =	simm.s32 $_size_execute0_lowered;
	s3 =	sadd.s32 s3, s5;
	[dreg:$0x0] =	wrdreg $0x0  }
0xa8: {  	s5 =	sshll.u32 s28, $0x1;
	[dreg:$0x2] =	wrdreg s3  }
0xa9: {  	[dreg:$0x3] =	wrdreg s5  }
0xaa: {  	[dreg:$0x4] =	wrdreg $0xC0  }
0xab: {  	_ =	task [dreg:s7], $0x5FFFF  }
0xac: {  	[dreg:$0x1] =	wrdreg $0xFFFFFFFF  }
0xad: {  	[dreg:$0x0] =	wrdreg $0x60  }
0xae: {  	[dreg:$0x2] =	wrdreg s24  }
0xaf: {  	[dreg:$0x3] =	wrdreg s2  }
0xb0: {  	[dreg:$0x4] =	wrdreg $0x90000  }
0xb1: {  	[dreg:$0x5] =	wrdreg $0xB8000  }
0xb2: {  	[dreg:$0x6] =	wrdreg $0x9  }
0xb3: {  	_ =	task.clear_ibuf [dreg:s7], $0x7FFFF;
	_ =	strace $0x9000004C  }
0xb4: {  	s29 =	simm.s32 $0x9;
	_ =	strace $0x8000004E  }
0xb5: {  	_ =	swait.ge [sflag:s29], $0x1  }
0xb6: {  	[sflag:s29] =	ssyncadd.s32 $0xFFFFFFFF  }
0xb7: {  	_ =	strace $0x9000004E  }
0xb8: {  	_ =	sfence  }
0xb9: {  	s30 =	sld [smem:$0x0];
	_ =	sdelay $0x2  }
0xba: {  	s31 =	sshll.u32 s1, $0xD;
	s1 =	sshrl.u32 s1, $0x2  }
0xbb: {  	s3 =	sand.u32 $0x4000, s31;
	s1 =	sadd.s32 s1, s30  }
0xbc: {  	s0 =	sor.u32 s3, s0;
	s1 =	sshll.u32 s1, $0x11  }
0xbd: {  	s0 =	sor.u32 s1, s0  }
0xbe: {  	s0 =	sadd.s32 $0x8F2B, s0  }
0xbf: {  	[sflag:s0] =	ssyncadd.remote.s32 $0x1  }
0xc0: {  	_ =	sfence.sel $0xFFFF  }
0xc1: {  	[dreg:$0x0] =	wrdreg $0xFFFFFFFF;
	(pc) =	sbr.abs _section_cstart, $3  }
0xc2: {  	[dreg:$0x1] =	wrdreg $0xFFFFFFFF  }
0xc3: {  	_ =	task.clear_ibuf [dreg:s7], $0x2FFFF;
	_ =	strace $0x9FFFFFFF  }
0xc4: {  	(tm) =	ssettm $0x7FFFFFFF  }
0xc5: {  	_ =	shalt  }
tec
execute0_lowered:
.L_overlay_start_1:
0x0: {  	(tag) =	ssettag $0x1  }
0x1: {  	s0 =	rddreg [dreg:$0x0]  }
0x2: {  	s5 =	rddreg [dreg:$0x1]  }
0x3: {  	s1 =	srdreg.scid;
	s2 =	rddreg [dreg:$0x2]  }
0x4: {  	s13 =	stileid.u32;
	s3 =	rddreg [dreg:$0x3];
	s11 =	simm.s32 $0x9  }
0x5: {  	s16 =	simm.s32 $0x80;
	s17 =	simm.s32 $0x5000;
	s18 =	simm.s32 $0x5800  }
0x6: {  	s20 =	simm.s32 $0x6000;
	s22 =	simm.s32 $0x6800;
	s29 =	simm.s32 $0x8000  }
0x7: {  	s31 =	simm.s32 $0x8800;
	s19 =	simm.s32 $0x4;
	s21 =	simm.s32 $0x5  }
0x8: {  	s28 =	simm.s32 $0x8;
	s30 =	simm.s32 $0x0;
	s1 =	sand.u32 $0x1, s1  }
0x9: {  	s8 =	smul.u32 $0x2800, s13;
	s26 =	sshll.u32 s13, $0x6;
	s4 =	sshll.u32 s1, $0x4  }
0xa: {  	s7 =	ssub.s32 $0x2, s1;
	s1 =	smul.u32 $0x28000, s1;
	s6 =	sor.u32 s13, s4  }
0xb: {  	s4 =	simm.s32 $0x0;
	s9 =	sshrl.u32 s8, $0x3;
	s10 =	sshrl.u32 s7, $0x1  }
0xc: {  	s24 =	sadd.s32 s8, s2;
	s12 =	sadd.s32 s8, s3;
	s13 =	sor.u32 $0x1C09, s26  }
0xd: {  	s26 =	simm.s32 $0x7800;
	s6 =	smul.u32 $0x2800, s6;
	[smem:$0x7FF] =	sst s4  }
0xe: {  	s10 =	ssub.s32 s7, s10;
	s1 =	sadd.s32 s8, s1;
	s14 =	sshrl.u32 s24, $0x3  }
0xf: {  	s15 =	sshrl.u32 s12, $0x3;
	s24 =	simm.s32 $0x7000;
	s12 =	simm.s32 $0x3  }
0x10: {  	_ =	strace $0x8000004D;
	s1 =	sshrl.u32 s1, $0x3;
	s6 =	sshrl.u32 s6, $0x3  }
0x11: {  	s10 =	smax.u32 s10, $0x1;
	s6 =	sadd.s32 s6, s0;
	s0 =	sadd.s32 s9, s0  }
0x12: {  	s9 =	sadd.s32 s5, s1;
	s1 =	simm.s32 $0x1;
	s23 =	sadd.s32 $0x5000, s6  }
0x13: {  	s6 =	sadd.s32 $0xF000, s6;
	s25 =	sadd.s32 $0x1E200, s0;
	[dreg:$0x5] =	wrdreg s23  }
0x14: {  	s8 =	sadd.s32 $0x19200, s0;
	s0 =	simm.s32 $0x2;
	[dreg:$0x6] =	wrdreg s6  }
0x15: {  	[dreg:$0x7] =	wrdreg s25;
	s23 =	simm.s32 $0x6;
	s25 =	simm.s32 $0x7  }
.LBB2_1:
0x16: {  	s5 =	rddreg [dreg:$0x5]  }
0x17: {  	[tilespmem:s4], [sflag:$0x9] =	stream.linear.gather [hbm4b:s5+s4], $0x2800, $0x38;
	[tilespmem:$0xE000] =	vst v63  }
0x18: {  	_ =	swait.ge [sflag:s11], $0x2800  }
0x19: {  	[sflag:s11] =	ssyncset.done $0x0  }
0x1a: {  	s6 =	simm.s32 $0x2800;
	s7 =	rddreg [dreg:$0x6];
	[sflag:s11] =	ssyncadd.s32 $0xFFFFD800  }
0x1b: {  	[tilespmem:s6], [sflag:$0x9] =	stream.linear.gather [hbm4b:s7+s4], $0x2800, $0x38;
	[tilespmem:$0xE000] =	vst v63  }
0x1c: {  	_ =	swait.ge [sflag:s11], $0x2800  }
0x1d: {  	[sflag:s11] =	ssyncset.done $0x0  }
0x1e: {  	s6 =	rddreg [dreg:$0x7];
	[sflag:s11] =	ssyncadd.s32 $0xFFFFD800  }
0x1f: {  	[spmem:s14], [sflag:s13] =	dma.local [hbm:s6], $0x500  }
0x20: {  	_ =	swait.ge [sflag:s11], $0x500  }
0x21: {  	[sflag:s11] =	ssyncset.done $0x0  }
0x22: {  	[sflag:s11] =	ssyncadd.s32 $0xFFFFFB00  }
0x23: {  	[spmem:s15], [sflag:s13] =	dma.local [hbm:s8], $0x500  }
0x24: {  	_ =	swait.ge [sflag:s11], $0x500  }
0x25: {  	[sflag:s11] =	ssyncset.done $0x0  }
0x26: {  	[sflag:s11] =	ssyncadd.s32 $0xFFFFFB00  }
0x27: {  	[bflag:$0x0] =	sbarrier.arrive $0xFFFF  }
0x28: {  	[tilespmem:s17], [sflag:$0x1] =	stream.indirect.gather [spmem:s2], $0x10, s4, s16, $0xb8;
	[tilespmem:$0xE000] =	vst v63  }
0x29: {  	_ = 	snop  }
0x2a: {  	[tilespmem:s18], [sflag:$0x2] =	stream.indirect.gather [spmem:s2], $0x10, s16, s16, $0xb8;
	[tilespmem:$0xE000] =	vst v63  }
0x2b: {  	s7 =	simm.s32 $0x100  }
0x2c: {  	[tilespmem:s20], [sflag:$0x3] =	stream.indirect.gather [spmem:s2], $0x10, s7, s16, $0xb8;
	[tilespmem:$0xE000] =	vst v63  }
0x2d: {  	s6 =	simm.s32 $0x180  }
0x2e: {  	[tilespmem:s22], [sflag:$0x4] =	stream.indirect.gather [spmem:s2], $0x10, s6, s16, $0xb8;
	[tilespmem:$0xE000] =	vst v63  }
0x2f: {  	s7 =	simm.s32 $0x200  }
0x30: {  	[tilespmem:s24], [sflag:$0x5] =	stream.indirect.gather [spmem:s2], $0x10, s7, s16, $0xb8;
	[tilespmem:$0xE000] =	vst v63  }
0x31: {  	s6 =	simm.s32 $0x280  }
0x32: {  	[tilespmem:s26], [sflag:$0x6] =	stream.indirect.gather [spmem:s2], $0x10, s6, s16, $0xb8;
	[tilespmem:$0xE000] =	vst v63  }
0x33: {  	s7 =	simm.s32 $0x300  }
0x34: {  	[tilespmem:s29], [sflag:$0x7] =	stream.indirect.gather [spmem:s2], $0x10, s7, s16, $0xb8;
	[tilespmem:$0xE000] =	vst v63  }
0x35: {  	s6 =	simm.s32 $0x380  }
0x36: {  	[tilespmem:s31], [sflag:$0x8] =	stream.indirect.gather [spmem:s2], $0x10, s6, s16, $0xb8;
	[tilespmem:$0xE000] =	vst v63  }
0x37: {  	_ =	swait.ge [sflag:s1], $0x800  }
0x38: {  	[sflag:s1] =	ssyncset.done $0x0  }
0x39: {  	s7 =	simm.s32 $0x2800;
	[sflag:s1] =	ssyncadd.s32 $0xFFFFF800  }
0x3a: {  	[spmem:s3] =	stream.indirect.scatter.add.f32 [tilespmem:s17], [sflag:$0x9], $0x10, s7, s16, $0xb8;
	[tilespmem:$0xE000] =	vst v63  }
0x3b: {  	_ =	swait.ge [sflag:s11], $0x800  }
0x3c: {  	[sflag:s11] =	ssyncset.done $0x0  }
0x3d: {  	s6 =	simm.s32 $0x400;
	[sflag:s11] =	ssyncadd.s32 $0xFFFFF800  }
0x3e: {  	[tilespmem:s17], [sflag:$0x1] =	stream.indirect.gather [spmem:s2], $0x10, s6, s16, $0xb8;
	[tilespmem:$0xE000] =	vst v63  }
0x3f: {  	_ =	swait.ge [sflag:s0], $0x800  }
0x40: {  	[sflag:s0] =	ssyncset.done $0x0  }
0x41: {  	s7 =	simm.s32 $0x2880;
	[sflag:s0] =	ssyncadd.s32 $0xFFFFF800  }
0x42: {  	[spmem:s3] =	stream.indirect.scatter.add.f32 [tilespmem:s18], [sflag:$0x9], $0x10, s7, s16, $0xb8;
	[tilespmem:$0xE000] =	vst v63  }
0x43: {  	_ =	swait.ge [sflag:s11], $0x800  }
0x44: {  	[sflag:s11] =	ssyncset.done $0x0  }
0x45: {  	s6 =	simm.s32 $0x480;
	[sflag:s11] =	ssyncadd.s32 $0xFFFFF800  }
0x46: {  	[tilespmem:s18], [sflag:$0x2] =	stream.indirect.gather [spmem:s2], $0x10, s6, s16, $0xb8;
	[tilespmem:$0xE000] =	vst v63  }
0x47: {  	_ =	swait.ge [sflag:s12], $0x800  }
0x48: {  	[sflag:s12] =	ssyncset.done $0x0  }
0x49: {  	s7 =	simm.s32 $0x2900;
	[sflag:s12] =	ssyncadd.s32 $0xFFFFF800  }
0x4a: {  	[spmem:s3] =	stream.indirect.scatter.add.f32 [tilespmem:s20], [sflag:$0x9], $0x10, s7, s16, $0xb8;
	[tilespmem:$0xE000] =	vst v63  }
0x4b: {  	_ =	swait.ge [sflag:s11], $0x800  }
0x4c: {  	[sflag:s11] =	ssyncset.done $0x0  }
0x4d: {  	s6 =	simm.s32 $0x500;
	[sflag:s11] =	ssyncadd.s32 $0xFFFFF800  }
0x4e: {  	[tilespmem:s20], [sflag:$0x3] =	stream.indirect.gather [spmem:s2], $0x10, s6, s16, $0xb8;
	[tilespmem:$0xE000] =	vst v63  }
0x4f: {  	_ =	swait.ge [sflag:s19], $0x800  }
0x50: {  	[sflag:s19] =	ssyncset.done $0x0  }
0x51: {  	s7 =	simm.s32 $0x2980;
	[sflag:s19] =	ssyncadd.s32 $0xFFFFF800  }
0x52: {  	[spmem:s3] =	stream.indirect.scatter.add.f32 [tilespmem:s22], [sflag:$0x9], $0x10, s7, s16, $0xb8;
	[tilespmem:$0xE000] =	vst v63  }
0x53: {  	_ =	swait.ge [sflag:s11], $0x800  }
0x54: {  	[sflag:s11] =	ssyncset.done $0x0  }
0x55: {  	s6 =	simm.s32 $0x580;
	[sflag:s11] =	ssyncadd.s32 $0xFFFFF800  }
0x56: {  	[tilespmem:s22], [sflag:$0x4] =	stream.indirect.gather [spmem:s2], $0x10, s6, s16, $0xb8;
	[tilespmem:$0xE000] =	vst v63  }
0x57: {  	_ =	swait.ge [sflag:s21], $0x800  }
0x58: {  	[sflag:s21] =	ssyncset.done $0x0  }
0x59: {  	s7 =	simm.s32 $0x2A00;
	[sflag:s21] =	ssyncadd.s32 $0xFFFFF800  }
0x5a: {  	[spmem:s3] =	stream.indirect.scatter.add.f32 [tilespmem:s24], [sflag:$0x9], $0x10, s7, s16, $0xb8;
	[tilespmem:$0xE000] =	vst v63  }
0x5b: {  	_ =	swait.ge [sflag:s11], $0x800  }
0x5c: {  	[sflag:s11] =	ssyncset.done $0x0  }
0x5d: {  	s6 =	simm.s32 $0x600;
	[sflag:s11] =	ssyncadd.s32 $0xFFFFF800  }
0x5e: {  	[tilespmem:s24], [sflag:$0x5] =	stream.indirect.gather [spmem:s2], $0x10, s6, s16, $0xb8;
	[tilespmem:$0xE000] =	vst v63  }
0x5f: {  	_ =	swait.ge [sflag:s23], $0x800  }
0x60: {  	[sflag:s23] =	ssyncset.done $0x0  }
0x61: {  	s7 =	simm.s32 $0x2A80;
	[sflag:s23] =	ssyncadd.s32 $0xFFFFF800  }
0x62: {  	[spmem:s3] =	stream.indirect.scatter.add.f32 [tilespmem:s26], [sflag:$0x9], $0x10, s7, s16, $0xb8;
	[tilespmem:$0xE000] =	vst v63  }
0x63: {  	_ =	swait.ge [sflag:s11], $0x800  }
0x64: {  	[sflag:s11] =	ssyncset.done $0x0  }
0x65: {  	s6 =	simm.s32 $0x680;
	[sflag:s11] =	ssyncadd.s32 $0xFFFFF800  }
0x66: {  	[tilespmem:s26], [sflag:$0x6] =	stream.indirect.gather [spmem:s2], $0x10, s6, s16, $0xb8;
	[tilespmem:$0xE000] =	vst v63  }
0x67: {  	_ =	swait.ge [sflag:s25], $0x800  }
0x68: {  	[sflag:s25] =	ssyncset.done $0x0  }
0x69: {  	s7 =	simm.s32 $0x2B00;
	[sflag:s25] =	ssyncadd.s32 $0xFFFFF800  }
0x6a: {  	[spmem:s3] =	stream.indirect.scatter.add.f32 [tilespmem:s29], [sflag:$0x9], $0x10, s7, s16, $0xb8;
	[tilespmem:$0xE000] =	vst v63  }
0x6b: {  	_ =	swait.ge [sflag:s11], $0x800  }
0x6c: {  	[sflag:s11] =	ssyncset.done $0x0  }
0x6d: {  	s6 =	simm.s32 $0x700;
	[sflag:s11] =	ssyncadd.s32 $0xFFFFF800  }
0x6e: {  	[tilespmem:s29], [sflag:$0x7] =	stream.indirect.gather [spmem:s2], $0x10, s6, s16, $0xb8;
	[tilespmem:$0xE000] =	vst v63  }
0x6f: {  	_ =	swait.ge [sflag:s28], $0x800  }
0x70: {  	[sflag:s28] =	ssyncset.done $0x0  }
0x71: {  	s7 =	simm.s32 $0x2B80;
	[sflag:s28] =	ssyncadd.s32 $0xFFFFF800  }
0x72: {  	[spmem:s3] =	stream.indirect.scatter.add.f32 [tilespmem:s31], [sflag:$0x9], $0x10, s7, s16, $0xb8;
	[tilespmem:$0xE000] =	vst v63  }
0x73: {  	_ =	swait.ge [sflag:s11], $0x800  }
0x74: {  	[sflag:s11] =	ssyncset.done $0x0  }
0x75: {  	s5 =	simm.s32 $0x1000;
	s6 =	simm.s32 $0x780;
	[sflag:s11] =	ssyncadd.s32 $0xFFFFF800  }
.LBB2_2:
0x76: {  	[tilespmem:s31], [sflag:$0x8] =	stream.indirect.gather [spmem:s2], $0x10, s6, s16, $0xb8;
	[tilespmem:$0xE000] =	vst v63  }
0x77: {  	s6 =	smov.u32 s5  }
0x78: {  	p0 =	sne.s32 s5, $0x8000;
	s5 =	sadd.s32 $0x1000, s5;
	_ =	swait.ge [sflag:s1], $0x800  }
0x79: {  	s6 =	sshra.s32 s6, $0x2;
	[sflag:s1] =	ssyncset.done $0x0  }
0x7a: {  	s7 =	sadd.s32 $0x2800, s6;
	[sflag:s1] =	ssyncadd.s32 $0xFFFFF800  }
0x7b: {  	[spmem:s3] =	stream.indirect.scatter.add.f32 [tilespmem:s17], [sflag:$0x9], $0x10, s7, s16, $0xb8;
	[tilespmem:$0xE000] =	vst v63  }
0x7c: {  	_ =	swait.ge [sflag:s11], $0x800  }
0x7d: {  	[sflag:s11] =	ssyncset.done $0x0  }
0x7e: {  	s7 =	sadd.s32 $0x400, s6;
	[sflag:s11] =	ssyncadd.s32 $0xFFFFF800  }
0x7f: {  	[tilespmem:s17], [sflag:$0x1] =	stream.indirect.gather [spmem:s2], $0x10, s7, s16, $0xb8;
	[tilespmem:$0xE000] =	vst v63  }
0x80: {  	_ =	swait.ge [sflag:s0], $0x800  }
0x81: {  	[sflag:s0] =	ssyncset.done $0x0  }
0x82: {  	s7 =	sadd.s32 $0x2880, s6;
	[sflag:s0] =	ssyncadd.s32 $0xFFFFF800  }
0x83: {  	[spmem:s3] =	stream.indirect.scatter.add.f32 [tilespmem:s18], [sflag:$0x9], $0x10, s7, s16, $0xb8;
	[tilespmem:$0xE000] =	vst v63  }
0x84: {  	_ =	swait.ge [sflag:s11], $0x800  }
0x85: {  	[sflag:s11] =	ssyncset.done $0x0  }
0x86: {  	s7 =	sadd.s32 $0x480, s6;
	[sflag:s11] =	ssyncadd.s32 $0xFFFFF800  }
0x87: {  	[tilespmem:s18], [sflag:$0x2] =	stream.indirect.gather [spmem:s2], $0x10, s7, s16, $0xb8;
	[tilespmem:$0xE000] =	vst v63  }
0x88: {  	_ =	swait.ge [sflag:s12], $0x800  }
0x89: {  	[sflag:s12] =	ssyncset.done $0x0  }
0x8a: {  	s7 =	sadd.s32 $0x2900, s6;
	[sflag:s12] =	ssyncadd.s32 $0xFFFFF800  }
0x8b: {  	[spmem:s3] =	stream.indirect.scatter.add.f32 [tilespmem:s20], [sflag:$0x9], $0x10, s7, s16, $0xb8;
	[tilespmem:$0xE000] =	vst v63  }
0x8c: {  	_ =	swait.ge [sflag:s11], $0x800  }
0x8d: {  	[sflag:s11] =	ssyncset.done $0x0  }
0x8e: {  	s7 =	sadd.s32 $0x500, s6;
	[sflag:s11] =	ssyncadd.s32 $0xFFFFF800  }
0x8f: {  	[tilespmem:s20], [sflag:$0x3] =	stream.indirect.gather [spmem:s2], $0x10, s7, s16, $0xb8;
	[tilespmem:$0xE000] =	vst v63  }
0x90: {  	_ =	swait.ge [sflag:s19], $0x800  }
0x91: {  	[sflag:s19] =	ssyncset.done $0x0  }
0x92: {  	s7 =	sadd.s32 $0x2980, s6;
	[sflag:s19] =	ssyncadd.s32 $0xFFFFF800  }
0x93: {  	[spmem:s3] =	stream.indirect.scatter.add.f32 [tilespmem:s22], [sflag:$0x9], $0x10, s7, s16, $0xb8;
	[tilespmem:$0xE000] =	vst v63  }
0x94: {  	_ =	swait.ge [sflag:s11], $0x800  }
0x95: {  	[sflag:s11] =	ssyncset.done $0x0  }
0x96: {  	s7 =	sadd.s32 $0x580, s6;
	[sflag:s11] =	ssyncadd.s32 $0xFFFFF800  }
0x97: {  	[tilespmem:s22], [sflag:$0x4] =	stream.indirect.gather [spmem:s2], $0x10, s7, s16, $0xb8;
	[tilespmem:$0xE000] =	vst v63  }
0x98: {  	_ =	swait.ge [sflag:s21], $0x800  }
0x99: {  	[sflag:s21] =	ssyncset.done $0x0  }
0x9a: {  	s7 =	sadd.s32 $0x2A00, s6;
	[sflag:s21] =	ssyncadd.s32 $0xFFFFF800  }
0x9b: {  	[spmem:s3] =	stream.indirect.scatter.add.f32 [tilespmem:s24], [sflag:$0x9], $0x10, s7, s16, $0xb8;
	[tilespmem:$0xE000] =	vst v63  }
0x9c: {  	_ =	swait.ge [sflag:s11], $0x800  }
0x9d: {  	[sflag:s11] =	ssyncset.done $0x0  }
0x9e: {  	s7 =	sadd.s32 $0x600, s6;
	[sflag:s11] =	ssyncadd.s32 $0xFFFFF800  }
0x9f: {  	[tilespmem:s24], [sflag:$0x5] =	stream.indirect.gather [spmem:s2], $0x10, s7, s16, $0xb8;
	[tilespmem:$0xE000] =	vst v63  }
0xa0: {  	_ =	swait.ge [sflag:s23], $0x800  }
0xa1: {  	[sflag:s23] =	ssyncset.done $0x0  }
0xa2: {  	s7 =	sadd.s32 $0x2A80, s6;
	[sflag:s23] =	ssyncadd.s32 $0xFFFFF800  }
0xa3: {  	[spmem:s3] =	stream.indirect.scatter.add.f32 [tilespmem:s26], [sflag:$0x9], $0x10, s7, s16, $0xb8;
	[tilespmem:$0xE000] =	vst v63  }
0xa4: {  	_ =	swait.ge [sflag:s11], $0x800  }
0xa5: {  	[sflag:s11] =	ssyncset.done $0x0  }
0xa6: {  	s7 =	sadd.s32 $0x680, s6;
	[sflag:s11] =	ssyncadd.s32 $0xFFFFF800  }
0xa7: {  	[tilespmem:s26], [sflag:$0x6] =	stream.indirect.gather [spmem:s2], $0x10, s7, s16, $0xb8;
	[tilespmem:$0xE000] =	vst v63  }
0xa8: {  	_ =	swait.ge [sflag:s25], $0x800  }
0xa9: {  	[sflag:s25] =	ssyncset.done $0x0  }
0xaa: {  	s7 =	sadd.s32 $0x2B00, s6;
	[sflag:s25] =	ssyncadd.s32 $0xFFFFF800  }
0xab: {  	[spmem:s3] =	stream.indirect.scatter.add.f32 [tilespmem:s29], [sflag:$0x9], $0x10, s7, s16, $0xb8;
	[tilespmem:$0xE000] =	vst v63  }
0xac: {  	_ =	swait.ge [sflag:s11], $0x800  }
0xad: {  	[sflag:s11] =	ssyncset.done $0x0  }
0xae: {  	s7 =	sadd.s32 $0x700, s6;
	[sflag:s11] =	ssyncadd.s32 $0xFFFFF800  }
0xaf: {  	[tilespmem:s29], [sflag:$0x7] =	stream.indirect.gather [spmem:s2], $0x10, s7, s16, $0xb8;
	[tilespmem:$0xE000] =	vst v63  }
0xb0: {  	_ =	swait.ge [sflag:s28], $0x800  }
0xb1: {  	[sflag:s28] =	ssyncset.done $0x0  }
.Ltmp0:
0xb2: {  	s7 =	sadd.s32 $0x2B80, s6;
	[sflag:s28] =	ssyncadd.s32 $0xFFFFF800;
	(pc) =	sbr.rel @p0 .LBB2_2-.Ltmp0, $4  }
0xb3: {  	[spmem:s3] =	stream.indirect.scatter.add.f32 [tilespmem:s31], [sflag:$0x9], $0x10, s7, s16, $0xb8;
	[tilespmem:$0xE000] =	vst v63  }
0xb4: {  	_ =	swait.ge [sflag:s11], $0x800  }
0xb5: {  	[sflag:s11] =	ssyncset.done $0x0  }
0xb6: {  	s6 =	sadd.s32 $0x780, s6;
	[sflag:s11] =	ssyncadd.s32 $0xFFFFF800  }
0xb7: {  	[tilespmem:s31], [sflag:$0x8] =	stream.indirect.gather [spmem:s2], $0x10, s6, s16, $0xb8;
	[tilespmem:$0xE000] =	vst v63  }
0xb8: {  	_ =	swait.ge [sflag:s1], $0x800  }
0xb9: {  	[sflag:s1] =	ssyncset.done $0x0  }
0xba: {  	s5 =	simm.s32 $0x4C00;
	[sflag:s1] =	ssyncadd.s32 $0xFFFFF800  }
0xbb: {  	[spmem:s3] =	stream.indirect.scatter.add.f32 [tilespmem:s17], [sflag:$0x9], $0x10, s5, s16, $0xb8;
	[tilespmem:$0xE000] =	vst v63  }
0xbc: {  	_ =	swait.ge [sflag:s11], $0x800  }
0xbd: {  	[sflag:s11] =	ssyncset.done $0x0  }
0xbe: {  	[sflag:s11] =	ssyncadd.s32 $0xFFFFF800  }
0xbf: {  	_ =	swait.ge [sflag:s0], $0x800  }
0xc0: {  	[sflag:s0] =	ssyncset.done $0x0  }
0xc1: {  	s7 =	simm.s32 $0x4C80;
	[sflag:s0] =	ssyncadd.s32 $0xFFFFF800  }
0xc2: {  	[spmem:s3] =	stream.indirect.scatter.add.f32 [tilespmem:s18], [sflag:$0x9], $0x10, s7, s16, $0xb8;
	[tilespmem:$0xE000] =	vst v63  }
0xc3: {  	_ =	swait.ge [sflag:s11], $0x800  }
0xc4: {  	[sflag:s11] =	ssyncset.done $0x0  }
0xc5: {  	[sflag:s11] =	ssyncadd.s32 $0xFFFFF800  }
0xc6: {  	_ =	swait.ge [sflag:s12], $0x800  }
0xc7: {  	[sflag:s12] =	ssyncset.done $0x0  }
0xc8: {  	s6 =	simm.s32 $0x4D00;
	[sflag:s12] =	ssyncadd.s32 $0xFFFFF800  }
0xc9: {  	[spmem:s3] =	stream.indirect.scatter.add.f32 [tilespmem:s20], [sflag:$0x9], $0x10, s6, s16, $0xb8;
	[tilespmem:$0xE000] =	vst v63  }
0xca: {  	_ =	swait.ge [sflag:s11], $0x800  }
0xcb: {  	[sflag:s11] =	ssyncset.done $0x0  }
0xcc: {  	[sflag:s11] =	ssyncadd.s32 $0xFFFFF800  }
0xcd: {  	_ =	swait.ge [sflag:s19], $0x800  }
0xce: {  	[sflag:s19] =	ssyncset.done $0x0  }
0xcf: {  	s7 =	simm.s32 $0x4D80;
	[sflag:s19] =	ssyncadd.s32 $0xFFFFF800  }
0xd0: {  	[spmem:s3] =	stream.indirect.scatter.add.f32 [tilespmem:s22], [sflag:$0x9], $0x10, s7, s16, $0xb8;
	[tilespmem:$0xE000] =	vst v63  }
0xd1: {  	_ =	swait.ge [sflag:s11], $0x800  }
0xd2: {  	[sflag:s11] =	ssyncset.done $0x0  }
0xd3: {  	[sflag:s11] =	ssyncadd.s32 $0xFFFFF800  }
0xd4: {  	_ =	swait.ge [sflag:s21], $0x800  }
0xd5: {  	[sflag:s21] =	ssyncset.done $0x0  }
0xd6: {  	s6 =	simm.s32 $0x4E00;
	[sflag:s21] =	ssyncadd.s32 $0xFFFFF800  }
0xd7: {  	[spmem:s3] =	stream.indirect.scatter.add.f32 [tilespmem:s24], [sflag:$0x9], $0x10, s6, s16, $0xb8;
	[tilespmem:$0xE000] =	vst v63  }
0xd8: {  	_ =	swait.ge [sflag:s11], $0x800  }
0xd9: {  	[sflag:s11] =	ssyncset.done $0x0  }
0xda: {  	[sflag:s11] =	ssyncadd.s32 $0xFFFFF800  }
0xdb: {  	_ =	swait.ge [sflag:s23], $0x800  }
0xdc: {  	[sflag:s23] =	ssyncset.done $0x0  }
0xdd: {  	s7 =	simm.s32 $0x4E80;
	[sflag:s23] =	ssyncadd.s32 $0xFFFFF800  }
0xde: {  	[spmem:s3] =	stream.indirect.scatter.add.f32 [tilespmem:s26], [sflag:$0x9], $0x10, s7, s16, $0xb8;
	[tilespmem:$0xE000] =	vst v63  }
0xdf: {  	_ =	swait.ge [sflag:s11], $0x800  }
0xe0: {  	[sflag:s11] =	ssyncset.done $0x0  }
0xe1: {  	[sflag:s11] =	ssyncadd.s32 $0xFFFFF800  }
0xe2: {  	_ =	swait.ge [sflag:s25], $0x800  }
0xe3: {  	[sflag:s25] =	ssyncset.done $0x0  }
0xe4: {  	s6 =	simm.s32 $0x4F00;
	[sflag:s25] =	ssyncadd.s32 $0xFFFFF800  }
0xe5: {  	[spmem:s3] =	stream.indirect.scatter.add.f32 [tilespmem:s29], [sflag:$0x9], $0x10, s6, s16, $0xb8;
	[tilespmem:$0xE000] =	vst v63  }
0xe6: {  	_ =	swait.ge [sflag:s11], $0x800  }
0xe7: {  	[sflag:s11] =	ssyncset.done $0x0  }
0xe8: {  	[sflag:s11] =	ssyncadd.s32 $0xFFFFF800  }
0xe9: {  	_ =	swait.ge [sflag:s28], $0x800  }
0xea: {  	[sflag:s28] =	ssyncset.done $0x0  }
0xeb: {  	s7 =	simm.s32 $0x4F80;
	[sflag:s28] =	ssyncadd.s32 $0xFFFFF800  }
0xec: {  	[spmem:s3] =	stream.indirect.scatter.add.f32 [tilespmem:s31], [sflag:$0x9], $0x10, s7, s16, $0xb8;
	[tilespmem:$0xE000] =	vst v63  }
0xed: {  	_ =	swait.ge [sflag:s11], $0x800  }
0xee: {  	s30 =	sadd.s32 $0x1, s30;
	[sflag:s11] =	ssyncset.done $0x0  }
0xef: {  	p0 =	sne.s32 s30, s10;
	[sflag:s11] =	ssyncadd.s32 $0xFFFFF800  }
.Ltmp1:
0xf0: {  	[bflag:$0x0] =	sbarrier.arrive $0xFFFF;
	(pc) =	sbr.rel @p0 .LBB2_1-.Ltmp1, $4  }
0xf1: {  	[hbm:s9], [sflag:s13] =	dma.local [spmem:s15], $0x500  }
0xf2: {  	_ =	swait.ge [sflag:s11], $0x500  }
0xf3: {  	[sflag:s11] =	ssyncset.done $0x0  }
0xf4: {  	[sflag:s11] =	ssyncadd.s32 $0xFFFFFB00  }
0xf5: {  	_ =	sfence.sel $0x180000  }
0xf6: {  	[bflag:$0x0] =	sbarrier.arrive $0xFFFF  }
0xf7: {  	_ =	strace $0x9000004D  }
0xf8: {  	s0 =	stileid.u32;
	[bflag:$0x2] =	sbarrier.arrive $0xFFFF  }
0xf9: {  	p0 =	sne.s32 s0, $0x0;
	s0 =	rddreg [dreg:$0x4]  }
0xfa: {  	s0 =	sadd.s32 @!p0 $0x100000, s0  }
0xfb: {  	[sflag:s0] =	ssyncadd.tile.s32 @!p0 $0x1;
	_ =	shalt  }
.Lfunc_end2:
_tile_overlayer_lowered:
.L_overlay_start_2:
0xfc: {  	(tag) =	ssettag $0x2  }
0xfd: {  	s0 =	rddreg [dreg:$0x0];
	s2 =	stileid.u32  }
0xfe: {  	s1 =	rddreg [dreg:$0x1];
	p0 =	sne.s32 s2, $0x0  }
0xff: {  	s3 =	rddreg [dreg:$0x2];
	[bflag:$0x3] =	sbarrier.arrive $0xFFFF;
	s2 =	simm.s32 @!p0 $0x1C09  }
0x100: {  	[timem:s3], [sflag:s2] =	dma.local @!p0 [hbm:s0], s1  }
0x101: {  	s0 =	simm.s32 @!p0 $0x9  }
0x102: {  	_ =	swait.ge @!p0 [sflag:s0], s1  }
0x103: {  	s1 =	ssub.s32 @!p0 $0x0, s1;
	[sflag:s0] =	ssyncset.done @!p0 $0x0  }
0x104: {  	[sflag:s0] =	ssyncadd.s32 @!p0 s1  }
0x105: {  	[bflag:$0x3] =	sbarrier.arrive $0xFFFF  }
0x106: {  	_ =	shalt  }

// kernel: kernel.20.cloned.1.call-start
scs
__scs_entry_jumppad:
0x0: {  	(pc) =	sbr.rel $0x88, $3  }
0x1: {  	(tag) =	ssettag $0x0;
	lr =	simm.s32 $0x1  }
0x2: {  	[smem:$0x3F8F] =	sst lr;
	_ =	strace $0xD0000000  }
0x3: {  	_ = 	snop  }
0x4: {  	_ = 	snop  }
0x5: {  	_ = 	snop  }
0x6: {  	_ = 	snop  }
0x7: {  	_ = 	snop  }
__scs_overlays_trampoline_lowered:
0x8: {  	[smem:$0x3F9E] =	sst s0  }
0x9: {  	[smem:$0x3F9F] =	sst s1  }
0xa: {  	[smem:$0x3FA0] =	sst s2  }
0xb: {  	[smem:$0x3FA1] =	sst s3  }
0xc: {  	[smem:$0x3FA2] =	sst s4  }
0xd: {  	[smem:$0x3FA3] =	sst s5  }
0xe: {  	[smem:$0x3FA4] =	sst s6  }
0xf: {  	[smem:$0x3FA5] =	sst s7  }
0x10: {  	[smem:$0x3FA6] =	sst s8  }
0x11: {  	[smem:$0x3FA7] =	sst s9;
	s0 =	simm.s32 @!p0 $0x0  }
0x12: {  	s1 =	sld [smem:$0x3F8D];
	s0 =	simm.s32 @p0 $0x1  }
0x13: {  	[smem:$0x3FA8] =	sst s0;
	s0 =	simm.s32 @!p1 $0x0  }
0x14: {  	s2 =	sld [smem:$0x3F8C];
	s0 =	simm.s32 @p1 $0x1  }
0x15: {  	[smem:$0x3FA9] =	sst s0;
	s0 =	simm.s32 @!p2 $0x0  }
0x16: {  	s3 =	sld [smem:$0x3FDB];
	s0 =	simm.s32 @p2 $0x1  }
0x17: {  	s4 =	simm.s32 $0x1BF5;
	[smem:$0x3FAB] =	sst s0  }
0x18: {  	s0 =	sld [smem:$0x3F8E];
	_ =	swait.ge [sflag:s4], $0x0  }
0x19: {  	s7 =	sld [smem:$0x3F8F]  }
0x1a: {  	s8 =	sadd.s32 $0xFFFFE003, lr  }
0x1b: {  	s9 =	sadd.s32 $0xFFFFFEF7, lr;
	s5 =	simm.s32 $0xFFFFFFFF;
	p2 =	slt.u32 s8, $0xFFFFF086  }
0x1c: {  	p1 =	slt.u32 s9, $0xF7A;
	s5 =	simm.s32 @!p2 $0x0  }
0x1d: {  	s5 =	simm.s32 @p1 $0x1;
	p0 =	seq.s32 s7, s2  }
0x1e: {  	s7 =	smul.u32 @!p0 $0xF7A, s2;
	p2 =	seq.s32 @!p0 s5, $0x0  }
0x1f: {  	s9 =	smul.u32 $0xF7A, s1;
	s8 =	simm.s32 @!p0 $0x1BF5;
	p2 =	por !p2, p0  }
0x20: {  	[sflag:s8] =	ssyncset.s32 @!p0 $0xFFFFF086;
	s6 =	sadd.s32 @!p0 s3, s7;
	s7 =	simm.s32 @!p0 $0x108  }
0x21: {  	s3 =	sadd.s32 s3, s9;
	s6 =	sadd.s32 @!p0 $0x88, s6;
	s7 =	simm.s32 @p2 $0x1082  }
0x22: {  	[simem:s7], [sflag:s8] =	dma.local @!p0 [hbm:s6], $0xF7A  }
0x23: {  	s9 =	sor.u32 $0xD0000000, s2;
	s6 =	simm.s32 $0x108;
	_ =	swait.ge @!p0 [sflag:s8], $0x0  }
0x24: {  	s3 =	sadd.s32 $0x88, s3;
	s6 =	simm.s32 @!p1 $0x1082;
	[sflag:s4] =	ssyncset.s32 $0xFFFFF086  }
0x25: {  	[simem:s6], [sflag:s4] =	dma.local [hbm:s3], $0xF7A  }
0x26: {  	[smem:$0x3F8F] =	sst s1;
	(tag) =	ssettag s2;
	_ =	strace s9  }
0x27: {  	s1 =	sld [smem:$0x3F9F]  }
0x28: {  	s2 =	sld [smem:$0x3FA0]  }
0x29: {  	s4 =	sld [smem:$0x3FA2]  }
0x2a: {  	p0 =	seq.s32 s5, $0x0;
	s5 =	sld [smem:$0x3FA3]  }
0x2b: {  	s6 =	sld [smem:$0x3FA4]  }
0x2c: {  	s7 =	sld [smem:$0x3FA5]  }
0x2d: {  	s3 =	simm.s32 $0x108;
	s8 =	sld [smem:$0x3FA6]  }
0x2e: {  	s3 =	simm.s32 @!p0 $0x1082;
	s9 =	sld [smem:$0x3FA7]  }
0x2f: {  	lr =	sadd.s32 s0, s3;
	s0 =	sld [smem:$0x3F9E]  }
0x30: {  	s3 =	sld [smem:$0x3FA1]  }
0x31: {  	[smem:$0x3FAA] =	sst s10  }
0x32: {  	s10 =	sld [smem:$0x3FA8];
	_ =	sdelay $0x3  }
0x33: {  	p0 =	seq.s32 s10, $0x1;
	s10 =	sld [smem:$0x3FAA];
	_ =	sdelay $0x3  }
0x34: {  	[smem:$0x3FAA] =	sst s10  }
0x35: {  	s10 =	sld [smem:$0x3FA9];
	_ =	sdelay $0x3  }
0x36: {  	p1 =	seq.s32 s10, $0x1;
	s10 =	sld [smem:$0x3FAA];
	_ =	sdelay $0x3  }
0x37: {  	[smem:$0x3FAA] =	sst s10  }
0x38: {  	s10 =	sld [smem:$0x3FAB]  }
0x39: {  	_ = 	snop;
	(pc) =	sbr.ind lr, $3  }
0x3a: {  	_ = 	snop  }
0x3b: {  	_ = 	snop  }
0x3c: {  	p2 =	seq.s32 s10, $0x1;
	s10 =	sld [smem:$0x3FAA]  }
0x3d: {  	_ =	shalt  }
0x3e: {  	_ =	shalt  }
0x3f: {  	_ =	shalt  }
0x40: {  	_ =	shalt  }
0x41: {  	_ =	shalt  }
0x42: {  	_ =	shalt  }
0x43: {  	_ =	shalt  }
0x44: {  	_ =	shalt  }
0x45: {  	_ =	shalt  }
0x46: {  	_ =	shalt  }
0x47: {  	_ =	shalt  }
0x48: {  	_ =	shalt  }
0x49: {  	_ =	shalt  }
0x4a: {  	_ =	shalt  }
0x4b: {  	_ =	shalt  }
0x4c: {  	_ =	shalt  }
0x4d: {  	_ =	shalt  }
0x4e: {  	_ =	shalt  }
0x4f: {  	_ =	shalt  }
0x50: {  	_ =	shalt  }
0x51: {  	_ =	shalt  }
0x52: {  	_ =	shalt  }
0x53: {  	_ =	shalt  }
0x54: {  	_ =	shalt  }
0x55: {  	_ =	shalt  }
0x56: {  	_ =	shalt  }
0x57: {  	_ =	shalt  }
0x58: {  	_ =	shalt  }
0x59: {  	_ =	shalt  }
0x5a: {  	_ =	shalt  }
0x5b: {  	_ =	shalt  }
0x5c: {  	_ =	shalt  }
0x5d: {  	_ =	shalt  }
0x5e: {  	_ =	shalt  }
0x5f: {  	_ =	shalt  }
0x60: {  	_ =	shalt  }
0x61: {  	_ =	shalt  }
0x62: {  	_ =	shalt  }
0x63: {  	_ =	shalt  }
0x64: {  	_ =	shalt  }
0x65: {  	_ =	shalt  }
0x66: {  	_ =	shalt  }
0x67: {  	_ =	shalt  }
0x68: {  	_ =	shalt  }
0x69: {  	_ =	shalt  }
0x6a: {  	_ =	shalt  }
0x6b: {  	_ =	shalt  }
0x6c: {  	_ =	shalt  }
0x6d: {  	_ =	shalt  }
0x6e: {  	_ =	shalt  }
0x6f: {  	_ =	shalt  }
0x70: {  	_ =	shalt  }
0x71: {  	_ =	shalt  }
0x72: {  	_ =	shalt  }
0x73: {  	_ =	shalt  }
0x74: {  	_ =	shalt  }
0x75: {  	_ =	shalt  }
0x76: {  	_ =	shalt  }
0x77: {  	_ =	shalt  }
0x78: {  	_ =	shalt  }
0x79: {  	_ =	shalt  }
0x7a: {  	_ =	shalt  }
0x7b: {  	_ =	shalt  }
0x7c: {  	_ =	shalt  }
0x7d: {  	_ =	shalt  }
0x7e: {  	_ =	shalt  }
0x7f: {  	_ =	shalt  }
0x80: {  	_ =	shalt  }
0x81: {  	_ =	shalt  }
0x82: {  	_ =	shalt  }
0x83: {  	_ =	shalt  }
0x84: {  	_ =	shalt  }
0x85: {  	_ =	shalt  }
0x86: {  	_ =	shalt  }
0x87: {  	_ =	shalt  }
.Lfunc_end0:
.L_simem_size_0:
called_computation.3_lowered:
.L_overlay_start_0:
0x88: {  	s2 =	sld [smem:$0x3FD9]  }
0x89: {  	s3 =	sld [smem:$0x3FFE];
	_ =	sdelay $0x1  }
0x8a: {  	s1 =	srdreg.scid  }
0x8b: {  	s0 =	sand.u32 $0x1, s1  }
0x8c: {  	s17 =	sshll.u32 s0, $0xA;
	s2 =	sadd.s32 s3, s2  }
0x8d: {  	s2 =	sadd.s32 s2, s17  }
0x8e: {  	[smem:$0x3FB6] =	sst s2  }
0x8f: {  	_ = 	snop  }
0x90: {  	s2 =	sld [smem:$0x3FD0];
	(tm) =	ssettm $0x1  }
0x91: {  	s18 =	sld [smem:$0x3FFB];
	_ =	sdelay $0x3  }
0x92: {  	_ =	strace s18  }
0x93: {  	s3 =	sld [smem:$0x3FFC];
	_ =	sdelay $0x3  }
0x94: {  	_ =	strace s3  }
0x95: {  	s3 =	sld [smem:$0x3FFD];
	_ =	sdelay $0x3  }
0x96: {  	_ =	strace s3  }
0x97: {  	_ =	strace $0x8FFFFFFF  }
0x98: {  	s19 =	sld [smem:$0x3FDB];
	_ =	sdelay $0x1  }
0x99: {  	s4 =	simm.s32 $_scs_section_size  }
0x9a: {  	s5 =	simm.s32 $_size__tile_overlayer_lowered;
	s6 =	simm.s32 $_tile_overlayer_lowered  }
0x9b: {  	s22 =	simm.s32 $0x1BFF;
	s21 =	sshll.u32 s6, $0x1;
	s3 =	sadd.s32 s4, s19  }
0x9c: {  	s7 =	simm.s32 $0x0;
	s20 =	sshll.u32 s5, $0x1;
	s5 =	sadd.s32 s21, s3  }
0x9d: {  	[timem:s7], [sflag:s22] =	dma.local [hbm:s5], s20  }
0x9e: {  	_ =	swait.ge [sflag:s22], s20  }
0x9f: {  	s4 =	ssub.s32 $0x0, s20;
	[sflag:s22] =	ssyncset.done $0x0  }
0xa0: {  	[sflag:s22] =	ssyncadd.s32 s4;
	_ =	sdelay $0x1  }
0xa1: {  	s23 =	simm.s32 $0x1B8B  }
0xa2: {  	_ =	swait.ge [sflag:s23], $0x1  }
0xa3: {  	[sflag:s23] =	ssyncset.done $0x0  }
0xa4: {  	s25 =	simm.s32 $0x1B8E;
	s24 =	sld [smem:$0x3FFE];
	[sflag:s23] =	ssyncadd.s32 $0xFFFFFFFF  }
0xa5: {  	s26 =	simm.s32 $execute0_lowered;
	[smem:$0x3FD2] =	sst s25  }
0xa6: {  	s5 =	sshll.u32 s26, $0x1;
	_ =	strace $0x8000004F;
	[dreg:$0x1] =	wrdreg $0xFFFFFFFF  }
0xa7: {  	s28 =	simm.s32 $_size_execute0_lowered;
	s3 =	sadd.s32 s3, s5;
	[dreg:$0x0] =	wrdreg $0x0  }
0xa8: {  	s5 =	sshll.u32 s28, $0x1;
	[dreg:$0x2] =	wrdreg s3  }
0xa9: {  	[dreg:$0x3] =	wrdreg s5  }
0xaa: {  	[dreg:$0x4] =	wrdreg $0xC0  }
0xab: {  	_ =	task [dreg:s7], $0x5FFFF  }
0xac: {  	[dreg:$0x1] =	wrdreg $0xFFFFFFFF  }
0xad: {  	[dreg:$0x0] =	wrdreg $0x60  }
0xae: {  	[dreg:$0x2] =	wrdreg s24  }
0xaf: {  	[dreg:$0x3] =	wrdreg s2  }
0xb0: {  	[dreg:$0x4] =	wrdreg $0x90000  }
0xb1: {  	[dreg:$0x5] =	wrdreg $0xB8000  }
0xb2: {  	[dreg:$0x6] =	wrdreg $0x9  }
0xb3: {  	_ =	task.clear_ibuf [dreg:s7], $0x7FFFF;
	_ =	strace $0x9000004F  }
0xb4: {  	s29 =	simm.s32 $0x9;
	_ =	strace $0x80000051  }
0xb5: {  	_ =	swait.ge [sflag:s29], $0x1  }
0xb6: {  	[sflag:s29] =	ssyncadd.s32 $0xFFFFFFFF  }
0xb7: {  	_ =	strace $0x90000051  }
0xb8: {  	_ =	sfence  }
0xb9: {  	s30 =	sld [smem:$0x0];
	_ =	sdelay $0x2  }
0xba: {  	s31 =	sshll.u32 s1, $0xD;
	s1 =	sshrl.u32 s1, $0x2  }
0xbb: {  	s3 =	sand.u32 $0x4000, s31;
	s1 =	sadd.s32 s1, s30  }
0xbc: {  	s0 =	sor.u32 s3, s0;
	s1 =	sshll.u32 s1, $0x11  }
0xbd: {  	s0 =	sor.u32 s1, s0  }
0xbe: {  	s0 =	sadd.s32 $0x8F2B, s0  }
0xbf: {  	[sflag:s0] =	ssyncadd.remote.s32 $0x1  }
0xc0: {  	_ =	sfence.sel $0xFFFF  }
0xc1: {  	[dreg:$0x0] =	wrdreg $0xFFFFFFFF;
	(pc) =	sbr.abs _section_cstart, $3  }
0xc2: {  	[dreg:$0x1] =	wrdreg $0xFFFFFFFF  }
0xc3: {  	_ =	task.clear_ibuf [dreg:s7], $0x2FFFF;
	_ =	strace $0x9FFFFFFF  }
0xc4: {  	(tm) =	ssettm $0x7FFFFFFF  }
0xc5: {  	_ =	shalt  }
tec
execute0_lowered:
.L_overlay_start_1:
0x0: {  	(tag) =	ssettag $0x1  }
0x1: {  	s0 =	rddreg [dreg:$0x0]  }
0x2: {  	s5 =	rddreg [dreg:$0x1]  }
0x3: {  	s1 =	srdreg.scid;
	s2 =	rddreg [dreg:$0x2]  }
0x4: {  	s13 =	stileid.u32;
	s3 =	rddreg [dreg:$0x3];
	s11 =	simm.s32 $0x9  }
0x5: {  	s16 =	simm.s32 $0x80;
	s17 =	simm.s32 $0x5000;
	s18 =	simm.s32 $0x5800  }
0x6: {  	s20 =	simm.s32 $0x6000;
	s22 =	simm.s32 $0x6800;
	s29 =	simm.s32 $0x8000  }
0x7: {  	s31 =	simm.s32 $0x8800;
	s19 =	simm.s32 $0x4;
	s21 =	simm.s32 $0x5  }
0x8: {  	s28 =	simm.s32 $0x8;
	s30 =	simm.s32 $0x0;
	s1 =	sand.u32 $0x1, s1  }
0x9: {  	s8 =	smul.u32 $0x2800, s13;
	s26 =	sshll.u32 s13, $0x6;
	s4 =	sshll.u32 s1, $0x4  }
0xa: {  	s7 =	ssub.s32 $0x2, s1;
	s1 =	smul.u32 $0x28000, s1;
	s6 =	sor.u32 s13, s4  }
0xb: {  	s4 =	simm.s32 $0x0;
	s9 =	sshrl.u32 s8, $0x3;
	s10 =	sshrl.u32 s7, $0x1  }
0xc: {  	s24 =	sadd.s32 s8, s2;
	s12 =	sadd.s32 s8, s3;
	s13 =	sor.u32 $0x1C09, s26  }
0xd: {  	s26 =	simm.s32 $0x7800;
	s6 =	smul.u32 $0x2800, s6;
	[smem:$0x7FF] =	sst s4  }
0xe: {  	s10 =	ssub.s32 s7, s10;
	s1 =	sadd.s32 s8, s1;
	s14 =	sshrl.u32 s24, $0x3  }
0xf: {  	s15 =	sshrl.u32 s12, $0x3;
	s24 =	simm.s32 $0x7000;
	s12 =	simm.s32 $0x3  }
0x10: {  	_ =	strace $0x80000050;
	s1 =	sshrl.u32 s1, $0x3;
	s6 =	sshrl.u32 s6, $0x3  }
0x11: {  	s10 =	smax.u32 s10, $0x1;
	s6 =	sadd.s32 s6, s0;
	s0 =	sadd.s32 s9, s0  }
0x12: {  	s9 =	sadd.s32 s5, s1;
	s1 =	simm.s32 $0x1;
	s23 =	sadd.s32 $0x5000, s6  }
0x13: {  	s6 =	sadd.s32 $0xF000, s6;
	s25 =	sadd.s32 $0x1E200, s0;
	[dreg:$0x5] =	wrdreg s23  }
0x14: {  	s8 =	sadd.s32 $0x19200, s0;
	s0 =	simm.s32 $0x2;
	[dreg:$0x6] =	wrdreg s6  }
0x15: {  	[dreg:$0x7] =	wrdreg s25;
	s23 =	simm.s32 $0x6;
	s25 =	simm.s32 $0x7  }
.LBB2_1:
0x16: {  	s5 =	rddreg [dreg:$0x5]  }
0x17: {  	[tilespmem:s4], [sflag:$0x9] =	stream.linear.gather [hbm4b:s5+s4], $0x2800, $0x38;
	[tilespmem:$0xE000] =	vst v63  }
0x18: {  	_ =	swait.ge [sflag:s11], $0x2800  }
0x19: {  	[sflag:s11] =	ssyncset.done $0x0  }
0x1a: {  	s6 =	simm.s32 $0x2800;
	s7 =	rddreg [dreg:$0x6];
	[sflag:s11] =	ssyncadd.s32 $0xFFFFD800  }
0x1b: {  	[tilespmem:s6], [sflag:$0x9] =	stream.linear.gather [hbm4b:s7+s4], $0x2800, $0x38;
	[tilespmem:$0xE000] =	vst v63  }
0x1c: {  	_ =	swait.ge [sflag:s11], $0x2800  }
0x1d: {  	[sflag:s11] =	ssyncset.done $0x0  }
0x1e: {  	s6 =	rddreg [dreg:$0x7];
	[sflag:s11] =	ssyncadd.s32 $0xFFFFD800  }
0x1f: {  	[spmem:s14], [sflag:s13] =	dma.local [hbm:s6], $0x500  }
0x20: {  	_ =	swait.ge [sflag:s11], $0x500  }
0x21: {  	[sflag:s11] =	ssyncset.done $0x0  }
0x22: {  	[sflag:s11] =	ssyncadd.s32 $0xFFFFFB00  }
0x23: {  	[spmem:s15], [sflag:s13] =	dma.local [hbm:s8], $0x500  }
0x24: {  	_ =	swait.ge [sflag:s11], $0x500  }
0x25: {  	[sflag:s11] =	ssyncset.done $0x0  }
0x26: {  	[sflag:s11] =	ssyncadd.s32 $0xFFFFFB00  }
0x27: {  	[bflag:$0x0] =	sbarrier.arrive $0xFFFF  }
0x28: {  	[tilespmem:s17], [sflag:$0x1] =	stream.indirect.gather [spmem:s2], $0x10, s4, s16, $0xb8;
	[tilespmem:$0xE000] =	vst v63  }
0x29: {  	_ = 	snop  }
0x2a: {  	[tilespmem:s18], [sflag:$0x2] =	stream.indirect.gather [spmem:s2], $0x10, s16, s16, $0xb8;
	[tilespmem:$0xE000] =	vst v63  }
0x2b: {  	s7 =	simm.s32 $0x100  }
0x2c: {  	[tilespmem:s20], [sflag:$0x3] =	stream.indirect.gather [spmem:s2], $0x10, s7, s16, $0xb8;
	[tilespmem:$0xE000] =	vst v63  }
0x2d: {  	s6 =	simm.s32 $0x180  }
0x2e: {  	[tilespmem:s22], [sflag:$0x4] =	stream.indirect.gather [spmem:s2], $0x10, s6, s16, $0xb8;
	[tilespmem:$0xE000] =	vst v63  }
0x2f: {  	s7 =	simm.s32 $0x200  }
0x30: {  	[tilespmem:s24], [sflag:$0x5] =	stream.indirect.gather [spmem:s2], $0x10, s7, s16, $0xb8;
	[tilespmem:$0xE000] =	vst v63  }
0x31: {  	s6 =	simm.s32 $0x280  }
0x32: {  	[tilespmem:s26], [sflag:$0x6] =	stream.indirect.gather [spmem:s2], $0x10, s6, s16, $0xb8;
	[tilespmem:$0xE000] =	vst v63  }
0x33: {  	s7 =	simm.s32 $0x300  }
0x34: {  	[tilespmem:s29], [sflag:$0x7] =	stream.indirect.gather [spmem:s2], $0x10, s7, s16, $0xb8;
	[tilespmem:$0xE000] =	vst v63  }
0x35: {  	s6 =	simm.s32 $0x380  }
0x36: {  	[tilespmem:s31], [sflag:$0x8] =	stream.indirect.gather [spmem:s2], $0x10, s6, s16, $0xb8;
	[tilespmem:$0xE000] =	vst v63  }
0x37: {  	_ =	swait.ge [sflag:s1], $0x800  }
0x38: {  	[sflag:s1] =	ssyncset.done $0x0  }
0x39: {  	s7 =	simm.s32 $0x2800;
	[sflag:s1] =	ssyncadd.s32 $0xFFFFF800  }
0x3a: {  	[spmem:s3] =	stream.indirect.scatter.add.f32 [tilespmem:s17], [sflag:$0x9], $0x10, s7, s16, $0xb8;
	[tilespmem:$0xE000] =	vst v63  }
0x3b: {  	_ =	swait.ge [sflag:s11], $0x800  }
0x3c: {  	[sflag:s11] =	ssyncset.done $0x0  }
0x3d: {  	s6 =	simm.s32 $0x400;
	[sflag:s11] =	ssyncadd.s32 $0xFFFFF800  }
0x3e: {  	[tilespmem:s17], [sflag:$0x1] =	stream.indirect.gather [spmem:s2], $0x10, s6, s16, $0xb8;
	[tilespmem:$0xE000] =	vst v63  }
0x3f: {  	_ =	swait.ge [sflag:s0], $0x800  }
0x40: {  	[sflag:s0] =	ssyncset.done $0x0  }
0x41: {  	s7 =	simm.s32 $0x2880;
	[sflag:s0] =	ssyncadd.s32 $0xFFFFF800  }
0x42: {  	[spmem:s3] =	stream.indirect.scatter.add.f32 [tilespmem:s18], [sflag:$0x9], $0x10, s7, s16, $0xb8;
	[tilespmem:$0xE000] =	vst v63  }
0x43: {  	_ =	swait.ge [sflag:s11], $0x800  }
0x44: {  	[sflag:s11] =	ssyncset.done $0x0  }
0x45: {  	s6 =	simm.s32 $0x480;
	[sflag:s11] =	ssyncadd.s32 $0xFFFFF800  }
0x46: {  	[tilespmem:s18], [sflag:$0x2] =	stream.indirect.gather [spmem:s2], $0x10, s6, s16, $0xb8;
	[tilespmem:$0xE000] =	vst v63  }
0x47: {  	_ =	swait.ge [sflag:s12], $0x800  }
0x48: {  	[sflag:s12] =	ssyncset.done $0x0  }
0x49: {  	s7 =	simm.s32 $0x2900;
	[sflag:s12] =	ssyncadd.s32 $0xFFFFF800  }
0x4a: {  	[spmem:s3] =	stream.indirect.scatter.add.f32 [tilespmem:s20], [sflag:$0x9], $0x10, s7, s16, $0xb8;
	[tilespmem:$0xE000] =	vst v63  }
0x4b: {  	_ =	swait.ge [sflag:s11], $0x800  }
0x4c: {  	[sflag:s11] =	ssyncset.done $0x0  }
0x4d: {  	s6 =	simm.s32 $0x500;
	[sflag:s11] =	ssyncadd.s32 $0xFFFFF800  }
0x4e: {  	[tilespmem:s20], [sflag:$0x3] =	stream.indirect.gather [spmem:s2], $0x10, s6, s16, $0xb8;
	[tilespmem:$0xE000] =	vst v63  }
0x4f: {  	_ =	swait.ge [sflag:s19], $0x800  }
0x50: {  	[sflag:s19] =	ssyncset.done $0x0  }
0x51: {  	s7 =	simm.s32 $0x2980;
	[sflag:s19] =	ssyncadd.s32 $0xFFFFF800  }
0x52: {  	[spmem:s3] =	stream.indirect.scatter.add.f32 [tilespmem:s22], [sflag:$0x9], $0x10, s7, s16, $0xb8;
	[tilespmem:$0xE000] =	vst v63  }
0x53: {  	_ =	swait.ge [sflag:s11], $0x800  }
0x54: {  	[sflag:s11] =	ssyncset.done $0x0  }
0x55: {  	s6 =	simm.s32 $0x580;
	[sflag:s11] =	ssyncadd.s32 $0xFFFFF800  }
0x56: {  	[tilespmem:s22], [sflag:$0x4] =	stream.indirect.gather [spmem:s2], $0x10, s6, s16, $0xb8;
	[tilespmem:$0xE000] =	vst v63  }
0x57: {  	_ =	swait.ge [sflag:s21], $0x800  }
0x58: {  	[sflag:s21] =	ssyncset.done $0x0  }
0x59: {  	s7 =	simm.s32 $0x2A00;
	[sflag:s21] =	ssyncadd.s32 $0xFFFFF800  }
0x5a: {  	[spmem:s3] =	stream.indirect.scatter.add.f32 [tilespmem:s24], [sflag:$0x9], $0x10, s7, s16, $0xb8;
	[tilespmem:$0xE000] =	vst v63  }
0x5b: {  	_ =	swait.ge [sflag:s11], $0x800  }
0x5c: {  	[sflag:s11] =	ssyncset.done $0x0  }
0x5d: {  	s6 =	simm.s32 $0x600;
	[sflag:s11] =	ssyncadd.s32 $0xFFFFF800  }
0x5e: {  	[tilespmem:s24], [sflag:$0x5] =	stream.indirect.gather [spmem:s2], $0x10, s6, s16, $0xb8;
	[tilespmem:$0xE000] =	vst v63  }
0x5f: {  	_ =	swait.ge [sflag:s23], $0x800  }
0x60: {  	[sflag:s23] =	ssyncset.done $0x0  }
0x61: {  	s7 =	simm.s32 $0x2A80;
	[sflag:s23] =	ssyncadd.s32 $0xFFFFF800  }
0x62: {  	[spmem:s3] =	stream.indirect.scatter.add.f32 [tilespmem:s26], [sflag:$0x9], $0x10, s7, s16, $0xb8;
	[tilespmem:$0xE000] =	vst v63  }
0x63: {  	_ =	swait.ge [sflag:s11], $0x800  }
0x64: {  	[sflag:s11] =	ssyncset.done $0x0  }
0x65: {  	s6 =	simm.s32 $0x680;
	[sflag:s11] =	ssyncadd.s32 $0xFFFFF800  }
0x66: {  	[tilespmem:s26], [sflag:$0x6] =	stream.indirect.gather [spmem:s2], $0x10, s6, s16, $0xb8;
	[tilespmem:$0xE000] =	vst v63  }
0x67: {  	_ =	swait.ge [sflag:s25], $0x800  }
0x68: {  	[sflag:s25] =	ssyncset.done $0x0  }
0x69: {  	s7 =	simm.s32 $0x2B00;
	[sflag:s25] =	ssyncadd.s32 $0xFFFFF800  }
0x6a: {  	[spmem:s3] =	stream.indirect.scatter.add.f32 [tilespmem:s29], [sflag:$0x9], $0x10, s7, s16, $0xb8;
	[tilespmem:$0xE000] =	vst v63  }
0x6b: {  	_ =	swait.ge [sflag:s11], $0x800  }
0x6c: {  	[sflag:s11] =	ssyncset.done $0x0  }
0x6d: {  	s6 =	simm.s32 $0x700;
	[sflag:s11] =	ssyncadd.s32 $0xFFFFF800  }
0x6e: {  	[tilespmem:s29], [sflag:$0x7] =	stream.indirect.gather [spmem:s2], $0x10, s6, s16, $0xb8;
	[tilespmem:$0xE000] =	vst v63  }
0x6f: {  	_ =	swait.ge [sflag:s28], $0x800  }
0x70: {  	[sflag:s28] =	ssyncset.done $0x0  }
0x71: {  	s7 =	simm.s32 $0x2B80;
	[sflag:s28] =	ssyncadd.s32 $0xFFFFF800  }
0x72: {  	[spmem:s3] =	stream.indirect.scatter.add.f32 [tilespmem:s31], [sflag:$0x9], $0x10, s7, s16, $0xb8;
	[tilespmem:$0xE000] =	vst v63  }
0x73: {  	_ =	swait.ge [sflag:s11], $0x800  }
0x74: {  	[sflag:s11] =	ssyncset.done $0x0  }
0x75: {  	s5 =	simm.s32 $0x1000;
	s6 =	simm.s32 $0x780;
	[sflag:s11] =	ssyncadd.s32 $0xFFFFF800  }
.LBB2_2:
0x76: {  	[tilespmem:s31], [sflag:$0x8] =	stream.indirect.gather [spmem:s2], $0x10, s6, s16, $0xb8;
	[tilespmem:$0xE000] =	vst v63  }
0x77: {  	s6 =	smov.u32 s5  }
0x78: {  	p0 =	sne.s32 s5, $0x8000;
	s5 =	sadd.s32 $0x1000, s5;
	_ =	swait.ge [sflag:s1], $0x800  }
0x79: {  	s6 =	sshra.s32 s6, $0x2;
	[sflag:s1] =	ssyncset.done $0x0  }
0x7a: {  	s7 =	sadd.s32 $0x2800, s6;
	[sflag:s1] =	ssyncadd.s32 $0xFFFFF800  }
0x7b: {  	[spmem:s3] =	stream.indirect.scatter.add.f32 [tilespmem:s17], [sflag:$0x9], $0x10, s7, s16, $0xb8;
	[tilespmem:$0xE000] =	vst v63  }
0x7c: {  	_ =	swait.ge [sflag:s11], $0x800  }
0x7d: {  	[sflag:s11] =	ssyncset.done $0x0  }
0x7e: {  	s7 =	sadd.s32 $0x400, s6;
	[sflag:s11] =	ssyncadd.s32 $0xFFFFF800  }
0x7f: {  	[tilespmem:s17], [sflag:$0x1] =	stream.indirect.gather [spmem:s2], $0x10, s7, s16, $0xb8;
	[tilespmem:$0xE000] =	vst v63  }
0x80: {  	_ =	swait.ge [sflag:s0], $0x800  }
0x81: {  	[sflag:s0] =	ssyncset.done $0x0  }
0x82: {  	s7 =	sadd.s32 $0x2880, s6;
	[sflag:s0] =	ssyncadd.s32 $0xFFFFF800  }
0x83: {  	[spmem:s3] =	stream.indirect.scatter.add.f32 [tilespmem:s18], [sflag:$0x9], $0x10, s7, s16, $0xb8;
	[tilespmem:$0xE000] =	vst v63  }
0x84: {  	_ =	swait.ge [sflag:s11], $0x800  }
0x85: {  	[sflag:s11] =	ssyncset.done $0x0  }
0x86: {  	s7 =	sadd.s32 $0x480, s6;
	[sflag:s11] =	ssyncadd.s32 $0xFFFFF800  }
0x87: {  	[tilespmem:s18], [sflag:$0x2] =	stream.indirect.gather [spmem:s2], $0x10, s7, s16, $0xb8;
	[tilespmem:$0xE000] =	vst v63  }
0x88: {  	_ =	swait.ge [sflag:s12], $0x800  }
0x89: {  	[sflag:s12] =	ssyncset.done $0x0  }
0x8a: {  	s7 =	sadd.s32 $0x2900, s6;
	[sflag:s12] =	ssyncadd.s32 $0xFFFFF800  }
0x8b: {  	[spmem:s3] =	stream.indirect.scatter.add.f32 [tilespmem:s20], [sflag:$0x9], $0x10, s7, s16, $0xb8;
	[tilespmem:$0xE000] =	vst v63  }
0x8c: {  	_ =	swait.ge [sflag:s11], $0x800  }
0x8d: {  	[sflag:s11] =	ssyncset.done $0x0  }
0x8e: {  	s7 =	sadd.s32 $0x500, s6;
	[sflag:s11] =	ssyncadd.s32 $0xFFFFF800  }
0x8f: {  	[tilespmem:s20], [sflag:$0x3] =	stream.indirect.gather [spmem:s2], $0x10, s7, s16, $0xb8;
	[tilespmem:$0xE000] =	vst v63  }
0x90: {  	_ =	swait.ge [sflag:s19], $0x800  }
0x91: {  	[sflag:s19] =	ssyncset.done $0x0  }
0x92: {  	s7 =	sadd.s32 $0x2980, s6;
	[sflag:s19] =	ssyncadd.s32 $0xFFFFF800  }
0x93: {  	[spmem:s3] =	stream.indirect.scatter.add.f32 [tilespmem:s22], [sflag:$0x9], $0x10, s7, s16, $0xb8;
	[tilespmem:$0xE000] =	vst v63  }
0x94: {  	_ =	swait.ge [sflag:s11], $0x800  }
0x95: {  	[sflag:s11] =	ssyncset.done $0x0  }
0x96: {  	s7 =	sadd.s32 $0x580, s6;
	[sflag:s11] =	ssyncadd.s32 $0xFFFFF800  }
0x97: {  	[tilespmem:s22], [sflag:$0x4] =	stream.indirect.gather [spmem:s2], $0x10, s7, s16, $0xb8;
	[tilespmem:$0xE000] =	vst v63  }
0x98: {  	_ =	swait.ge [sflag:s21], $0x800  }
0x99: {  	[sflag:s21] =	ssyncset.done $0x0  }
0x9a: {  	s7 =	sadd.s32 $0x2A00, s6;
	[sflag:s21] =	ssyncadd.s32 $0xFFFFF800  }
0x9b: {  	[spmem:s3] =	stream.indirect.scatter.add.f32 [tilespmem:s24], [sflag:$0x9], $0x10, s7, s16, $0xb8;
	[tilespmem:$0xE000] =	vst v63  }
0x9c: {  	_ =	swait.ge [sflag:s11], $0x800  }
0x9d: {  	[sflag:s11] =	ssyncset.done $0x0  }
0x9e: {  	s7 =	sadd.s32 $0x600, s6;
	[sflag:s11] =	ssyncadd.s32 $0xFFFFF800  }
0x9f: {  	[tilespmem:s24], [sflag:$0x5] =	stream.indirect.gather [spmem:s2], $0x10, s7, s16, $0xb8;
	[tilespmem:$0xE000] =	vst v63  }
0xa0: {  	_ =	swait.ge [sflag:s23], $0x800  }
0xa1: {  	[sflag:s23] =	ssyncset.done $0x0  }
0xa2: {  	s7 =	sadd.s32 $0x2A80, s6;
	[sflag:s23] =	ssyncadd.s32 $0xFFFFF800  }
0xa3: {  	[spmem:s3] =	stream.indirect.scatter.add.f32 [tilespmem:s26], [sflag:$0x9], $0x10, s7, s16, $0xb8;
	[tilespmem:$0xE000] =	vst v63  }
0xa4: {  	_ =	swait.ge [sflag:s11], $0x800  }
0xa5: {  	[sflag:s11] =	ssyncset.done $0x0  }
0xa6: {  	s7 =	sadd.s32 $0x680, s6;
	[sflag:s11] =	ssyncadd.s32 $0xFFFFF800  }
0xa7: {  	[tilespmem:s26], [sflag:$0x6] =	stream.indirect.gather [spmem:s2], $0x10, s7, s16, $0xb8;
	[tilespmem:$0xE000] =	vst v63  }
0xa8: {  	_ =	swait.ge [sflag:s25], $0x800  }
0xa9: {  	[sflag:s25] =	ssyncset.done $0x0  }
0xaa: {  	s7 =	sadd.s32 $0x2B00, s6;
	[sflag:s25] =	ssyncadd.s32 $0xFFFFF800  }
0xab: {  	[spmem:s3] =	stream.indirect.scatter.add.f32 [tilespmem:s29], [sflag:$0x9], $0x10, s7, s16, $0xb8;
	[tilespmem:$0xE000] =	vst v63  }
0xac: {  	_ =	swait.ge [sflag:s11], $0x800  }
0xad: {  	[sflag:s11] =	ssyncset.done $0x0  }
0xae: {  	s7 =	sadd.s32 $0x700, s6;
	[sflag:s11] =	ssyncadd.s32 $0xFFFFF800  }
0xaf: {  	[tilespmem:s29], [sflag:$0x7] =	stream.indirect.gather [spmem:s2], $0x10, s7, s16, $0xb8;
	[tilespmem:$0xE000] =	vst v63  }
0xb0: {  	_ =	swait.ge [sflag:s28], $0x800  }
0xb1: {  	[sflag:s28] =	ssyncset.done $0x0  }
.Ltmp0:
0xb2: {  	s7 =	sadd.s32 $0x2B80, s6;
	[sflag:s28] =	ssyncadd.s32 $0xFFFFF800;
	(pc) =	sbr.rel @p0 .LBB2_2-.Ltmp0, $4  }
0xb3: {  	[spmem:s3] =	stream.indirect.scatter.add.f32 [tilespmem:s31], [sflag:$0x9], $0x10, s7, s16, $0xb8;
	[tilespmem:$0xE000] =	vst v63  }
0xb4: {  	_ =	swait.ge [sflag:s11], $0x800  }
0xb5: {  	[sflag:s11] =	ssyncset.done $0x0  }
0xb6: {  	s6 =	sadd.s32 $0x780, s6;
	[sflag:s11] =	ssyncadd.s32 $0xFFFFF800  }
0xb7: {  	[tilespmem:s31], [sflag:$0x8] =	stream.indirect.gather [spmem:s2], $0x10, s6, s16, $0xb8;
	[tilespmem:$0xE000] =	vst v63  }
0xb8: {  	_ =	swait.ge [sflag:s1], $0x800  }
0xb9: {  	[sflag:s1] =	ssyncset.done $0x0  }
0xba: {  	s5 =	simm.s32 $0x4C00;
	[sflag:s1] =	ssyncadd.s32 $0xFFFFF800  }
0xbb: {  	[spmem:s3] =	stream.indirect.scatter.add.f32 [tilespmem:s17], [sflag:$0x9], $0x10, s5, s16, $0xb8;
	[tilespmem:$0xE000] =	vst v63  }
0xbc: {  	_ =	swait.ge [sflag:s11], $0x800  }
0xbd: {  	[sflag:s11] =	ssyncset.done $0x0  }
0xbe: {  	[sflag:s11] =	ssyncadd.s32 $0xFFFFF800  }
0xbf: {  	_ =	swait.ge [sflag:s0], $0x800  }
0xc0: {  	[sflag:s0] =	ssyncset.done $0x0  }
0xc1: {  	s7 =	simm.s32 $0x4C80;
	[sflag:s0] =	ssyncadd.s32 $0xFFFFF800  }
0xc2: {  	[spmem:s3] =	stream.indirect.scatter.add.f32 [tilespmem:s18], [sflag:$0x9], $0x10, s7, s16, $0xb8;
	[tilespmem:$0xE000] =	vst v63  }
0xc3: {  	_ =	swait.ge [sflag:s11], $0x800  }
0xc4: {  	[sflag:s11] =	ssyncset.done $0x0  }
0xc5: {  	[sflag:s11] =	ssyncadd.s32 $0xFFFFF800  }
0xc6: {  	_ =	swait.ge [sflag:s12], $0x800  }
0xc7: {  	[sflag:s12] =	ssyncset.done $0x0  }
0xc8: {  	s6 =	simm.s32 $0x4D00;
	[sflag:s12] =	ssyncadd.s32 $0xFFFFF800  }
0xc9: {  	[spmem:s3] =	stream.indirect.scatter.add.f32 [tilespmem:s20], [sflag:$0x9], $0x10, s6, s16, $0xb8;
	[tilespmem:$0xE000] =	vst v63  }
0xca: {  	_ =	swait.ge [sflag:s11], $0x800  }
0xcb: {  	[sflag:s11] =	ssyncset.done $0x0  }
0xcc: {  	[sflag:s11] =	ssyncadd.s32 $0xFFFFF800  }
0xcd: {  	_ =	swait.ge [sflag:s19], $0x800  }
0xce: {  	[sflag:s19] =	ssyncset.done $0x0  }
0xcf: {  	s7 =	simm.s32 $0x4D80;
	[sflag:s19] =	ssyncadd.s32 $0xFFFFF800  }
0xd0: {  	[spmem:s3] =	stream.indirect.scatter.add.f32 [tilespmem:s22], [sflag:$0x9], $0x10, s7, s16, $0xb8;
	[tilespmem:$0xE000] =	vst v63  }
0xd1: {  	_ =	swait.ge [sflag:s11], $0x800  }
0xd2: {  	[sflag:s11] =	ssyncset.done $0x0  }
0xd3: {  	[sflag:s11] =	ssyncadd.s32 $0xFFFFF800  }
0xd4: {  	_ =	swait.ge [sflag:s21], $0x800  }
0xd5: {  	[sflag:s21] =	ssyncset.done $0x0  }
0xd6: {  	s6 =	simm.s32 $0x4E00;
	[sflag:s21] =	ssyncadd.s32 $0xFFFFF800  }
0xd7: {  	[spmem:s3] =	stream.indirect.scatter.add.f32 [tilespmem:s24], [sflag:$0x9], $0x10, s6, s16, $0xb8;
	[tilespmem:$0xE000] =	vst v63  }
0xd8: {  	_ =	swait.ge [sflag:s11], $0x800  }
0xd9: {  	[sflag:s11] =	ssyncset.done $0x0  }
0xda: {  	[sflag:s11] =	ssyncadd.s32 $0xFFFFF800  }
0xdb: {  	_ =	swait.ge [sflag:s23], $0x800  }
0xdc: {  	[sflag:s23] =	ssyncset.done $0x0  }
0xdd: {  	s7 =	simm.s32 $0x4E80;
	[sflag:s23] =	ssyncadd.s32 $0xFFFFF800  }
0xde: {  	[spmem:s3] =	stream.indirect.scatter.add.f32 [tilespmem:s26], [sflag:$0x9], $0x10, s7, s16, $0xb8;
	[tilespmem:$0xE000] =	vst v63  }
0xdf: {  	_ =	swait.ge [sflag:s11], $0x800  }
0xe0: {  	[sflag:s11] =	ssyncset.done $0x0  }
0xe1: {  	[sflag:s11] =	ssyncadd.s32 $0xFFFFF800  }
0xe2: {  	_ =	swait.ge [sflag:s25], $0x800  }
0xe3: {  	[sflag:s25] =	ssyncset.done $0x0  }
0xe4: {  	s6 =	simm.s32 $0x4F00;
	[sflag:s25] =	ssyncadd.s32 $0xFFFFF800  }
0xe5: {  	[spmem:s3] =	stream.indirect.scatter.add.f32 [tilespmem:s29], [sflag:$0x9], $0x10, s6, s16, $0xb8;
	[tilespmem:$0xE000] =	vst v63  }
0xe6: {  	_ =	swait.ge [sflag:s11], $0x800  }
0xe7: {  	[sflag:s11] =	ssyncset.done $0x0  }
0xe8: {  	[sflag:s11] =	ssyncadd.s32 $0xFFFFF800  }
0xe9: {  	_ =	swait.ge [sflag:s28], $0x800  }
0xea: {  	[sflag:s28] =	ssyncset.done $0x0  }
0xeb: {  	s7 =	simm.s32 $0x4F80;
	[sflag:s28] =	ssyncadd.s32 $0xFFFFF800  }
0xec: {  	[spmem:s3] =	stream.indirect.scatter.add.f32 [tilespmem:s31], [sflag:$0x9], $0x10, s7, s16, $0xb8;
	[tilespmem:$0xE000] =	vst v63  }
0xed: {  	_ =	swait.ge [sflag:s11], $0x800  }
0xee: {  	s30 =	sadd.s32 $0x1, s30;
	[sflag:s11] =	ssyncset.done $0x0  }
0xef: {  	p0 =	sne.s32 s30, s10;
	[sflag:s11] =	ssyncadd.s32 $0xFFFFF800  }
.Ltmp1:
0xf0: {  	[bflag:$0x0] =	sbarrier.arrive $0xFFFF;
	(pc) =	sbr.rel @p0 .LBB2_1-.Ltmp1, $4  }
0xf1: {  	[hbm:s9], [sflag:s13] =	dma.local [spmem:s15], $0x500  }
0xf2: {  	_ =	swait.ge [sflag:s11], $0x500  }
0xf3: {  	[sflag:s11] =	ssyncset.done $0x0  }
0xf4: {  	[sflag:s11] =	ssyncadd.s32 $0xFFFFFB00  }
0xf5: {  	_ =	sfence.sel $0x180000  }
0xf6: {  	[bflag:$0x0] =	sbarrier.arrive $0xFFFF  }
0xf7: {  	_ =	strace $0x90000050  }
0xf8: {  	s0 =	stileid.u32;
	[bflag:$0x2] =	sbarrier.arrive $0xFFFF  }
0xf9: {  	p0 =	sne.s32 s0, $0x0;
	s0 =	rddreg [dreg:$0x4]  }
0xfa: {  	s0 =	sadd.s32 @!p0 $0x100000, s0  }
0xfb: {  	[sflag:s0] =	ssyncadd.tile.s32 @!p0 $0x1;
	_ =	shalt  }
.Lfunc_end2:
_tile_overlayer_lowered:
.L_overlay_start_2:
0xfc: {  	(tag) =	ssettag $0x2  }
0xfd: {  	s0 =	rddreg [dreg:$0x0];
	s2 =	stileid.u32  }
0xfe: {  	s1 =	rddreg [dreg:$0x1];
	p0 =	sne.s32 s2, $0x0  }
0xff: {  	s3 =	rddreg [dreg:$0x2];
	[bflag:$0x3] =	sbarrier.arrive $0xFFFF;
	s2 =	simm.s32 @!p0 $0x1C09  }
0x100: {  	[timem:s3], [sflag:s2] =	dma.local @!p0 [hbm:s0], s1  }
0x101: {  	s0 =	simm.s32 @!p0 $0x9  }
0x102: {  	_ =	swait.ge @!p0 [sflag:s0], s1  }
0x103: {  	s1 =	ssub.s32 @!p0 $0x0, s1;
	[sflag:s0] =	ssyncset.done @!p0 $0x0  }
0x104: {  	[sflag:s0] =	ssyncadd.s32 @!p0 s1  }
0x105: {  	[bflag:$0x3] =	sbarrier.arrive $0xFFFF  }
0x106: {  	_ =	shalt  }

</sc_bundles>
